<compile_context>
chip_gen: v7x
topology: tpu7x:2x2x1
jax: 0.10.2.dev20260603
libtpu: 0.0.44.dev20260713+nightly
codegen_flags: <defaults>
</compile_context>

<pallas_src>
import functools

import jax
import jax.numpy as jnp
from jax import lax
from jax.experimental import pallas as pl
from jax.experimental.pallas import tpu as pltpu
from jax.experimental.pallas import tpu_sc as plsc

B, N, FIN, FOUT, K, WDIM = 4, 2048, 128, 128, 16, 512
BN = B * N
MR = 512
MA = 512
MC = 256


def _lrelu(t):
    return jnp.where(t >= 0, t, 0.2 * t)


def _dot_t(a, b):
    return lax.dot_general(a, b, (((1,), (1,)), ((), ())),
                           preferred_element_type=jnp.float32)


def _a0_body(x_ref, w_ref, Wg_ref, bg_ref, Wb_ref, bb_ref, Wx1_ref, Wc1_ref,
             xn_ref, nf_ref, p_ref, r_ref):
    xb = x_ref[...]
    mu = jnp.mean(xb, axis=1, keepdims=True)
    d = xb - mu
    var = jnp.mean(d * d, axis=1, keepdims=True)
    xn = d / jnp.sqrt(var + 1e-5)
    b = pl.program_id(0) // (N // MA)
    rowsel = (lax.broadcasted_iota(jnp.int32, (B, 1), 0) == b).astype(jnp.float32)
    gall = _dot_t(w_ref[...], Wg_ref[...].T)
    ball = _dot_t(w_ref[...], Wb_ref[...].T)
    gamma = jnp.sum(gall * rowsel, axis=0, keepdims=True) + bg_ref[...]
    beta = jnp.sum(ball * rowsel, axis=0, keepdims=True) + bb_ref[...]
    xm = xn * (1.0 + gamma) + beta
    xn_ref[...] = xm
    nf_ref[...] = jnp.sum(xm * xm, axis=1, keepdims=True)
    Wx1 = Wx1_ref[...]
    Wa = Wx1[:, :FIN]
    Wb_ = Wx1[:, FIN:]
    p_ref[...] = _dot_t(xm, Wa - Wb_)
    r_ref[...] = _dot_t(xm, Wc1_ref[...])


def _run_a0(x2d, w, Wg, bg, Wb, bb, Wx1, Wc1):
    nblk = BN // MA
    return pl.pallas_call(
        _a0_body,
        grid=(nblk,),
        in_specs=[
            pl.BlockSpec((MA, FIN), lambda i: (i, 0)),
            pl.BlockSpec((B, WDIM), lambda i: (0, 0)),
            pl.BlockSpec((WDIM, FIN), lambda i: (0, 0)),
            pl.BlockSpec((1, FIN), lambda i: (0, 0)),
            pl.BlockSpec((WDIM, FIN), lambda i: (0, 0)),
            pl.BlockSpec((1, FIN), lambda i: (0, 0)),
            pl.BlockSpec((FOUT, 2 * FIN), lambda i: (0, 0)),
            pl.BlockSpec((FOUT // 2, FIN), lambda i: (0, 0)),
        ],
        out_specs=[
            pl.BlockSpec((MA, FIN), lambda i: (i, 0)),
            pl.BlockSpec((MA, 1), lambda i: (i, 0)),
            pl.BlockSpec((MA, FOUT), lambda i: (i, 0)),
            pl.BlockSpec((MA, FOUT // 2), lambda i: (i, 0)),
        ],
        out_shape=[
            jax.ShapeDtypeStruct((BN, FIN), jnp.float32),
            jax.ShapeDtypeStruct((BN, 1), jnp.float32),
            jax.ShapeDtypeStruct((BN, FOUT), jnp.float32),
            jax.ShapeDtypeStruct((BN, FOUT // 2), jnp.float32),
        ],
    )(x2d, w, Wg, bg, Wb, bb, Wx1, Wc1)


def _a2_body(b, xr_ref, xf_ref, nf_ref, idx_ref):
    rb = pl.program_id(0)
    xr = xr_ref[...]
    xf = xf_ref[...]
    dot = _dot_t(xr, xf)
    s = nf_ref[0] - 2.0 * dot
    cols = lax.broadcasted_iota(jnp.int32, (MR, N), 1)
    rows = lax.broadcasted_iota(jnp.int32, (MR, N), 0) + rb * MR
    MAXI = jnp.int32(0x7FFFFFFF)
    ui = lax.bitcast_convert_type(s, jnp.int32)
    ordered = jnp.where(ui < 0, ui ^ MAXI, ui)
    packed = (ordered & ~jnp.int32(2047)) | cols
    packed = jnp.where(cols == rows, MAXI, packed)
    L = N // 16
    m1 = packed[:, 0:L]
    m2 = jnp.full((MR, L), MAXI)
    m3 = jnp.full((MR, L), MAXI)
    for t in range(1, N // L):
        c = packed[:, t * L:(t + 1) * L]
        nm1 = jnp.minimum(m1, c)
        t1 = jnp.maximum(m1, c)
        nm2 = jnp.minimum(m2, t1)
        t2 = jnp.maximum(m2, t1)
        m1, m2, m3 = nm1, nm2, jnp.minimum(m3, t2)
    lanes = lax.broadcasted_iota(jnp.int32, (MR, L), 1)
    picked = []
    for _ in range(K):
        m = jnp.min(m1, axis=1, keepdims=True)
        picked.append(m & 2047)
        lm = lanes == (m & (L - 1))
        m1 = jnp.where(lm, m2, m1)
        m2 = jnp.where(lm, m3, m2)
        m3 = jnp.where(lm, MAXI, m3)
    idx = jnp.concatenate(picked, axis=1)
    idx_ref[...] = idx + b * N


def _run_a2(b, xn_b, nf_b):
    return pl.pallas_call(
        functools.partial(_a2_body, b),
        grid=(N // MR,),
        in_specs=[
            pl.BlockSpec((MR, FIN), lambda rb: (rb, 0)),
            pl.BlockSpec((N, FIN), lambda rb: (0, 0)),
            pl.BlockSpec((1, N), lambda rb: (0, 0)),
        ],
        out_specs=pl.BlockSpec((MR, K), lambda rb: (rb, 0)),
        out_shape=jax.ShapeDtypeStruct((N, K), jnp.int32),
    )(xn_b, xn_b, nf_b)


_NW = 32
_CHUNK = 128
_NIDX = N * K
_NCHUNK = _NIDX // (_NW * _CHUNK)


def _sc_gather(table, idx3):
    mesh = plsc.VectorSubcoreMesh(core_axis_name="c", subcore_axis_name="s")

    @functools.partial(
        pl.kernel,
        mesh=mesh,
        out_type=jax.ShapeDtypeStruct((_NIDX, FIN), jnp.float32),
        scratch_types=[
            pltpu.VMEM((_NCHUNK, _CHUNK), jnp.int32),
            pltpu.VMEM((_CHUNK, FIN), jnp.float32),
            pltpu.VMEM((_CHUNK, FIN), jnp.float32),
            pltpu.SemaphoreType.DMA,
            pltpu.SemaphoreType.DMA,
        ],
    )
    def k(table_hbm, idx_hbm, out_hbm, idx_all, buf0, buf1, sem0, sem1):
        wid = lax.axis_index("s") * 2 + lax.axis_index("c")
        base = wid * _NCHUNK
        pltpu.sync_copy(idx_hbm.at[wid], idx_all)

        def gather(c, buf, sem):
            return pltpu.make_async_copy(table_hbm.at[idx_all.at[c]], buf, sem)

        def store(c, buf):
            pltpu.sync_copy(buf, out_hbm.at[pl.ds((base + c) * _CHUNK, _CHUNK)])

        gather(0, buf0, sem0).start()

        def body(j, carry):
            c0 = 2 * j
            gather(c0 + 1, buf1, sem1).start()
            gather(c0, buf0, sem0).wait()
            store(c0, buf0)

            @pl.when(j < _NCHUNK // 2 - 1)
            def _():
                gather(c0 + 2, buf0, sem0).start()

            gather(c0 + 1, buf1, sem1).wait()
            store(c0 + 1, buf1)
            return carry

        lax.fori_loop(0, _NCHUNK // 2, body, 0)

    return k(table, idx3)


def _c_body(b, g_ref, r_ref, p_ref, x_ref, w_ref, Wls_ref, bls_ref, Wc1_ref,
            Wx1b_ref, Wc2_ref, bc2_ref, Wx2_ref, bx2_ref, bc1_ref, bx1_ref,
            out_ref):
    g = g_ref[...]
    qg = _dot_t(g, Wx1b_ref[...]).reshape(MC, K, FOUT)
    rg = _dot_t(g, Wc1_ref[...]).reshape(MC, K, FOUT // 2)
    r_i = r_ref[...]
    p_i = p_ref[...]
    h = _lrelu(rg - r_i[:, None, :] + bc1_ref[...][None])
    sl = _dot_t(h.reshape(MC * K, FOUT // 2), Wc2_ref[...]) + bc2_ref[...]
    s3 = sl.reshape(MC, K, FOUT)
    e = jnp.exp(s3)
    ws = e * (1.0 / jnp.sum(e, axis=1, keepdims=True))
    u = _lrelu(qg + p_i[:, None, :] + bx1_ref[...][None])
    v = _dot_t(u.reshape(MC * K, FOUT), Wx2_ref[...]) + bx2_ref[...]
    out = jnp.sum(v.reshape(MC, K, FOUT) * ws, axis=1)
    rowsel = (lax.broadcasted_iota(jnp.int32, (B, 1), 0) == b).astype(jnp.float32)
    lall = _dot_t(w_ref[...], Wls_ref[...].T)
    ls = jnp.sum(lall * rowsel, axis=0, keepdims=True) + bls_ref[...]
    out_ref[...] = out * ls + x_ref[...]


def _run_c(b, g, r, p, x2d, w, Wls, bls, Wc1, Wx1b, Wc2, bc2, Wx2, bx2, bc1, bx1):
    nblk = N // MC
    return pl.pallas_call(
        functools.partial(_c_body, b),
        grid=(nblk,),
        in_specs=[
            pl.BlockSpec((MC * K, FIN), lambda i: (i, 0)),
            pl.BlockSpec((MC, FOUT // 2), lambda i: (i, 0)),
            pl.BlockSpec((MC, FOUT), lambda i: (i, 0)),
            pl.BlockSpec((MC, FIN), lambda i: (i, 0)),
            pl.BlockSpec((B, WDIM), lambda i: (0, 0)),
            pl.BlockSpec((WDIM, FOUT), lambda i: (0, 0)),
            pl.BlockSpec((1, FOUT), lambda i: (0, 0)),
            pl.BlockSpec((FOUT // 2, FIN), lambda i: (0, 0)),
            pl.BlockSpec((FOUT, FIN), lambda i: (0, 0)),
            pl.BlockSpec((FOUT, FOUT // 2), lambda i: (0, 0)),
            pl.BlockSpec((1, FOUT), lambda i: (0, 0)),
            pl.BlockSpec((FOUT, FOUT), lambda i: (0, 0)),
            pl.BlockSpec((1, FOUT), lambda i: (0, 0)),
            pl.BlockSpec((1, FOUT // 2), lambda i: (0, 0)),
            pl.BlockSpec((1, FOUT), lambda i: (0, 0)),
        ],
        out_specs=pl.BlockSpec((MC, FOUT), lambda i: (i, 0)),
        out_shape=jax.ShapeDtypeStruct((N, FOUT), jnp.float32),
    )(g, r, p, x2d, w, Wls, bls, Wc1, Wx1b, Wc2, bc2, Wx2, bx2, bc1, bx1)


def kernel(x, w, Wg, bg, Wb, bb, Wc1, bc1, Wc2, bc2, Wx1, bx1, Wx2, bx2, Wls, bls):
    x2d = x.reshape(BN, FIN)
    xn2d, nf, p, r = _run_a0(
        x2d, w, Wg, bg.reshape(1, FIN), Wb, bb.reshape(1, FIN), Wx1, Wc1)
    nf3 = nf.reshape(B, 1, N)
    idxs = [_run_a2(b, lax.slice_in_dim(xn2d, b * N, (b + 1) * N), nf3[b])
            for b in range(B)]
    gs = [_sc_gather(xn2d, idxs[b].reshape(_NW, _NCHUNK, _CHUNK))
          for b in range(B)]
    outs = []
    for b in range(B):
        sl = slice(b * N, (b + 1) * N)
        outs.append(_run_c(
            b, gs[b], r[sl], p[sl], x2d[sl], w, Wls, bls.reshape(1, FOUT),
            Wc1, Wx1[:, FIN:], Wc2, bc2.reshape(1, FOUT),
            Wx2, bx2.reshape(1, FOUT),
            bc1.reshape(1, FOUT // 2), bx1.reshape(1, FOUT)))
    return jnp.stack(outs).reshape(B, N, FOUT)

# --- scband reference (transcript-rebuilt; emitter-appended) ---
"""Pipeline reference for scband-point-generator-30176440222313 (READ-ONLY COPY).

The authoritative reference and input builder live on the scoring server;
editing this copy changes nothing except your own understanding.
"""

import jax, jax.numpy as jnp
import numpy as np

B, N, FIN, FOUT, K, WDIM = 4, 2048, 128, 128, 16, 512


def setup_inputs(seed: int = 0) -> dict:
    key = jax.random.key(seed)
    ks = jax.random.split(key, 16)
    s = 0.05
    return {
        "x": jax.random.normal(ks[0], (B, N, FIN), jnp.float32),
        "w": jax.random.normal(ks[1], (B, WDIM), jnp.float32),
        "Wg": jax.random.normal(ks[2], (WDIM, FIN), jnp.float32) * s,
        "bg": jnp.zeros((FIN,), jnp.float32),
        "Wb": jax.random.normal(ks[3], (WDIM, FIN), jnp.float32) * s,
        "bb": jnp.zeros((FIN,), jnp.float32),
        "Wc1": jax.random.normal(ks[4], (FOUT // 2, FIN), jnp.float32) * s,
        "bc1": jnp.zeros((FOUT // 2,), jnp.float32),
        "Wc2": jax.random.normal(ks[5], (FOUT, FOUT // 2), jnp.float32) * s,
        "bc2": jnp.zeros((FOUT,), jnp.float32),
        "Wx1": jax.random.normal(ks[6], (FOUT, 2 * FIN), jnp.float32) * s,
        "bx1": jnp.zeros((FOUT,), jnp.float32),
        "Wx2": jax.random.normal(ks[7], (FOUT, FOUT), jnp.float32) * s,
        "bx2": jnp.zeros((FOUT,), jnp.float32),
        "Wls": jax.random.normal(ks[8], (WDIM, FOUT), jnp.float32) * s,
        "bls": jnp.zeros((FOUT,), jnp.float32),
    }


def _lrelu(t):
    return jnp.where(t >= 0, t, 0.2 * t)


def _conv1x1(W, b, t):
    # t: [B, Cin, N, K] -> [B, Cout, N, K]
    return jnp.einsum('oc,bcnk->bonk', W, t) + b[None, :, None, None]


def _forward(x, w, Wg, bg, Wb, bb, Wc1, bc1, Wc2, bc2, Wx1, bx1, Wx2, bx2, Wls, bls):
    x_original = x
    # AdaptiveNorm: layernorm over channels modulated by style vector w
    mu = jnp.mean(x, axis=-1, keepdims=True)
    var = jnp.var(x, axis=-1, keepdims=True)
    xn = (x - mu) / jnp.sqrt(var + 1e-5)
    gamma = w @ Wg + bg
    beta = w @ Wb + bb
    xn = xn * (1.0 + gamma[:, None, :]) + beta[:, None, :]
    # [B, C, N]
    xc = jnp.transpose(xn, (0, 2, 1))
    # get_edge_features: pairwise sq-distance kNN
    xt = jnp.transpose(xc, (0, 2, 1))  # [B, N, C]
    xi = -2.0 * jnp.einsum('bnc,bcm->bnm', xt, xc)
    xs = jnp.sum(xt ** 2, axis=2, keepdims=True)  # [B, N, 1]
    dist = xi + xs + jnp.transpose(xs, (0, 2, 1))  # [B, N, N]
    idx = jnp.argsort(dist, axis=2)[:, :, 1:K + 1]  # [B, N, K]

    def gather_b(xb, ib):
        return jnp.take(xb, ib.reshape(-1), axis=1).reshape(FIN, N, K)

    neighbors = jax.vmap(gather_b)(xc, idx)  # [B, C, N, K]
    central = jnp.broadcast_to(xc[:, :, :, None], (B, FIN, N, K))
    ee = jnp.concatenate([central, neighbors - central], axis=1)  # [B, 2C, N, K]
    # attention weights branch (on delta features)
    h = _lrelu(_conv1x1(Wc1, bc1, ee[:, FIN:, :, :]))
    ws = _conv1x1(Wc2, bc2, h)
    ws = jax.nn.softmax(ws.astype(jnp.float32), axis=-1).astype(ee.dtype)
    # feature branch
    xb = _lrelu(_conv1x1(Wx1, bx1, ee))
    xb = _conv1x1(Wx2, bx2, xb)
    out = jnp.sum(xb * ws, axis=-1)  # [B, Fout, N]
    ls = w @ Wls + bls  # [B, Fout]
    return jnp.transpose(out, (0, 2, 1)) * ls[:, None, :] + x_original


def reference(x, w, Wg, bg, Wb, bb, Wc1, bc1, Wc2, bc2, Wx1, bx1, Wx2, bx2, Wls, bls):
    return _forward(x, w, Wg, bg, Wb, bb, Wc1, bc1, Wc2, bc2, Wx1, bx1, Wx2, bx2, Wls, bls)

if __name__ == "__main__":
    import jax
    _d = setup_inputs()
    print(jax.jit(kernel)(*tuple(_d.values())))

</pallas_src>

<mosaic_0001>
#map = affine_map<(d0, d1) -> (0, 0)>
#map1 = affine_map<(d0, d1) -> (0, 0, 0)>
module attributes {stable_mosaic.version = 14 : i64} {
  func.func @k(%arg0: i32, %arg1: i32, %arg2: memref<8192x128xf32, #tpu.memory_space<hbm>>, %arg3: memref<32x8x128xi32, #tpu.memory_space<hbm>>, %arg4: memref<32768x128xf32, #tpu.memory_space<hbm>>, %arg5: memref<8x128xi32, #tpu.memory_space<vmem>>, %arg6: memref<128x128xf32, #tpu.memory_space<vmem>>, %arg7: memref<128x128xf32, #tpu.memory_space<vmem>>, %arg8: memref<!tpu.dma_semaphore, #tpu.memory_space<semaphore_mem>>, %arg9: memref<!tpu.dma_semaphore, #tpu.memory_space<semaphore_mem>>) attributes {dimension_semantics = [#tpu.dimension_semantics<core_parallel>, #tpu.dimension_semantics<subcore_parallel>], iteration_bounds = array<i64: 2, 16>, scalar_prefetch = 0 : i64, scratch_operands = 5 : i64, tpu.core_type = #tpu.core_type<sc_vector_subcore>, window_params = [{transform_indices = #map}, {transform_indices = #map1}, {transform_indices = #map}]} {
    %mul3A = arith.constant 2 : i32
    %mul3A_0 = arith.muli %arg1, %mul3A : i32
    %add3A = arith.addi %mul3A_0, %arg0 : i32
    %mul3A_1 = arith.constant 8 : i32
    %mul3A_2 = arith.muli %add3A, %mul3A_1 : i32
    "tpu.region"() ({
      %run_scoped3A = tpu.sem_alloc : memref<!tpu.dma_semaphore, #tpu.memory_space<semaphore_mem>>
      %dma_start3A_14 = arith.constant 0 : i32
      %dma_start3A_15 = arith.constant 0 : i32
      %dma_start3A_16 = tpu.memref_slice %arg3[%add3A, %dma_start3A_14, %dma_start3A_15] : memref<32x8x128xi32, #tpu.memory_space<hbm>> -> memref<1x8x128xi32, #tpu.memory_space<hbm>>
      %dma_start3A_17 = tpu.memref_squeeze %dma_start3A_16 : memref<1x8x128xi32, #tpu.memory_space<hbm>> -> memref<8x128xi32, #tpu.memory_space<hbm>>
      %dma_start3A_18 = arith.constant 0 : i32
      %dma_start3A_19 = arith.constant 0 : i32
      %dma_start3A_20 = tpu.memref_slice %arg3[%add3A, %dma_start3A_18, %dma_start3A_19] : memref<32x8x128xi32, #tpu.memory_space<hbm>> -> memref<1x8x128xi32, #tpu.memory_space<hbm>>
      %dma_start3A_21 = tpu.memref_squeeze %dma_start3A_20 : memref<1x8x128xi32, #tpu.memory_space<hbm>> -> memref<8x128xi32, #tpu.memory_space<hbm>>
      tpu.enqueue_dma source(%dma_start3A_21 : memref<8x128xi32, #tpu.memory_space<hbm>>) target(%arg5 : memref<8x128xi32, #tpu.memory_space<vmem>>) target_semaphore(%run_scoped3A : memref<!tpu.dma_semaphore, #tpu.memory_space<semaphore_mem>>)
      %dma_wait3A = arith.constant 0 : i32
      %dma_wait3A_22 = arith.constant 0 : i32
      %dma_wait3A_23 = tpu.memref_slice %arg3[%add3A, %dma_wait3A, %dma_wait3A_22] : memref<32x8x128xi32, #tpu.memory_space<hbm>> -> memref<1x8x128xi32, #tpu.memory_space<hbm>>
      %dma_wait3A_24 = tpu.memref_squeeze %dma_wait3A_23 : memref<1x8x128xi32, #tpu.memory_space<hbm>> -> memref<8x128xi32, #tpu.memory_space<hbm>>
      %dma_wait3A_25 = arith.constant 0 : i32
      %dma_wait3A_26 = arith.constant 0 : i32
      %dma_wait3A_27 = tpu.memref_slice %arg3[%add3A, %dma_wait3A_25, %dma_wait3A_26] : memref<32x8x128xi32, #tpu.memory_space<hbm>> -> memref<1x8x128xi32, #tpu.memory_space<hbm>>
      %dma_wait3A_28 = tpu.memref_squeeze %dma_wait3A_27 : memref<1x8x128xi32, #tpu.memory_space<hbm>> -> memref<8x128xi32, #tpu.memory_space<hbm>>
      tpu.wait_dma2 semaphore(%run_scoped3A : memref<!tpu.dma_semaphore, #tpu.memory_space<semaphore_mem>>) src(%dma_wait3A_28 : memref<8x128xi32, #tpu.memory_space<hbm>>) dst(%arg5 : memref<8x128xi32, #tpu.memory_space<vmem>>)
      tpu.yield
    }) : () -> ()
    %dma_start3A = arith.constant 0 : i32
    %dma_start3A_3 = arith.constant 0 : i32
    %dma_start3A_4 = tpu.memref_slice %arg5[%dma_start3A, %dma_start3A_3] : memref<8x128xi32, #tpu.memory_space<vmem>> -> memref<1x128xi32, #tpu.memory_space<vmem>>
    %dma_start3A_5 = tpu.memref_squeeze %dma_start3A_4 : memref<1x128xi32, #tpu.memory_space<vmem>> -> memref<128xi32, #tpu.memory_space<vmem>>
    %dma_start3A_6 = arith.constant 0 : i32
    %dma_start3A_7 = arith.constant 0 : i32
    %dma_start3A_8 = tpu.memref_slice %arg2[%dma_start3A_6, %dma_start3A_7] : memref<8192x128xf32, #tpu.memory_space<hbm>> -> memref<8192x128xf32, #tpu.memory_space<hbm>>
    tpu.enqueue_indirect_dma source(%dma_start3A_8 : memref<8192x128xf32, #tpu.memory_space<hbm>>) target(%arg6 : memref<128x128xf32, #tpu.memory_space<vmem>>) offsets(%dma_start3A_5 : memref<128xi32, #tpu.memory_space<vmem>>) semaphore(%arg8 : memref<!tpu.dma_semaphore, #tpu.memory_space<semaphore_mem>>)
    %scan3A = arith.constant 0 : i32
    %scan3A_9 = arith.constant 0 : i32
    %scan3A_10 = arith.constant 4 : i32
    %scan3A_11 = arith.addi %scan3A_9, %scan3A_10 : i32
    %scan3A_12 = arith.constant 1 : i32
    scf.for %scan3A_14 = %scan3A_9 to %scan3A_11 step %scan3A_12  : i32 {
      %mul3A_15 = arith.constant 2 : i32
      %mul3A_16 = arith.muli %mul3A_15, %scan3A_14 : i32
      %add3A_17 = arith.constant 1 : i32
      %add3A_18 = arith.addi %mul3A_16, %add3A_17 : i32
      %dma_start3A_19 = arith.constant 0 : i32
      %dma_start3A_20 = tpu.memref_slice %arg5[%add3A_18, %dma_start3A_19] : memref<8x128xi32, #tpu.memory_space<vmem>> -> memref<1x128xi32, #tpu.memory_space<vmem>>
      %dma_start3A_21 = tpu.memref_squeeze %dma_start3A_20 : memref<1x128xi32, #tpu.memory_space<vmem>> -> memref<128xi32, #tpu.memory_space<vmem>>
      %dma_start3A_22 = arith.constant 0 : i32
      %dma_start3A_23 = arith.constant 0 : i32
      %dma_start3A_24 = tpu.memref_slice %arg2[%dma_start3A_22, %dma_start3A_23] : memref<8192x128xf32, #tpu.memory_space<hbm>> -> memref<8192x128xf32, #tpu.memory_space<hbm>>
      tpu.enqueue_indirect_dma source(%dma_start3A_24 : memref<8192x128xf32, #tpu.memory_space<hbm>>) target(%arg7 : memref<128x128xf32, #tpu.memory_space<vmem>>) offsets(%dma_start3A_21 : memref<128xi32, #tpu.memory_space<vmem>>) semaphore(%arg9 : memref<!tpu.dma_semaphore, #tpu.memory_space<semaphore_mem>>)
      %dma_wait3A = arith.constant 0 : i32
      %dma_wait3A_25 = tpu.memref_slice %arg5[%mul3A_16, %dma_wait3A] : memref<8x128xi32, #tpu.memory_space<vmem>> -> memref<1x128xi32, #tpu.memory_space<vmem>>
      %dma_wait3A_26 = tpu.memref_squeeze %dma_wait3A_25 : memref<1x128xi32, #tpu.memory_space<vmem>> -> memref<128xi32, #tpu.memory_space<vmem>>
      %dma_wait3A_27 = arith.constant 0 : i32
      %dma_wait3A_28 = arith.constant 0 : i32
      %dma_wait3A_29 = tpu.memref_slice %arg2[%dma_wait3A_27, %dma_wait3A_28] : memref<8192x128xf32, #tpu.memory_space<hbm>> -> memref<8192x128xf32, #tpu.memory_space<hbm>>
      tpu.wait_indirect_dma semaphore(%arg8 : memref<!tpu.dma_semaphore, #tpu.memory_space<semaphore_mem>>) src(%dma_wait3A_29 : memref<8192x128xf32, #tpu.memory_space<hbm>>) dst(%arg6 : memref<128x128xf32, #tpu.memory_space<vmem>>)
      %add3A_30 = arith.addi %mul3A_2, %mul3A_16 : i32
      %mul3A_31 = arith.constant 128 : i32
      %mul3A_32 = arith.muli %add3A_30, %mul3A_31 : i32
      "tpu.region"() ({
        %run_scoped3A = tpu.sem_alloc : memref<!tpu.dma_semaphore, #tpu.memory_space<semaphore_mem>>
        %dma_start3A_48 = arith.constant 0 : i32
        %dma_start3A_49 = tpu.memref_slice %arg4[%mul3A_32, %dma_start3A_48] : memref<32768x128xf32, #tpu.memory_space<hbm>> -> memref<128x128xf32, #tpu.memory_space<hbm>>
        %dma_start3A_50 = arith.constant 0 : i32
        %dma_start3A_51 = tpu.memref_slice %arg4[%mul3A_32, %dma_start3A_50] : memref<32768x128xf32, #tpu.memory_space<hbm>> -> memref<128x128xf32, #tpu.memory_space<hbm>>
        tpu.enqueue_dma source(%arg6 : memref<128x128xf32, #tpu.memory_space<vmem>>) target(%dma_start3A_51 : memref<128x128xf32, #tpu.memory_space<hbm>>) target_semaphore(%run_scoped3A : memref<!tpu.dma_semaphore, #tpu.memory_space<semaphore_mem>>)
        %dma_wait3A_52 = arith.constant 0 : i32
        %dma_wait3A_53 = tpu.memref_slice %arg4[%mul3A_32, %dma_wait3A_52] : memref<32768x128xf32, #tpu.memory_space<hbm>> -> memref<128x128xf32, #tpu.memory_space<hbm>>
        %dma_wait3A_54 = arith.constant 0 : i32
        %dma_wait3A_55 = tpu.memref_slice %arg4[%mul3A_32, %dma_wait3A_54] : memref<32768x128xf32, #tpu.memory_space<hbm>> -> memref<128x128xf32, #tpu.memory_space<hbm>>
        tpu.wait_dma2 semaphore(%run_scoped3A : memref<!tpu.dma_semaphore, #tpu.memory_space<semaphore_mem>>) src(%arg6 : memref<128x128xf32, #tpu.memory_space<vmem>>) dst(%dma_wait3A_55 : memref<128x128xf32, #tpu.memory_space<hbm>>)
        tpu.yield
      }) : () -> ()
      %lt3A = arith.constant 3 : i32
      %lt3A_33 = arith.cmpi slt, %scan3A_14, %lt3A : i32
      %convert_element_type3A = arith.extui %lt3A_33 : i1 to i32
      %cond3A = arith.constant 0 : i32
      %cond3A_34 = arith.cmpi ne, %convert_element_type3A, %cond3A : i32
      scf.if %cond3A_34 {
        %add3A_48 = arith.constant 2 : i32
        %add3A_49 = arith.addi %mul3A_16, %add3A_48 : i32
        %dma_start3A_50 = arith.constant 0 : i32
        %dma_start3A_51 = tpu.memref_slice %arg5[%add3A_49, %dma_start3A_50] : memref<8x128xi32, #tpu.memory_space<vmem>> -> memref<1x128xi32, #tpu.memory_space<vmem>>
        %dma_start3A_52 = tpu.memref_squeeze %dma_start3A_51 : memref<1x128xi32, #tpu.memory_space<vmem>> -> memref<128xi32, #tpu.memory_space<vmem>>
        %dma_start3A_53 = arith.constant 0 : i32
        %dma_start3A_54 = arith.constant 0 : i32
        %dma_start3A_55 = tpu.memref_slice %arg2[%dma_start3A_53, %dma_start3A_54] : memref<8192x128xf32, #tpu.memory_space<hbm>> -> memref<8192x128xf32, #tpu.memory_space<hbm>>
        tpu.enqueue_indirect_dma source(%dma_start3A_55 : memref<8192x128xf32, #tpu.memory_space<hbm>>) target(%arg6 : memref<128x128xf32, #tpu.memory_space<vmem>>) offsets(%dma_start3A_52 : memref<128xi32, #tpu.memory_space<vmem>>) semaphore(%arg8 : memref<!tpu.dma_semaphore, #tpu.memory_space<semaphore_mem>>)
      } else {
      }
      %add3A_35 = arith.constant 1 : i32
      %add3A_36 = arith.addi %mul3A_16, %add3A_35 : i32
      %dma_wait3A_37 = arith.constant 0 : i32
      %dma_wait3A_38 = tpu.memref_slice %arg5[%add3A_36, %dma_wait3A_37] : memref<8x128xi32, #tpu.memory_space<vmem>> -> memref<1x128xi32, #tpu.memory_space<vmem>>
      %dma_wait3A_39 = tpu.memref_squeeze %dma_wait3A_38 : memref<1x128xi32, #tpu.memory_space<vmem>> -> memref<128xi32, #tpu.memory_space<vmem>>
      %dma_wait3A_40 = arith.constant 0 : i32
      %dma_wait3A_41 = arith.constant 0 : i32
      %dma_wait3A_42 = tpu.memref_slice %arg2[%dma_wait3A_40, %dma_wait3A_41] : memref<8192x128xf32, #tpu.memory_space<hbm>> -> memref<8192x128xf32, #tpu.memory_space<hbm>>
      tpu.wait_indirect_dma semaphore(%arg9 : memref<!tpu.dma_semaphore, #tpu.memory_space<semaphore_mem>>) src(%dma_wait3A_42 : memref<8192x128xf32, #tpu.memory_space<hbm>>) dst(%arg7 : memref<128x128xf32, #tpu.memory_space<vmem>>)
      %add3A_43 = arith.constant 1 : i32
      %add3A_44 = arith.addi %mul3A_16, %add3A_43 : i32
      %add3A_45 = arith.addi %mul3A_2, %add3A_44 : i32
      %mul3A_46 = arith.constant 128 : i32
      %mul3A_47 = arith.muli %add3A_45, %mul3A_46 : i32
      "tpu.region"() ({
        %run_scoped3A = tpu.sem_alloc : memref<!tpu.dma_semaphore, #tpu.memory_space<semaphore_mem>>
        %dma_start3A_48 = arith.constant 0 : i32
        %dma_start3A_49 = tpu.memref_slice %arg4[%mul3A_47, %dma_start3A_48] : memref<32768x128xf32, #tpu.memory_space<hbm>> -> memref<128x128xf32, #tpu.memory_space<hbm>>
        %dma_start3A_50 = arith.constant 0 : i32
        %dma_start3A_51 = tpu.memref_slice %arg4[%mul3A_47, %dma_start3A_50] : memref<32768x128xf32, #tpu.memory_space<hbm>> -> memref<128x128xf32, #tpu.memory_space<hbm>>
        tpu.enqueue_dma source(%arg7 : memref<128x128xf32, #tpu.memory_space<vmem>>) target(%dma_start3A_51 : memref<128x128xf32, #tpu.memory_space<hbm>>) target_semaphore(%run_scoped3A : memref<!tpu.dma_semaphore, #tpu.memory_space<semaphore_mem>>)
        %dma_wait3A_52 = arith.constant 0 : i32
        %dma_wait3A_53 = tpu.memref_slice %arg4[%mul3A_47, %dma_wait3A_52] : memref<32768x128xf32, #tpu.memory_space<hbm>> -> memref<128x128xf32, #tpu.memory_space<hbm>>
        %dma_wait3A_54 = arith.constant 0 : i32
        %dma_wait3A_55 = tpu.memref_slice %arg4[%mul3A_47, %dma_wait3A_54] : memref<32768x128xf32, #tpu.memory_space<hbm>> -> memref<128x128xf32, #tpu.memory_space<hbm>>
        tpu.wait_dma2 semaphore(%run_scoped3A : memref<!tpu.dma_semaphore, #tpu.memory_space<semaphore_mem>>) src(%arg7 : memref<128x128xf32, #tpu.memory_space<vmem>>) dst(%dma_wait3A_55 : memref<128x128xf32, #tpu.memory_space<hbm>>)
        tpu.yield
      }) : () -> ()
    }
    %scan3A_13 = arith.constant 4 : i32
    return
  }
}

#map = affine_map<(d0, d1) -> (0, 0)>
#map1 = affine_map<(d0, d1) -> (0, 0, 0)>
module attributes {stable_mosaic.version = 14 : i64} {
  func.func @k(%arg0: i32, %arg1: i32, %arg2: memref<8192x128xf32, #tpu.memory_space<hbm>>, %arg3: memref<32x8x128xi32, #tpu.memory_space<hbm>>, %arg4: memref<32768x128xf32, #tpu.memory_space<hbm>>, %arg5: memref<8x128xi32, #tpu.memory_space<vmem>>, %arg6: memref<128x128xf32, #tpu.memory_space<vmem>>, %arg7: memref<128x128xf32, #tpu.memory_space<vmem>>, %arg8: memref<!tpu.dma_semaphore, #tpu.memory_space<semaphore_mem>>, %arg9: memref<!tpu.dma_semaphore, #tpu.memory_space<semaphore_mem>>) attributes {dimension_semantics = [#tpu.dimension_semantics<core_parallel>, #tpu.dimension_semantics<subcore_parallel>], iteration_bounds = array<i64: 2, 16>, scalar_prefetch = 0 : i64, scratch_operands = 5 : i64, tpu.core_type = #tpu.core_type<sc_vector_subcore>, window_params = [{transform_indices = #map}, {transform_indices = #map1}, {transform_indices = #map}]} {
    %mul3A = arith.constant 2 : i32
    %mul3A_0 = arith.muli %arg1, %mul3A : i32
    %add3A = arith.addi %mul3A_0, %arg0 : i32
    %mul3A_1 = arith.constant 8 : i32
    %mul3A_2 = arith.muli %add3A, %mul3A_1 : i32
    "tpu.region"() ({
      %run_scoped3A = tpu.sem_alloc : memref<!tpu.dma_semaphore, #tpu.memory_space<semaphore_mem>>
      %dma_start3A_14 = arith.constant 0 : i32
      %dma_start3A_15 = arith.constant 0 : i32
      %dma_start3A_16 = tpu.memref_slice %arg3[%add3A, %dma_start3A_14, %dma_start3A_15] : memref<32x8x128xi32, #tpu.memory_space<hbm>> -> memref<1x8x128xi32, #tpu.memory_space<hbm>>
      %dma_start3A_17 = tpu.memref_squeeze %dma_start3A_16 : memref<1x8x128xi32, #tpu.memory_space<hbm>> -> memref<8x128xi32, #tpu.memory_space<hbm>>
      %dma_start3A_18 = arith.constant 0 : i32
      %dma_start3A_19 = arith.constant 0 : i32
      %dma_start3A_20 = tpu.memref_slice %arg3[%add3A, %dma_start3A_18, %dma_start3A_19] : memref<32x8x128xi32, #tpu.memory_space<hbm>> -> memref<1x8x128xi32, #tpu.memory_space<hbm>>
      %dma_start3A_21 = tpu.memref_squeeze %dma_start3A_20 : memref<1x8x128xi32, #tpu.memory_space<hbm>> -> memref<8x128xi32, #tpu.memory_space<hbm>>
      tpu.enqueue_dma source(%dma_start3A_21 : memref<8x128xi32, #tpu.memory_space<hbm>>) target(%arg5 : memref<8x128xi32, #tpu.memory_space<vmem>>) target_semaphore(%run_scoped3A : memref<!tpu.dma_semaphore, #tpu.memory_space<semaphore_mem>>)
      %dma_wait3A = arith.constant 0 : i32
      %dma_wait3A_22 = arith.constant 0 : i32
      %dma_wait3A_23 = tpu.memref_slice %arg3[%add3A, %dma_wait3A, %dma_wait3A_22] : memref<32x8x128xi32, #tpu.memory_space<hbm>> -> memref<1x8x128xi32, #tpu.memory_space<hbm>>
      %dma_wait3A_24 = tpu.memref_squeeze %dma_wait3A_23 : memref<1x8x128xi32, #tpu.memory_space<hbm>> -> memref<8x128xi32, #tpu.memory_space<hbm>>
      %dma_wait3A_25 = arith.constant 0 : i32
      %dma_wait3A_26 = arith.constant 0 : i32
      %dma_wait3A_27 = tpu.memref_slice %arg3[%add3A, %dma_wait3A_25, %dma_wait3A_26] : memref<32x8x128xi32, #tpu.memory_space<hbm>> -> memref<1x8x128xi32, #tpu.memory_space<hbm>>
      %dma_wait3A_28 = tpu.memref_squeeze %dma_wait3A_27 : memref<1x8x128xi32, #tpu.memory_space<hbm>> -> memref<8x128xi32, #tpu.memory_space<hbm>>
      tpu.wait_dma2 semaphore(%run_scoped3A : memref<!tpu.dma_semaphore, #tpu.memory_space<semaphore_mem>>) src(%dma_wait3A_28 : memref<8x128xi32, #tpu.memory_space<hbm>>) dst(%arg5 : memref<8x128xi32, #tpu.memory_space<vmem>>)
      tpu.yield
    }) : () -> ()
    %dma_start3A = arith.constant 0 : i32
    %dma_start3A_3 = arith.constant 0 : i32
    %dma_start3A_4 = tpu.memref_slice %arg5[%dma_start3A, %dma_start3A_3] : memref<8x128xi32, #tpu.memory_space<vmem>> -> memref<1x128xi32, #tpu.memory_space<vmem>>
    %dma_start3A_5 = tpu.memref_squeeze %dma_start3A_4 : memref<1x128xi32, #tpu.memory_space<vmem>> -> memref<128xi32, #tpu.memory_space<vmem>>
    %dma_start3A_6 = arith.constant 0 : i32
    %dma_start3A_7 = arith.constant 0 : i32
    %dma_start3A_8 = tpu.memref_slice %arg2[%dma_start3A_6, %dma_start3A_7] : memref<8192x128xf32, #tpu.memory_space<hbm>> -> memref<8192x128xf32, #tpu.memory_space<hbm>>
    tpu.enqueue_indirect_dma source(%dma_start3A_8 : memref<8192x128xf32, #tpu.memory_space<hbm>>) target(%arg6 : memref<128x128xf32, #tpu.memory_space<vmem>>) offsets(%dma_start3A_5 : memref<128xi32, #tpu.memory_space<vmem>>) semaphore(%arg8 : memref<!tpu.dma_semaphore, #tpu.memory_space<semaphore_mem>>)
    %scan3A = arith.constant 0 : i32
    %scan3A_9 = arith.constant 0 : i32
    %scan3A_10 = arith.constant 4 : i32
    %scan3A_11 = arith.addi %scan3A_9, %scan3A_10 : i32
    %scan3A_12 = arith.constant 1 : i32
    scf.for %scan3A_14 = %scan3A_9 to %scan3A_11 step %scan3A_12  : i32 {
      %mul3A_15 = arith.constant 2 : i32
      %mul3A_16 = arith.muli %mul3A_15, %scan3A_14 : i32
      %add3A_17 = arith.constant 1 : i32
      %add3A_18 = arith.addi %mul3A_16, %add3A_17 : i32
      %dma_start3A_19 = arith.constant 0 : i32
      %dma_start3A_20 = tpu.memref_slice %arg5[%add3A_18, %dma_start3A_19] : memref<8x128xi32, #tpu.memory_space<vmem>> -> memref<1x128xi32, #tpu.memory_space<vmem>>
      %dma_start3A_21 = tpu.memref_squeeze %dma_start3A_20 : memref<1x128xi32, #tpu.memory_space<vmem>> -> memref<128xi32, #tpu.memory_space<vmem>>
      %dma_start3A_22 = arith.constant 0 : i32
      %dma_start3A_23 = arith.constant 0 : i32
      %dma_start3A_24 = tpu.memref_slice %arg2[%dma_start3A_22, %dma_start3A_23] : memref<8192x128xf32, #tpu.memory_space<hbm>> -> memref<8192x128xf32, #tpu.memory_space<hbm>>
      tpu.enqueue_indirect_dma source(%dma_start3A_24 : memref<8192x128xf32, #tpu.memory_space<hbm>>) target(%arg7 : memref<128x128xf32, #tpu.memory_space<vmem>>) offsets(%dma_start3A_21 : memref<128xi32, #tpu.memory_space<vmem>>) semaphore(%arg9 : memref<!tpu.dma_semaphore, #tpu.memory_space<semaphore_mem>>)
      %dma_wait3A = arith.constant 0 : i32
      %dma_wait3A_25 = tpu.memref_slice %arg5[%mul3A_16, %dma_wait3A] : memref<8x128xi32, #tpu.memory_space<vmem>> -> memref<1x128xi32, #tpu.memory_space<vmem>>
      %dma_wait3A_26 = tpu.memref_squeeze %dma_wait3A_25 : memref<1x128xi32, #tpu.memory_space<vmem>> -> memref<128xi32, #tpu.memory_space<vmem>>
      %dma_wait3A_27 = arith.constant 0 : i32
      %dma_wait3A_28 = arith.constant 0 : i32
      %dma_wait3A_29 = tpu.memref_slice %arg2[%dma_wait3A_27, %dma_wait3A_28] : memref<8192x128xf32, #tpu.memory_space<hbm>> -> memref<8192x128xf32, #tpu.memory_space<hbm>>
      tpu.wait_indirect_dma semaphore(%arg8 : memref<!tpu.dma_semaphore, #tpu.memory_space<semaphore_mem>>) src(%dma_wait3A_29 : memref<8192x128xf32, #tpu.memory_space<hbm>>) dst(%arg6 : memref<128x128xf32, #tpu.memory_space<vmem>>)
      %add3A_30 = arith.addi %mul3A_2, %mul3A_16 : i32
      %mul3A_31 = arith.constant 128 : i32
      %mul3A_32 = arith.muli %add3A_30, %mul3A_31 : i32
      "tpu.region"() ({
        %run_scoped3A = tpu.sem_alloc : memref<!tpu.dma_semaphore, #tpu.memory_space<semaphore_mem>>
        %dma_start3A_48 = arith.constant 0 : i32
        %dma_start3A_49 = tpu.memref_slice %arg4[%mul3A_32, %dma_start3A_48] : memref<32768x128xf32, #tpu.memory_space<hbm>> -> memref<128x128xf32, #tpu.memory_space<hbm>>
        %dma_start3A_50 = arith.constant 0 : i32
        %dma_start3A_51 = tpu.memref_slice %arg4[%mul3A_32, %dma_start3A_50] : memref<32768x128xf32, #tpu.memory_space<hbm>> -> memref<128x128xf32, #tpu.memory_space<hbm>>
        tpu.enqueue_dma source(%arg6 : memref<128x128xf32, #tpu.memory_space<vmem>>) target(%dma_start3A_51 : memref<128x128xf32, #tpu.memory_space<hbm>>) target_semaphore(%run_scoped3A : memref<!tpu.dma_semaphore, #tpu.memory_space<semaphore_mem>>)
        %dma_wait3A_52 = arith.constant 0 : i32
        %dma_wait3A_53 = tpu.memref_slice %arg4[%mul3A_32, %dma_wait3A_52] : memref<32768x128xf32, #tpu.memory_space<hbm>> -> memref<128x128xf32, #tpu.memory_space<hbm>>
        %dma_wait3A_54 = arith.constant 0 : i32
        %dma_wait3A_55 = tpu.memref_slice %arg4[%mul3A_32, %dma_wait3A_54] : memref<32768x128xf32, #tpu.memory_space<hbm>> -> memref<128x128xf32, #tpu.memory_space<hbm>>
        tpu.wait_dma2 semaphore(%run_scoped3A : memref<!tpu.dma_semaphore, #tpu.memory_space<semaphore_mem>>) src(%arg6 : memref<128x128xf32, #tpu.memory_space<vmem>>) dst(%dma_wait3A_55 : memref<128x128xf32, #tpu.memory_space<hbm>>)
        tpu.yield
      }) : () -> ()
      %lt3A = arith.constant 3 : i32
      %lt3A_33 = arith.cmpi slt, %scan3A_14, %lt3A : i32
      %convert_element_type3A = arith.extui %lt3A_33 : i1 to i32
      %cond3A = arith.constant 0 : i32
      %cond3A_34 = arith.cmpi ne, %convert_element_type3A, %cond3A : i32
      scf.if %cond3A_34 {
        %add3A_48 = arith.constant 2 : i32
        %add3A_49 = arith.addi %mul3A_16, %add3A_48 : i32
        %dma_start3A_50 = arith.constant 0 : i32
        %dma_start3A_51 = tpu.memref_slice %arg5[%add3A_49, %dma_start3A_50] : memref<8x128xi32, #tpu.memory_space<vmem>> -> memref<1x128xi32, #tpu.memory_space<vmem>>
        %dma_start3A_52 = tpu.memref_squeeze %dma_start3A_51 : memref<1x128xi32, #tpu.memory_space<vmem>> -> memref<128xi32, #tpu.memory_space<vmem>>
        %dma_start3A_53 = arith.constant 0 : i32
        %dma_start3A_54 = arith.constant 0 : i32
        %dma_start3A_55 = tpu.memref_slice %arg2[%dma_start3A_53, %dma_start3A_54] : memref<8192x128xf32, #tpu.memory_space<hbm>> -> memref<8192x128xf32, #tpu.memory_space<hbm>>
        tpu.enqueue_indirect_dma source(%dma_start3A_55 : memref<8192x128xf32, #tpu.memory_space<hbm>>) target(%arg6 : memref<128x128xf32, #tpu.memory_space<vmem>>) offsets(%dma_start3A_52 : memref<128xi32, #tpu.memory_space<vmem>>) semaphore(%arg8 : memref<!tpu.dma_semaphore, #tpu.memory_space<semaphore_mem>>)
      } else {
      }
      %add3A_35 = arith.constant 1 : i32
      %add3A_36 = arith.addi %mul3A_16, %add3A_35 : i32
      %dma_wait3A_37 = arith.constant 0 : i32
      %dma_wait3A_38 = tpu.memref_slice %arg5[%add3A_36, %dma_wait3A_37] : memref<8x128xi32, #tpu.memory_space<vmem>> -> memref<1x128xi32, #tpu.memory_space<vmem>>
      %dma_wait3A_39 = tpu.memref_squeeze %dma_wait3A_38 : memref<1x128xi32, #tpu.memory_space<vmem>> -> memref<128xi32, #tpu.memory_space<vmem>>
      %dma_wait3A_40 = arith.constant 0 : i32
      %dma_wait3A_41 = arith.constant 0 : i32
      %dma_wait3A_42 = tpu.memref_slice %arg2[%dma_wait3A_40, %dma_wait3A_41] : memref<8192x128xf32, #tpu.memory_space<hbm>> -> memref<8192x128xf32, #tpu.memory_space<hbm>>
      tpu.wait_indirect_dma semaphore(%arg9 : memref<!tpu.dma_semaphore, #tpu.memory_space<semaphore_mem>>) src(%dma_wait3A_42 : memref<8192x128xf32, #tpu.memory_space<hbm>>) dst(%arg7 : memref<128x128xf32, #tpu.memory_space<vmem>>)
      %add3A_43 = arith.constant 1 : i32
      %add3A_44 = arith.addi %mul3A_16, %add3A_43 : i32
      %add3A_45 = arith.addi %mul3A_2, %add3A_44 : i32
      %mul3A_46 = arith.constant 128 : i32
      %mul3A_47 = arith.muli %add3A_45, %mul3A_46 : i32
      "tpu.region"() ({
        %run_scoped3A = tpu.sem_alloc : memref<!tpu.dma_semaphore, #tpu.memory_space<semaphore_mem>>
        %dma_start3A_48 = arith.constant 0 : i32
        %dma_start3A_49 = tpu.memref_slice %arg4[%mul3A_47, %dma_start3A_48] : memref<32768x128xf32, #tpu.memory_space<hbm>> -> memref<128x128xf32, #tpu.memory_space<hbm>>
        %dma_start3A_50 = arith.constant 0 : i32
        %dma_start3A_51 = tpu.memref_slice %arg4[%mul3A_47, %dma_start3A_50] : memref<32768x128xf32, #tpu.memory_space<hbm>> -> memref<128x128xf32, #tpu.memory_space<hbm>>
        tpu.enqueue_dma source(%arg7 : memref<128x128xf32, #tpu.memory_space<vmem>>) target(%dma_start3A_51 : memref<128x128xf32, #tpu.memory_space<hbm>>) target_semaphore(%run_scoped3A : memref<!tpu.dma_semaphore, #tpu.memory_space<semaphore_mem>>)
        %dma_wait3A_52 = arith.constant 0 : i32
        %dma_wait3A_53 = tpu.memref_slice %arg4[%mul3A_47, %dma_wait3A_52] : memref<32768x128xf32, #tpu.memory_space<hbm>> -> memref<128x128xf32, #tpu.memory_space<hbm>>
        %dma_wait3A_54 = arith.constant 0 : i32
        %dma_wait3A_55 = tpu.memref_slice %arg4[%mul3A_47, %dma_wait3A_54] : memref<32768x128xf32, #tpu.memory_space<hbm>> -> memref<128x128xf32, #tpu.memory_space<hbm>>
        tpu.wait_dma2 semaphore(%run_scoped3A : memref<!tpu.dma_semaphore, #tpu.memory_space<semaphore_mem>>) src(%arg7 : memref<128x128xf32, #tpu.memory_space<vmem>>) dst(%dma_wait3A_55 : memref<128x128xf32, #tpu.memory_space<hbm>>)
        tpu.yield
      }) : () -> ()
    }
    %scan3A_13 = arith.constant 4 : i32
    return
  }
}

#map = affine_map<(d0, d1) -> (0, 0)>
#map1 = affine_map<(d0, d1) -> (0, 0, 0)>
module attributes {stable_mosaic.version = 14 : i64} {
  func.func @k(%arg0: i32, %arg1: i32, %arg2: memref<8192x128xf32, #tpu.memory_space<hbm>>, %arg3: memref<32x8x128xi32, #tpu.memory_space<hbm>>, %arg4: memref<32768x128xf32, #tpu.memory_space<hbm>>, %arg5: memref<8x128xi32, #tpu.memory_space<vmem>>, %arg6: memref<128x128xf32, #tpu.memory_space<vmem>>, %arg7: memref<128x128xf32, #tpu.memory_space<vmem>>, %arg8: memref<!tpu.dma_semaphore, #tpu.memory_space<semaphore_mem>>, %arg9: memref<!tpu.dma_semaphore, #tpu.memory_space<semaphore_mem>>) attributes {dimension_semantics = [#tpu.dimension_semantics<core_parallel>, #tpu.dimension_semantics<subcore_parallel>], iteration_bounds = array<i64: 2, 16>, scalar_prefetch = 0 : i64, scratch_operands = 5 : i64, tpu.core_type = #tpu.core_type<sc_vector_subcore>, window_params = [{transform_indices = #map}, {transform_indices = #map1}, {transform_indices = #map}]} {
    %mul3A = arith.constant 2 : i32
    %mul3A_0 = arith.muli %arg1, %mul3A : i32
    %add3A = arith.addi %mul3A_0, %arg0 : i32
    %mul3A_1 = arith.constant 8 : i32
    %mul3A_2 = arith.muli %add3A, %mul3A_1 : i32
    "tpu.region"() ({
      %run_scoped3A = tpu.sem_alloc : memref<!tpu.dma_semaphore, #tpu.memory_space<semaphore_mem>>
      %dma_start3A_14 = arith.constant 0 : i32
      %dma_start3A_15 = arith.constant 0 : i32
      %dma_start3A_16 = tpu.memref_slice %arg3[%add3A, %dma_start3A_14, %dma_start3A_15] : memref<32x8x128xi32, #tpu.memory_space<hbm>> -> memref<1x8x128xi32, #tpu.memory_space<hbm>>
      %dma_start3A_17 = tpu.memref_squeeze %dma_start3A_16 : memref<1x8x128xi32, #tpu.memory_space<hbm>> -> memref<8x128xi32, #tpu.memory_space<hbm>>
      %dma_start3A_18 = arith.constant 0 : i32
      %dma_start3A_19 = arith.constant 0 : i32
      %dma_start3A_20 = tpu.memref_slice %arg3[%add3A, %dma_start3A_18, %dma_start3A_19] : memref<32x8x128xi32, #tpu.memory_space<hbm>> -> memref<1x8x128xi32, #tpu.memory_space<hbm>>
      %dma_start3A_21 = tpu.memref_squeeze %dma_start3A_20 : memref<1x8x128xi32, #tpu.memory_space<hbm>> -> memref<8x128xi32, #tpu.memory_space<hbm>>
      tpu.enqueue_dma source(%dma_start3A_21 : memref<8x128xi32, #tpu.memory_space<hbm>>) target(%arg5 : memref<8x128xi32, #tpu.memory_space<vmem>>) target_semaphore(%run_scoped3A : memref<!tpu.dma_semaphore, #tpu.memory_space<semaphore_mem>>)
      %dma_wait3A = arith.constant 0 : i32
      %dma_wait3A_22 = arith.constant 0 : i32
      %dma_wait3A_23 = tpu.memref_slice %arg3[%add3A, %dma_wait3A, %dma_wait3A_22] : memref<32x8x128xi32, #tpu.memory_space<hbm>> -> memref<1x8x128xi32, #tpu.memory_space<hbm>>
      %dma_wait3A_24 = tpu.memref_squeeze %dma_wait3A_23 : memref<1x8x128xi32, #tpu.memory_space<hbm>> -> memref<8x128xi32, #tpu.memory_space<hbm>>
      %dma_wait3A_25 = arith.constant 0 : i32
      %dma_wait3A_26 = arith.constant 0 : i32
      %dma_wait3A_27 = tpu.memref_slice %arg3[%add3A, %dma_wait3A_25, %dma_wait3A_26] : memref<32x8x128xi32, #tpu.memory_space<hbm>> -> memref<1x8x128xi32, #tpu.memory_space<hbm>>
      %dma_wait3A_28 = tpu.memref_squeeze %dma_wait3A_27 : memref<1x8x128xi32, #tpu.memory_space<hbm>> -> memref<8x128xi32, #tpu.memory_space<hbm>>
      tpu.wait_dma2 semaphore(%run_scoped3A : memref<!tpu.dma_semaphore, #tpu.memory_space<semaphore_mem>>) src(%dma_wait3A_28 : memref<8x128xi32, #tpu.memory_space<hbm>>) dst(%arg5 : memref<8x128xi32, #tpu.memory_space<vmem>>)
      tpu.yield
    }) : () -> ()
    %dma_start3A = arith.constant 0 : i32
    %dma_start3A_3 = arith.constant 0 : i32
    %dma_start3A_4 = tpu.memref_slice %arg5[%dma_start3A, %dma_start3A_3] : memref<8x128xi32, #tpu.memory_space<vmem>> -> memref<1x128xi32, #tpu.memory_space<vmem>>
    %dma_start3A_5 = tpu.memref_squeeze %dma_start3A_4 : memref<1x128xi32, #tpu.memory_space<vmem>> -> memref<128xi32, #tpu.memory_space<vmem>>
    %dma_start3A_6 = arith.constant 0 : i32
    %dma_start3A_7 = arith.constant 0 : i32
    %dma_start3A_8 = tpu.memref_slice %arg2[%dma_start3A_6, %dma_start3A_7] : memref<8192x128xf32, #tpu.memory_space<hbm>> -> memref<8192x128xf32, #tpu.memory_space<hbm>>
    tpu.enqueue_indirect_dma source(%dma_start3A_8 : memref<8192x128xf32, #tpu.memory_space<hbm>>) target(%arg6 : memref<128x128xf32, #tpu.memory_space<vmem>>) offsets(%dma_start3A_5 : memref<128xi32, #tpu.memory_space<vmem>>) semaphore(%arg8 : memref<!tpu.dma_semaphore, #tpu.memory_space<semaphore_mem>>)
    %scan3A = arith.constant 0 : i32
    %scan3A_9 = arith.constant 0 : i32
    %scan3A_10 = arith.constant 4 : i32
    %scan3A_11 = arith.addi %scan3A_9, %scan3A_10 : i32
    %scan3A_12 = arith.constant 1 : i32
    scf.for %scan3A_14 = %scan3A_9 to %scan3A_11 step %scan3A_12  : i32 {
      %mul3A_15 = arith.constant 2 : i32
      %mul3A_16 = arith.muli %mul3A_15, %scan3A_14 : i32
      %add3A_17 = arith.constant 1 : i32
      %add3A_18 = arith.addi %mul3A_16, %add3A_17 : i32
      %dma_start3A_19 = arith.constant 0 : i32
      %dma_start3A_20 = tpu.memref_slice %arg5[%add3A_18, %dma_start3A_19] : memref<8x128xi32, #tpu.memory_space<vmem>> -> memref<1x128xi32, #tpu.memory_space<vmem>>
      %dma_start3A_21 = tpu.memref_squeeze %dma_start3A_20 : memref<1x128xi32, #tpu.memory_space<vmem>> -> memref<128xi32, #tpu.memory_space<vmem>>
      %dma_start3A_22 = arith.constant 0 : i32
      %dma_start3A_23 = arith.constant 0 : i32
      %dma_start3A_24 = tpu.memref_slice %arg2[%dma_start3A_22, %dma_start3A_23] : memref<8192x128xf32, #tpu.memory_space<hbm>> -> memref<8192x128xf32, #tpu.memory_space<hbm>>
      tpu.enqueue_indirect_dma source(%dma_start3A_24 : memref<8192x128xf32, #tpu.memory_space<hbm>>) target(%arg7 : memref<128x128xf32, #tpu.memory_space<vmem>>) offsets(%dma_start3A_21 : memref<128xi32, #tpu.memory_space<vmem>>) semaphore(%arg9 : memref<!tpu.dma_semaphore, #tpu.memory_space<semaphore_mem>>)
      %dma_wait3A = arith.constant 0 : i32
      %dma_wait3A_25 = tpu.memref_slice %arg5[%mul3A_16, %dma_wait3A] : memref<8x128xi32, #tpu.memory_space<vmem>> -> memref<1x128xi32, #tpu.memory_space<vmem>>
      %dma_wait3A_26 = tpu.memref_squeeze %dma_wait3A_25 : memref<1x128xi32, #tpu.memory_space<vmem>> -> memref<128xi32, #tpu.memory_space<vmem>>
      %dma_wait3A_27 = arith.constant 0 : i32
      %dma_wait3A_28 = arith.constant 0 : i32
      %dma_wait3A_29 = tpu.memref_slice %arg2[%dma_wait3A_27, %dma_wait3A_28] : memref<8192x128xf32, #tpu.memory_space<hbm>> -> memref<8192x128xf32, #tpu.memory_space<hbm>>
      tpu.wait_indirect_dma semaphore(%arg8 : memref<!tpu.dma_semaphore, #tpu.memory_space<semaphore_mem>>) src(%dma_wait3A_29 : memref<8192x128xf32, #tpu.memory_space<hbm>>) dst(%arg6 : memref<128x128xf32, #tpu.memory_space<vmem>>)
      %add3A_30 = arith.addi %mul3A_2, %mul3A_16 : i32
      %mul3A_31 = arith.constant 128 : i32
      %mul3A_32 = arith.muli %add3A_30, %mul3A_31 : i32
      "tpu.region"() ({
        %run_scoped3A = tpu.sem_alloc : memref<!tpu.dma_semaphore, #tpu.memory_space<semaphore_mem>>
        %dma_start3A_48 = arith.constant 0 : i32
        %dma_start3A_49 = tpu.memref_slice %arg4[%mul3A_32, %dma_start3A_48] : memref<32768x128xf32, #tpu.memory_space<hbm>> -> memref<128x128xf32, #tpu.memory_space<hbm>>
        %dma_start3A_50 = arith.constant 0 : i32
        %dma_start3A_51 = tpu.memref_slice %arg4[%mul3A_32, %dma_start3A_50] : memref<32768x128xf32, #tpu.memory_space<hbm>> -> memref<128x128xf32, #tpu.memory_space<hbm>>
        tpu.enqueue_dma source(%arg6 : memref<128x128xf32, #tpu.memory_space<vmem>>) target(%dma_start3A_51 : memref<128x128xf32, #tpu.memory_space<hbm>>) target_semaphore(%run_scoped3A : memref<!tpu.dma_semaphore, #tpu.memory_space<semaphore_mem>>)
        %dma_wait3A_52 = arith.constant 0 : i32
        %dma_wait3A_53 = tpu.memref_slice %arg4[%mul3A_32, %dma_wait3A_52] : memref<32768x128xf32, #tpu.memory_space<hbm>> -> memref<128x128xf32, #tpu.memory_space<hbm>>
        %dma_wait3A_54 = arith.constant 0 : i32
        %dma_wait3A_55 = tpu.memref_slice %arg4[%mul3A_32, %dma_wait3A_54] : memref<32768x128xf32, #tpu.memory_space<hbm>> -> memref<128x128xf32, #tpu.memory_space<hbm>>
        tpu.wait_dma2 semaphore(%run_scoped3A : memref<!tpu.dma_semaphore, #tpu.memory_space<semaphore_mem>>) src(%arg6 : memref<128x128xf32, #tpu.memory_space<vmem>>) dst(%dma_wait3A_55 : memref<128x128xf32, #tpu.memory_space<hbm>>)
        tpu.yield
      }) : () -> ()
      %lt3A = arith.constant 3 : i32
      %lt3A_33 = arith.cmpi slt, %scan3A_14, %lt3A : i32
      %convert_element_type3A = arith.extui %lt3A_33 : i1 to i32
      %cond3A = arith.constant 0 : i32
      %cond3A_34 = arith.cmpi ne, %convert_element_type3A, %cond3A : i32
      scf.if %cond3A_34 {
        %add3A_48 = arith.constant 2 : i32
        %add3A_49 = arith.addi %mul3A_16, %add3A_48 : i32
        %dma_start3A_50 = arith.constant 0 : i32
        %dma_start3A_51 = tpu.memref_slice %arg5[%add3A_49, %dma_start3A_50] : memref<8x128xi32, #tpu.memory_space<vmem>> -> memref<1x128xi32, #tpu.memory_space<vmem>>
        %dma_start3A_52 = tpu.memref_squeeze %dma_start3A_51 : memref<1x128xi32, #tpu.memory_space<vmem>> -> memref<128xi32, #tpu.memory_space<vmem>>
        %dma_start3A_53 = arith.constant 0 : i32
        %dma_start3A_54 = arith.constant 0 : i32
        %dma_start3A_55 = tpu.memref_slice %arg2[%dma_start3A_53, %dma_start3A_54] : memref<8192x128xf32, #tpu.memory_space<hbm>> -> memref<8192x128xf32, #tpu.memory_space<hbm>>
        tpu.enqueue_indirect_dma source(%dma_start3A_55 : memref<8192x128xf32, #tpu.memory_space<hbm>>) target(%arg6 : memref<128x128xf32, #tpu.memory_space<vmem>>) offsets(%dma_start3A_52 : memref<128xi32, #tpu.memory_space<vmem>>) semaphore(%arg8 : memref<!tpu.dma_semaphore, #tpu.memory_space<semaphore_mem>>)
      } else {
      }
      %add3A_35 = arith.constant 1 : i32
      %add3A_36 = arith.addi %mul3A_16, %add3A_35 : i32
      %dma_wait3A_37 = arith.constant 0 : i32
      %dma_wait3A_38 = tpu.memref_slice %arg5[%add3A_36, %dma_wait3A_37] : memref<8x128xi32, #tpu.memory_space<vmem>> -> memref<1x128xi32, #tpu.memory_space<vmem>>
      %dma_wait3A_39 = tpu.memref_squeeze %dma_wait3A_38 : memref<1x128xi32, #tpu.memory_space<vmem>> -> memref<128xi32, #tpu.memory_space<vmem>>
      %dma_wait3A_40 = arith.constant 0 : i32
      %dma_wait3A_41 = arith.constant 0 : i32
      %dma_wait3A_42 = tpu.memref_slice %arg2[%dma_wait3A_40, %dma_wait3A_41] : memref<8192x128xf32, #tpu.memory_space<hbm>> -> memref<8192x128xf32, #tpu.memory_space<hbm>>
      tpu.wait_indirect_dma semaphore(%arg9 : memref<!tpu.dma_semaphore, #tpu.memory_space<semaphore_mem>>) src(%dma_wait3A_42 : memref<8192x128xf32, #tpu.memory_space<hbm>>) dst(%arg7 : memref<128x128xf32, #tpu.memory_space<vmem>>)
      %add3A_43 = arith.constant 1 : i32
      %add3A_44 = arith.addi %mul3A_16, %add3A_43 : i32
      %add3A_45 = arith.addi %mul3A_2, %add3A_44 : i32
      %mul3A_46 = arith.constant 128 : i32
      %mul3A_47 = arith.muli %add3A_45, %mul3A_46 : i32
      "tpu.region"() ({
        %run_scoped3A = tpu.sem_alloc : memref<!tpu.dma_semaphore, #tpu.memory_space<semaphore_mem>>
        %dma_start3A_48 = arith.constant 0 : i32
        %dma_start3A_49 = tpu.memref_slice %arg4[%mul3A_47, %dma_start3A_48] : memref<32768x128xf32, #tpu.memory_space<hbm>> -> memref<128x128xf32, #tpu.memory_space<hbm>>
        %dma_start3A_50 = arith.constant 0 : i32
        %dma_start3A_51 = tpu.memref_slice %arg4[%mul3A_47, %dma_start3A_50] : memref<32768x128xf32, #tpu.memory_space<hbm>> -> memref<128x128xf32, #tpu.memory_space<hbm>>
        tpu.enqueue_dma source(%arg7 : memref<128x128xf32, #tpu.memory_space<vmem>>) target(%dma_start3A_51 : memref<128x128xf32, #tpu.memory_space<hbm>>) target_semaphore(%run_scoped3A : memref<!tpu.dma_semaphore, #tpu.memory_space<semaphore_mem>>)
        %dma_wait3A_52 = arith.constant 0 : i32
        %dma_wait3A_53 = tpu.memref_slice %arg4[%mul3A_47, %dma_wait3A_52] : memref<32768x128xf32, #tpu.memory_space<hbm>> -> memref<128x128xf32, #tpu.memory_space<hbm>>
        %dma_wait3A_54 = arith.constant 0 : i32
        %dma_wait3A_55 = tpu.memref_slice %arg4[%mul3A_47, %dma_wait3A_54] : memref<32768x128xf32, #tpu.memory_space<hbm>> -> memref<128x128xf32, #tpu.memory_space<hbm>>
        tpu.wait_dma2 semaphore(%run_scoped3A : memref<!tpu.dma_semaphore, #tpu.memory_space<semaphore_mem>>) src(%arg7 : memref<128x128xf32, #tpu.memory_space<vmem>>) dst(%dma_wait3A_55 : memref<128x128xf32, #tpu.memory_space<hbm>>)
        tpu.yield
      }) : () -> ()
    }
    %scan3A_13 = arith.constant 4 : i32
    return
  }
}

#map = affine_map<(d0, d1) -> (0, 0)>
#map1 = affine_map<(d0, d1) -> (0, 0, 0)>
module attributes {stable_mosaic.version = 14 : i64} {
  func.func @k(%arg0: i32, %arg1: i32, %arg2: memref<8192x128xf32, #tpu.memory_space<hbm>>, %arg3: memref<32x8x128xi32, #tpu.memory_space<hbm>>, %arg4: memref<32768x128xf32, #tpu.memory_space<hbm>>, %arg5: memref<8x128xi32, #tpu.memory_space<vmem>>, %arg6: memref<128x128xf32, #tpu.memory_space<vmem>>, %arg7: memref<128x128xf32, #tpu.memory_space<vmem>>, %arg8: memref<!tpu.dma_semaphore, #tpu.memory_space<semaphore_mem>>, %arg9: memref<!tpu.dma_semaphore, #tpu.memory_space<semaphore_mem>>) attributes {dimension_semantics = [#tpu.dimension_semantics<core_parallel>, #tpu.dimension_semantics<subcore_parallel>], iteration_bounds = array<i64: 2, 16>, scalar_prefetch = 0 : i64, scratch_operands = 5 : i64, tpu.core_type = #tpu.core_type<sc_vector_subcore>, window_params = [{transform_indices = #map}, {transform_indices = #map1}, {transform_indices = #map}]} {
    %mul3A = arith.constant 2 : i32
    %mul3A_0 = arith.muli %arg1, %mul3A : i32
    %add3A = arith.addi %mul3A_0, %arg0 : i32
    %mul3A_1 = arith.constant 8 : i32
    %mul3A_2 = arith.muli %add3A, %mul3A_1 : i32
    "tpu.region"() ({
      %run_scoped3A = tpu.sem_alloc : memref<!tpu.dma_semaphore, #tpu.memory_space<semaphore_mem>>
      %dma_start3A_14 = arith.constant 0 : i32
      %dma_start3A_15 = arith.constant 0 : i32
      %dma_start3A_16 = tpu.memref_slice %arg3[%add3A, %dma_start3A_14, %dma_start3A_15] : memref<32x8x128xi32, #tpu.memory_space<hbm>> -> memref<1x8x128xi32, #tpu.memory_space<hbm>>
      %dma_start3A_17 = tpu.memref_squeeze %dma_start3A_16 : memref<1x8x128xi32, #tpu.memory_space<hbm>> -> memref<8x128xi32, #tpu.memory_space<hbm>>
      %dma_start3A_18 = arith.constant 0 : i32
      %dma_start3A_19 = arith.constant 0 : i32
      %dma_start3A_20 = tpu.memref_slice %arg3[%add3A, %dma_start3A_18, %dma_start3A_19] : memref<32x8x128xi32, #tpu.memory_space<hbm>> -> memref<1x8x128xi32, #tpu.memory_space<hbm>>
      %dma_start3A_21 = tpu.memref_squeeze %dma_start3A_20 : memref<1x8x128xi32, #tpu.memory_space<hbm>> -> memref<8x128xi32, #tpu.memory_space<hbm>>
      tpu.enqueue_dma source(%dma_start3A_21 : memref<8x128xi32, #tpu.memory_space<hbm>>) target(%arg5 : memref<8x128xi32, #tpu.memory_space<vmem>>) target_semaphore(%run_scoped3A : memref<!tpu.dma_semaphore, #tpu.memory_space<semaphore_mem>>)
      %dma_wait3A = arith.constant 0 : i32
      %dma_wait3A_22 = arith.constant 0 : i32
      %dma_wait3A_23 = tpu.memref_slice %arg3[%add3A, %dma_wait3A, %dma_wait3A_22] : memref<32x8x128xi32, #tpu.memory_space<hbm>> -> memref<1x8x128xi32, #tpu.memory_space<hbm>>
      %dma_wait3A_24 = tpu.memref_squeeze %dma_wait3A_23 : memref<1x8x128xi32, #tpu.memory_space<hbm>> -> memref<8x128xi32, #tpu.memory_space<hbm>>
      %dma_wait3A_25 = arith.constant 0 : i32
      %dma_wait3A_26 = arith.constant 0 : i32
      %dma_wait3A_27 = tpu.memref_slice %arg3[%add3A, %dma_wait3A_25, %dma_wait3A_26] : memref<32x8x128xi32, #tpu.memory_space<hbm>> -> memref<1x8x128xi32, #tpu.memory_space<hbm>>
      %dma_wait3A_28 = tpu.memref_squeeze %dma_wait3A_27 : memref<1x8x128xi32, #tpu.memory_space<hbm>> -> memref<8x128xi32, #tpu.memory_space<hbm>>
      tpu.wait_dma2 semaphore(%run_scoped3A : memref<!tpu.dma_semaphore, #tpu.memory_space<semaphore_mem>>) src(%dma_wait3A_28 : memref<8x128xi32, #tpu.memory_space<hbm>>) dst(%arg5 : memref<8x128xi32, #tpu.memory_space<vmem>>)
      tpu.yield
    }) : () -> ()
    %dma_start3A = arith.constant 0 : i32
    %dma_start3A_3 = arith.constant 0 : i32
    %dma_start3A_4 = tpu.memref_slice %arg5[%dma_start3A, %dma_start3A_3] : memref<8x128xi32, #tpu.memory_space<vmem>> -> memref<1x128xi32, #tpu.memory_space<vmem>>
    %dma_start3A_5 = tpu.memref_squeeze %dma_start3A_4 : memref<1x128xi32, #tpu.memory_space<vmem>> -> memref<128xi32, #tpu.memory_space<vmem>>
    %dma_start3A_6 = arith.constant 0 : i32
    %dma_start3A_7 = arith.constant 0 : i32
    %dma_start3A_8 = tpu.memref_slice %arg2[%dma_start3A_6, %dma_start3A_7] : memref<8192x128xf32, #tpu.memory_space<hbm>> -> memref<8192x128xf32, #tpu.memory_space<hbm>>
    tpu.enqueue_indirect_dma source(%dma_start3A_8 : memref<8192x128xf32, #tpu.memory_space<hbm>>) target(%arg6 : memref<128x128xf32, #tpu.memory_space<vmem>>) offsets(%dma_start3A_5 : memref<128xi32, #tpu.memory_space<vmem>>) semaphore(%arg8 : memref<!tpu.dma_semaphore, #tpu.memory_space<semaphore_mem>>)
    %scan3A = arith.constant 0 : i32
    %scan3A_9 = arith.constant 0 : i32
    %scan3A_10 = arith.constant 4 : i32
    %scan3A_11 = arith.addi %scan3A_9, %scan3A_10 : i32
    %scan3A_12 = arith.constant 1 : i32
    scf.for %scan3A_14 = %scan3A_9 to %scan3A_11 step %scan3A_12  : i32 {
      %mul3A_15 = arith.constant 2 : i32
      %mul3A_16 = arith.muli %mul3A_15, %scan3A_14 : i32
      %add3A_17 = arith.constant 1 : i32
      %add3A_18 = arith.addi %mul3A_16, %add3A_17 : i32
      %dma_start3A_19 = arith.constant 0 : i32
      %dma_start3A_20 = tpu.memref_slice %arg5[%add3A_18, %dma_start3A_19] : memref<8x128xi32, #tpu.memory_space<vmem>> -> memref<1x128xi32, #tpu.memory_space<vmem>>
      %dma_start3A_21 = tpu.memref_squeeze %dma_start3A_20 : memref<1x128xi32, #tpu.memory_space<vmem>> -> memref<128xi32, #tpu.memory_space<vmem>>
      %dma_start3A_22 = arith.constant 0 : i32
      %dma_start3A_23 = arith.constant 0 : i32
      %dma_start3A_24 = tpu.memref_slice %arg2[%dma_start3A_22, %dma_start3A_23] : memref<8192x128xf32, #tpu.memory_space<hbm>> -> memref<8192x128xf32, #tpu.memory_space<hbm>>
      tpu.enqueue_indirect_dma source(%dma_start3A_24 : memref<8192x128xf32, #tpu.memory_space<hbm>>) target(%arg7 : memref<128x128xf32, #tpu.memory_space<vmem>>) offsets(%dma_start3A_21 : memref<128xi32, #tpu.memory_space<vmem>>) semaphore(%arg9 : memref<!tpu.dma_semaphore, #tpu.memory_space<semaphore_mem>>)
      %dma_wait3A = arith.constant 0 : i32
      %dma_wait3A_25 = tpu.memref_slice %arg5[%mul3A_16, %dma_wait3A] : memref<8x128xi32, #tpu.memory_space<vmem>> -> memref<1x128xi32, #tpu.memory_space<vmem>>
      %dma_wait3A_26 = tpu.memref_squeeze %dma_wait3A_25 : memref<1x128xi32, #tpu.memory_space<vmem>> -> memref<128xi32, #tpu.memory_space<vmem>>
      %dma_wait3A_27 = arith.constant 0 : i32
      %dma_wait3A_28 = arith.constant 0 : i32
      %dma_wait3A_29 = tpu.memref_slice %arg2[%dma_wait3A_27, %dma_wait3A_28] : memref<8192x128xf32, #tpu.memory_space<hbm>> -> memref<8192x128xf32, #tpu.memory_space<hbm>>
      tpu.wait_indirect_dma semaphore(%arg8 : memref<!tpu.dma_semaphore, #tpu.memory_space<semaphore_mem>>) src(%dma_wait3A_29 : memref<8192x128xf32, #tpu.memory_space<hbm>>) dst(%arg6 : memref<128x128xf32, #tpu.memory_space<vmem>>)
      %add3A_30 = arith.addi %mul3A_2, %mul3A_16 : i32
      %mul3A_31 = arith.constant 128 : i32
      %mul3A_32 = arith.muli %add3A_30, %mul3A_31 : i32
      "tpu.region"() ({
        %run_scoped3A = tpu.sem_alloc : memref<!tpu.dma_semaphore, #tpu.memory_space<semaphore_mem>>
        %dma_start3A_48 = arith.constant 0 : i32
        %dma_start3A_49 = tpu.memref_slice %arg4[%mul3A_32, %dma_start3A_48] : memref<32768x128xf32, #tpu.memory_space<hbm>> -> memref<128x128xf32, #tpu.memory_space<hbm>>
        %dma_start3A_50 = arith.constant 0 : i32
        %dma_start3A_51 = tpu.memref_slice %arg4[%mul3A_32, %dma_start3A_50] : memref<32768x128xf32, #tpu.memory_space<hbm>> -> memref<128x128xf32, #tpu.memory_space<hbm>>
        tpu.enqueue_dma source(%arg6 : memref<128x128xf32, #tpu.memory_space<vmem>>) target(%dma_start3A_51 : memref<128x128xf32, #tpu.memory_space<hbm>>) target_semaphore(%run_scoped3A : memref<!tpu.dma_semaphore, #tpu.memory_space<semaphore_mem>>)
        %dma_wait3A_52 = arith.constant 0 : i32
        %dma_wait3A_53 = tpu.memref_slice %arg4[%mul3A_32, %dma_wait3A_52] : memref<32768x128xf32, #tpu.memory_space<hbm>> -> memref<128x128xf32, #tpu.memory_space<hbm>>
        %dma_wait3A_54 = arith.constant 0 : i32
        %dma_wait3A_55 = tpu.memref_slice %arg4[%mul3A_32, %dma_wait3A_54] : memref<32768x128xf32, #tpu.memory_space<hbm>> -> memref<128x128xf32, #tpu.memory_space<hbm>>
        tpu.wait_dma2 semaphore(%run_scoped3A : memref<!tpu.dma_semaphore, #tpu.memory_space<semaphore_mem>>) src(%arg6 : memref<128x128xf32, #tpu.memory_space<vmem>>) dst(%dma_wait3A_55 : memref<128x128xf32, #tpu.memory_space<hbm>>)
        tpu.yield
      }) : () -> ()
      %lt3A = arith.constant 3 : i32
      %lt3A_33 = arith.cmpi slt, %scan3A_14, %lt3A : i32
      %convert_element_type3A = arith.extui %lt3A_33 : i1 to i32
      %cond3A = arith.constant 0 : i32
      %cond3A_34 = arith.cmpi ne, %convert_element_type3A, %cond3A : i32
      scf.if %cond3A_34 {
        %add3A_48 = arith.constant 2 : i32
        %add3A_49 = arith.addi %mul3A_16, %add3A_48 : i32
        %dma_start3A_50 = arith.constant 0 : i32
        %dma_start3A_51 = tpu.memref_slice %arg5[%add3A_49, %dma_start3A_50] : memref<8x128xi32, #tpu.memory_space<vmem>> -> memref<1x128xi32, #tpu.memory_space<vmem>>
        %dma_start3A_52 = tpu.memref_squeeze %dma_start3A_51 : memref<1x128xi32, #tpu.memory_space<vmem>> -> memref<128xi32, #tpu.memory_space<vmem>>
        %dma_start3A_53 = arith.constant 0 : i32
        %dma_start3A_54 = arith.constant 0 : i32
        %dma_start3A_55 = tpu.memref_slice %arg2[%dma_start3A_53, %dma_start3A_54] : memref<8192x128xf32, #tpu.memory_space<hbm>> -> memref<8192x128xf32, #tpu.memory_space<hbm>>
        tpu.enqueue_indirect_dma source(%dma_start3A_55 : memref<8192x128xf32, #tpu.memory_space<hbm>>) target(%arg6 : memref<128x128xf32, #tpu.memory_space<vmem>>) offsets(%dma_start3A_52 : memref<128xi32, #tpu.memory_space<vmem>>) semaphore(%arg8 : memref<!tpu.dma_semaphore, #tpu.memory_space<semaphore_mem>>)
      } else {
      }
      %add3A_35 = arith.constant 1 : i32
      %add3A_36 = arith.addi %mul3A_16, %add3A_35 : i32
      %dma_wait3A_37 = arith.constant 0 : i32
      %dma_wait3A_38 = tpu.memref_slice %arg5[%add3A_36, %dma_wait3A_37] : memref<8x128xi32, #tpu.memory_space<vmem>> -> memref<1x128xi32, #tpu.memory_space<vmem>>
      %dma_wait3A_39 = tpu.memref_squeeze %dma_wait3A_38 : memref<1x128xi32, #tpu.memory_space<vmem>> -> memref<128xi32, #tpu.memory_space<vmem>>
      %dma_wait3A_40 = arith.constant 0 : i32
      %dma_wait3A_41 = arith.constant 0 : i32
      %dma_wait3A_42 = tpu.memref_slice %arg2[%dma_wait3A_40, %dma_wait3A_41] : memref<8192x128xf32, #tpu.memory_space<hbm>> -> memref<8192x128xf32, #tpu.memory_space<hbm>>
      tpu.wait_indirect_dma semaphore(%arg9 : memref<!tpu.dma_semaphore, #tpu.memory_space<semaphore_mem>>) src(%dma_wait3A_42 : memref<8192x128xf32, #tpu.memory_space<hbm>>) dst(%arg7 : memref<128x128xf32, #tpu.memory_space<vmem>>)
      %add3A_43 = arith.constant 1 : i32
      %add3A_44 = arith.addi %mul3A_16, %add3A_43 : i32
      %add3A_45 = arith.addi %mul3A_2, %add3A_44 : i32
      %mul3A_46 = arith.constant 128 : i32
      %mul3A_47 = arith.muli %add3A_45, %mul3A_46 : i32
      "tpu.region"() ({
        %run_scoped3A = tpu.sem_alloc : memref<!tpu.dma_semaphore, #tpu.memory_space<semaphore_mem>>
        %dma_start3A_48 = arith.constant 0 : i32
        %dma_start3A_49 = tpu.memref_slice %arg4[%mul3A_47, %dma_start3A_48] : memref<32768x128xf32, #tpu.memory_space<hbm>> -> memref<128x128xf32, #tpu.memory_space<hbm>>
        %dma_start3A_50 = arith.constant 0 : i32
        %dma_start3A_51 = tpu.memref_slice %arg4[%mul3A_47, %dma_start3A_50] : memref<32768x128xf32, #tpu.memory_space<hbm>> -> memref<128x128xf32, #tpu.memory_space<hbm>>
        tpu.enqueue_dma source(%arg7 : memref<128x128xf32, #tpu.memory_space<vmem>>) target(%dma_start3A_51 : memref<128x128xf32, #tpu.memory_space<hbm>>) target_semaphore(%run_scoped3A : memref<!tpu.dma_semaphore, #tpu.memory_space<semaphore_mem>>)
        %dma_wait3A_52 = arith.constant 0 : i32
        %dma_wait3A_53 = tpu.memref_slice %arg4[%mul3A_47, %dma_wait3A_52] : memref<32768x128xf32, #tpu.memory_space<hbm>> -> memref<128x128xf32, #tpu.memory_space<hbm>>
        %dma_wait3A_54 = arith.constant 0 : i32
        %dma_wait3A_55 = tpu.memref_slice %arg4[%mul3A_47, %dma_wait3A_54] : memref<32768x128xf32, #tpu.memory_space<hbm>> -> memref<128x128xf32, #tpu.memory_space<hbm>>
        tpu.wait_dma2 semaphore(%run_scoped3A : memref<!tpu.dma_semaphore, #tpu.memory_space<semaphore_mem>>) src(%arg7 : memref<128x128xf32, #tpu.memory_space<vmem>>) dst(%dma_wait3A_55 : memref<128x128xf32, #tpu.memory_space<hbm>>)
        tpu.yield
      }) : () -> ()
    }
    %scan3A_13 = arith.constant 4 : i32
    return
  }
}

module attributes {stable_mosaic.version = 14 : i64} {
  func.func @_a2_body(%arg0: i32, %arg1: memref<512x128xf32, #tpu.memory_space<vmem>>, %arg2: memref<2048x128xf32, #tpu.memory_space<vmem>>, %arg3: memref<1x2048xf32, #tpu.memory_space<vmem>>, %arg4: memref<512x16xi32, #tpu.memory_space<vmem>>) attributes {dimension_semantics = [#tpu.dimension_semantics<arbitrary>], iteration_bounds = array<i64: 4>, scalar_prefetch = 0 : i64, scratch_operands = 0 : i64, tpu.core_type = #tpu.core_type<tc>, window_params = [{transform_indices = @transform_0, window_bounds = array<i64: 512, 128>}, {pipeline_mode = #tpu.pipeline_mode<synchronous>, transform_indices = @transform_1, window_bounds = array<i64: 2048, 128>}, {pipeline_mode = #tpu.pipeline_mode<synchronous>, transform_indices = @transform_2, window_bounds = array<i64: 1, 2048>}, {transform_indices = @transform_3, window_bounds = array<i64: 512, 16>}]} {
    %get3A = arith.constant 0 : index
    %get3A_0 = arith.constant 0 : index
    %get3A_1 = vector.load %arg1[%get3A, %get3A_0] : memref<512x128xf32, #tpu.memory_space<vmem>>, vector<512x128xf32>
    %get3A_2 = arith.constant 0 : index
    %get3A_3 = arith.constant 0 : index
    %get3A_4 = vector.load %arg2[%get3A_2, %get3A_3] : memref<2048x128xf32, #tpu.memory_space<vmem>>, vector<2048x128xf32>
    %dot_general3A = arith.constant dense<0.000000e+00> : vector<512x2048xf32>
    %dot_general3A_5 = tpu.matmul %get3A_1, %get3A_4, %dot_general3A {dimension_numbers = #tpu.dot_dimension_numbers<[1], [1], [0], [0], [0, 0, 1, 0], [], []>, transpose_lhs_hint = false} : vector<512x128xf32>, vector<2048x128xf32>, vector<512x2048xf32> -> vector<512x2048xf32>
    %get3A_6 = arith.constant 0 : index
    %get3A_7 = arith.constant 0 : index
    %get3A_8 = vector.load %arg3[%get3A_6, %get3A_7] : memref<1x2048xf32, #tpu.memory_space<vmem>>, vector<1x2048xf32>
    %get3A_9 = vector.shape_cast %get3A_8 : vector<1x2048xf32> to vector<2048xf32>
    %mul3A = arith.constant 2.000000e+00 : f32
    %mul3A_10 = vector.broadcast %mul3A : f32 to vector<512x2048xf32>
    %mul3A_11 = arith.mulf %mul3A_10, %dot_general3A_5 : vector<512x2048xf32>
    %broadcast_in_dim3A = vector.shape_cast %get3A_9 : vector<2048xf32> to vector<1x2048xf32>
    %sub3A = vector.broadcast %broadcast_in_dim3A : vector<1x2048xf32> to vector<512x2048xf32>
    %sub3A_12 = arith.subf %sub3A, %mul3A_11 : vector<512x2048xf32>
    %iota3A = tpu.iota {dimensions = array<i32: 1>} : vector<512x2048xi32>
    %iota3A_13 = tpu.iota {dimensions = array<i32: 0>} : vector<512x2048xi32>
    %mul3A_14 = arith.constant 512 : i32
    %mul3A_15 = arith.muli %arg0, %mul3A_14 : i32
    %add3A = vector.broadcast %mul3A_15 : i32 to vector<512x2048xi32>
    %add3A_16 = arith.addi %iota3A_13, %add3A : vector<512x2048xi32>
    %bitcast_convert_type3A = tpu.bitcast %sub3A_12 : vector<512x2048xf32> -> vector<512x2048xi32>
    %lt3A = arith.constant 0 : i32
    %lt3A_17 = vector.broadcast %lt3A : i32 to vector<512x2048xi32>
    %lt3A_18 = arith.cmpi slt, %bitcast_convert_type3A, %lt3A_17 : vector<512x2048xi32>
    %xor3A = arith.constant 2147483647 : i32
    %xor3A_19 = vector.broadcast %xor3A : i32 to vector<512x2048xi32>
    %xor3A_20 = arith.xori %bitcast_convert_type3A, %xor3A_19 : vector<512x2048xi32>
    %select_n3A = arith.select %lt3A_18, %xor3A_20, %bitcast_convert_type3A : vector<512x2048xi1>, vector<512x2048xi32>
    %not3A = arith.constant 2047 : i32
    %not3A_21 = arith.constant -1 : i32
    %not3A_22 = arith.xori %not3A, %not3A_21 : i32
    %and3A = vector.broadcast %not3A_22 : i32 to vector<512x2048xi32>
    %and3A_23 = arith.andi %select_n3A, %and3A : vector<512x2048xi32>
    %or3A = arith.ori %and3A_23, %iota3A : vector<512x2048xi32>
    %eq3A = arith.cmpi eq, %iota3A, %add3A_16 : vector<512x2048xi32>
    %jit3A = arith.constant 2147483647 : i32
    %broadcast_in_dim3A_24 = vector.broadcast %jit3A : i32 to vector<512x2048xi32>
    %select_n3A_25 = arith.select %eq3A, %broadcast_in_dim3A_24, %or3A : vector<512x2048xi1>, vector<512x2048xi32>
    %slice3A = vector.extract_strided_slice %select_n3A_25 {offsets = [0, 0], sizes = [512, 128], strides = [1, 1]} : vector<512x2048xi32> to vector<512x128xi32>
    %broadcast_in_dim3A_26 = arith.constant 2147483647 : i32
    %broadcast_in_dim3A_27 = vector.broadcast %broadcast_in_dim3A_26 : i32 to vector<512x128xi32>
    %broadcast_in_dim3A_28 = arith.constant 2147483647 : i32
    %broadcast_in_dim3A_29 = vector.broadcast %broadcast_in_dim3A_28 : i32 to vector<512x128xi32>
    %slice3A_30 = vector.extract_strided_slice %select_n3A_25 {offsets = [0, 128], sizes = [512, 128], strides = [1, 1]} : vector<512x2048xi32> to vector<512x128xi32>
    %min3A = arith.minsi %slice3A, %slice3A_30 : vector<512x128xi32>
    %max3A = arith.maxsi %slice3A, %slice3A_30 : vector<512x128xi32>
    %min3A_31 = arith.minsi %broadcast_in_dim3A_27, %max3A : vector<512x128xi32>
    %max3A_32 = arith.maxsi %broadcast_in_dim3A_27, %max3A : vector<512x128xi32>
    %min3A_33 = arith.minsi %broadcast_in_dim3A_29, %max3A_32 : vector<512x128xi32>
    %slice3A_34 = vector.extract_strided_slice %select_n3A_25 {offsets = [0, 256], sizes = [512, 128], strides = [1, 1]} : vector<512x2048xi32> to vector<512x128xi32>
    %min3A_35 = arith.minsi %min3A, %slice3A_34 : vector<512x128xi32>
    %max3A_36 = arith.maxsi %min3A, %slice3A_34 : vector<512x128xi32>
    %min3A_37 = arith.minsi %min3A_31, %max3A_36 : vector<512x128xi32>
    %max3A_38 = arith.maxsi %min3A_31, %max3A_36 : vector<512x128xi32>
    %min3A_39 = arith.minsi %min3A_33, %max3A_38 : vector<512x128xi32>
    %slice3A_40 = vector.extract_strided_slice %select_n3A_25 {offsets = [0, 384], sizes = [512, 128], strides = [1, 1]} : vector<512x2048xi32> to vector<512x128xi32>
    %min3A_41 = arith.minsi %min3A_35, %slice3A_40 : vector<512x128xi32>
    %max3A_42 = arith.maxsi %min3A_35, %slice3A_40 : vector<512x128xi32>
    %min3A_43 = arith.minsi %min3A_37, %max3A_42 : vector<512x128xi32>
    %max3A_44 = arith.maxsi %min3A_37, %max3A_42 : vector<512x128xi32>
    %min3A_45 = arith.minsi %min3A_39, %max3A_44 : vector<512x128xi32>
    %slice3A_46 = vector.extract_strided_slice %select_n3A_25 {offsets = [0, 512], sizes = [512, 128], strides = [1, 1]} : vector<512x2048xi32> to vector<512x128xi32>
    %min3A_47 = arith.minsi %min3A_41, %slice3A_46 : vector<512x128xi32>
    %max3A_48 = arith.maxsi %min3A_41, %slice3A_46 : vector<512x128xi32>
    %min3A_49 = arith.minsi %min3A_43, %max3A_48 : vector<512x128xi32>
    %max3A_50 = arith.maxsi %min3A_43, %max3A_48 : vector<512x128xi32>
    %min3A_51 = arith.minsi %min3A_45, %max3A_50 : vector<512x128xi32>
    %slice3A_52 = vector.extract_strided_slice %select_n3A_25 {offsets = [0, 640], sizes = [512, 128], strides = [1, 1]} : vector<512x2048xi32> to vector<512x128xi32>
    %min3A_53 = arith.minsi %min3A_47, %slice3A_52 : vector<512x128xi32>
    %max3A_54 = arith.maxsi %min3A_47, %slice3A_52 : vector<512x128xi32>
    %min3A_55 = arith.minsi %min3A_49, %max3A_54 : vector<512x128xi32>
    %max3A_56 = arith.maxsi %min3A_49, %max3A_54 : vector<512x128xi32>
    %min3A_57 = arith.minsi %min3A_51, %max3A_56 : vector<512x128xi32>
    %slice3A_58 = vector.extract_strided_slice %select_n3A_25 {offsets = [0, 768], sizes = [512, 128], strides = [1, 1]} : vector<512x2048xi32> to vector<512x128xi32>
    %min3A_59 = arith.minsi %min3A_53, %slice3A_58 : vector<512x128xi32>
    %max3A_60 = arith.maxsi %min3A_53, %slice3A_58 : vector<512x128xi32>
    %min3A_61 = arith.minsi %min3A_55, %max3A_60 : vector<512x128xi32>
    %max3A_62 = arith.maxsi %min3A_55, %max3A_60 : vector<512x128xi32>
    %min3A_63 = arith.minsi %min3A_57, %max3A_62 : vector<512x128xi32>
    %slice3A_64 = vector.extract_strided_slice %select_n3A_25 {offsets = [0, 896], sizes = [512, 128], strides = [1, 1]} : vector<512x2048xi32> to vector<512x128xi32>
    %min3A_65 = arith.minsi %min3A_59, %slice3A_64 : vector<512x128xi32>
    %max3A_66 = arith.maxsi %min3A_59, %slice3A_64 : vector<512x128xi32>
    %min3A_67 = arith.minsi %min3A_61, %max3A_66 : vector<512x128xi32>
    %max3A_68 = arith.maxsi %min3A_61, %max3A_66 : vector<512x128xi32>
    %min3A_69 = arith.minsi %min3A_63, %max3A_68 : vector<512x128xi32>
    %slice3A_70 = vector.extract_strided_slice %select_n3A_25 {offsets = [0, 1024], sizes = [512, 128], strides = [1, 1]} : vector<512x2048xi32> to vector<512x128xi32>
    %min3A_71 = arith.minsi %min3A_65, %slice3A_70 : vector<512x128xi32>
    %max3A_72 = arith.maxsi %min3A_65, %slice3A_70 : vector<512x128xi32>
    %min3A_73 = arith.minsi %min3A_67, %max3A_72 : vector<512x128xi32>
    %max3A_74 = arith.maxsi %min3A_67, %max3A_72 : vector<512x128xi32>
    %min3A_75 = arith.minsi %min3A_69, %max3A_74 : vector<512x128xi32>
    %slice3A_76 = vector.extract_strided_slice %select_n3A_25 {offsets = [0, 1152], sizes = [512, 128], strides = [1, 1]} : vector<512x2048xi32> to vector<512x128xi32>
    %min3A_77 = arith.minsi %min3A_71, %slice3A_76 : vector<512x128xi32>
    %max3A_78 = arith.maxsi %min3A_71, %slice3A_76 : vector<512x128xi32>
    %min3A_79 = arith.minsi %min3A_73, %max3A_78 : vector<512x128xi32>
    %max3A_80 = arith.maxsi %min3A_73, %max3A_78 : vector<512x128xi32>
    %min3A_81 = arith.minsi %min3A_75, %max3A_80 : vector<512x128xi32>
    %slice3A_82 = vector.extract_strided_slice %select_n3A_25 {offsets = [0, 1280], sizes = [512, 128], strides = [1, 1]} : vector<512x2048xi32> to vector<512x128xi32>
    %min3A_83 = arith.minsi %min3A_77, %slice3A_82 : vector<512x128xi32>
    %max3A_84 = arith.maxsi %min3A_77, %slice3A_82 : vector<512x128xi32>
    %min3A_85 = arith.minsi %min3A_79, %max3A_84 : vector<512x128xi32>
    %max3A_86 = arith.maxsi %min3A_79, %max3A_84 : vector<512x128xi32>
    %min3A_87 = arith.minsi %min3A_81, %max3A_86 : vector<512x128xi32>
    %slice3A_88 = vector.extract_strided_slice %select_n3A_25 {offsets = [0, 1408], sizes = [512, 128], strides = [1, 1]} : vector<512x2048xi32> to vector<512x128xi32>
    %min3A_89 = arith.minsi %min3A_83, %slice3A_88 : vector<512x128xi32>
    %max3A_90 = arith.maxsi %min3A_83, %slice3A_88 : vector<512x128xi32>
    %min3A_91 = arith.minsi %min3A_85, %max3A_90 : vector<512x128xi32>
    %max3A_92 = arith.maxsi %min3A_85, %max3A_90 : vector<512x128xi32>
    %min3A_93 = arith.minsi %min3A_87, %max3A_92 : vector<512x128xi32>
    %slice3A_94 = vector.extract_strided_slice %select_n3A_25 {offsets = [0, 1536], sizes = [512, 128], strides = [1, 1]} : vector<512x2048xi32> to vector<512x128xi32>
    %min3A_95 = arith.minsi %min3A_89, %slice3A_94 : vector<512x128xi32>
    %max3A_96 = arith.maxsi %min3A_89, %slice3A_94 : vector<512x128xi32>
    %min3A_97 = arith.minsi %min3A_91, %max3A_96 : vector<512x128xi32>
    %max3A_98 = arith.maxsi %min3A_91, %max3A_96 : vector<512x128xi32>
    %min3A_99 = arith.minsi %min3A_93, %max3A_98 : vector<512x128xi32>
    %slice3A_100 = vector.extract_strided_slice %select_n3A_25 {offsets = [0, 1664], sizes = [512, 128], strides = [1, 1]} : vector<512x2048xi32> to vector<512x128xi32>
    %min3A_101 = arith.minsi %min3A_95, %slice3A_100 : vector<512x128xi32>
    %max3A_102 = arith.maxsi %min3A_95, %slice3A_100 : vector<512x128xi32>
    %min3A_103 = arith.minsi %min3A_97, %max3A_102 : vector<512x128xi32>
    %max3A_104 = arith.maxsi %min3A_97, %max3A_102 : vector<512x128xi32>
    %min3A_105 = arith.minsi %min3A_99, %max3A_104 : vector<512x128xi32>
    %slice3A_106 = vector.extract_strided_slice %select_n3A_25 {offsets = [0, 1792], sizes = [512, 128], strides = [1, 1]} : vector<512x2048xi32> to vector<512x128xi32>
    %min3A_107 = arith.minsi %min3A_101, %slice3A_106 : vector<512x128xi32>
    %max3A_108 = arith.maxsi %min3A_101, %slice3A_106 : vector<512x128xi32>
    %min3A_109 = arith.minsi %min3A_103, %max3A_108 : vector<512x128xi32>
    %max3A_110 = arith.maxsi %min3A_103, %max3A_108 : vector<512x128xi32>
    %min3A_111 = arith.minsi %min3A_105, %max3A_110 : vector<512x128xi32>
    %slice3A_112 = vector.extract_strided_slice %select_n3A_25 {offsets = [0, 1920], sizes = [512, 128], strides = [1, 1]} : vector<512x2048xi32> to vector<512x128xi32>
    %min3A_113 = arith.minsi %min3A_107, %slice3A_112 : vector<512x128xi32>
    %max3A_114 = arith.maxsi %min3A_107, %slice3A_112 : vector<512x128xi32>
    %min3A_115 = arith.minsi %min3A_109, %max3A_114 : vector<512x128xi32>
    %max3A_116 = arith.maxsi %min3A_109, %max3A_114 : vector<512x128xi32>
    %min3A_117 = arith.minsi %min3A_111, %max3A_116 : vector<512x128xi32>
    %iota3A_118 = tpu.iota {dimensions = array<i32: 1>} : vector<512x128xi32>
    %reduce_min3A = arith.constant dense<2147483647> : vector<512xi32>
    %reduce_min3A_119 = vector.multi_reduction <minsi>, %min3A_113, %reduce_min3A [1] : vector<512x128xi32> to vector<512xi32>
    %broadcast_in_dim3A_120 = vector.shape_cast %reduce_min3A_119 : vector<512xi32> to vector<512x1xi32>
    %and3A_121 = arith.constant 2047 : i32
    %and3A_122 = vector.broadcast %and3A_121 : i32 to vector<512x1xi32>
    %and3A_123 = arith.andi %broadcast_in_dim3A_120, %and3A_122 : vector<512x1xi32>
    %and3A_124 = arith.constant 127 : i32
    %and3A_125 = vector.broadcast %and3A_124 : i32 to vector<512x1xi32>
    %and3A_126 = arith.andi %broadcast_in_dim3A_120, %and3A_125 : vector<512x1xi32>
    %eq3A_127 = vector.broadcast %and3A_126 : vector<512x1xi32> to vector<512x128xi32>
    %eq3A_128 = arith.cmpi eq, %iota3A_118, %eq3A_127 : vector<512x128xi32>
    %select_n3A_129 = arith.select %eq3A_128, %min3A_115, %min3A_113 : vector<512x128xi1>, vector<512x128xi32>
    %select_n3A_130 = arith.select %eq3A_128, %min3A_117, %min3A_115 : vector<512x128xi1>, vector<512x128xi32>
    %jit3A_131 = arith.constant 2147483647 : i32
    %broadcast_in_dim3A_132 = vector.broadcast %jit3A_131 : i32 to vector<512x128xi32>
    %select_n3A_133 = arith.select %eq3A_128, %broadcast_in_dim3A_132, %min3A_117 : vector<512x128xi1>, vector<512x128xi32>
    %reduce_min3A_134 = arith.constant dense<2147483647> : vector<512xi32>
    %reduce_min3A_135 = vector.multi_reduction <minsi>, %select_n3A_129, %reduce_min3A_134 [1] : vector<512x128xi32> to vector<512xi32>
    %broadcast_in_dim3A_136 = vector.shape_cast %reduce_min3A_135 : vector<512xi32> to vector<512x1xi32>
    %and3A_137 = arith.constant 2047 : i32
    %and3A_138 = vector.broadcast %and3A_137 : i32 to vector<512x1xi32>
    %and3A_139 = arith.andi %broadcast_in_dim3A_136, %and3A_138 : vector<512x1xi32>
    %and3A_140 = arith.constant 127 : i32
    %and3A_141 = vector.broadcast %and3A_140 : i32 to vector<512x1xi32>
    %and3A_142 = arith.andi %broadcast_in_dim3A_136, %and3A_141 : vector<512x1xi32>
    %eq3A_143 = vector.broadcast %and3A_142 : vector<512x1xi32> to vector<512x128xi32>
    %eq3A_144 = arith.cmpi eq, %iota3A_118, %eq3A_143 : vector<512x128xi32>
    %select_n3A_145 = arith.select %eq3A_144, %select_n3A_130, %select_n3A_129 : vector<512x128xi1>, vector<512x128xi32>
    %select_n3A_146 = arith.select %eq3A_144, %select_n3A_133, %select_n3A_130 : vector<512x128xi1>, vector<512x128xi32>
    %jit3A_147 = arith.constant 2147483647 : i32
    %broadcast_in_dim3A_148 = vector.broadcast %jit3A_147 : i32 to vector<512x128xi32>
    %select_n3A_149 = arith.select %eq3A_144, %broadcast_in_dim3A_148, %select_n3A_133 : vector<512x128xi1>, vector<512x128xi32>
    %reduce_min3A_150 = arith.constant dense<2147483647> : vector<512xi32>
    %reduce_min3A_151 = vector.multi_reduction <minsi>, %select_n3A_145, %reduce_min3A_150 [1] : vector<512x128xi32> to vector<512xi32>
    %broadcast_in_dim3A_152 = vector.shape_cast %reduce_min3A_151 : vector<512xi32> to vector<512x1xi32>
    %and3A_153 = arith.constant 2047 : i32
    %and3A_154 = vector.broadcast %and3A_153 : i32 to vector<512x1xi32>
    %and3A_155 = arith.andi %broadcast_in_dim3A_152, %and3A_154 : vector<512x1xi32>
    %and3A_156 = arith.constant 127 : i32
    %and3A_157 = vector.broadcast %and3A_156 : i32 to vector<512x1xi32>
    %and3A_158 = arith.andi %broadcast_in_dim3A_152, %and3A_157 : vector<512x1xi32>
    %eq3A_159 = vector.broadcast %and3A_158 : vector<512x1xi32> to vector<512x128xi32>
    %eq3A_160 = arith.cmpi eq, %iota3A_118, %eq3A_159 : vector<512x128xi32>
    %select_n3A_161 = arith.select %eq3A_160, %select_n3A_146, %select_n3A_145 : vector<512x128xi1>, vector<512x128xi32>
    %select_n3A_162 = arith.select %eq3A_160, %select_n3A_149, %select_n3A_146 : vector<512x128xi1>, vector<512x128xi32>
    %jit3A_163 = arith.constant 2147483647 : i32
    %broadcast_in_dim3A_164 = vector.broadcast %jit3A_163 : i32 to vector<512x128xi32>
    %select_n3A_165 = arith.select %eq3A_160, %broadcast_in_dim3A_164, %select_n3A_149 : vector<512x128xi1>, vector<512x128xi32>
    %reduce_min3A_166 = arith.constant dense<2147483647> : vector<512xi32>
    %reduce_min3A_167 = vector.multi_reduction <minsi>, %select_n3A_161, %reduce_min3A_166 [1] : vector<512x128xi32> to vector<512xi32>
    %broadcast_in_dim3A_168 = vector.shape_cast %reduce_min3A_167 : vector<512xi32> to vector<512x1xi32>
    %and3A_169 = arith.constant 2047 : i32
    %and3A_170 = vector.broadcast %and3A_169 : i32 to vector<512x1xi32>
    %and3A_171 = arith.andi %broadcast_in_dim3A_168, %and3A_170 : vector<512x1xi32>
    %and3A_172 = arith.constant 127 : i32
    %and3A_173 = vector.broadcast %and3A_172 : i32 to vector<512x1xi32>
    %and3A_174 = arith.andi %broadcast_in_dim3A_168, %and3A_173 : vector<512x1xi32>
    %eq3A_175 = vector.broadcast %and3A_174 : vector<512x1xi32> to vector<512x128xi32>
    %eq3A_176 = arith.cmpi eq, %iota3A_118, %eq3A_175 : vector<512x128xi32>
    %select_n3A_177 = arith.select %eq3A_176, %select_n3A_162, %select_n3A_161 : vector<512x128xi1>, vector<512x128xi32>
    %select_n3A_178 = arith.select %eq3A_176, %select_n3A_165, %select_n3A_162 : vector<512x128xi1>, vector<512x128xi32>
    %jit3A_179 = arith.constant 2147483647 : i32
    %broadcast_in_dim3A_180 = vector.broadcast %jit3A_179 : i32 to vector<512x128xi32>
    %select_n3A_181 = arith.select %eq3A_176, %broadcast_in_dim3A_180, %select_n3A_165 : vector<512x128xi1>, vector<512x128xi32>
    %reduce_min3A_182 = arith.constant dense<2147483647> : vector<512xi32>
    %reduce_min3A_183 = vector.multi_reduction <minsi>, %select_n3A_177, %reduce_min3A_182 [1] : vector<512x128xi32> to vector<512xi32>
    %broadcast_in_dim3A_184 = vector.shape_cast %reduce_min3A_183 : vector<512xi32> to vector<512x1xi32>
    %and3A_185 = arith.constant 2047 : i32
    %and3A_186 = vector.broadcast %and3A_185 : i32 to vector<512x1xi32>
    %and3A_187 = arith.andi %broadcast_in_dim3A_184, %and3A_186 : vector<512x1xi32>
    %and3A_188 = arith.constant 127 : i32
    %and3A_189 = vector.broadcast %and3A_188 : i32 to vector<512x1xi32>
    %and3A_190 = arith.andi %broadcast_in_dim3A_184, %and3A_189 : vector<512x1xi32>
    %eq3A_191 = vector.broadcast %and3A_190 : vector<512x1xi32> to vector<512x128xi32>
    %eq3A_192 = arith.cmpi eq, %iota3A_118, %eq3A_191 : vector<512x128xi32>
    %select_n3A_193 = arith.select %eq3A_192, %select_n3A_178, %select_n3A_177 : vector<512x128xi1>, vector<512x128xi32>
    %select_n3A_194 = arith.select %eq3A_192, %select_n3A_181, %select_n3A_178 : vector<512x128xi1>, vector<512x128xi32>
    %jit3A_195 = arith.constant 2147483647 : i32
    %broadcast_in_dim3A_196 = vector.broadcast %jit3A_195 : i32 to vector<512x128xi32>
    %select_n3A_197 = arith.select %eq3A_192, %broadcast_in_dim3A_196, %select_n3A_181 : vector<512x128xi1>, vector<512x128xi32>
    %reduce_min3A_198 = arith.constant dense<2147483647> : vector<512xi32>
    %reduce_min3A_199 = vector.multi_reduction <minsi>, %select_n3A_193, %reduce_min3A_198 [1] : vector<512x128xi32> to vector<512xi32>
    %broadcast_in_dim3A_200 = vector.shape_cast %reduce_min3A_199 : vector<512xi32> to vector<512x1xi32>
    %and3A_201 = arith.constant 2047 : i32
    %and3A_202 = vector.broadcast %and3A_201 : i32 to vector<512x1xi32>
    %and3A_203 = arith.andi %broadcast_in_dim3A_200, %and3A_202 : vector<512x1xi32>
    %and3A_204 = arith.constant 127 : i32
    %and3A_205 = vector.broadcast %and3A_204 : i32 to vector<512x1xi32>
    %and3A_206 = arith.andi %broadcast_in_dim3A_200, %and3A_205 : vector<512x1xi32>
    %eq3A_207 = vector.broadcast %and3A_206 : vector<512x1xi32> to vector<512x128xi32>
    %eq3A_208 = arith.cmpi eq, %iota3A_118, %eq3A_207 : vector<512x128xi32>
    %select_n3A_209 = arith.select %eq3A_208, %select_n3A_194, %select_n3A_193 : vector<512x128xi1>, vector<512x128xi32>
    %select_n3A_210 = arith.select %eq3A_208, %select_n3A_197, %select_n3A_194 : vector<512x128xi1>, vector<512x128xi32>
    %jit3A_211 = arith.constant 2147483647 : i32
    %broadcast_in_dim3A_212 = vector.broadcast %jit3A_211 : i32 to vector<512x128xi32>
    %select_n3A_213 = arith.select %eq3A_208, %broadcast_in_dim3A_212, %select_n3A_197 : vector<512x128xi1>, vector<512x128xi32>
    %reduce_min3A_214 = arith.constant dense<2147483647> : vector<512xi32>
    %reduce_min3A_215 = vector.multi_reduction <minsi>, %select_n3A_209, %reduce_min3A_214 [1] : vector<512x128xi32> to vector<512xi32>
    %broadcast_in_dim3A_216 = vector.shape_cast %reduce_min3A_215 : vector<512xi32> to vector<512x1xi32>
    %and3A_217 = arith.constant 2047 : i32
    %and3A_218 = vector.broadcast %and3A_217 : i32 to vector<512x1xi32>
    %and3A_219 = arith.andi %broadcast_in_dim3A_216, %and3A_218 : vector<512x1xi32>
    %and3A_220 = arith.constant 127 : i32
    %and3A_221 = vector.broadcast %and3A_220 : i32 to vector<512x1xi32>
    %and3A_222 = arith.andi %broadcast_in_dim3A_216, %and3A_221 : vector<512x1xi32>
    %eq3A_223 = vector.broadcast %and3A_222 : vector<512x1xi32> to vector<512x128xi32>
    %eq3A_224 = arith.cmpi eq, %iota3A_118, %eq3A_223 : vector<512x128xi32>
    %select_n3A_225 = arith.select %eq3A_224, %select_n3A_210, %select_n3A_209 : vector<512x128xi1>, vector<512x128xi32>
    %select_n3A_226 = arith.select %eq3A_224, %select_n3A_213, %select_n3A_210 : vector<512x128xi1>, vector<512x128xi32>
    %jit3A_227 = arith.constant 2147483647 : i32
    %broadcast_in_dim3A_228 = vector.broadcast %jit3A_227 : i32 to vector<512x128xi32>
    %select_n3A_229 = arith.select %eq3A_224, %broadcast_in_dim3A_228, %select_n3A_213 : vector<512x128xi1>, vector<512x128xi32>
    %reduce_min3A_230 = arith.constant dense<2147483647> : vector<512xi32>
    %reduce_min3A_231 = vector.multi_reduction <minsi>, %select_n3A_225, %reduce_min3A_230 [1] : vector<512x128xi32> to vector<512xi32>
    %broadcast_in_dim3A_232 = vector.shape_cast %reduce_min3A_231 : vector<512xi32> to vector<512x1xi32>
    %and3A_233 = arith.constant 2047 : i32
    %and3A_234 = vector.broadcast %and3A_233 : i32 to vector<512x1xi32>
    %and3A_235 = arith.andi %broadcast_in_dim3A_232, %and3A_234 : vector<512x1xi32>
    %and3A_236 = arith.constant 127 : i32
    %and3A_237 = vector.broadcast %and3A_236 : i32 to vector<512x1xi32>
    %and3A_238 = arith.andi %broadcast_in_dim3A_232, %and3A_237 : vector<512x1xi32>
    %eq3A_239 = vector.broadcast %and3A_238 : vector<512x1xi32> to vector<512x128xi32>
    %eq3A_240 = arith.cmpi eq, %iota3A_118, %eq3A_239 : vector<512x128xi32>
    %select_n3A_241 = arith.select %eq3A_240, %select_n3A_226, %select_n3A_225 : vector<512x128xi1>, vector<512x128xi32>
    %select_n3A_242 = arith.select %eq3A_240, %select_n3A_229, %select_n3A_226 : vector<512x128xi1>, vector<512x128xi32>
    %jit3A_243 = arith.constant 2147483647 : i32
    %broadcast_in_dim3A_244 = vector.broadcast %jit3A_243 : i32 to vector<512x128xi32>
    %select_n3A_245 = arith.select %eq3A_240, %broadcast_in_dim3A_244, %select_n3A_229 : vector<512x128xi1>, vector<512x128xi32>
    %reduce_min3A_246 = arith.constant dense<2147483647> : vector<512xi32>
    %reduce_min3A_247 = vector.multi_reduction <minsi>, %select_n3A_241, %reduce_min3A_246 [1] : vector<512x128xi32> to vector<512xi32>
    %broadcast_in_dim3A_248 = vector.shape_cast %reduce_min3A_247 : vector<512xi32> to vector<512x1xi32>
    %and3A_249 = arith.constant 2047 : i32
    %and3A_250 = vector.broadcast %and3A_249 : i32 to vector<512x1xi32>
    %and3A_251 = arith.andi %broadcast_in_dim3A_248, %and3A_250 : vector<512x1xi32>
    %and3A_252 = arith.constant 127 : i32
    %and3A_253 = vector.broadcast %and3A_252 : i32 to vector<512x1xi32>
    %and3A_254 = arith.andi %broadcast_in_dim3A_248, %and3A_253 : vector<512x1xi32>
    %eq3A_255 = vector.broadcast %and3A_254 : vector<512x1xi32> to vector<512x128xi32>
    %eq3A_256 = arith.cmpi eq, %iota3A_118, %eq3A_255 : vector<512x128xi32>
    %select_n3A_257 = arith.select %eq3A_256, %select_n3A_242, %select_n3A_241 : vector<512x128xi1>, vector<512x128xi32>
    %select_n3A_258 = arith.select %eq3A_256, %select_n3A_245, %select_n3A_242 : vector<512x128xi1>, vector<512x128xi32>
    %jit3A_259 = arith.constant 2147483647 : i32
    %broadcast_in_dim3A_260 = vector.broadcast %jit3A_259 : i32 to vector<512x128xi32>
    %select_n3A_261 = arith.select %eq3A_256, %broadcast_in_dim3A_260, %select_n3A_245 : vector<512x128xi1>, vector<512x128xi32>
    %reduce_min3A_262 = arith.constant dense<2147483647> : vector<512xi32>
    %reduce_min3A_263 = vector.multi_reduction <minsi>, %select_n3A_257, %reduce_min3A_262 [1] : vector<512x128xi32> to vector<512xi32>
    %broadcast_in_dim3A_264 = vector.shape_cast %reduce_min3A_263 : vector<512xi32> to vector<512x1xi32>
    %and3A_265 = arith.constant 2047 : i32
    %and3A_266 = vector.broadcast %and3A_265 : i32 to vector<512x1xi32>
    %and3A_267 = arith.andi %broadcast_in_dim3A_264, %and3A_266 : vector<512x1xi32>
    %and3A_268 = arith.constant 127 : i32
    %and3A_269 = vector.broadcast %and3A_268 : i32 to vector<512x1xi32>
    %and3A_270 = arith.andi %broadcast_in_dim3A_264, %and3A_269 : vector<512x1xi32>
    %eq3A_271 = vector.broadcast %and3A_270 : vector<512x1xi32> to vector<512x128xi32>
    %eq3A_272 = arith.cmpi eq, %iota3A_118, %eq3A_271 : vector<512x128xi32>
    %select_n3A_273 = arith.select %eq3A_272, %select_n3A_258, %select_n3A_257 : vector<512x128xi1>, vector<512x128xi32>
    %select_n3A_274 = arith.select %eq3A_272, %select_n3A_261, %select_n3A_258 : vector<512x128xi1>, vector<512x128xi32>
    %jit3A_275 = arith.constant 2147483647 : i32
    %broadcast_in_dim3A_276 = vector.broadcast %jit3A_275 : i32 to vector<512x128xi32>
    %select_n3A_277 = arith.select %eq3A_272, %broadcast_in_dim3A_276, %select_n3A_261 : vector<512x128xi1>, vector<512x128xi32>
    %reduce_min3A_278 = arith.constant dense<2147483647> : vector<512xi32>
    %reduce_min3A_279 = vector.multi_reduction <minsi>, %select_n3A_273, %reduce_min3A_278 [1] : vector<512x128xi32> to vector<512xi32>
    %broadcast_in_dim3A_280 = vector.shape_cast %reduce_min3A_279 : vector<512xi32> to vector<512x1xi32>
    %and3A_281 = arith.constant 2047 : i32
    %and3A_282 = vector.broadcast %and3A_281 : i32 to vector<512x1xi32>
    %and3A_283 = arith.andi %broadcast_in_dim3A_280, %and3A_282 : vector<512x1xi32>
    %and3A_284 = arith.constant 127 : i32
    %and3A_285 = vector.broadcast %and3A_284 : i32 to vector<512x1xi32>
    %and3A_286 = arith.andi %broadcast_in_dim3A_280, %and3A_285 : vector<512x1xi32>
    %eq3A_287 = vector.broadcast %and3A_286 : vector<512x1xi32> to vector<512x128xi32>
    %eq3A_288 = arith.cmpi eq, %iota3A_118, %eq3A_287 : vector<512x128xi32>
    %select_n3A_289 = arith.select %eq3A_288, %select_n3A_274, %select_n3A_273 : vector<512x128xi1>, vector<512x128xi32>
    %select_n3A_290 = arith.select %eq3A_288, %select_n3A_277, %select_n3A_274 : vector<512x128xi1>, vector<512x128xi32>
    %jit3A_291 = arith.constant 2147483647 : i32
    %broadcast_in_dim3A_292 = vector.broadcast %jit3A_291 : i32 to vector<512x128xi32>
    %select_n3A_293 = arith.select %eq3A_288, %broadcast_in_dim3A_292, %select_n3A_277 : vector<512x128xi1>, vector<512x128xi32>
    %reduce_min3A_294 = arith.constant dense<2147483647> : vector<512xi32>
    %reduce_min3A_295 = vector.multi_reduction <minsi>, %select_n3A_289, %reduce_min3A_294 [1] : vector<512x128xi32> to vector<512xi32>
    %broadcast_in_dim3A_296 = vector.shape_cast %reduce_min3A_295 : vector<512xi32> to vector<512x1xi32>
    %and3A_297 = arith.constant 2047 : i32
    %and3A_298 = vector.broadcast %and3A_297 : i32 to vector<512x1xi32>
    %and3A_299 = arith.andi %broadcast_in_dim3A_296, %and3A_298 : vector<512x1xi32>
    %and3A_300 = arith.constant 127 : i32
    %and3A_301 = vector.broadcast %and3A_300 : i32 to vector<512x1xi32>
    %and3A_302 = arith.andi %broadcast_in_dim3A_296, %and3A_301 : vector<512x1xi32>
    %eq3A_303 = vector.broadcast %and3A_302 : vector<512x1xi32> to vector<512x128xi32>
    %eq3A_304 = arith.cmpi eq, %iota3A_118, %eq3A_303 : vector<512x128xi32>
    %select_n3A_305 = arith.select %eq3A_304, %select_n3A_290, %select_n3A_289 : vector<512x128xi1>, vector<512x128xi32>
    %select_n3A_306 = arith.select %eq3A_304, %select_n3A_293, %select_n3A_290 : vector<512x128xi1>, vector<512x128xi32>
    %jit3A_307 = arith.constant 2147483647 : i32
    %broadcast_in_dim3A_308 = vector.broadcast %jit3A_307 : i32 to vector<512x128xi32>
    %select_n3A_309 = arith.select %eq3A_304, %broadcast_in_dim3A_308, %select_n3A_293 : vector<512x128xi1>, vector<512x128xi32>
    %reduce_min3A_310 = arith.constant dense<2147483647> : vector<512xi32>
    %reduce_min3A_311 = vector.multi_reduction <minsi>, %select_n3A_305, %reduce_min3A_310 [1] : vector<512x128xi32> to vector<512xi32>
    %broadcast_in_dim3A_312 = vector.shape_cast %reduce_min3A_311 : vector<512xi32> to vector<512x1xi32>
    %and3A_313 = arith.constant 2047 : i32
    %and3A_314 = vector.broadcast %and3A_313 : i32 to vector<512x1xi32>
    %and3A_315 = arith.andi %broadcast_in_dim3A_312, %and3A_314 : vector<512x1xi32>
    %and3A_316 = arith.constant 127 : i32
    %and3A_317 = vector.broadcast %and3A_316 : i32 to vector<512x1xi32>
    %and3A_318 = arith.andi %broadcast_in_dim3A_312, %and3A_317 : vector<512x1xi32>
    %eq3A_319 = vector.broadcast %and3A_318 : vector<512x1xi32> to vector<512x128xi32>
    %eq3A_320 = arith.cmpi eq, %iota3A_118, %eq3A_319 : vector<512x128xi32>
    %select_n3A_321 = arith.select %eq3A_320, %select_n3A_306, %select_n3A_305 : vector<512x128xi1>, vector<512x128xi32>
    %select_n3A_322 = arith.select %eq3A_320, %select_n3A_309, %select_n3A_306 : vector<512x128xi1>, vector<512x128xi32>
    %jit3A_323 = arith.constant 2147483647 : i32
    %broadcast_in_dim3A_324 = vector.broadcast %jit3A_323 : i32 to vector<512x128xi32>
    %select_n3A_325 = arith.select %eq3A_320, %broadcast_in_dim3A_324, %select_n3A_309 : vector<512x128xi1>, vector<512x128xi32>
    %reduce_min3A_326 = arith.constant dense<2147483647> : vector<512xi32>
    %reduce_min3A_327 = vector.multi_reduction <minsi>, %select_n3A_321, %reduce_min3A_326 [1] : vector<512x128xi32> to vector<512xi32>
    %broadcast_in_dim3A_328 = vector.shape_cast %reduce_min3A_327 : vector<512xi32> to vector<512x1xi32>
    %and3A_329 = arith.constant 2047 : i32
    %and3A_330 = vector.broadcast %and3A_329 : i32 to vector<512x1xi32>
    %and3A_331 = arith.andi %broadcast_in_dim3A_328, %and3A_330 : vector<512x1xi32>
    %and3A_332 = arith.constant 127 : i32
    %and3A_333 = vector.broadcast %and3A_332 : i32 to vector<512x1xi32>
    %and3A_334 = arith.andi %broadcast_in_dim3A_328, %and3A_333 : vector<512x1xi32>
    %eq3A_335 = vector.broadcast %and3A_334 : vector<512x1xi32> to vector<512x128xi32>
    %eq3A_336 = arith.cmpi eq, %iota3A_118, %eq3A_335 : vector<512x128xi32>
    %select_n3A_337 = arith.select %eq3A_336, %select_n3A_322, %select_n3A_321 : vector<512x128xi1>, vector<512x128xi32>
    %select_n3A_338 = arith.select %eq3A_336, %select_n3A_325, %select_n3A_322 : vector<512x128xi1>, vector<512x128xi32>
    %reduce_min3A_339 = arith.constant dense<2147483647> : vector<512xi32>
    %reduce_min3A_340 = vector.multi_reduction <minsi>, %select_n3A_337, %reduce_min3A_339 [1] : vector<512x128xi32> to vector<512xi32>
    %broadcast_in_dim3A_341 = vector.shape_cast %reduce_min3A_340 : vector<512xi32> to vector<512x1xi32>
    %and3A_342 = arith.constant 2047 : i32
    %and3A_343 = vector.broadcast %and3A_342 : i32 to vector<512x1xi32>
    %and3A_344 = arith.andi %broadcast_in_dim3A_341, %and3A_343 : vector<512x1xi32>
    %and3A_345 = arith.constant 127 : i32
    %and3A_346 = vector.broadcast %and3A_345 : i32 to vector<512x1xi32>
    %and3A_347 = arith.andi %broadcast_in_dim3A_341, %and3A_346 : vector<512x1xi32>
    %eq3A_348 = vector.broadcast %and3A_347 : vector<512x1xi32> to vector<512x128xi32>
    %eq3A_349 = arith.cmpi eq, %iota3A_118, %eq3A_348 : vector<512x128xi32>
    %select_n3A_350 = arith.select %eq3A_349, %select_n3A_338, %select_n3A_337 : vector<512x128xi1>, vector<512x128xi32>
    %reduce_min3A_351 = arith.constant dense<2147483647> : vector<512xi32>
    %reduce_min3A_352 = vector.multi_reduction <minsi>, %select_n3A_350, %reduce_min3A_351 [1] : vector<512x128xi32> to vector<512xi32>
    %broadcast_in_dim3A_353 = vector.shape_cast %reduce_min3A_352 : vector<512xi32> to vector<512x1xi32>
    %and3A_354 = arith.constant 2047 : i32
    %and3A_355 = vector.broadcast %and3A_354 : i32 to vector<512x1xi32>
    %and3A_356 = arith.andi %broadcast_in_dim3A_353, %and3A_355 : vector<512x1xi32>
    %concatenate3A = tpu.concatenate %and3A_123, %and3A_139, %and3A_155, %and3A_171, %and3A_187, %and3A_203, %and3A_219, %and3A_235, %and3A_251, %and3A_267, %and3A_283, %and3A_299, %and3A_315, %and3A_331, %and3A_344, %and3A_356 in 1 : vector<512x1xi32>, vector<512x1xi32>, vector<512x1xi32>, vector<512x1xi32>, vector<512x1xi32>, vector<512x1xi32>, vector<512x1xi32>, vector<512x1xi32>, vector<512x1xi32>, vector<512x1xi32>, vector<512x1xi32>, vector<512x1xi32>, vector<512x1xi32>, vector<512x1xi32>, vector<512x1xi32>, vector<512x1xi32> -> vector<512x16xi32>
    %add3A_357 = arith.constant 0 : i32
    %add3A_358 = vector.broadcast %add3A_357 : i32 to vector<512x16xi32>
    %add3A_359 = arith.addi %concatenate3A, %add3A_358 : vector<512x16xi32>
    %swap3A = arith.constant 0 : index
    %swap3A_360 = arith.constant 0 : index
    %swap3A_361 = vector.load %arg4[%swap3A, %swap3A_360] : memref<512x16xi32, #tpu.memory_space<vmem>>, vector<512x16xi32>
    tpu.vector_store %arg4[%swap3A, %swap3A_360], %add3A_359 {strides = array<i32>} : memref<512x16xi32, #tpu.memory_space<vmem>>, vector<512x16xi32>,
    return
  }
  func.func @transform_0(%arg0: i32) -> (i32, i32) {
    %c0_i32 = arith.constant 0 : i32
    %c0_i32_0 = arith.constant 0 : i32
    return %arg0, %c0_i32 : i32, i32
  }
  func.func @transform_1(%arg0: i32) -> (i32, i32) {
    %c0_i32 = arith.constant 0 : i32
    %c0_i32_0 = arith.constant 0 : i32
    %c0_i32_1 = arith.constant 0 : i32
    return %c0_i32, %c0_i32_0 : i32, i32
  }
  func.func @transform_2(%arg0: i32) -> (i32, i32) {
    %c0_i32 = arith.constant 0 : i32
    %c0_i32_0 = arith.constant 0 : i32
    %c0_i32_1 = arith.constant 0 : i32
    return %c0_i32, %c0_i32_0 : i32, i32
  }
  func.func @transform_3(%arg0: i32) -> (i32, i32) {
    %c0_i32 = arith.constant 0 : i32
    %c0_i32_0 = arith.constant 0 : i32
    return %arg0, %c0_i32 : i32, i32
  }
}

module attributes {stable_mosaic.version = 14 : i64} {
  func.func @_a0_body(%arg0: i32, %arg1: memref<512x128xf32, #tpu.memory_space<vmem>>, %arg2: memref<4x512xf32, #tpu.memory_space<vmem>>, %arg3: memref<512x128xf32, #tpu.memory_space<vmem>>, %arg4: memref<1x128xf32, #tpu.memory_space<vmem>>, %arg5: memref<512x128xf32, #tpu.memory_space<vmem>>, %arg6: memref<1x128xf32, #tpu.memory_space<vmem>>, %arg7: memref<128x256xf32, #tpu.memory_space<vmem>>, %arg8: memref<64x128xf32, #tpu.memory_space<vmem>>, %arg9: memref<512x128xf32, #tpu.memory_space<vmem>>, %arg10: memref<512x1xf32, #tpu.memory_space<vmem>>, %arg11: memref<512x128xf32, #tpu.memory_space<vmem>>, %arg12: memref<512x64xf32, #tpu.memory_space<vmem>>) attributes {dimension_semantics = [#tpu.dimension_semantics<arbitrary>], iteration_bounds = array<i64: 16>, scalar_prefetch = 0 : i64, scratch_operands = 0 : i64, tpu.core_type = #tpu.core_type<tc>, window_params = [{transform_indices = @transform_0, window_bounds = array<i64: 512, 128>}, {pipeline_mode = #tpu.pipeline_mode<synchronous>, transform_indices = @transform_1, window_bounds = array<i64: 4, 512>}, {pipeline_mode = #tpu.pipeline_mode<synchronous>, transform_indices = @transform_2, window_bounds = array<i64: 512, 128>}, {pipeline_mode = #tpu.pipeline_mode<synchronous>, transform_indices = @transform_3, window_bounds = array<i64: 1, 128>}, {pipeline_mode = #tpu.pipeline_mode<synchronous>, transform_indices = @transform_4, window_bounds = array<i64: 512, 128>}, {pipeline_mode = #tpu.pipeline_mode<synchronous>, transform_indices = @transform_5, window_bounds = array<i64: 1, 128>}, {pipeline_mode = #tpu.pipeline_mode<synchronous>, transform_indices = @transform_6, window_bounds = array<i64: 128, 256>}, {pipeline_mode = #tpu.pipeline_mode<synchronous>, transform_indices = @transform_7, window_bounds = array<i64: 64, 128>}, {transform_indices = @transform_8, window_bounds = array<i64: 512, 128>}, {transform_indices = @transform_9, window_bounds = array<i64: 512, 1>}, {transform_indices = @transform_10, window_bounds = array<i64: 512, 128>}, {transform_indices = @transform_11, window_bounds = array<i64: 512, 64>}]} {
    %get3A = arith.constant 0 : index
    %get3A_0 = arith.constant 0 : index
    %get3A_1 = vector.load %arg1[%get3A, %get3A_0] : memref<512x128xf32, #tpu.memory_space<vmem>>, vector<512x128xf32>
    %reduce_sum3A = arith.constant dense<0.000000e+00> : vector<512xf32>
    %reduce_sum3A_2 = vector.multi_reduction <add>, %get3A_1, %reduce_sum3A [1] : vector<512x128xf32> to vector<512xf32>
    %broadcast_in_dim3A = vector.shape_cast %reduce_sum3A_2 : vector<512xf32> to vector<512x1xf32>
    %div3A = arith.constant 1.280000e+02 : f32
    %div3A_3 = vector.broadcast %div3A : f32 to vector<512x1xf32>
    %div3A_4 = arith.divf %broadcast_in_dim3A, %div3A_3 : vector<512x1xf32>
    %sub3A = vector.broadcast %div3A_4 : vector<512x1xf32> to vector<512x128xf32>
    %sub3A_5 = arith.subf %get3A_1, %sub3A : vector<512x128xf32>
    %mul3A = arith.mulf %sub3A_5, %sub3A_5 : vector<512x128xf32>
    %reduce_sum3A_6 = arith.constant dense<0.000000e+00> : vector<512xf32>
    %reduce_sum3A_7 = vector.multi_reduction <add>, %mul3A, %reduce_sum3A_6 [1] : vector<512x128xf32> to vector<512xf32>
    %broadcast_in_dim3A_8 = vector.shape_cast %reduce_sum3A_7 : vector<512xf32> to vector<512x1xf32>
    %div3A_9 = arith.constant 1.280000e+02 : f32
    %div3A_10 = vector.broadcast %div3A_9 : f32 to vector<512x1xf32>
    %div3A_11 = arith.divf %broadcast_in_dim3A_8, %div3A_10 : vector<512x1xf32>
    %add3A = arith.constant 9.99999974E-6 : f32
    %add3A_12 = vector.broadcast %add3A : f32 to vector<512x1xf32>
    %add3A_13 = arith.addf %div3A_11, %add3A_12 : vector<512x1xf32>
    %sqrt3A = math.sqrt %add3A_13 : vector<512x1xf32>
    %div3A_14 = vector.broadcast %sqrt3A : vector<512x1xf32> to vector<512x128xf32>
    %div3A_15 = arith.divf %sub3A_5, %div3A_14 : vector<512x128xf32>
    %jit3A = arith.constant 4 : i32
    %div3A_16 = arith.divsi %arg0, %jit3A : i32
    %sign3A = arith.constant 0 : i32
    %sign3A_17 = arith.cmpi sgt, %arg0, %sign3A : i32
    %sign3A_18 = arith.extui %sign3A_17 : i1 to i32
    %sign3A_19 = arith.constant 0 : i32
    %sign3A_20 = arith.cmpi slt, %arg0, %sign3A_19 : i32
    %sign3A_21 = arith.extui %sign3A_20 : i1 to i32
    %sign3A_22 = arith.subi %sign3A_18, %sign3A_21 : i32
    %sign3A_23 = arith.constant 0 : i32
    %sign3A_24 = arith.cmpi sgt, %jit3A, %sign3A_23 : i32
    %sign3A_25 = arith.extui %sign3A_24 : i1 to i32
    %sign3A_26 = arith.constant 0 : i32
    %sign3A_27 = arith.cmpi slt, %jit3A, %sign3A_26 : i32
    %sign3A_28 = arith.extui %sign3A_27 : i1 to i32
    %sign3A_29 = arith.subi %sign3A_25, %sign3A_28 : i32
    %ne3A = arith.cmpi ne, %sign3A_22, %sign3A_29 : i32
    %rem3A = arith.remsi %arg0, %jit3A : i32
    %ne3A_30 = arith.constant 0 : i32
    %ne3A_31 = arith.cmpi ne, %rem3A, %ne3A_30 : i32
    %and3A = arith.andi %ne3A, %ne3A_31 : i1
    %sub3A_32 = arith.constant 1 : i32
    %sub3A_33 = arith.subi %div3A_16, %sub3A_32 : i32
    %select_n3A = arith.select %and3A, %sub3A_33, %div3A_16 : i32
    %iota3A = tpu.iota {dimensions = array<i32: 0>} : vector<4x1xi32>
    %eq3A = vector.broadcast %select_n3A : i32 to vector<4x1xi32>
    %eq3A_34 = arith.cmpi eq, %iota3A, %eq3A : vector<4x1xi32>
    %convert_element_type3A = arith.extui %eq3A_34 : vector<4x1xi1> to vector<4x1xi32>
    %convert_element_type3A_35 = arith.sitofp %convert_element_type3A : vector<4x1xi32> to vector<4x1xf32>
    %get3A_36 = arith.constant 0 : index
    %get3A_37 = arith.constant 0 : index
    %get3A_38 = vector.load %arg2[%get3A_36, %get3A_37] : memref<4x512xf32, #tpu.memory_space<vmem>>, vector<4x512xf32>
    %get3A_39 = arith.constant 0 : index
    %get3A_40 = arith.constant 0 : index
    %get3A_41 = vector.load %arg3[%get3A_39, %get3A_40] : memref<512x128xf32, #tpu.memory_space<vmem>>, vector<512x128xf32>
    %transpose3A = tpu.transpose %get3A_41, [1, 0] : vector<512x128xf32> -> vector<128x512xf32>
    %dot_general3A = arith.constant dense<0.000000e+00> : vector<4x128xf32>
    %dot_general3A_42 = tpu.matmul %get3A_38, %transpose3A, %dot_general3A {dimension_numbers = #tpu.dot_dimension_numbers<[1], [1], [0], [0], [0, 0, 1, 0], [], []>, transpose_lhs_hint = false} : vector<4x512xf32>, vector<128x512xf32>, vector<4x128xf32> -> vector<4x128xf32>
    %get3A_43 = arith.constant 0 : index
    %get3A_44 = arith.constant 0 : index
    %get3A_45 = vector.load %arg2[%get3A_43, %get3A_44] : memref<4x512xf32, #tpu.memory_space<vmem>>, vector<4x512xf32>
    %get3A_46 = arith.constant 0 : index
    %get3A_47 = arith.constant 0 : index
    %get3A_48 = vector.load %arg5[%get3A_46, %get3A_47] : memref<512x128xf32, #tpu.memory_space<vmem>>, vector<512x128xf32>
    %transpose3A_49 = tpu.transpose %get3A_48, [1, 0] : vector<512x128xf32> -> vector<128x512xf32>
    %dot_general3A_50 = arith.constant dense<0.000000e+00> : vector<4x128xf32>
    %dot_general3A_51 = tpu.matmul %get3A_45, %transpose3A_49, %dot_general3A_50 {dimension_numbers = #tpu.dot_dimension_numbers<[1], [1], [0], [0], [0, 0, 1, 0], [], []>, transpose_lhs_hint = false} : vector<4x512xf32>, vector<128x512xf32>, vector<4x128xf32> -> vector<4x128xf32>
    %mul3A_52 = vector.broadcast %convert_element_type3A_35 : vector<4x1xf32> to vector<4x128xf32>
    %mul3A_53 = arith.mulf %dot_general3A_42, %mul3A_52 : vector<4x128xf32>
    %reduce_sum3A_54 = arith.constant dense<0.000000e+00> : vector<128xf32>
    %reduce_sum3A_55 = vector.multi_reduction <add>, %mul3A_53, %reduce_sum3A_54 [0] : vector<4x128xf32> to vector<128xf32>
    %broadcast_in_dim3A_56 = vector.shape_cast %reduce_sum3A_55 : vector<128xf32> to vector<1x128xf32>
    %get3A_57 = arith.constant 0 : index
    %get3A_58 = arith.constant 0 : index
    %get3A_59 = vector.load %arg4[%get3A_57, %get3A_58] : memref<1x128xf32, #tpu.memory_space<vmem>>, vector<1x128xf32>
    %add3A_60 = arith.addf %broadcast_in_dim3A_56, %get3A_59 : vector<1x128xf32>
    %mul3A_61 = vector.broadcast %convert_element_type3A_35 : vector<4x1xf32> to vector<4x128xf32>
    %mul3A_62 = arith.mulf %dot_general3A_51, %mul3A_61 : vector<4x128xf32>
    %reduce_sum3A_63 = arith.constant dense<0.000000e+00> : vector<128xf32>
    %reduce_sum3A_64 = vector.multi_reduction <add>, %mul3A_62, %reduce_sum3A_63 [0] : vector<4x128xf32> to vector<128xf32>
    %broadcast_in_dim3A_65 = vector.shape_cast %reduce_sum3A_64 : vector<128xf32> to vector<1x128xf32>
    %get3A_66 = arith.constant 0 : index
    %get3A_67 = arith.constant 0 : index
    %get3A_68 = vector.load %arg6[%get3A_66, %get3A_67] : memref<1x128xf32, #tpu.memory_space<vmem>>, vector<1x128xf32>
    %add3A_69 = arith.addf %broadcast_in_dim3A_65, %get3A_68 : vector<1x128xf32>
    %add3A_70 = arith.constant 1.000000e+00 : f32
    %add3A_71 = vector.broadcast %add3A_70 : f32 to vector<1x128xf32>
    %add3A_72 = arith.addf %add3A_71, %add3A_60 : vector<1x128xf32>
    %mul3A_73 = vector.broadcast %add3A_72 : vector<1x128xf32> to vector<512x128xf32>
    %mul3A_74 = arith.mulf %div3A_15, %mul3A_73 : vector<512x128xf32>
    %add3A_75 = vector.broadcast %add3A_69 : vector<1x128xf32> to vector<512x128xf32>
    %add3A_76 = arith.addf %mul3A_74, %add3A_75 : vector<512x128xf32>
    %swap3A = arith.constant 0 : index
    %swap3A_77 = arith.constant 0 : index
    %swap3A_78 = vector.load %arg9[%swap3A, %swap3A_77] : memref<512x128xf32, #tpu.memory_space<vmem>>, vector<512x128xf32>
    tpu.vector_store %arg9[%swap3A, %swap3A_77], %add3A_76 {strides = array<i32>} : memref<512x128xf32, #tpu.memory_space<vmem>>, vector<512x128xf32>,
    %mul3A_79 = arith.mulf %add3A_76, %add3A_76 : vector<512x128xf32>
    %reduce_sum3A_80 = arith.constant dense<0.000000e+00> : vector<512xf32>
    %reduce_sum3A_81 = vector.multi_reduction <add>, %mul3A_79, %reduce_sum3A_80 [1] : vector<512x128xf32> to vector<512xf32>
    %broadcast_in_dim3A_82 = vector.shape_cast %reduce_sum3A_81 : vector<512xf32> to vector<512x1xf32>
    %swap3A_83 = arith.constant 0 : index
    %swap3A_84 = arith.constant 0 : index
    %swap3A_85 = vector.load %arg10[%swap3A_83, %swap3A_84] : memref<512x1xf32, #tpu.memory_space<vmem>>, vector<512x1xf32>
    tpu.vector_store %arg10[%swap3A_83, %swap3A_84], %broadcast_in_dim3A_82 {strides = array<i32>} : memref<512x1xf32, #tpu.memory_space<vmem>>, vector<512x1xf32>,
    %get3A_86 = arith.constant 0 : index
    %get3A_87 = arith.constant 0 : index
    %get3A_88 = vector.load %arg7[%get3A_86, %get3A_87] : memref<128x256xf32, #tpu.memory_space<vmem>>, vector<128x256xf32>
    %slice3A = vector.extract_strided_slice %get3A_88 {offsets = [0, 0], sizes = [128, 128], strides = [1, 1]} : vector<128x256xf32> to vector<128x128xf32>
    %slice3A_89 = vector.extract_strided_slice %get3A_88 {offsets = [0, 128], sizes = [128, 128], strides = [1, 1]} : vector<128x256xf32> to vector<128x128xf32>
    %sub3A_90 = arith.subf %slice3A, %slice3A_89 : vector<128x128xf32>
    %dot_general3A_91 = arith.constant dense<0.000000e+00> : vector<512x128xf32>
    %dot_general3A_92 = tpu.matmul %add3A_76, %sub3A_90, %dot_general3A_91 {dimension_numbers = #tpu.dot_dimension_numbers<[1], [1], [0], [0], [0, 0, 1, 0], [], []>, transpose_lhs_hint = false} : vector<512x128xf32>, vector<128x128xf32>, vector<512x128xf32> -> vector<512x128xf32>
    %swap3A_93 = arith.constant 0 : index
    %swap3A_94 = arith.constant 0 : index
    %swap3A_95 = vector.load %arg11[%swap3A_93, %swap3A_94] : memref<512x128xf32, #tpu.memory_space<vmem>>, vector<512x128xf32>
    tpu.vector_store %arg11[%swap3A_93, %swap3A_94], %dot_general3A_92 {strides = array<i32>} : memref<512x128xf32, #tpu.memory_space<vmem>>, vector<512x128xf32>,
    %get3A_96 = arith.constant 0 : index
    %get3A_97 = arith.constant 0 : index
    %get3A_98 = vector.load %arg8[%get3A_96, %get3A_97] : memref<64x128xf32, #tpu.memory_space<vmem>>, vector<64x128xf32>
    %dot_general3A_99 = arith.constant dense<0.000000e+00> : vector<512x64xf32>
    %dot_general3A_100 = tpu.matmul %add3A_76, %get3A_98, %dot_general3A_99 {dimension_numbers = #tpu.dot_dimension_numbers<[1], [1], [0], [0], [0, 0, 1, 0], [], []>, transpose_lhs_hint = false} : vector<512x128xf32>, vector<64x128xf32>, vector<512x64xf32> -> vector<512x64xf32>
    %swap3A_101 = arith.constant 0 : index
    %swap3A_102 = arith.constant 0 : index
    %swap3A_103 = vector.load %arg12[%swap3A_101, %swap3A_102] : memref<512x64xf32, #tpu.memory_space<vmem>>, vector<512x64xf32>
    tpu.vector_store %arg12[%swap3A_101, %swap3A_102], %dot_general3A_100 {strides = array<i32>} : memref<512x64xf32, #tpu.memory_space<vmem>>, vector<512x64xf32>,
    return
  }
  func.func @transform_0(%arg0: i32) -> (i32, i32) {
    %c0_i32 = arith.constant 0 : i32
    %c0_i32_0 = arith.constant 0 : i32
    return %arg0, %c0_i32 : i32, i32
  }
  func.func @transform_1(%arg0: i32) -> (i32, i32) {
    %c0_i32 = arith.constant 0 : i32
    %c0_i32_0 = arith.constant 0 : i32
    %c0_i32_1 = arith.constant 0 : i32
    return %c0_i32, %c0_i32_0 : i32, i32
  }
  func.func @transform_2(%arg0: i32) -> (i32, i32) {
    %c0_i32 = arith.constant 0 : i32
    %c0_i32_0 = arith.constant 0 : i32
    %c0_i32_1 = arith.constant 0 : i32
    return %c0_i32, %c0_i32_0 : i32, i32
  }
  func.func @transform_3(%arg0: i32) -> (i32, i32) {
    %c0_i32 = arith.constant 0 : i32
    %c0_i32_0 = arith.constant 0 : i32
    %c0_i32_1 = arith.constant 0 : i32
    return %c0_i32, %c0_i32_0 : i32, i32
  }
  func.func @transform_4(%arg0: i32) -> (i32, i32) {
    %c0_i32 = arith.constant 0 : i32
    %c0_i32_0 = arith.constant 0 : i32
    %c0_i32_1 = arith.constant 0 : i32
    return %c0_i32, %c0_i32_0 : i32, i32
  }
  func.func @transform_5(%arg0: i32) -> (i32, i32) {
    %c0_i32 = arith.constant 0 : i32
    %c0_i32_0 = arith.constant 0 : i32
    %c0_i32_1 = arith.constant 0 : i32
    return %c0_i32, %c0_i32_0 : i32, i32
  }
  func.func @transform_6(%arg0: i32) -> (i32, i32) {
    %c0_i32 = arith.constant 0 : i32
    %c0_i32_0 = arith.constant 0 : i32
    %c0_i32_1 = arith.constant 0 : i32
    return %c0_i32, %c0_i32_0 : i32, i32
  }
  func.func @transform_7(%arg0: i32) -> (i32, i32) {
    %c0_i32 = arith.constant 0 : i32
    %c0_i32_0 = arith.constant 0 : i32
    %c0_i32_1 = arith.constant 0 : i32
    return %c0_i32, %c0_i32_0 : i32, i32
  }
  func.func @transform_8(%arg0: i32) -> (i32, i32) {
    %c0_i32 = arith.constant 0 : i32
    %c0_i32_0 = arith.constant 0 : i32
    return %arg0, %c0_i32 : i32, i32
  }
  func.func @transform_9(%arg0: i32) -> (i32, i32) {
    %c0_i32 = arith.constant 0 : i32
    %c0_i32_0 = arith.constant 0 : i32
    return %arg0, %c0_i32 : i32, i32
  }
  func.func @transform_10(%arg0: i32) -> (i32, i32) {
    %c0_i32 = arith.constant 0 : i32
    %c0_i32_0 = arith.constant 0 : i32
    return %arg0, %c0_i32 : i32, i32
  }
  func.func @transform_11(%arg0: i32) -> (i32, i32) {
    %c0_i32 = arith.constant 0 : i32
    %c0_i32_0 = arith.constant 0 : i32
    return %arg0, %c0_i32 : i32, i32
  }
}

module attributes {stable_mosaic.version = 14 : i64} {
  func.func @_a2_body(%arg0: i32, %arg1: memref<512x128xf32, #tpu.memory_space<vmem>>, %arg2: memref<2048x128xf32, #tpu.memory_space<vmem>>, %arg3: memref<1x2048xf32, #tpu.memory_space<vmem>>, %arg4: memref<512x16xi32, #tpu.memory_space<vmem>>) attributes {dimension_semantics = [#tpu.dimension_semantics<arbitrary>], iteration_bounds = array<i64: 4>, scalar_prefetch = 0 : i64, scratch_operands = 0 : i64, tpu.core_type = #tpu.core_type<tc>, window_params = [{transform_indices = @transform_0, window_bounds = array<i64: 512, 128>}, {pipeline_mode = #tpu.pipeline_mode<synchronous>, transform_indices = @transform_1, window_bounds = array<i64: 2048, 128>}, {pipeline_mode = #tpu.pipeline_mode<synchronous>, transform_indices = @transform_2, window_bounds = array<i64: 1, 2048>}, {transform_indices = @transform_3, window_bounds = array<i64: 512, 16>}]} {
    %get3A = arith.constant 0 : index
    %get3A_0 = arith.constant 0 : index
    %get3A_1 = vector.load %arg1[%get3A, %get3A_0] : memref<512x128xf32, #tpu.memory_space<vmem>>, vector<512x128xf32>
    %get3A_2 = arith.constant 0 : index
    %get3A_3 = arith.constant 0 : index
    %get3A_4 = vector.load %arg2[%get3A_2, %get3A_3] : memref<2048x128xf32, #tpu.memory_space<vmem>>, vector<2048x128xf32>
    %dot_general3A = arith.constant dense<0.000000e+00> : vector<512x2048xf32>
    %dot_general3A_5 = tpu.matmul %get3A_1, %get3A_4, %dot_general3A {dimension_numbers = #tpu.dot_dimension_numbers<[1], [1], [0], [0], [0, 0, 1, 0], [], []>, transpose_lhs_hint = false} : vector<512x128xf32>, vector<2048x128xf32>, vector<512x2048xf32> -> vector<512x2048xf32>
    %get3A_6 = arith.constant 0 : index
    %get3A_7 = arith.constant 0 : index
    %get3A_8 = vector.load %arg3[%get3A_6, %get3A_7] : memref<1x2048xf32, #tpu.memory_space<vmem>>, vector<1x2048xf32>
    %get3A_9 = vector.shape_cast %get3A_8 : vector<1x2048xf32> to vector<2048xf32>
    %mul3A = arith.constant 2.000000e+00 : f32
    %mul3A_10 = vector.broadcast %mul3A : f32 to vector<512x2048xf32>
    %mul3A_11 = arith.mulf %mul3A_10, %dot_general3A_5 : vector<512x2048xf32>
    %broadcast_in_dim3A = vector.shape_cast %get3A_9 : vector<2048xf32> to vector<1x2048xf32>
    %sub3A = vector.broadcast %broadcast_in_dim3A : vector<1x2048xf32> to vector<512x2048xf32>
    %sub3A_12 = arith.subf %sub3A, %mul3A_11 : vector<512x2048xf32>
    %iota3A = tpu.iota {dimensions = array<i32: 1>} : vector<512x2048xi32>
    %iota3A_13 = tpu.iota {dimensions = array<i32: 0>} : vector<512x2048xi32>
    %mul3A_14 = arith.constant 512 : i32
    %mul3A_15 = arith.muli %arg0, %mul3A_14 : i32
    %add3A = vector.broadcast %mul3A_15 : i32 to vector<512x2048xi32>
    %add3A_16 = arith.addi %iota3A_13, %add3A : vector<512x2048xi32>
    %bitcast_convert_type3A = tpu.bitcast %sub3A_12 : vector<512x2048xf32> -> vector<512x2048xi32>
    %lt3A = arith.constant 0 : i32
    %lt3A_17 = vector.broadcast %lt3A : i32 to vector<512x2048xi32>
    %lt3A_18 = arith.cmpi slt, %bitcast_convert_type3A, %lt3A_17 : vector<512x2048xi32>
    %xor3A = arith.constant 2147483647 : i32
    %xor3A_19 = vector.broadcast %xor3A : i32 to vector<512x2048xi32>
    %xor3A_20 = arith.xori %bitcast_convert_type3A, %xor3A_19 : vector<512x2048xi32>
    %select_n3A = arith.select %lt3A_18, %xor3A_20, %bitcast_convert_type3A : vector<512x2048xi1>, vector<512x2048xi32>
    %not3A = arith.constant 2047 : i32
    %not3A_21 = arith.constant -1 : i32
    %not3A_22 = arith.xori %not3A, %not3A_21 : i32
    %and3A = vector.broadcast %not3A_22 : i32 to vector<512x2048xi32>
    %and3A_23 = arith.andi %select_n3A, %and3A : vector<512x2048xi32>
    %or3A = arith.ori %and3A_23, %iota3A : vector<512x2048xi32>
    %eq3A = arith.cmpi eq, %iota3A, %add3A_16 : vector<512x2048xi32>
    %jit3A = arith.constant 2147483647 : i32
    %broadcast_in_dim3A_24 = vector.broadcast %jit3A : i32 to vector<512x2048xi32>
    %select_n3A_25 = arith.select %eq3A, %broadcast_in_dim3A_24, %or3A : vector<512x2048xi1>, vector<512x2048xi32>
    %slice3A = vector.extract_strided_slice %select_n3A_25 {offsets = [0, 0], sizes = [512, 128], strides = [1, 1]} : vector<512x2048xi32> to vector<512x128xi32>
    %broadcast_in_dim3A_26 = arith.constant 2147483647 : i32
    %broadcast_in_dim3A_27 = vector.broadcast %broadcast_in_dim3A_26 : i32 to vector<512x128xi32>
    %broadcast_in_dim3A_28 = arith.constant 2147483647 : i32
    %broadcast_in_dim3A_29 = vector.broadcast %broadcast_in_dim3A_28 : i32 to vector<512x128xi32>
    %slice3A_30 = vector.extract_strided_slice %select_n3A_25 {offsets = [0, 128], sizes = [512, 128], strides = [1, 1]} : vector<512x2048xi32> to vector<512x128xi32>
    %min3A = arith.minsi %slice3A, %slice3A_30 : vector<512x128xi32>
    %max3A = arith.maxsi %slice3A, %slice3A_30 : vector<512x128xi32>
    %min3A_31 = arith.minsi %broadcast_in_dim3A_27, %max3A : vector<512x128xi32>
    %max3A_32 = arith.maxsi %broadcast_in_dim3A_27, %max3A : vector<512x128xi32>
    %min3A_33 = arith.minsi %broadcast_in_dim3A_29, %max3A_32 : vector<512x128xi32>
    %slice3A_34 = vector.extract_strided_slice %select_n3A_25 {offsets = [0, 256], sizes = [512, 128], strides = [1, 1]} : vector<512x2048xi32> to vector<512x128xi32>
    %min3A_35 = arith.minsi %min3A, %slice3A_34 : vector<512x128xi32>
    %max3A_36 = arith.maxsi %min3A, %slice3A_34 : vector<512x128xi32>
    %min3A_37 = arith.minsi %min3A_31, %max3A_36 : vector<512x128xi32>
    %max3A_38 = arith.maxsi %min3A_31, %max3A_36 : vector<512x128xi32>
    %min3A_39 = arith.minsi %min3A_33, %max3A_38 : vector<512x128xi32>
    %slice3A_40 = vector.extract_strided_slice %select_n3A_25 {offsets = [0, 384], sizes = [512, 128], strides = [1, 1]} : vector<512x2048xi32> to vector<512x128xi32>
    %min3A_41 = arith.minsi %min3A_35, %slice3A_40 : vector<512x128xi32>
    %max3A_42 = arith.maxsi %min3A_35, %slice3A_40 : vector<512x128xi32>
    %min3A_43 = arith.minsi %min3A_37, %max3A_42 : vector<512x128xi32>
    %max3A_44 = arith.maxsi %min3A_37, %max3A_42 : vector<512x128xi32>
    %min3A_45 = arith.minsi %min3A_39, %max3A_44 : vector<512x128xi32>
    %slice3A_46 = vector.extract_strided_slice %select_n3A_25 {offsets = [0, 512], sizes = [512, 128], strides = [1, 1]} : vector<512x2048xi32> to vector<512x128xi32>
    %min3A_47 = arith.minsi %min3A_41, %slice3A_46 : vector<512x128xi32>
    %max3A_48 = arith.maxsi %min3A_41, %slice3A_46 : vector<512x128xi32>
    %min3A_49 = arith.minsi %min3A_43, %max3A_48 : vector<512x128xi32>
    %max3A_50 = arith.maxsi %min3A_43, %max3A_48 : vector<512x128xi32>
    %min3A_51 = arith.minsi %min3A_45, %max3A_50 : vector<512x128xi32>
    %slice3A_52 = vector.extract_strided_slice %select_n3A_25 {offsets = [0, 640], sizes = [512, 128], strides = [1, 1]} : vector<512x2048xi32> to vector<512x128xi32>
    %min3A_53 = arith.minsi %min3A_47, %slice3A_52 : vector<512x128xi32>
    %max3A_54 = arith.maxsi %min3A_47, %slice3A_52 : vector<512x128xi32>
    %min3A_55 = arith.minsi %min3A_49, %max3A_54 : vector<512x128xi32>
    %max3A_56 = arith.maxsi %min3A_49, %max3A_54 : vector<512x128xi32>
    %min3A_57 = arith.minsi %min3A_51, %max3A_56 : vector<512x128xi32>
    %slice3A_58 = vector.extract_strided_slice %select_n3A_25 {offsets = [0, 768], sizes = [512, 128], strides = [1, 1]} : vector<512x2048xi32> to vector<512x128xi32>
    %min3A_59 = arith.minsi %min3A_53, %slice3A_58 : vector<512x128xi32>
    %max3A_60 = arith.maxsi %min3A_53, %slice3A_58 : vector<512x128xi32>
    %min3A_61 = arith.minsi %min3A_55, %max3A_60 : vector<512x128xi32>
    %max3A_62 = arith.maxsi %min3A_55, %max3A_60 : vector<512x128xi32>
    %min3A_63 = arith.minsi %min3A_57, %max3A_62 : vector<512x128xi32>
    %slice3A_64 = vector.extract_strided_slice %select_n3A_25 {offsets = [0, 896], sizes = [512, 128], strides = [1, 1]} : vector<512x2048xi32> to vector<512x128xi32>
    %min3A_65 = arith.minsi %min3A_59, %slice3A_64 : vector<512x128xi32>
    %max3A_66 = arith.maxsi %min3A_59, %slice3A_64 : vector<512x128xi32>
    %min3A_67 = arith.minsi %min3A_61, %max3A_66 : vector<512x128xi32>
    %max3A_68 = arith.maxsi %min3A_61, %max3A_66 : vector<512x128xi32>
    %min3A_69 = arith.minsi %min3A_63, %max3A_68 : vector<512x128xi32>
    %slice3A_70 = vector.extract_strided_slice %select_n3A_25 {offsets = [0, 1024], sizes = [512, 128], strides = [1, 1]} : vector<512x2048xi32> to vector<512x128xi32>
    %min3A_71 = arith.minsi %min3A_65, %slice3A_70 : vector<512x128xi32>
    %max3A_72 = arith.maxsi %min3A_65, %slice3A_70 : vector<512x128xi32>
    %min3A_73 = arith.minsi %min3A_67, %max3A_72 : vector<512x128xi32>
    %max3A_74 = arith.maxsi %min3A_67, %max3A_72 : vector<512x128xi32>
    %min3A_75 = arith.minsi %min3A_69, %max3A_74 : vector<512x128xi32>
    %slice3A_76 = vector.extract_strided_slice %select_n3A_25 {offsets = [0, 1152], sizes = [512, 128], strides = [1, 1]} : vector<512x2048xi32> to vector<512x128xi32>
    %min3A_77 = arith.minsi %min3A_71, %slice3A_76 : vector<512x128xi32>
    %max3A_78 = arith.maxsi %min3A_71, %slice3A_76 : vector<512x128xi32>
    %min3A_79 = arith.minsi %min3A_73, %max3A_78 : vector<512x128xi32>
    %max3A_80 = arith.maxsi %min3A_73, %max3A_78 : vector<512x128xi32>
    %min3A_81 = arith.minsi %min3A_75, %max3A_80 : vector<512x128xi32>
    %slice3A_82 = vector.extract_strided_slice %select_n3A_25 {offsets = [0, 1280], sizes = [512, 128], strides = [1, 1]} : vector<512x2048xi32> to vector<512x128xi32>
    %min3A_83 = arith.minsi %min3A_77, %slice3A_82 : vector<512x128xi32>
    %max3A_84 = arith.maxsi %min3A_77, %slice3A_82 : vector<512x128xi32>
    %min3A_85 = arith.minsi %min3A_79, %max3A_84 : vector<512x128xi32>
    %max3A_86 = arith.maxsi %min3A_79, %max3A_84 : vector<512x128xi32>
    %min3A_87 = arith.minsi %min3A_81, %max3A_86 : vector<512x128xi32>
    %slice3A_88 = vector.extract_strided_slice %select_n3A_25 {offsets = [0, 1408], sizes = [512, 128], strides = [1, 1]} : vector<512x2048xi32> to vector<512x128xi32>
    %min3A_89 = arith.minsi %min3A_83, %slice3A_88 : vector<512x128xi32>
    %max3A_90 = arith.maxsi %min3A_83, %slice3A_88 : vector<512x128xi32>
    %min3A_91 = arith.minsi %min3A_85, %max3A_90 : vector<512x128xi32>
    %max3A_92 = arith.maxsi %min3A_85, %max3A_90 : vector<512x128xi32>
    %min3A_93 = arith.minsi %min3A_87, %max3A_92 : vector<512x128xi32>
    %slice3A_94 = vector.extract_strided_slice %select_n3A_25 {offsets = [0, 1536], sizes = [512, 128], strides = [1, 1]} : vector<512x2048xi32> to vector<512x128xi32>
    %min3A_95 = arith.minsi %min3A_89, %slice3A_94 : vector<512x128xi32>
    %max3A_96 = arith.maxsi %min3A_89, %slice3A_94 : vector<512x128xi32>
    %min3A_97 = arith.minsi %min3A_91, %max3A_96 : vector<512x128xi32>
    %max3A_98 = arith.maxsi %min3A_91, %max3A_96 : vector<512x128xi32>
    %min3A_99 = arith.minsi %min3A_93, %max3A_98 : vector<512x128xi32>
    %slice3A_100 = vector.extract_strided_slice %select_n3A_25 {offsets = [0, 1664], sizes = [512, 128], strides = [1, 1]} : vector<512x2048xi32> to vector<512x128xi32>
    %min3A_101 = arith.minsi %min3A_95, %slice3A_100 : vector<512x128xi32>
    %max3A_102 = arith.maxsi %min3A_95, %slice3A_100 : vector<512x128xi32>
    %min3A_103 = arith.minsi %min3A_97, %max3A_102 : vector<512x128xi32>
    %max3A_104 = arith.maxsi %min3A_97, %max3A_102 : vector<512x128xi32>
    %min3A_105 = arith.minsi %min3A_99, %max3A_104 : vector<512x128xi32>
    %slice3A_106 = vector.extract_strided_slice %select_n3A_25 {offsets = [0, 1792], sizes = [512, 128], strides = [1, 1]} : vector<512x2048xi32> to vector<512x128xi32>
    %min3A_107 = arith.minsi %min3A_101, %slice3A_106 : vector<512x128xi32>
    %max3A_108 = arith.maxsi %min3A_101, %slice3A_106 : vector<512x128xi32>
    %min3A_109 = arith.minsi %min3A_103, %max3A_108 : vector<512x128xi32>
    %max3A_110 = arith.maxsi %min3A_103, %max3A_108 : vector<512x128xi32>
    %min3A_111 = arith.minsi %min3A_105, %max3A_110 : vector<512x128xi32>
    %slice3A_112 = vector.extract_strided_slice %select_n3A_25 {offsets = [0, 1920], sizes = [512, 128], strides = [1, 1]} : vector<512x2048xi32> to vector<512x128xi32>
    %min3A_113 = arith.minsi %min3A_107, %slice3A_112 : vector<512x128xi32>
    %max3A_114 = arith.maxsi %min3A_107, %slice3A_112 : vector<512x128xi32>
    %min3A_115 = arith.minsi %min3A_109, %max3A_114 : vector<512x128xi32>
    %max3A_116 = arith.maxsi %min3A_109, %max3A_114 : vector<512x128xi32>
    %min3A_117 = arith.minsi %min3A_111, %max3A_116 : vector<512x128xi32>
    %iota3A_118 = tpu.iota {dimensions = array<i32: 1>} : vector<512x128xi32>
    %reduce_min3A = arith.constant dense<2147483647> : vector<512xi32>
    %reduce_min3A_119 = vector.multi_reduction <minsi>, %min3A_113, %reduce_min3A [1] : vector<512x128xi32> to vector<512xi32>
    %broadcast_in_dim3A_120 = vector.shape_cast %reduce_min3A_119 : vector<512xi32> to vector<512x1xi32>
    %and3A_121 = arith.constant 2047 : i32
    %and3A_122 = vector.broadcast %and3A_121 : i32 to vector<512x1xi32>
    %and3A_123 = arith.andi %broadcast_in_dim3A_120, %and3A_122 : vector<512x1xi32>
    %and3A_124 = arith.constant 127 : i32
    %and3A_125 = vector.broadcast %and3A_124 : i32 to vector<512x1xi32>
    %and3A_126 = arith.andi %broadcast_in_dim3A_120, %and3A_125 : vector<512x1xi32>
    %eq3A_127 = vector.broadcast %and3A_126 : vector<512x1xi32> to vector<512x128xi32>
    %eq3A_128 = arith.cmpi eq, %iota3A_118, %eq3A_127 : vector<512x128xi32>
    %select_n3A_129 = arith.select %eq3A_128, %min3A_115, %min3A_113 : vector<512x128xi1>, vector<512x128xi32>
    %select_n3A_130 = arith.select %eq3A_128, %min3A_117, %min3A_115 : vector<512x128xi1>, vector<512x128xi32>
    %jit3A_131 = arith.constant 2147483647 : i32
    %broadcast_in_dim3A_132 = vector.broadcast %jit3A_131 : i32 to vector<512x128xi32>
    %select_n3A_133 = arith.select %eq3A_128, %broadcast_in_dim3A_132, %min3A_117 : vector<512x128xi1>, vector<512x128xi32>
    %reduce_min3A_134 = arith.constant dense<2147483647> : vector<512xi32>
    %reduce_min3A_135 = vector.multi_reduction <minsi>, %select_n3A_129, %reduce_min3A_134 [1] : vector<512x128xi32> to vector<512xi32>
    %broadcast_in_dim3A_136 = vector.shape_cast %reduce_min3A_135 : vector<512xi32> to vector<512x1xi32>
    %and3A_137 = arith.constant 2047 : i32
    %and3A_138 = vector.broadcast %and3A_137 : i32 to vector<512x1xi32>
    %and3A_139 = arith.andi %broadcast_in_dim3A_136, %and3A_138 : vector<512x1xi32>
    %and3A_140 = arith.constant 127 : i32
    %and3A_141 = vector.broadcast %and3A_140 : i32 to vector<512x1xi32>
    %and3A_142 = arith.andi %broadcast_in_dim3A_136, %and3A_141 : vector<512x1xi32>
    %eq3A_143 = vector.broadcast %and3A_142 : vector<512x1xi32> to vector<512x128xi32>
    %eq3A_144 = arith.cmpi eq, %iota3A_118, %eq3A_143 : vector<512x128xi32>
    %select_n3A_145 = arith.select %eq3A_144, %select_n3A_130, %select_n3A_129 : vector<512x128xi1>, vector<512x128xi32>
    %select_n3A_146 = arith.select %eq3A_144, %select_n3A_133, %select_n3A_130 : vector<512x128xi1>, vector<512x128xi32>
    %jit3A_147 = arith.constant 2147483647 : i32
    %broadcast_in_dim3A_148 = vector.broadcast %jit3A_147 : i32 to vector<512x128xi32>
    %select_n3A_149 = arith.select %eq3A_144, %broadcast_in_dim3A_148, %select_n3A_133 : vector<512x128xi1>, vector<512x128xi32>
    %reduce_min3A_150 = arith.constant dense<2147483647> : vector<512xi32>
    %reduce_min3A_151 = vector.multi_reduction <minsi>, %select_n3A_145, %reduce_min3A_150 [1] : vector<512x128xi32> to vector<512xi32>
    %broadcast_in_dim3A_152 = vector.shape_cast %reduce_min3A_151 : vector<512xi32> to vector<512x1xi32>
    %and3A_153 = arith.constant 2047 : i32
    %and3A_154 = vector.broadcast %and3A_153 : i32 to vector<512x1xi32>
    %and3A_155 = arith.andi %broadcast_in_dim3A_152, %and3A_154 : vector<512x1xi32>
    %and3A_156 = arith.constant 127 : i32
    %and3A_157 = vector.broadcast %and3A_156 : i32 to vector<512x1xi32>
    %and3A_158 = arith.andi %broadcast_in_dim3A_152, %and3A_157 : vector<512x1xi32>
    %eq3A_159 = vector.broadcast %and3A_158 : vector<512x1xi32> to vector<512x128xi32>
    %eq3A_160 = arith.cmpi eq, %iota3A_118, %eq3A_159 : vector<512x128xi32>
    %select_n3A_161 = arith.select %eq3A_160, %select_n3A_146, %select_n3A_145 : vector<512x128xi1>, vector<512x128xi32>
    %select_n3A_162 = arith.select %eq3A_160, %select_n3A_149, %select_n3A_146 : vector<512x128xi1>, vector<512x128xi32>
    %jit3A_163 = arith.constant 2147483647 : i32
    %broadcast_in_dim3A_164 = vector.broadcast %jit3A_163 : i32 to vector<512x128xi32>
    %select_n3A_165 = arith.select %eq3A_160, %broadcast_in_dim3A_164, %select_n3A_149 : vector<512x128xi1>, vector<512x128xi32>
    %reduce_min3A_166 = arith.constant dense<2147483647> : vector<512xi32>
    %reduce_min3A_167 = vector.multi_reduction <minsi>, %select_n3A_161, %reduce_min3A_166 [1] : vector<512x128xi32> to vector<512xi32>
    %broadcast_in_dim3A_168 = vector.shape_cast %reduce_min3A_167 : vector<512xi32> to vector<512x1xi32>
    %and3A_169 = arith.constant 2047 : i32
    %and3A_170 = vector.broadcast %and3A_169 : i32 to vector<512x1xi32>
    %and3A_171 = arith.andi %broadcast_in_dim3A_168, %and3A_170 : vector<512x1xi32>
    %and3A_172 = arith.constant 127 : i32
    %and3A_173 = vector.broadcast %and3A_172 : i32 to vector<512x1xi32>
    %and3A_174 = arith.andi %broadcast_in_dim3A_168, %and3A_173 : vector<512x1xi32>
    %eq3A_175 = vector.broadcast %and3A_174 : vector<512x1xi32> to vector<512x128xi32>
    %eq3A_176 = arith.cmpi eq, %iota3A_118, %eq3A_175 : vector<512x128xi32>
    %select_n3A_177 = arith.select %eq3A_176, %select_n3A_162, %select_n3A_161 : vector<512x128xi1>, vector<512x128xi32>
    %select_n3A_178 = arith.select %eq3A_176, %select_n3A_165, %select_n3A_162 : vector<512x128xi1>, vector<512x128xi32>
    %jit3A_179 = arith.constant 2147483647 : i32
    %broadcast_in_dim3A_180 = vector.broadcast %jit3A_179 : i32 to vector<512x128xi32>
    %select_n3A_181 = arith.select %eq3A_176, %broadcast_in_dim3A_180, %select_n3A_165 : vector<512x128xi1>, vector<512x128xi32>
    %reduce_min3A_182 = arith.constant dense<2147483647> : vector<512xi32>
    %reduce_min3A_183 = vector.multi_reduction <minsi>, %select_n3A_177, %reduce_min3A_182 [1] : vector<512x128xi32> to vector<512xi32>
    %broadcast_in_dim3A_184 = vector.shape_cast %reduce_min3A_183 : vector<512xi32> to vector<512x1xi32>
    %and3A_185 = arith.constant 2047 : i32
    %and3A_186 = vector.broadcast %and3A_185 : i32 to vector<512x1xi32>
    %and3A_187 = arith.andi %broadcast_in_dim3A_184, %and3A_186 : vector<512x1xi32>
    %and3A_188 = arith.constant 127 : i32
    %and3A_189 = vector.broadcast %and3A_188 : i32 to vector<512x1xi32>
    %and3A_190 = arith.andi %broadcast_in_dim3A_184, %and3A_189 : vector<512x1xi32>
    %eq3A_191 = vector.broadcast %and3A_190 : vector<512x1xi32> to vector<512x128xi32>
    %eq3A_192 = arith.cmpi eq, %iota3A_118, %eq3A_191 : vector<512x128xi32>
    %select_n3A_193 = arith.select %eq3A_192, %select_n3A_178, %select_n3A_177 : vector<512x128xi1>, vector<512x128xi32>
    %select_n3A_194 = arith.select %eq3A_192, %select_n3A_181, %select_n3A_178 : vector<512x128xi1>, vector<512x128xi32>
    %jit3A_195 = arith.constant 2147483647 : i32
    %broadcast_in_dim3A_196 = vector.broadcast %jit3A_195 : i32 to vector<512x128xi32>
    %select_n3A_197 = arith.select %eq3A_192, %broadcast_in_dim3A_196, %select_n3A_181 : vector<512x128xi1>, vector<512x128xi32>
    %reduce_min3A_198 = arith.constant dense<2147483647> : vector<512xi32>
    %reduce_min3A_199 = vector.multi_reduction <minsi>, %select_n3A_193, %reduce_min3A_198 [1] : vector<512x128xi32> to vector<512xi32>
    %broadcast_in_dim3A_200 = vector.shape_cast %reduce_min3A_199 : vector<512xi32> to vector<512x1xi32>
    %and3A_201 = arith.constant 2047 : i32
    %and3A_202 = vector.broadcast %and3A_201 : i32 to vector<512x1xi32>
    %and3A_203 = arith.andi %broadcast_in_dim3A_200, %and3A_202 : vector<512x1xi32>
    %and3A_204 = arith.constant 127 : i32
    %and3A_205 = vector.broadcast %and3A_204 : i32 to vector<512x1xi32>
    %and3A_206 = arith.andi %broadcast_in_dim3A_200, %and3A_205 : vector<512x1xi32>
    %eq3A_207 = vector.broadcast %and3A_206 : vector<512x1xi32> to vector<512x128xi32>
    %eq3A_208 = arith.cmpi eq, %iota3A_118, %eq3A_207 : vector<512x128xi32>
    %select_n3A_209 = arith.select %eq3A_208, %select_n3A_194, %select_n3A_193 : vector<512x128xi1>, vector<512x128xi32>
    %select_n3A_210 = arith.select %eq3A_208, %select_n3A_197, %select_n3A_194 : vector<512x128xi1>, vector<512x128xi32>
    %jit3A_211 = arith.constant 2147483647 : i32
    %broadcast_in_dim3A_212 = vector.broadcast %jit3A_211 : i32 to vector<512x128xi32>
    %select_n3A_213 = arith.select %eq3A_208, %broadcast_in_dim3A_212, %select_n3A_197 : vector<512x128xi1>, vector<512x128xi32>
    %reduce_min3A_214 = arith.constant dense<2147483647> : vector<512xi32>
    %reduce_min3A_215 = vector.multi_reduction <minsi>, %select_n3A_209, %reduce_min3A_214 [1] : vector<512x128xi32> to vector<512xi32>
    %broadcast_in_dim3A_216 = vector.shape_cast %reduce_min3A_215 : vector<512xi32> to vector<512x1xi32>
    %and3A_217 = arith.constant 2047 : i32
    %and3A_218 = vector.broadcast %and3A_217 : i32 to vector<512x1xi32>
    %and3A_219 = arith.andi %broadcast_in_dim3A_216, %and3A_218 : vector<512x1xi32>
    %and3A_220 = arith.constant 127 : i32
    %and3A_221 = vector.broadcast %and3A_220 : i32 to vector<512x1xi32>
    %and3A_222 = arith.andi %broadcast_in_dim3A_216, %and3A_221 : vector<512x1xi32>
    %eq3A_223 = vector.broadcast %and3A_222 : vector<512x1xi32> to vector<512x128xi32>
    %eq3A_224 = arith.cmpi eq, %iota3A_118, %eq3A_223 : vector<512x128xi32>
    %select_n3A_225 = arith.select %eq3A_224, %select_n3A_210, %select_n3A_209 : vector<512x128xi1>, vector<512x128xi32>
    %select_n3A_226 = arith.select %eq3A_224, %select_n3A_213, %select_n3A_210 : vector<512x128xi1>, vector<512x128xi32>
    %jit3A_227 = arith.constant 2147483647 : i32
    %broadcast_in_dim3A_228 = vector.broadcast %jit3A_227 : i32 to vector<512x128xi32>
    %select_n3A_229 = arith.select %eq3A_224, %broadcast_in_dim3A_228, %select_n3A_213 : vector<512x128xi1>, vector<512x128xi32>
    %reduce_min3A_230 = arith.constant dense<2147483647> : vector<512xi32>
    %reduce_min3A_231 = vector.multi_reduction <minsi>, %select_n3A_225, %reduce_min3A_230 [1] : vector<512x128xi32> to vector<512xi32>
    %broadcast_in_dim3A_232 = vector.shape_cast %reduce_min3A_231 : vector<512xi32> to vector<512x1xi32>
    %and3A_233 = arith.constant 2047 : i32
    %and3A_234 = vector.broadcast %and3A_233 : i32 to vector<512x1xi32>
    %and3A_235 = arith.andi %broadcast_in_dim3A_232, %and3A_234 : vector<512x1xi32>
    %and3A_236 = arith.constant 127 : i32
    %and3A_237 = vector.broadcast %and3A_236 : i32 to vector<512x1xi32>
    %and3A_238 = arith.andi %broadcast_in_dim3A_232, %and3A_237 : vector<512x1xi32>
    %eq3A_239 = vector.broadcast %and3A_238 : vector<512x1xi32> to vector<512x128xi32>
    %eq3A_240 = arith.cmpi eq, %iota3A_118, %eq3A_239 : vector<512x128xi32>
    %select_n3A_241 = arith.select %eq3A_240, %select_n3A_226, %select_n3A_225 : vector<512x128xi1>, vector<512x128xi32>
    %select_n3A_242 = arith.select %eq3A_240, %select_n3A_229, %select_n3A_226 : vector<512x128xi1>, vector<512x128xi32>
    %jit3A_243 = arith.constant 2147483647 : i32
    %broadcast_in_dim3A_244 = vector.broadcast %jit3A_243 : i32 to vector<512x128xi32>
    %select_n3A_245 = arith.select %eq3A_240, %broadcast_in_dim3A_244, %select_n3A_229 : vector<512x128xi1>, vector<512x128xi32>
    %reduce_min3A_246 = arith.constant dense<2147483647> : vector<512xi32>
    %reduce_min3A_247 = vector.multi_reduction <minsi>, %select_n3A_241, %reduce_min3A_246 [1] : vector<512x128xi32> to vector<512xi32>
    %broadcast_in_dim3A_248 = vector.shape_cast %reduce_min3A_247 : vector<512xi32> to vector<512x1xi32>
    %and3A_249 = arith.constant 2047 : i32
    %and3A_250 = vector.broadcast %and3A_249 : i32 to vector<512x1xi32>
    %and3A_251 = arith.andi %broadcast_in_dim3A_248, %and3A_250 : vector<512x1xi32>
    %and3A_252 = arith.constant 127 : i32
    %and3A_253 = vector.broadcast %and3A_252 : i32 to vector<512x1xi32>
    %and3A_254 = arith.andi %broadcast_in_dim3A_248, %and3A_253 : vector<512x1xi32>
    %eq3A_255 = vector.broadcast %and3A_254 : vector<512x1xi32> to vector<512x128xi32>
    %eq3A_256 = arith.cmpi eq, %iota3A_118, %eq3A_255 : vector<512x128xi32>
    %select_n3A_257 = arith.select %eq3A_256, %select_n3A_242, %select_n3A_241 : vector<512x128xi1>, vector<512x128xi32>
    %select_n3A_258 = arith.select %eq3A_256, %select_n3A_245, %select_n3A_242 : vector<512x128xi1>, vector<512x128xi32>
    %jit3A_259 = arith.constant 2147483647 : i32
    %broadcast_in_dim3A_260 = vector.broadcast %jit3A_259 : i32 to vector<512x128xi32>
    %select_n3A_261 = arith.select %eq3A_256, %broadcast_in_dim3A_260, %select_n3A_245 : vector<512x128xi1>, vector<512x128xi32>
    %reduce_min3A_262 = arith.constant dense<2147483647> : vector<512xi32>
    %reduce_min3A_263 = vector.multi_reduction <minsi>, %select_n3A_257, %reduce_min3A_262 [1] : vector<512x128xi32> to vector<512xi32>
    %broadcast_in_dim3A_264 = vector.shape_cast %reduce_min3A_263 : vector<512xi32> to vector<512x1xi32>
    %and3A_265 = arith.constant 2047 : i32
    %and3A_266 = vector.broadcast %and3A_265 : i32 to vector<512x1xi32>
    %and3A_267 = arith.andi %broadcast_in_dim3A_264, %and3A_266 : vector<512x1xi32>
    %and3A_268 = arith.constant 127 : i32
    %and3A_269 = vector.broadcast %and3A_268 : i32 to vector<512x1xi32>
    %and3A_270 = arith.andi %broadcast_in_dim3A_264, %and3A_269 : vector<512x1xi32>
    %eq3A_271 = vector.broadcast %and3A_270 : vector<512x1xi32> to vector<512x128xi32>
    %eq3A_272 = arith.cmpi eq, %iota3A_118, %eq3A_271 : vector<512x128xi32>
    %select_n3A_273 = arith.select %eq3A_272, %select_n3A_258, %select_n3A_257 : vector<512x128xi1>, vector<512x128xi32>
    %select_n3A_274 = arith.select %eq3A_272, %select_n3A_261, %select_n3A_258 : vector<512x128xi1>, vector<512x128xi32>
    %jit3A_275 = arith.constant 2147483647 : i32
    %broadcast_in_dim3A_276 = vector.broadcast %jit3A_275 : i32 to vector<512x128xi32>
    %select_n3A_277 = arith.select %eq3A_272, %broadcast_in_dim3A_276, %select_n3A_261 : vector<512x128xi1>, vector<512x128xi32>
    %reduce_min3A_278 = arith.constant dense<2147483647> : vector<512xi32>
    %reduce_min3A_279 = vector.multi_reduction <minsi>, %select_n3A_273, %reduce_min3A_278 [1] : vector<512x128xi32> to vector<512xi32>
    %broadcast_in_dim3A_280 = vector.shape_cast %reduce_min3A_279 : vector<512xi32> to vector<512x1xi32>
    %and3A_281 = arith.constant 2047 : i32
    %and3A_282 = vector.broadcast %and3A_281 : i32 to vector<512x1xi32>
    %and3A_283 = arith.andi %broadcast_in_dim3A_280, %and3A_282 : vector<512x1xi32>
    %and3A_284 = arith.constant 127 : i32
    %and3A_285 = vector.broadcast %and3A_284 : i32 to vector<512x1xi32>
    %and3A_286 = arith.andi %broadcast_in_dim3A_280, %and3A_285 : vector<512x1xi32>
    %eq3A_287 = vector.broadcast %and3A_286 : vector<512x1xi32> to vector<512x128xi32>
    %eq3A_288 = arith.cmpi eq, %iota3A_118, %eq3A_287 : vector<512x128xi32>
    %select_n3A_289 = arith.select %eq3A_288, %select_n3A_274, %select_n3A_273 : vector<512x128xi1>, vector<512x128xi32>
    %select_n3A_290 = arith.select %eq3A_288, %select_n3A_277, %select_n3A_274 : vector<512x128xi1>, vector<512x128xi32>
    %jit3A_291 = arith.constant 2147483647 : i32
    %broadcast_in_dim3A_292 = vector.broadcast %jit3A_291 : i32 to vector<512x128xi32>
    %select_n3A_293 = arith.select %eq3A_288, %broadcast_in_dim3A_292, %select_n3A_277 : vector<512x128xi1>, vector<512x128xi32>
    %reduce_min3A_294 = arith.constant dense<2147483647> : vector<512xi32>
    %reduce_min3A_295 = vector.multi_reduction <minsi>, %select_n3A_289, %reduce_min3A_294 [1] : vector<512x128xi32> to vector<512xi32>
    %broadcast_in_dim3A_296 = vector.shape_cast %reduce_min3A_295 : vector<512xi32> to vector<512x1xi32>
    %and3A_297 = arith.constant 2047 : i32
    %and3A_298 = vector.broadcast %and3A_297 : i32 to vector<512x1xi32>
    %and3A_299 = arith.andi %broadcast_in_dim3A_296, %and3A_298 : vector<512x1xi32>
    %and3A_300 = arith.constant 127 : i32
    %and3A_301 = vector.broadcast %and3A_300 : i32 to vector<512x1xi32>
    %and3A_302 = arith.andi %broadcast_in_dim3A_296, %and3A_301 : vector<512x1xi32>
    %eq3A_303 = vector.broadcast %and3A_302 : vector<512x1xi32> to vector<512x128xi32>
    %eq3A_304 = arith.cmpi eq, %iota3A_118, %eq3A_303 : vector<512x128xi32>
    %select_n3A_305 = arith.select %eq3A_304, %select_n3A_290, %select_n3A_289 : vector<512x128xi1>, vector<512x128xi32>
    %select_n3A_306 = arith.select %eq3A_304, %select_n3A_293, %select_n3A_290 : vector<512x128xi1>, vector<512x128xi32>
    %jit3A_307 = arith.constant 2147483647 : i32
    %broadcast_in_dim3A_308 = vector.broadcast %jit3A_307 : i32 to vector<512x128xi32>
    %select_n3A_309 = arith.select %eq3A_304, %broadcast_in_dim3A_308, %select_n3A_293 : vector<512x128xi1>, vector<512x128xi32>
    %reduce_min3A_310 = arith.constant dense<2147483647> : vector<512xi32>
    %reduce_min3A_311 = vector.multi_reduction <minsi>, %select_n3A_305, %reduce_min3A_310 [1] : vector<512x128xi32> to vector<512xi32>
    %broadcast_in_dim3A_312 = vector.shape_cast %reduce_min3A_311 : vector<512xi32> to vector<512x1xi32>
    %and3A_313 = arith.constant 2047 : i32
    %and3A_314 = vector.broadcast %and3A_313 : i32 to vector<512x1xi32>
    %and3A_315 = arith.andi %broadcast_in_dim3A_312, %and3A_314 : vector<512x1xi32>
    %and3A_316 = arith.constant 127 : i32
    %and3A_317 = vector.broadcast %and3A_316 : i32 to vector<512x1xi32>
    %and3A_318 = arith.andi %broadcast_in_dim3A_312, %and3A_317 : vector<512x1xi32>
    %eq3A_319 = vector.broadcast %and3A_318 : vector<512x1xi32> to vector<512x128xi32>
    %eq3A_320 = arith.cmpi eq, %iota3A_118, %eq3A_319 : vector<512x128xi32>
    %select_n3A_321 = arith.select %eq3A_320, %select_n3A_306, %select_n3A_305 : vector<512x128xi1>, vector<512x128xi32>
    %select_n3A_322 = arith.select %eq3A_320, %select_n3A_309, %select_n3A_306 : vector<512x128xi1>, vector<512x128xi32>
    %jit3A_323 = arith.constant 2147483647 : i32
    %broadcast_in_dim3A_324 = vector.broadcast %jit3A_323 : i32 to vector<512x128xi32>
    %select_n3A_325 = arith.select %eq3A_320, %broadcast_in_dim3A_324, %select_n3A_309 : vector<512x128xi1>, vector<512x128xi32>
    %reduce_min3A_326 = arith.constant dense<2147483647> : vector<512xi32>
    %reduce_min3A_327 = vector.multi_reduction <minsi>, %select_n3A_321, %reduce_min3A_326 [1] : vector<512x128xi32> to vector<512xi32>
    %broadcast_in_dim3A_328 = vector.shape_cast %reduce_min3A_327 : vector<512xi32> to vector<512x1xi32>
    %and3A_329 = arith.constant 2047 : i32
    %and3A_330 = vector.broadcast %and3A_329 : i32 to vector<512x1xi32>
    %and3A_331 = arith.andi %broadcast_in_dim3A_328, %and3A_330 : vector<512x1xi32>
    %and3A_332 = arith.constant 127 : i32
    %and3A_333 = vector.broadcast %and3A_332 : i32 to vector<512x1xi32>
    %and3A_334 = arith.andi %broadcast_in_dim3A_328, %and3A_333 : vector<512x1xi32>
    %eq3A_335 = vector.broadcast %and3A_334 : vector<512x1xi32> to vector<512x128xi32>
    %eq3A_336 = arith.cmpi eq, %iota3A_118, %eq3A_335 : vector<512x128xi32>
    %select_n3A_337 = arith.select %eq3A_336, %select_n3A_322, %select_n3A_321 : vector<512x128xi1>, vector<512x128xi32>
    %select_n3A_338 = arith.select %eq3A_336, %select_n3A_325, %select_n3A_322 : vector<512x128xi1>, vector<512x128xi32>
    %reduce_min3A_339 = arith.constant dense<2147483647> : vector<512xi32>
    %reduce_min3A_340 = vector.multi_reduction <minsi>, %select_n3A_337, %reduce_min3A_339 [1] : vector<512x128xi32> to vector<512xi32>
    %broadcast_in_dim3A_341 = vector.shape_cast %reduce_min3A_340 : vector<512xi32> to vector<512x1xi32>
    %and3A_342 = arith.constant 2047 : i32
    %and3A_343 = vector.broadcast %and3A_342 : i32 to vector<512x1xi32>
    %and3A_344 = arith.andi %broadcast_in_dim3A_341, %and3A_343 : vector<512x1xi32>
    %and3A_345 = arith.constant 127 : i32
    %and3A_346 = vector.broadcast %and3A_345 : i32 to vector<512x1xi32>
    %and3A_347 = arith.andi %broadcast_in_dim3A_341, %and3A_346 : vector<512x1xi32>
    %eq3A_348 = vector.broadcast %and3A_347 : vector<512x1xi32> to vector<512x128xi32>
    %eq3A_349 = arith.cmpi eq, %iota3A_118, %eq3A_348 : vector<512x128xi32>
    %select_n3A_350 = arith.select %eq3A_349, %select_n3A_338, %select_n3A_337 : vector<512x128xi1>, vector<512x128xi32>
    %reduce_min3A_351 = arith.constant dense<2147483647> : vector<512xi32>
    %reduce_min3A_352 = vector.multi_reduction <minsi>, %select_n3A_350, %reduce_min3A_351 [1] : vector<512x128xi32> to vector<512xi32>
    %broadcast_in_dim3A_353 = vector.shape_cast %reduce_min3A_352 : vector<512xi32> to vector<512x1xi32>
    %and3A_354 = arith.constant 2047 : i32
    %and3A_355 = vector.broadcast %and3A_354 : i32 to vector<512x1xi32>
    %and3A_356 = arith.andi %broadcast_in_dim3A_353, %and3A_355 : vector<512x1xi32>
    %concatenate3A = tpu.concatenate %and3A_123, %and3A_139, %and3A_155, %and3A_171, %and3A_187, %and3A_203, %and3A_219, %and3A_235, %and3A_251, %and3A_267, %and3A_283, %and3A_299, %and3A_315, %and3A_331, %and3A_344, %and3A_356 in 1 : vector<512x1xi32>, vector<512x1xi32>, vector<512x1xi32>, vector<512x1xi32>, vector<512x1xi32>, vector<512x1xi32>, vector<512x1xi32>, vector<512x1xi32>, vector<512x1xi32>, vector<512x1xi32>, vector<512x1xi32>, vector<512x1xi32>, vector<512x1xi32>, vector<512x1xi32>, vector<512x1xi32>, vector<512x1xi32> -> vector<512x16xi32>
    %add3A_357 = arith.constant 6144 : i32
    %add3A_358 = vector.broadcast %add3A_357 : i32 to vector<512x16xi32>
    %add3A_359 = arith.addi %concatenate3A, %add3A_358 : vector<512x16xi32>
    %swap3A = arith.constant 0 : index
    %swap3A_360 = arith.constant 0 : index
    %swap3A_361 = vector.load %arg4[%swap3A, %swap3A_360] : memref<512x16xi32, #tpu.memory_space<vmem>>, vector<512x16xi32>
    tpu.vector_store %arg4[%swap3A, %swap3A_360], %add3A_359 {strides = array<i32>} : memref<512x16xi32, #tpu.memory_space<vmem>>, vector<512x16xi32>,
    return
  }
  func.func @transform_0(%arg0: i32) -> (i32, i32) {
    %c0_i32 = arith.constant 0 : i32
    %c0_i32_0 = arith.constant 0 : i32
    return %arg0, %c0_i32 : i32, i32
  }
  func.func @transform_1(%arg0: i32) -> (i32, i32) {
    %c0_i32 = arith.constant 0 : i32
    %c0_i32_0 = arith.constant 0 : i32
    %c0_i32_1 = arith.constant 0 : i32
    return %c0_i32, %c0_i32_0 : i32, i32
  }
  func.func @transform_2(%arg0: i32) -> (i32, i32) {
    %c0_i32 = arith.constant 0 : i32
    %c0_i32_0 = arith.constant 0 : i32
    %c0_i32_1 = arith.constant 0 : i32
    return %c0_i32, %c0_i32_0 : i32, i32
  }
  func.func @transform_3(%arg0: i32) -> (i32, i32) {
    %c0_i32 = arith.constant 0 : i32
    %c0_i32_0 = arith.constant 0 : i32
    return %arg0, %c0_i32 : i32, i32
  }
}

module attributes {stable_mosaic.version = 14 : i64} {
  func.func @_a2_body(%arg0: i32, %arg1: memref<512x128xf32, #tpu.memory_space<vmem>>, %arg2: memref<2048x128xf32, #tpu.memory_space<vmem>>, %arg3: memref<1x2048xf32, #tpu.memory_space<vmem>>, %arg4: memref<512x16xi32, #tpu.memory_space<vmem>>) attributes {dimension_semantics = [#tpu.dimension_semantics<arbitrary>], iteration_bounds = array<i64: 4>, scalar_prefetch = 0 : i64, scratch_operands = 0 : i64, tpu.core_type = #tpu.core_type<tc>, window_params = [{transform_indices = @transform_0, window_bounds = array<i64: 512, 128>}, {pipeline_mode = #tpu.pipeline_mode<synchronous>, transform_indices = @transform_1, window_bounds = array<i64: 2048, 128>}, {pipeline_mode = #tpu.pipeline_mode<synchronous>, transform_indices = @transform_2, window_bounds = array<i64: 1, 2048>}, {transform_indices = @transform_3, window_bounds = array<i64: 512, 16>}]} {
    %get3A = arith.constant 0 : index
    %get3A_0 = arith.constant 0 : index
    %get3A_1 = vector.load %arg1[%get3A, %get3A_0] : memref<512x128xf32, #tpu.memory_space<vmem>>, vector<512x128xf32>
    %get3A_2 = arith.constant 0 : index
    %get3A_3 = arith.constant 0 : index
    %get3A_4 = vector.load %arg2[%get3A_2, %get3A_3] : memref<2048x128xf32, #tpu.memory_space<vmem>>, vector<2048x128xf32>
    %dot_general3A = arith.constant dense<0.000000e+00> : vector<512x2048xf32>
    %dot_general3A_5 = tpu.matmul %get3A_1, %get3A_4, %dot_general3A {dimension_numbers = #tpu.dot_dimension_numbers<[1], [1], [0], [0], [0, 0, 1, 0], [], []>, transpose_lhs_hint = false} : vector<512x128xf32>, vector<2048x128xf32>, vector<512x2048xf32> -> vector<512x2048xf32>
    %get3A_6 = arith.constant 0 : index
    %get3A_7 = arith.constant 0 : index
    %get3A_8 = vector.load %arg3[%get3A_6, %get3A_7] : memref<1x2048xf32, #tpu.memory_space<vmem>>, vector<1x2048xf32>
    %get3A_9 = vector.shape_cast %get3A_8 : vector<1x2048xf32> to vector<2048xf32>
    %mul3A = arith.constant 2.000000e+00 : f32
    %mul3A_10 = vector.broadcast %mul3A : f32 to vector<512x2048xf32>
    %mul3A_11 = arith.mulf %mul3A_10, %dot_general3A_5 : vector<512x2048xf32>
    %broadcast_in_dim3A = vector.shape_cast %get3A_9 : vector<2048xf32> to vector<1x2048xf32>
    %sub3A = vector.broadcast %broadcast_in_dim3A : vector<1x2048xf32> to vector<512x2048xf32>
    %sub3A_12 = arith.subf %sub3A, %mul3A_11 : vector<512x2048xf32>
    %iota3A = tpu.iota {dimensions = array<i32: 1>} : vector<512x2048xi32>
    %iota3A_13 = tpu.iota {dimensions = array<i32: 0>} : vector<512x2048xi32>
    %mul3A_14 = arith.constant 512 : i32
    %mul3A_15 = arith.muli %arg0, %mul3A_14 : i32
    %add3A = vector.broadcast %mul3A_15 : i32 to vector<512x2048xi32>
    %add3A_16 = arith.addi %iota3A_13, %add3A : vector<512x2048xi32>
    %bitcast_convert_type3A = tpu.bitcast %sub3A_12 : vector<512x2048xf32> -> vector<512x2048xi32>
    %lt3A = arith.constant 0 : i32
    %lt3A_17 = vector.broadcast %lt3A : i32 to vector<512x2048xi32>
    %lt3A_18 = arith.cmpi slt, %bitcast_convert_type3A, %lt3A_17 : vector<512x2048xi32>
    %xor3A = arith.constant 2147483647 : i32
    %xor3A_19 = vector.broadcast %xor3A : i32 to vector<512x2048xi32>
    %xor3A_20 = arith.xori %bitcast_convert_type3A, %xor3A_19 : vector<512x2048xi32>
    %select_n3A = arith.select %lt3A_18, %xor3A_20, %bitcast_convert_type3A : vector<512x2048xi1>, vector<512x2048xi32>
    %not3A = arith.constant 2047 : i32
    %not3A_21 = arith.constant -1 : i32
    %not3A_22 = arith.xori %not3A, %not3A_21 : i32
    %and3A = vector.broadcast %not3A_22 : i32 to vector<512x2048xi32>
    %and3A_23 = arith.andi %select_n3A, %and3A : vector<512x2048xi32>
    %or3A = arith.ori %and3A_23, %iota3A : vector<512x2048xi32>
    %eq3A = arith.cmpi eq, %iota3A, %add3A_16 : vector<512x2048xi32>
    %jit3A = arith.constant 2147483647 : i32
    %broadcast_in_dim3A_24 = vector.broadcast %jit3A : i32 to vector<512x2048xi32>
    %select_n3A_25 = arith.select %eq3A, %broadcast_in_dim3A_24, %or3A : vector<512x2048xi1>, vector<512x2048xi32>
    %slice3A = vector.extract_strided_slice %select_n3A_25 {offsets = [0, 0], sizes = [512, 128], strides = [1, 1]} : vector<512x2048xi32> to vector<512x128xi32>
    %broadcast_in_dim3A_26 = arith.constant 2147483647 : i32
    %broadcast_in_dim3A_27 = vector.broadcast %broadcast_in_dim3A_26 : i32 to vector<512x128xi32>
    %broadcast_in_dim3A_28 = arith.constant 2147483647 : i32
    %broadcast_in_dim3A_29 = vector.broadcast %broadcast_in_dim3A_28 : i32 to vector<512x128xi32>
    %slice3A_30 = vector.extract_strided_slice %select_n3A_25 {offsets = [0, 128], sizes = [512, 128], strides = [1, 1]} : vector<512x2048xi32> to vector<512x128xi32>
    %min3A = arith.minsi %slice3A, %slice3A_30 : vector<512x128xi32>
    %max3A = arith.maxsi %slice3A, %slice3A_30 : vector<512x128xi32>
    %min3A_31 = arith.minsi %broadcast_in_dim3A_27, %max3A : vector<512x128xi32>
    %max3A_32 = arith.maxsi %broadcast_in_dim3A_27, %max3A : vector<512x128xi32>
    %min3A_33 = arith.minsi %broadcast_in_dim3A_29, %max3A_32 : vector<512x128xi32>
    %slice3A_34 = vector.extract_strided_slice %select_n3A_25 {offsets = [0, 256], sizes = [512, 128], strides = [1, 1]} : vector<512x2048xi32> to vector<512x128xi32>
    %min3A_35 = arith.minsi %min3A, %slice3A_34 : vector<512x128xi32>
    %max3A_36 = arith.maxsi %min3A, %slice3A_34 : vector<512x128xi32>
    %min3A_37 = arith.minsi %min3A_31, %max3A_36 : vector<512x128xi32>
    %max3A_38 = arith.maxsi %min3A_31, %max3A_36 : vector<512x128xi32>
    %min3A_39 = arith.minsi %min3A_33, %max3A_38 : vector<512x128xi32>
    %slice3A_40 = vector.extract_strided_slice %select_n3A_25 {offsets = [0, 384], sizes = [512, 128], strides = [1, 1]} : vector<512x2048xi32> to vector<512x128xi32>
    %min3A_41 = arith.minsi %min3A_35, %slice3A_40 : vector<512x128xi32>
    %max3A_42 = arith.maxsi %min3A_35, %slice3A_40 : vector<512x128xi32>
    %min3A_43 = arith.minsi %min3A_37, %max3A_42 : vector<512x128xi32>
    %max3A_44 = arith.maxsi %min3A_37, %max3A_42 : vector<512x128xi32>
    %min3A_45 = arith.minsi %min3A_39, %max3A_44 : vector<512x128xi32>
    %slice3A_46 = vector.extract_strided_slice %select_n3A_25 {offsets = [0, 512], sizes = [512, 128], strides = [1, 1]} : vector<512x2048xi32> to vector<512x128xi32>
    %min3A_47 = arith.minsi %min3A_41, %slice3A_46 : vector<512x128xi32>
    %max3A_48 = arith.maxsi %min3A_41, %slice3A_46 : vector<512x128xi32>
    %min3A_49 = arith.minsi %min3A_43, %max3A_48 : vector<512x128xi32>
    %max3A_50 = arith.maxsi %min3A_43, %max3A_48 : vector<512x128xi32>
    %min3A_51 = arith.minsi %min3A_45, %max3A_50 : vector<512x128xi32>
    %slice3A_52 = vector.extract_strided_slice %select_n3A_25 {offsets = [0, 640], sizes = [512, 128], strides = [1, 1]} : vector<512x2048xi32> to vector<512x128xi32>
    %min3A_53 = arith.minsi %min3A_47, %slice3A_52 : vector<512x128xi32>
    %max3A_54 = arith.maxsi %min3A_47, %slice3A_52 : vector<512x128xi32>
    %min3A_55 = arith.minsi %min3A_49, %max3A_54 : vector<512x128xi32>
    %max3A_56 = arith.maxsi %min3A_49, %max3A_54 : vector<512x128xi32>
    %min3A_57 = arith.minsi %min3A_51, %max3A_56 : vector<512x128xi32>
    %slice3A_58 = vector.extract_strided_slice %select_n3A_25 {offsets = [0, 768], sizes = [512, 128], strides = [1, 1]} : vector<512x2048xi32> to vector<512x128xi32>
    %min3A_59 = arith.minsi %min3A_53, %slice3A_58 : vector<512x128xi32>
    %max3A_60 = arith.maxsi %min3A_53, %slice3A_58 : vector<512x128xi32>
    %min3A_61 = arith.minsi %min3A_55, %max3A_60 : vector<512x128xi32>
    %max3A_62 = arith.maxsi %min3A_55, %max3A_60 : vector<512x128xi32>
    %min3A_63 = arith.minsi %min3A_57, %max3A_62 : vector<512x128xi32>
    %slice3A_64 = vector.extract_strided_slice %select_n3A_25 {offsets = [0, 896], sizes = [512, 128], strides = [1, 1]} : vector<512x2048xi32> to vector<512x128xi32>
    %min3A_65 = arith.minsi %min3A_59, %slice3A_64 : vector<512x128xi32>
    %max3A_66 = arith.maxsi %min3A_59, %slice3A_64 : vector<512x128xi32>
    %min3A_67 = arith.minsi %min3A_61, %max3A_66 : vector<512x128xi32>
    %max3A_68 = arith.maxsi %min3A_61, %max3A_66 : vector<512x128xi32>
    %min3A_69 = arith.minsi %min3A_63, %max3A_68 : vector<512x128xi32>
    %slice3A_70 = vector.extract_strided_slice %select_n3A_25 {offsets = [0, 1024], sizes = [512, 128], strides = [1, 1]} : vector<512x2048xi32> to vector<512x128xi32>
    %min3A_71 = arith.minsi %min3A_65, %slice3A_70 : vector<512x128xi32>
    %max3A_72 = arith.maxsi %min3A_65, %slice3A_70 : vector<512x128xi32>
    %min3A_73 = arith.minsi %min3A_67, %max3A_72 : vector<512x128xi32>
    %max3A_74 = arith.maxsi %min3A_67, %max3A_72 : vector<512x128xi32>
    %min3A_75 = arith.minsi %min3A_69, %max3A_74 : vector<512x128xi32>
    %slice3A_76 = vector.extract_strided_slice %select_n3A_25 {offsets = [0, 1152], sizes = [512, 128], strides = [1, 1]} : vector<512x2048xi32> to vector<512x128xi32>
    %min3A_77 = arith.minsi %min3A_71, %slice3A_76 : vector<512x128xi32>
    %max3A_78 = arith.maxsi %min3A_71, %slice3A_76 : vector<512x128xi32>
    %min3A_79 = arith.minsi %min3A_73, %max3A_78 : vector<512x128xi32>
    %max3A_80 = arith.maxsi %min3A_73, %max3A_78 : vector<512x128xi32>
    %min3A_81 = arith.minsi %min3A_75, %max3A_80 : vector<512x128xi32>
    %slice3A_82 = vector.extract_strided_slice %select_n3A_25 {offsets = [0, 1280], sizes = [512, 128], strides = [1, 1]} : vector<512x2048xi32> to vector<512x128xi32>
    %min3A_83 = arith.minsi %min3A_77, %slice3A_82 : vector<512x128xi32>
    %max3A_84 = arith.maxsi %min3A_77, %slice3A_82 : vector<512x128xi32>
    %min3A_85 = arith.minsi %min3A_79, %max3A_84 : vector<512x128xi32>
    %max3A_86 = arith.maxsi %min3A_79, %max3A_84 : vector<512x128xi32>
    %min3A_87 = arith.minsi %min3A_81, %max3A_86 : vector<512x128xi32>
    %slice3A_88 = vector.extract_strided_slice %select_n3A_25 {offsets = [0, 1408], sizes = [512, 128], strides = [1, 1]} : vector<512x2048xi32> to vector<512x128xi32>
    %min3A_89 = arith.minsi %min3A_83, %slice3A_88 : vector<512x128xi32>
    %max3A_90 = arith.maxsi %min3A_83, %slice3A_88 : vector<512x128xi32>
    %min3A_91 = arith.minsi %min3A_85, %max3A_90 : vector<512x128xi32>
    %max3A_92 = arith.maxsi %min3A_85, %max3A_90 : vector<512x128xi32>
    %min3A_93 = arith.minsi %min3A_87, %max3A_92 : vector<512x128xi32>
    %slice3A_94 = vector.extract_strided_slice %select_n3A_25 {offsets = [0, 1536], sizes = [512, 128], strides = [1, 1]} : vector<512x2048xi32> to vector<512x128xi32>
    %min3A_95 = arith.minsi %min3A_89, %slice3A_94 : vector<512x128xi32>
    %max3A_96 = arith.maxsi %min3A_89, %slice3A_94 : vector<512x128xi32>
    %min3A_97 = arith.minsi %min3A_91, %max3A_96 : vector<512x128xi32>
    %max3A_98 = arith.maxsi %min3A_91, %max3A_96 : vector<512x128xi32>
    %min3A_99 = arith.minsi %min3A_93, %max3A_98 : vector<512x128xi32>
    %slice3A_100 = vector.extract_strided_slice %select_n3A_25 {offsets = [0, 1664], sizes = [512, 128], strides = [1, 1]} : vector<512x2048xi32> to vector<512x128xi32>
    %min3A_101 = arith.minsi %min3A_95, %slice3A_100 : vector<512x128xi32>
    %max3A_102 = arith.maxsi %min3A_95, %slice3A_100 : vector<512x128xi32>
    %min3A_103 = arith.minsi %min3A_97, %max3A_102 : vector<512x128xi32>
    %max3A_104 = arith.maxsi %min3A_97, %max3A_102 : vector<512x128xi32>
    %min3A_105 = arith.minsi %min3A_99, %max3A_104 : vector<512x128xi32>
    %slice3A_106 = vector.extract_strided_slice %select_n3A_25 {offsets = [0, 1792], sizes = [512, 128], strides = [1, 1]} : vector<512x2048xi32> to vector<512x128xi32>
    %min3A_107 = arith.minsi %min3A_101, %slice3A_106 : vector<512x128xi32>
    %max3A_108 = arith.maxsi %min3A_101, %slice3A_106 : vector<512x128xi32>
    %min3A_109 = arith.minsi %min3A_103, %max3A_108 : vector<512x128xi32>
    %max3A_110 = arith.maxsi %min3A_103, %max3A_108 : vector<512x128xi32>
    %min3A_111 = arith.minsi %min3A_105, %max3A_110 : vector<512x128xi32>
    %slice3A_112 = vector.extract_strided_slice %select_n3A_25 {offsets = [0, 1920], sizes = [512, 128], strides = [1, 1]} : vector<512x2048xi32> to vector<512x128xi32>
    %min3A_113 = arith.minsi %min3A_107, %slice3A_112 : vector<512x128xi32>
    %max3A_114 = arith.maxsi %min3A_107, %slice3A_112 : vector<512x128xi32>
    %min3A_115 = arith.minsi %min3A_109, %max3A_114 : vector<512x128xi32>
    %max3A_116 = arith.maxsi %min3A_109, %max3A_114 : vector<512x128xi32>
    %min3A_117 = arith.minsi %min3A_111, %max3A_116 : vector<512x128xi32>
    %iota3A_118 = tpu.iota {dimensions = array<i32: 1>} : vector<512x128xi32>
    %reduce_min3A = arith.constant dense<2147483647> : vector<512xi32>
    %reduce_min3A_119 = vector.multi_reduction <minsi>, %min3A_113, %reduce_min3A [1] : vector<512x128xi32> to vector<512xi32>
    %broadcast_in_dim3A_120 = vector.shape_cast %reduce_min3A_119 : vector<512xi32> to vector<512x1xi32>
    %and3A_121 = arith.constant 2047 : i32
    %and3A_122 = vector.broadcast %and3A_121 : i32 to vector<512x1xi32>
    %and3A_123 = arith.andi %broadcast_in_dim3A_120, %and3A_122 : vector<512x1xi32>
    %and3A_124 = arith.constant 127 : i32
    %and3A_125 = vector.broadcast %and3A_124 : i32 to vector<512x1xi32>
    %and3A_126 = arith.andi %broadcast_in_dim3A_120, %and3A_125 : vector<512x1xi32>
    %eq3A_127 = vector.broadcast %and3A_126 : vector<512x1xi32> to vector<512x128xi32>
    %eq3A_128 = arith.cmpi eq, %iota3A_118, %eq3A_127 : vector<512x128xi32>
    %select_n3A_129 = arith.select %eq3A_128, %min3A_115, %min3A_113 : vector<512x128xi1>, vector<512x128xi32>
    %select_n3A_130 = arith.select %eq3A_128, %min3A_117, %min3A_115 : vector<512x128xi1>, vector<512x128xi32>
    %jit3A_131 = arith.constant 2147483647 : i32
    %broadcast_in_dim3A_132 = vector.broadcast %jit3A_131 : i32 to vector<512x128xi32>
    %select_n3A_133 = arith.select %eq3A_128, %broadcast_in_dim3A_132, %min3A_117 : vector<512x128xi1>, vector<512x128xi32>
    %reduce_min3A_134 = arith.constant dense<2147483647> : vector<512xi32>
    %reduce_min3A_135 = vector.multi_reduction <minsi>, %select_n3A_129, %reduce_min3A_134 [1] : vector<512x128xi32> to vector<512xi32>
    %broadcast_in_dim3A_136 = vector.shape_cast %reduce_min3A_135 : vector<512xi32> to vector<512x1xi32>
    %and3A_137 = arith.constant 2047 : i32
    %and3A_138 = vector.broadcast %and3A_137 : i32 to vector<512x1xi32>
    %and3A_139 = arith.andi %broadcast_in_dim3A_136, %and3A_138 : vector<512x1xi32>
    %and3A_140 = arith.constant 127 : i32
    %and3A_141 = vector.broadcast %and3A_140 : i32 to vector<512x1xi32>
    %and3A_142 = arith.andi %broadcast_in_dim3A_136, %and3A_141 : vector<512x1xi32>
    %eq3A_143 = vector.broadcast %and3A_142 : vector<512x1xi32> to vector<512x128xi32>
    %eq3A_144 = arith.cmpi eq, %iota3A_118, %eq3A_143 : vector<512x128xi32>
    %select_n3A_145 = arith.select %eq3A_144, %select_n3A_130, %select_n3A_129 : vector<512x128xi1>, vector<512x128xi32>
    %select_n3A_146 = arith.select %eq3A_144, %select_n3A_133, %select_n3A_130 : vector<512x128xi1>, vector<512x128xi32>
    %jit3A_147 = arith.constant 2147483647 : i32
    %broadcast_in_dim3A_148 = vector.broadcast %jit3A_147 : i32 to vector<512x128xi32>
    %select_n3A_149 = arith.select %eq3A_144, %broadcast_in_dim3A_148, %select_n3A_133 : vector<512x128xi1>, vector<512x128xi32>
    %reduce_min3A_150 = arith.constant dense<2147483647> : vector<512xi32>
    %reduce_min3A_151 = vector.multi_reduction <minsi>, %select_n3A_145, %reduce_min3A_150 [1] : vector<512x128xi32> to vector<512xi32>
    %broadcast_in_dim3A_152 = vector.shape_cast %reduce_min3A_151 : vector<512xi32> to vector<512x1xi32>
    %and3A_153 = arith.constant 2047 : i32
    %and3A_154 = vector.broadcast %and3A_153 : i32 to vector<512x1xi32>
    %and3A_155 = arith.andi %broadcast_in_dim3A_152, %and3A_154 : vector<512x1xi32>
    %and3A_156 = arith.constant 127 : i32
    %and3A_157 = vector.broadcast %and3A_156 : i32 to vector<512x1xi32>
    %and3A_158 = arith.andi %broadcast_in_dim3A_152, %and3A_157 : vector<512x1xi32>
    %eq3A_159 = vector.broadcast %and3A_158 : vector<512x1xi32> to vector<512x128xi32>
    %eq3A_160 = arith.cmpi eq, %iota3A_118, %eq3A_159 : vector<512x128xi32>
    %select_n3A_161 = arith.select %eq3A_160, %select_n3A_146, %select_n3A_145 : vector<512x128xi1>, vector<512x128xi32>
    %select_n3A_162 = arith.select %eq3A_160, %select_n3A_149, %select_n3A_146 : vector<512x128xi1>, vector<512x128xi32>
    %jit3A_163 = arith.constant 2147483647 : i32
    %broadcast_in_dim3A_164 = vector.broadcast %jit3A_163 : i32 to vector<512x128xi32>
    %select_n3A_165 = arith.select %eq3A_160, %broadcast_in_dim3A_164, %select_n3A_149 : vector<512x128xi1>, vector<512x128xi32>
    %reduce_min3A_166 = arith.constant dense<2147483647> : vector<512xi32>
    %reduce_min3A_167 = vector.multi_reduction <minsi>, %select_n3A_161, %reduce_min3A_166 [1] : vector<512x128xi32> to vector<512xi32>
    %broadcast_in_dim3A_168 = vector.shape_cast %reduce_min3A_167 : vector<512xi32> to vector<512x1xi32>
    %and3A_169 = arith.constant 2047 : i32
    %and3A_170 = vector.broadcast %and3A_169 : i32 to vector<512x1xi32>
    %and3A_171 = arith.andi %broadcast_in_dim3A_168, %and3A_170 : vector<512x1xi32>
    %and3A_172 = arith.constant 127 : i32
    %and3A_173 = vector.broadcast %and3A_172 : i32 to vector<512x1xi32>
    %and3A_174 = arith.andi %broadcast_in_dim3A_168, %and3A_173 : vector<512x1xi32>
    %eq3A_175 = vector.broadcast %and3A_174 : vector<512x1xi32> to vector<512x128xi32>
    %eq3A_176 = arith.cmpi eq, %iota3A_118, %eq3A_175 : vector<512x128xi32>
    %select_n3A_177 = arith.select %eq3A_176, %select_n3A_162, %select_n3A_161 : vector<512x128xi1>, vector<512x128xi32>
    %select_n3A_178 = arith.select %eq3A_176, %select_n3A_165, %select_n3A_162 : vector<512x128xi1>, vector<512x128xi32>
    %jit3A_179 = arith.constant 2147483647 : i32
    %broadcast_in_dim3A_180 = vector.broadcast %jit3A_179 : i32 to vector<512x128xi32>
    %select_n3A_181 = arith.select %eq3A_176, %broadcast_in_dim3A_180, %select_n3A_165 : vector<512x128xi1>, vector<512x128xi32>
    %reduce_min3A_182 = arith.constant dense<2147483647> : vector<512xi32>
    %reduce_min3A_183 = vector.multi_reduction <minsi>, %select_n3A_177, %reduce_min3A_182 [1] : vector<512x128xi32> to vector<512xi32>
    %broadcast_in_dim3A_184 = vector.shape_cast %reduce_min3A_183 : vector<512xi32> to vector<512x1xi32>
    %and3A_185 = arith.constant 2047 : i32
    %and3A_186 = vector.broadcast %and3A_185 : i32 to vector<512x1xi32>
    %and3A_187 = arith.andi %broadcast_in_dim3A_184, %and3A_186 : vector<512x1xi32>
    %and3A_188 = arith.constant 127 : i32
    %and3A_189 = vector.broadcast %and3A_188 : i32 to vector<512x1xi32>
    %and3A_190 = arith.andi %broadcast_in_dim3A_184, %and3A_189 : vector<512x1xi32>
    %eq3A_191 = vector.broadcast %and3A_190 : vector<512x1xi32> to vector<512x128xi32>
    %eq3A_192 = arith.cmpi eq, %iota3A_118, %eq3A_191 : vector<512x128xi32>
    %select_n3A_193 = arith.select %eq3A_192, %select_n3A_178, %select_n3A_177 : vector<512x128xi1>, vector<512x128xi32>
    %select_n3A_194 = arith.select %eq3A_192, %select_n3A_181, %select_n3A_178 : vector<512x128xi1>, vector<512x128xi32>
    %jit3A_195 = arith.constant 2147483647 : i32
    %broadcast_in_dim3A_196 = vector.broadcast %jit3A_195 : i32 to vector<512x128xi32>
    %select_n3A_197 = arith.select %eq3A_192, %broadcast_in_dim3A_196, %select_n3A_181 : vector<512x128xi1>, vector<512x128xi32>
    %reduce_min3A_198 = arith.constant dense<2147483647> : vector<512xi32>
    %reduce_min3A_199 = vector.multi_reduction <minsi>, %select_n3A_193, %reduce_min3A_198 [1] : vector<512x128xi32> to vector<512xi32>
    %broadcast_in_dim3A_200 = vector.shape_cast %reduce_min3A_199 : vector<512xi32> to vector<512x1xi32>
    %and3A_201 = arith.constant 2047 : i32
    %and3A_202 = vector.broadcast %and3A_201 : i32 to vector<512x1xi32>
    %and3A_203 = arith.andi %broadcast_in_dim3A_200, %and3A_202 : vector<512x1xi32>
    %and3A_204 = arith.constant 127 : i32
    %and3A_205 = vector.broadcast %and3A_204 : i32 to vector<512x1xi32>
    %and3A_206 = arith.andi %broadcast_in_dim3A_200, %and3A_205 : vector<512x1xi32>
    %eq3A_207 = vector.broadcast %and3A_206 : vector<512x1xi32> to vector<512x128xi32>
    %eq3A_208 = arith.cmpi eq, %iota3A_118, %eq3A_207 : vector<512x128xi32>
    %select_n3A_209 = arith.select %eq3A_208, %select_n3A_194, %select_n3A_193 : vector<512x128xi1>, vector<512x128xi32>
    %select_n3A_210 = arith.select %eq3A_208, %select_n3A_197, %select_n3A_194 : vector<512x128xi1>, vector<512x128xi32>
    %jit3A_211 = arith.constant 2147483647 : i32
    %broadcast_in_dim3A_212 = vector.broadcast %jit3A_211 : i32 to vector<512x128xi32>
    %select_n3A_213 = arith.select %eq3A_208, %broadcast_in_dim3A_212, %select_n3A_197 : vector<512x128xi1>, vector<512x128xi32>
    %reduce_min3A_214 = arith.constant dense<2147483647> : vector<512xi32>
    %reduce_min3A_215 = vector.multi_reduction <minsi>, %select_n3A_209, %reduce_min3A_214 [1] : vector<512x128xi32> to vector<512xi32>
    %broadcast_in_dim3A_216 = vector.shape_cast %reduce_min3A_215 : vector<512xi32> to vector<512x1xi32>
    %and3A_217 = arith.constant 2047 : i32
    %and3A_218 = vector.broadcast %and3A_217 : i32 to vector<512x1xi32>
    %and3A_219 = arith.andi %broadcast_in_dim3A_216, %and3A_218 : vector<512x1xi32>
    %and3A_220 = arith.constant 127 : i32
    %and3A_221 = vector.broadcast %and3A_220 : i32 to vector<512x1xi32>
    %and3A_222 = arith.andi %broadcast_in_dim3A_216, %and3A_221 : vector<512x1xi32>
    %eq3A_223 = vector.broadcast %and3A_222 : vector<512x1xi32> to vector<512x128xi32>
    %eq3A_224 = arith.cmpi eq, %iota3A_118, %eq3A_223 : vector<512x128xi32>
    %select_n3A_225 = arith.select %eq3A_224, %select_n3A_210, %select_n3A_209 : vector<512x128xi1>, vector<512x128xi32>
    %select_n3A_226 = arith.select %eq3A_224, %select_n3A_213, %select_n3A_210 : vector<512x128xi1>, vector<512x128xi32>
    %jit3A_227 = arith.constant 2147483647 : i32
    %broadcast_in_dim3A_228 = vector.broadcast %jit3A_227 : i32 to vector<512x128xi32>
    %select_n3A_229 = arith.select %eq3A_224, %broadcast_in_dim3A_228, %select_n3A_213 : vector<512x128xi1>, vector<512x128xi32>
    %reduce_min3A_230 = arith.constant dense<2147483647> : vector<512xi32>
    %reduce_min3A_231 = vector.multi_reduction <minsi>, %select_n3A_225, %reduce_min3A_230 [1] : vector<512x128xi32> to vector<512xi32>
    %broadcast_in_dim3A_232 = vector.shape_cast %reduce_min3A_231 : vector<512xi32> to vector<512x1xi32>
    %and3A_233 = arith.constant 2047 : i32
    %and3A_234 = vector.broadcast %and3A_233 : i32 to vector<512x1xi32>
    %and3A_235 = arith.andi %broadcast_in_dim3A_232, %and3A_234 : vector<512x1xi32>
    %and3A_236 = arith.constant 127 : i32
    %and3A_237 = vector.broadcast %and3A_236 : i32 to vector<512x1xi32>
    %and3A_238 = arith.andi %broadcast_in_dim3A_232, %and3A_237 : vector<512x1xi32>
    %eq3A_239 = vector.broadcast %and3A_238 : vector<512x1xi32> to vector<512x128xi32>
    %eq3A_240 = arith.cmpi eq, %iota3A_118, %eq3A_239 : vector<512x128xi32>
    %select_n3A_241 = arith.select %eq3A_240, %select_n3A_226, %select_n3A_225 : vector<512x128xi1>, vector<512x128xi32>
    %select_n3A_242 = arith.select %eq3A_240, %select_n3A_229, %select_n3A_226 : vector<512x128xi1>, vector<512x128xi32>
    %jit3A_243 = arith.constant 2147483647 : i32
    %broadcast_in_dim3A_244 = vector.broadcast %jit3A_243 : i32 to vector<512x128xi32>
    %select_n3A_245 = arith.select %eq3A_240, %broadcast_in_dim3A_244, %select_n3A_229 : vector<512x128xi1>, vector<512x128xi32>
    %reduce_min3A_246 = arith.constant dense<2147483647> : vector<512xi32>
    %reduce_min3A_247 = vector.multi_reduction <minsi>, %select_n3A_241, %reduce_min3A_246 [1] : vector<512x128xi32> to vector<512xi32>
    %broadcast_in_dim3A_248 = vector.shape_cast %reduce_min3A_247 : vector<512xi32> to vector<512x1xi32>
    %and3A_249 = arith.constant 2047 : i32
    %and3A_250 = vector.broadcast %and3A_249 : i32 to vector<512x1xi32>
    %and3A_251 = arith.andi %broadcast_in_dim3A_248, %and3A_250 : vector<512x1xi32>
    %and3A_252 = arith.constant 127 : i32
    %and3A_253 = vector.broadcast %and3A_252 : i32 to vector<512x1xi32>
    %and3A_254 = arith.andi %broadcast_in_dim3A_248, %and3A_253 : vector<512x1xi32>
    %eq3A_255 = vector.broadcast %and3A_254 : vector<512x1xi32> to vector<512x128xi32>
    %eq3A_256 = arith.cmpi eq, %iota3A_118, %eq3A_255 : vector<512x128xi32>
    %select_n3A_257 = arith.select %eq3A_256, %select_n3A_242, %select_n3A_241 : vector<512x128xi1>, vector<512x128xi32>
    %select_n3A_258 = arith.select %eq3A_256, %select_n3A_245, %select_n3A_242 : vector<512x128xi1>, vector<512x128xi32>
    %jit3A_259 = arith.constant 2147483647 : i32
    %broadcast_in_dim3A_260 = vector.broadcast %jit3A_259 : i32 to vector<512x128xi32>
    %select_n3A_261 = arith.select %eq3A_256, %broadcast_in_dim3A_260, %select_n3A_245 : vector<512x128xi1>, vector<512x128xi32>
    %reduce_min3A_262 = arith.constant dense<2147483647> : vector<512xi32>
    %reduce_min3A_263 = vector.multi_reduction <minsi>, %select_n3A_257, %reduce_min3A_262 [1] : vector<512x128xi32> to vector<512xi32>
    %broadcast_in_dim3A_264 = vector.shape_cast %reduce_min3A_263 : vector<512xi32> to vector<512x1xi32>
    %and3A_265 = arith.constant 2047 : i32
    %and3A_266 = vector.broadcast %and3A_265 : i32 to vector<512x1xi32>
    %and3A_267 = arith.andi %broadcast_in_dim3A_264, %and3A_266 : vector<512x1xi32>
    %and3A_268 = arith.constant 127 : i32
    %and3A_269 = vector.broadcast %and3A_268 : i32 to vector<512x1xi32>
    %and3A_270 = arith.andi %broadcast_in_dim3A_264, %and3A_269 : vector<512x1xi32>
    %eq3A_271 = vector.broadcast %and3A_270 : vector<512x1xi32> to vector<512x128xi32>
    %eq3A_272 = arith.cmpi eq, %iota3A_118, %eq3A_271 : vector<512x128xi32>
    %select_n3A_273 = arith.select %eq3A_272, %select_n3A_258, %select_n3A_257 : vector<512x128xi1>, vector<512x128xi32>
    %select_n3A_274 = arith.select %eq3A_272, %select_n3A_261, %select_n3A_258 : vector<512x128xi1>, vector<512x128xi32>
    %jit3A_275 = arith.constant 2147483647 : i32
    %broadcast_in_dim3A_276 = vector.broadcast %jit3A_275 : i32 to vector<512x128xi32>
    %select_n3A_277 = arith.select %eq3A_272, %broadcast_in_dim3A_276, %select_n3A_261 : vector<512x128xi1>, vector<512x128xi32>
    %reduce_min3A_278 = arith.constant dense<2147483647> : vector<512xi32>
    %reduce_min3A_279 = vector.multi_reduction <minsi>, %select_n3A_273, %reduce_min3A_278 [1] : vector<512x128xi32> to vector<512xi32>
    %broadcast_in_dim3A_280 = vector.shape_cast %reduce_min3A_279 : vector<512xi32> to vector<512x1xi32>
    %and3A_281 = arith.constant 2047 : i32
    %and3A_282 = vector.broadcast %and3A_281 : i32 to vector<512x1xi32>
    %and3A_283 = arith.andi %broadcast_in_dim3A_280, %and3A_282 : vector<512x1xi32>
    %and3A_284 = arith.constant 127 : i32
    %and3A_285 = vector.broadcast %and3A_284 : i32 to vector<512x1xi32>
    %and3A_286 = arith.andi %broadcast_in_dim3A_280, %and3A_285 : vector<512x1xi32>
    %eq3A_287 = vector.broadcast %and3A_286 : vector<512x1xi32> to vector<512x128xi32>
    %eq3A_288 = arith.cmpi eq, %iota3A_118, %eq3A_287 : vector<512x128xi32>
    %select_n3A_289 = arith.select %eq3A_288, %select_n3A_274, %select_n3A_273 : vector<512x128xi1>, vector<512x128xi32>
    %select_n3A_290 = arith.select %eq3A_288, %select_n3A_277, %select_n3A_274 : vector<512x128xi1>, vector<512x128xi32>
    %jit3A_291 = arith.constant 2147483647 : i32
    %broadcast_in_dim3A_292 = vector.broadcast %jit3A_291 : i32 to vector<512x128xi32>
    %select_n3A_293 = arith.select %eq3A_288, %broadcast_in_dim3A_292, %select_n3A_277 : vector<512x128xi1>, vector<512x128xi32>
    %reduce_min3A_294 = arith.constant dense<2147483647> : vector<512xi32>
    %reduce_min3A_295 = vector.multi_reduction <minsi>, %select_n3A_289, %reduce_min3A_294 [1] : vector<512x128xi32> to vector<512xi32>
    %broadcast_in_dim3A_296 = vector.shape_cast %reduce_min3A_295 : vector<512xi32> to vector<512x1xi32>
    %and3A_297 = arith.constant 2047 : i32
    %and3A_298 = vector.broadcast %and3A_297 : i32 to vector<512x1xi32>
    %and3A_299 = arith.andi %broadcast_in_dim3A_296, %and3A_298 : vector<512x1xi32>
    %and3A_300 = arith.constant 127 : i32
    %and3A_301 = vector.broadcast %and3A_300 : i32 to vector<512x1xi32>
    %and3A_302 = arith.andi %broadcast_in_dim3A_296, %and3A_301 : vector<512x1xi32>
    %eq3A_303 = vector.broadcast %and3A_302 : vector<512x1xi32> to vector<512x128xi32>
    %eq3A_304 = arith.cmpi eq, %iota3A_118, %eq3A_303 : vector<512x128xi32>
    %select_n3A_305 = arith.select %eq3A_304, %select_n3A_290, %select_n3A_289 : vector<512x128xi1>, vector<512x128xi32>
    %select_n3A_306 = arith.select %eq3A_304, %select_n3A_293, %select_n3A_290 : vector<512x128xi1>, vector<512x128xi32>
    %jit3A_307 = arith.constant 2147483647 : i32
    %broadcast_in_dim3A_308 = vector.broadcast %jit3A_307 : i32 to vector<512x128xi32>
    %select_n3A_309 = arith.select %eq3A_304, %broadcast_in_dim3A_308, %select_n3A_293 : vector<512x128xi1>, vector<512x128xi32>
    %reduce_min3A_310 = arith.constant dense<2147483647> : vector<512xi32>
    %reduce_min3A_311 = vector.multi_reduction <minsi>, %select_n3A_305, %reduce_min3A_310 [1] : vector<512x128xi32> to vector<512xi32>
    %broadcast_in_dim3A_312 = vector.shape_cast %reduce_min3A_311 : vector<512xi32> to vector<512x1xi32>
    %and3A_313 = arith.constant 2047 : i32
    %and3A_314 = vector.broadcast %and3A_313 : i32 to vector<512x1xi32>
    %and3A_315 = arith.andi %broadcast_in_dim3A_312, %and3A_314 : vector<512x1xi32>
    %and3A_316 = arith.constant 127 : i32
    %and3A_317 = vector.broadcast %and3A_316 : i32 to vector<512x1xi32>
    %and3A_318 = arith.andi %broadcast_in_dim3A_312, %and3A_317 : vector<512x1xi32>
    %eq3A_319 = vector.broadcast %and3A_318 : vector<512x1xi32> to vector<512x128xi32>
    %eq3A_320 = arith.cmpi eq, %iota3A_118, %eq3A_319 : vector<512x128xi32>
    %select_n3A_321 = arith.select %eq3A_320, %select_n3A_306, %select_n3A_305 : vector<512x128xi1>, vector<512x128xi32>
    %select_n3A_322 = arith.select %eq3A_320, %select_n3A_309, %select_n3A_306 : vector<512x128xi1>, vector<512x128xi32>
    %jit3A_323 = arith.constant 2147483647 : i32
    %broadcast_in_dim3A_324 = vector.broadcast %jit3A_323 : i32 to vector<512x128xi32>
    %select_n3A_325 = arith.select %eq3A_320, %broadcast_in_dim3A_324, %select_n3A_309 : vector<512x128xi1>, vector<512x128xi32>
    %reduce_min3A_326 = arith.constant dense<2147483647> : vector<512xi32>
    %reduce_min3A_327 = vector.multi_reduction <minsi>, %select_n3A_321, %reduce_min3A_326 [1] : vector<512x128xi32> to vector<512xi32>
    %broadcast_in_dim3A_328 = vector.shape_cast %reduce_min3A_327 : vector<512xi32> to vector<512x1xi32>
    %and3A_329 = arith.constant 2047 : i32
    %and3A_330 = vector.broadcast %and3A_329 : i32 to vector<512x1xi32>
    %and3A_331 = arith.andi %broadcast_in_dim3A_328, %and3A_330 : vector<512x1xi32>
    %and3A_332 = arith.constant 127 : i32
    %and3A_333 = vector.broadcast %and3A_332 : i32 to vector<512x1xi32>
    %and3A_334 = arith.andi %broadcast_in_dim3A_328, %and3A_333 : vector<512x1xi32>
    %eq3A_335 = vector.broadcast %and3A_334 : vector<512x1xi32> to vector<512x128xi32>
    %eq3A_336 = arith.cmpi eq, %iota3A_118, %eq3A_335 : vector<512x128xi32>
    %select_n3A_337 = arith.select %eq3A_336, %select_n3A_322, %select_n3A_321 : vector<512x128xi1>, vector<512x128xi32>
    %select_n3A_338 = arith.select %eq3A_336, %select_n3A_325, %select_n3A_322 : vector<512x128xi1>, vector<512x128xi32>
    %reduce_min3A_339 = arith.constant dense<2147483647> : vector<512xi32>
    %reduce_min3A_340 = vector.multi_reduction <minsi>, %select_n3A_337, %reduce_min3A_339 [1] : vector<512x128xi32> to vector<512xi32>
    %broadcast_in_dim3A_341 = vector.shape_cast %reduce_min3A_340 : vector<512xi32> to vector<512x1xi32>
    %and3A_342 = arith.constant 2047 : i32
    %and3A_343 = vector.broadcast %and3A_342 : i32 to vector<512x1xi32>
    %and3A_344 = arith.andi %broadcast_in_dim3A_341, %and3A_343 : vector<512x1xi32>
    %and3A_345 = arith.constant 127 : i32
    %and3A_346 = vector.broadcast %and3A_345 : i32 to vector<512x1xi32>
    %and3A_347 = arith.andi %broadcast_in_dim3A_341, %and3A_346 : vector<512x1xi32>
    %eq3A_348 = vector.broadcast %and3A_347 : vector<512x1xi32> to vector<512x128xi32>
    %eq3A_349 = arith.cmpi eq, %iota3A_118, %eq3A_348 : vector<512x128xi32>
    %select_n3A_350 = arith.select %eq3A_349, %select_n3A_338, %select_n3A_337 : vector<512x128xi1>, vector<512x128xi32>
    %reduce_min3A_351 = arith.constant dense<2147483647> : vector<512xi32>
    %reduce_min3A_352 = vector.multi_reduction <minsi>, %select_n3A_350, %reduce_min3A_351 [1] : vector<512x128xi32> to vector<512xi32>
    %broadcast_in_dim3A_353 = vector.shape_cast %reduce_min3A_352 : vector<512xi32> to vector<512x1xi32>
    %and3A_354 = arith.constant 2047 : i32
    %and3A_355 = vector.broadcast %and3A_354 : i32 to vector<512x1xi32>
    %and3A_356 = arith.andi %broadcast_in_dim3A_353, %and3A_355 : vector<512x1xi32>
    %concatenate3A = tpu.concatenate %and3A_123, %and3A_139, %and3A_155, %and3A_171, %and3A_187, %and3A_203, %and3A_219, %and3A_235, %and3A_251, %and3A_267, %and3A_283, %and3A_299, %and3A_315, %and3A_331, %and3A_344, %and3A_356 in 1 : vector<512x1xi32>, vector<512x1xi32>, vector<512x1xi32>, vector<512x1xi32>, vector<512x1xi32>, vector<512x1xi32>, vector<512x1xi32>, vector<512x1xi32>, vector<512x1xi32>, vector<512x1xi32>, vector<512x1xi32>, vector<512x1xi32>, vector<512x1xi32>, vector<512x1xi32>, vector<512x1xi32>, vector<512x1xi32> -> vector<512x16xi32>
    %add3A_357 = arith.constant 4096 : i32
    %add3A_358 = vector.broadcast %add3A_357 : i32 to vector<512x16xi32>
    %add3A_359 = arith.addi %concatenate3A, %add3A_358 : vector<512x16xi32>
    %swap3A = arith.constant 0 : index
    %swap3A_360 = arith.constant 0 : index
    %swap3A_361 = vector.load %arg4[%swap3A, %swap3A_360] : memref<512x16xi32, #tpu.memory_space<vmem>>, vector<512x16xi32>
    tpu.vector_store %arg4[%swap3A, %swap3A_360], %add3A_359 {strides = array<i32>} : memref<512x16xi32, #tpu.memory_space<vmem>>, vector<512x16xi32>,
    return
  }
  func.func @transform_0(%arg0: i32) -> (i32, i32) {
    %c0_i32 = arith.constant 0 : i32
    %c0_i32_0 = arith.constant 0 : i32
    return %arg0, %c0_i32 : i32, i32
  }
  func.func @transform_1(%arg0: i32) -> (i32, i32) {
    %c0_i32 = arith.constant 0 : i32
    %c0_i32_0 = arith.constant 0 : i32
    %c0_i32_1 = arith.constant 0 : i32
    return %c0_i32, %c0_i32_0 : i32, i32
  }
  func.func @transform_2(%arg0: i32) -> (i32, i32) {
    %c0_i32 = arith.constant 0 : i32
    %c0_i32_0 = arith.constant 0 : i32
    %c0_i32_1 = arith.constant 0 : i32
    return %c0_i32, %c0_i32_0 : i32, i32
  }
  func.func @transform_3(%arg0: i32) -> (i32, i32) {
    %c0_i32 = arith.constant 0 : i32
    %c0_i32_0 = arith.constant 0 : i32
    return %arg0, %c0_i32 : i32, i32
  }
}

module attributes {stable_mosaic.version = 14 : i64} {
  func.func @_a2_body(%arg0: i32, %arg1: memref<512x128xf32, #tpu.memory_space<vmem>>, %arg2: memref<2048x128xf32, #tpu.memory_space<vmem>>, %arg3: memref<1x2048xf32, #tpu.memory_space<vmem>>, %arg4: memref<512x16xi32, #tpu.memory_space<vmem>>) attributes {dimension_semantics = [#tpu.dimension_semantics<arbitrary>], iteration_bounds = array<i64: 4>, scalar_prefetch = 0 : i64, scratch_operands = 0 : i64, tpu.core_type = #tpu.core_type<tc>, window_params = [{transform_indices = @transform_0, window_bounds = array<i64: 512, 128>}, {pipeline_mode = #tpu.pipeline_mode<synchronous>, transform_indices = @transform_1, window_bounds = array<i64: 2048, 128>}, {pipeline_mode = #tpu.pipeline_mode<synchronous>, transform_indices = @transform_2, window_bounds = array<i64: 1, 2048>}, {transform_indices = @transform_3, window_bounds = array<i64: 512, 16>}]} {
    %get3A = arith.constant 0 : index
    %get3A_0 = arith.constant 0 : index
    %get3A_1 = vector.load %arg1[%get3A, %get3A_0] : memref<512x128xf32, #tpu.memory_space<vmem>>, vector<512x128xf32>
    %get3A_2 = arith.constant 0 : index
    %get3A_3 = arith.constant 0 : index
    %get3A_4 = vector.load %arg2[%get3A_2, %get3A_3] : memref<2048x128xf32, #tpu.memory_space<vmem>>, vector<2048x128xf32>
    %dot_general3A = arith.constant dense<0.000000e+00> : vector<512x2048xf32>
    %dot_general3A_5 = tpu.matmul %get3A_1, %get3A_4, %dot_general3A {dimension_numbers = #tpu.dot_dimension_numbers<[1], [1], [0], [0], [0, 0, 1, 0], [], []>, transpose_lhs_hint = false} : vector<512x128xf32>, vector<2048x128xf32>, vector<512x2048xf32> -> vector<512x2048xf32>
    %get3A_6 = arith.constant 0 : index
    %get3A_7 = arith.constant 0 : index
    %get3A_8 = vector.load %arg3[%get3A_6, %get3A_7] : memref<1x2048xf32, #tpu.memory_space<vmem>>, vector<1x2048xf32>
    %get3A_9 = vector.shape_cast %get3A_8 : vector<1x2048xf32> to vector<2048xf32>
    %mul3A = arith.constant 2.000000e+00 : f32
    %mul3A_10 = vector.broadcast %mul3A : f32 to vector<512x2048xf32>
    %mul3A_11 = arith.mulf %mul3A_10, %dot_general3A_5 : vector<512x2048xf32>
    %broadcast_in_dim3A = vector.shape_cast %get3A_9 : vector<2048xf32> to vector<1x2048xf32>
    %sub3A = vector.broadcast %broadcast_in_dim3A : vector<1x2048xf32> to vector<512x2048xf32>
    %sub3A_12 = arith.subf %sub3A, %mul3A_11 : vector<512x2048xf32>
    %iota3A = tpu.iota {dimensions = array<i32: 1>} : vector<512x2048xi32>
    %iota3A_13 = tpu.iota {dimensions = array<i32: 0>} : vector<512x2048xi32>
    %mul3A_14 = arith.constant 512 : i32
    %mul3A_15 = arith.muli %arg0, %mul3A_14 : i32
    %add3A = vector.broadcast %mul3A_15 : i32 to vector<512x2048xi32>
    %add3A_16 = arith.addi %iota3A_13, %add3A : vector<512x2048xi32>
    %bitcast_convert_type3A = tpu.bitcast %sub3A_12 : vector<512x2048xf32> -> vector<512x2048xi32>
    %lt3A = arith.constant 0 : i32
    %lt3A_17 = vector.broadcast %lt3A : i32 to vector<512x2048xi32>
    %lt3A_18 = arith.cmpi slt, %bitcast_convert_type3A, %lt3A_17 : vector<512x2048xi32>
    %xor3A = arith.constant 2147483647 : i32
    %xor3A_19 = vector.broadcast %xor3A : i32 to vector<512x2048xi32>
    %xor3A_20 = arith.xori %bitcast_convert_type3A, %xor3A_19 : vector<512x2048xi32>
    %select_n3A = arith.select %lt3A_18, %xor3A_20, %bitcast_convert_type3A : vector<512x2048xi1>, vector<512x2048xi32>
    %not3A = arith.constant 2047 : i32
    %not3A_21 = arith.constant -1 : i32
    %not3A_22 = arith.xori %not3A, %not3A_21 : i32
    %and3A = vector.broadcast %not3A_22 : i32 to vector<512x2048xi32>
    %and3A_23 = arith.andi %select_n3A, %and3A : vector<512x2048xi32>
    %or3A = arith.ori %and3A_23, %iota3A : vector<512x2048xi32>
    %eq3A = arith.cmpi eq, %iota3A, %add3A_16 : vector<512x2048xi32>
    %jit3A = arith.constant 2147483647 : i32
    %broadcast_in_dim3A_24 = vector.broadcast %jit3A : i32 to vector<512x2048xi32>
    %select_n3A_25 = arith.select %eq3A, %broadcast_in_dim3A_24, %or3A : vector<512x2048xi1>, vector<512x2048xi32>
    %slice3A = vector.extract_strided_slice %select_n3A_25 {offsets = [0, 0], sizes = [512, 128], strides = [1, 1]} : vector<512x2048xi32> to vector<512x128xi32>
    %broadcast_in_dim3A_26 = arith.constant 2147483647 : i32
    %broadcast_in_dim3A_27 = vector.broadcast %broadcast_in_dim3A_26 : i32 to vector<512x128xi32>
    %broadcast_in_dim3A_28 = arith.constant 2147483647 : i32
    %broadcast_in_dim3A_29 = vector.broadcast %broadcast_in_dim3A_28 : i32 to vector<512x128xi32>
    %slice3A_30 = vector.extract_strided_slice %select_n3A_25 {offsets = [0, 128], sizes = [512, 128], strides = [1, 1]} : vector<512x2048xi32> to vector<512x128xi32>
    %min3A = arith.minsi %slice3A, %slice3A_30 : vector<512x128xi32>
    %max3A = arith.maxsi %slice3A, %slice3A_30 : vector<512x128xi32>
    %min3A_31 = arith.minsi %broadcast_in_dim3A_27, %max3A : vector<512x128xi32>
    %max3A_32 = arith.maxsi %broadcast_in_dim3A_27, %max3A : vector<512x128xi32>
    %min3A_33 = arith.minsi %broadcast_in_dim3A_29, %max3A_32 : vector<512x128xi32>
    %slice3A_34 = vector.extract_strided_slice %select_n3A_25 {offsets = [0, 256], sizes = [512, 128], strides = [1, 1]} : vector<512x2048xi32> to vector<512x128xi32>
    %min3A_35 = arith.minsi %min3A, %slice3A_34 : vector<512x128xi32>
    %max3A_36 = arith.maxsi %min3A, %slice3A_34 : vector<512x128xi32>
    %min3A_37 = arith.minsi %min3A_31, %max3A_36 : vector<512x128xi32>
    %max3A_38 = arith.maxsi %min3A_31, %max3A_36 : vector<512x128xi32>
    %min3A_39 = arith.minsi %min3A_33, %max3A_38 : vector<512x128xi32>
    %slice3A_40 = vector.extract_strided_slice %select_n3A_25 {offsets = [0, 384], sizes = [512, 128], strides = [1, 1]} : vector<512x2048xi32> to vector<512x128xi32>
    %min3A_41 = arith.minsi %min3A_35, %slice3A_40 : vector<512x128xi32>
    %max3A_42 = arith.maxsi %min3A_35, %slice3A_40 : vector<512x128xi32>
    %min3A_43 = arith.minsi %min3A_37, %max3A_42 : vector<512x128xi32>
    %max3A_44 = arith.maxsi %min3A_37, %max3A_42 : vector<512x128xi32>
    %min3A_45 = arith.minsi %min3A_39, %max3A_44 : vector<512x128xi32>
    %slice3A_46 = vector.extract_strided_slice %select_n3A_25 {offsets = [0, 512], sizes = [512, 128], strides = [1, 1]} : vector<512x2048xi32> to vector<512x128xi32>
    %min3A_47 = arith.minsi %min3A_41, %slice3A_46 : vector<512x128xi32>
    %max3A_48 = arith.maxsi %min3A_41, %slice3A_46 : vector<512x128xi32>
    %min3A_49 = arith.minsi %min3A_43, %max3A_48 : vector<512x128xi32>
    %max3A_50 = arith.maxsi %min3A_43, %max3A_48 : vector<512x128xi32>
    %min3A_51 = arith.minsi %min3A_45, %max3A_50 : vector<512x128xi32>
    %slice3A_52 = vector.extract_strided_slice %select_n3A_25 {offsets = [0, 640], sizes = [512, 128], strides = [1, 1]} : vector<512x2048xi32> to vector<512x128xi32>
    %min3A_53 = arith.minsi %min3A_47, %slice3A_52 : vector<512x128xi32>
    %max3A_54 = arith.maxsi %min3A_47, %slice3A_52 : vector<512x128xi32>
    %min3A_55 = arith.minsi %min3A_49, %max3A_54 : vector<512x128xi32>
    %max3A_56 = arith.maxsi %min3A_49, %max3A_54 : vector<512x128xi32>
    %min3A_57 = arith.minsi %min3A_51, %max3A_56 : vector<512x128xi32>
    %slice3A_58 = vector.extract_strided_slice %select_n3A_25 {offsets = [0, 768], sizes = [512, 128], strides = [1, 1]} : vector<512x2048xi32> to vector<512x128xi32>
    %min3A_59 = arith.minsi %min3A_53, %slice3A_58 : vector<512x128xi32>
    %max3A_60 = arith.maxsi %min3A_53, %slice3A_58 : vector<512x128xi32>
    %min3A_61 = arith.minsi %min3A_55, %max3A_60 : vector<512x128xi32>
    %max3A_62 = arith.maxsi %min3A_55, %max3A_60 : vector<512x128xi32>
    %min3A_63 = arith.minsi %min3A_57, %max3A_62 : vector<512x128xi32>
    %slice3A_64 = vector.extract_strided_slice %select_n3A_25 {offsets = [0, 896], sizes = [512, 128], strides = [1, 1]} : vector<512x2048xi32> to vector<512x128xi32>
    %min3A_65 = arith.minsi %min3A_59, %slice3A_64 : vector<512x128xi32>
    %max3A_66 = arith.maxsi %min3A_59, %slice3A_64 : vector<512x128xi32>
    %min3A_67 = arith.minsi %min3A_61, %max3A_66 : vector<512x128xi32>
    %max3A_68 = arith.maxsi %min3A_61, %max3A_66 : vector<512x128xi32>
    %min3A_69 = arith.minsi %min3A_63, %max3A_68 : vector<512x128xi32>
    %slice3A_70 = vector.extract_strided_slice %select_n3A_25 {offsets = [0, 1024], sizes = [512, 128], strides = [1, 1]} : vector<512x2048xi32> to vector<512x128xi32>
    %min3A_71 = arith.minsi %min3A_65, %slice3A_70 : vector<512x128xi32>
    %max3A_72 = arith.maxsi %min3A_65, %slice3A_70 : vector<512x128xi32>
    %min3A_73 = arith.minsi %min3A_67, %max3A_72 : vector<512x128xi32>
    %max3A_74 = arith.maxsi %min3A_67, %max3A_72 : vector<512x128xi32>
    %min3A_75 = arith.minsi %min3A_69, %max3A_74 : vector<512x128xi32>
    %slice3A_76 = vector.extract_strided_slice %select_n3A_25 {offsets = [0, 1152], sizes = [512, 128], strides = [1, 1]} : vector<512x2048xi32> to vector<512x128xi32>
    %min3A_77 = arith.minsi %min3A_71, %slice3A_76 : vector<512x128xi32>
    %max3A_78 = arith.maxsi %min3A_71, %slice3A_76 : vector<512x128xi32>
    %min3A_79 = arith.minsi %min3A_73, %max3A_78 : vector<512x128xi32>
    %max3A_80 = arith.maxsi %min3A_73, %max3A_78 : vector<512x128xi32>
    %min3A_81 = arith.minsi %min3A_75, %max3A_80 : vector<512x128xi32>
    %slice3A_82 = vector.extract_strided_slice %select_n3A_25 {offsets = [0, 1280], sizes = [512, 128], strides = [1, 1]} : vector<512x2048xi32> to vector<512x128xi32>
    %min3A_83 = arith.minsi %min3A_77, %slice3A_82 : vector<512x128xi32>
    %max3A_84 = arith.maxsi %min3A_77, %slice3A_82 : vector<512x128xi32>
    %min3A_85 = arith.minsi %min3A_79, %max3A_84 : vector<512x128xi32>
    %max3A_86 = arith.maxsi %min3A_79, %max3A_84 : vector<512x128xi32>
    %min3A_87 = arith.minsi %min3A_81, %max3A_86 : vector<512x128xi32>
    %slice3A_88 = vector.extract_strided_slice %select_n3A_25 {offsets = [0, 1408], sizes = [512, 128], strides = [1, 1]} : vector<512x2048xi32> to vector<512x128xi32>
    %min3A_89 = arith.minsi %min3A_83, %slice3A_88 : vector<512x128xi32>
    %max3A_90 = arith.maxsi %min3A_83, %slice3A_88 : vector<512x128xi32>
    %min3A_91 = arith.minsi %min3A_85, %max3A_90 : vector<512x128xi32>
    %max3A_92 = arith.maxsi %min3A_85, %max3A_90 : vector<512x128xi32>
    %min3A_93 = arith.minsi %min3A_87, %max3A_92 : vector<512x128xi32>
    %slice3A_94 = vector.extract_strided_slice %select_n3A_25 {offsets = [0, 1536], sizes = [512, 128], strides = [1, 1]} : vector<512x2048xi32> to vector<512x128xi32>
    %min3A_95 = arith.minsi %min3A_89, %slice3A_94 : vector<512x128xi32>
    %max3A_96 = arith.maxsi %min3A_89, %slice3A_94 : vector<512x128xi32>
    %min3A_97 = arith.minsi %min3A_91, %max3A_96 : vector<512x128xi32>
    %max3A_98 = arith.maxsi %min3A_91, %max3A_96 : vector<512x128xi32>
    %min3A_99 = arith.minsi %min3A_93, %max3A_98 : vector<512x128xi32>
    %slice3A_100 = vector.extract_strided_slice %select_n3A_25 {offsets = [0, 1664], sizes = [512, 128], strides = [1, 1]} : vector<512x2048xi32> to vector<512x128xi32>
    %min3A_101 = arith.minsi %min3A_95, %slice3A_100 : vector<512x128xi32>
    %max3A_102 = arith.maxsi %min3A_95, %slice3A_100 : vector<512x128xi32>
    %min3A_103 = arith.minsi %min3A_97, %max3A_102 : vector<512x128xi32>
    %max3A_104 = arith.maxsi %min3A_97, %max3A_102 : vector<512x128xi32>
    %min3A_105 = arith.minsi %min3A_99, %max3A_104 : vector<512x128xi32>
    %slice3A_106 = vector.extract_strided_slice %select_n3A_25 {offsets = [0, 1792], sizes = [512, 128], strides = [1, 1]} : vector<512x2048xi32> to vector<512x128xi32>
    %min3A_107 = arith.minsi %min3A_101, %slice3A_106 : vector<512x128xi32>
    %max3A_108 = arith.maxsi %min3A_101, %slice3A_106 : vector<512x128xi32>
    %min3A_109 = arith.minsi %min3A_103, %max3A_108 : vector<512x128xi32>
    %max3A_110 = arith.maxsi %min3A_103, %max3A_108 : vector<512x128xi32>
    %min3A_111 = arith.minsi %min3A_105, %max3A_110 : vector<512x128xi32>
    %slice3A_112 = vector.extract_strided_slice %select_n3A_25 {offsets = [0, 1920], sizes = [512, 128], strides = [1, 1]} : vector<512x2048xi32> to vector<512x128xi32>
    %min3A_113 = arith.minsi %min3A_107, %slice3A_112 : vector<512x128xi32>
    %max3A_114 = arith.maxsi %min3A_107, %slice3A_112 : vector<512x128xi32>
    %min3A_115 = arith.minsi %min3A_109, %max3A_114 : vector<512x128xi32>
    %max3A_116 = arith.maxsi %min3A_109, %max3A_114 : vector<512x128xi32>
    %min3A_117 = arith.minsi %min3A_111, %max3A_116 : vector<512x128xi32>
    %iota3A_118 = tpu.iota {dimensions = array<i32: 1>} : vector<512x128xi32>
    %reduce_min3A = arith.constant dense<2147483647> : vector<512xi32>
    %reduce_min3A_119 = vector.multi_reduction <minsi>, %min3A_113, %reduce_min3A [1] : vector<512x128xi32> to vector<512xi32>
    %broadcast_in_dim3A_120 = vector.shape_cast %reduce_min3A_119 : vector<512xi32> to vector<512x1xi32>
    %and3A_121 = arith.constant 2047 : i32
    %and3A_122 = vector.broadcast %and3A_121 : i32 to vector<512x1xi32>
    %and3A_123 = arith.andi %broadcast_in_dim3A_120, %and3A_122 : vector<512x1xi32>
    %and3A_124 = arith.constant 127 : i32
    %and3A_125 = vector.broadcast %and3A_124 : i32 to vector<512x1xi32>
    %and3A_126 = arith.andi %broadcast_in_dim3A_120, %and3A_125 : vector<512x1xi32>
    %eq3A_127 = vector.broadcast %and3A_126 : vector<512x1xi32> to vector<512x128xi32>
    %eq3A_128 = arith.cmpi eq, %iota3A_118, %eq3A_127 : vector<512x128xi32>
    %select_n3A_129 = arith.select %eq3A_128, %min3A_115, %min3A_113 : vector<512x128xi1>, vector<512x128xi32>
    %select_n3A_130 = arith.select %eq3A_128, %min3A_117, %min3A_115 : vector<512x128xi1>, vector<512x128xi32>
    %jit3A_131 = arith.constant 2147483647 : i32
    %broadcast_in_dim3A_132 = vector.broadcast %jit3A_131 : i32 to vector<512x128xi32>
    %select_n3A_133 = arith.select %eq3A_128, %broadcast_in_dim3A_132, %min3A_117 : vector<512x128xi1>, vector<512x128xi32>
    %reduce_min3A_134 = arith.constant dense<2147483647> : vector<512xi32>
    %reduce_min3A_135 = vector.multi_reduction <minsi>, %select_n3A_129, %reduce_min3A_134 [1] : vector<512x128xi32> to vector<512xi32>
    %broadcast_in_dim3A_136 = vector.shape_cast %reduce_min3A_135 : vector<512xi32> to vector<512x1xi32>
    %and3A_137 = arith.constant 2047 : i32
    %and3A_138 = vector.broadcast %and3A_137 : i32 to vector<512x1xi32>
    %and3A_139 = arith.andi %broadcast_in_dim3A_136, %and3A_138 : vector<512x1xi32>
    %and3A_140 = arith.constant 127 : i32
    %and3A_141 = vector.broadcast %and3A_140 : i32 to vector<512x1xi32>
    %and3A_142 = arith.andi %broadcast_in_dim3A_136, %and3A_141 : vector<512x1xi32>
    %eq3A_143 = vector.broadcast %and3A_142 : vector<512x1xi32> to vector<512x128xi32>
    %eq3A_144 = arith.cmpi eq, %iota3A_118, %eq3A_143 : vector<512x128xi32>
    %select_n3A_145 = arith.select %eq3A_144, %select_n3A_130, %select_n3A_129 : vector<512x128xi1>, vector<512x128xi32>
    %select_n3A_146 = arith.select %eq3A_144, %select_n3A_133, %select_n3A_130 : vector<512x128xi1>, vector<512x128xi32>
    %jit3A_147 = arith.constant 2147483647 : i32
    %broadcast_in_dim3A_148 = vector.broadcast %jit3A_147 : i32 to vector<512x128xi32>
    %select_n3A_149 = arith.select %eq3A_144, %broadcast_in_dim3A_148, %select_n3A_133 : vector<512x128xi1>, vector<512x128xi32>
    %reduce_min3A_150 = arith.constant dense<2147483647> : vector<512xi32>
    %reduce_min3A_151 = vector.multi_reduction <minsi>, %select_n3A_145, %reduce_min3A_150 [1] : vector<512x128xi32> to vector<512xi32>
    %broadcast_in_dim3A_152 = vector.shape_cast %reduce_min3A_151 : vector<512xi32> to vector<512x1xi32>
    %and3A_153 = arith.constant 2047 : i32
    %and3A_154 = vector.broadcast %and3A_153 : i32 to vector<512x1xi32>
    %and3A_155 = arith.andi %broadcast_in_dim3A_152, %and3A_154 : vector<512x1xi32>
    %and3A_156 = arith.constant 127 : i32
    %and3A_157 = vector.broadcast %and3A_156 : i32 to vector<512x1xi32>
    %and3A_158 = arith.andi %broadcast_in_dim3A_152, %and3A_157 : vector<512x1xi32>
    %eq3A_159 = vector.broadcast %and3A_158 : vector<512x1xi32> to vector<512x128xi32>
    %eq3A_160 = arith.cmpi eq, %iota3A_118, %eq3A_159 : vector<512x128xi32>
    %select_n3A_161 = arith.select %eq3A_160, %select_n3A_146, %select_n3A_145 : vector<512x128xi1>, vector<512x128xi32>
    %select_n3A_162 = arith.select %eq3A_160, %select_n3A_149, %select_n3A_146 : vector<512x128xi1>, vector<512x128xi32>
    %jit3A_163 = arith.constant 2147483647 : i32
    %broadcast_in_dim3A_164 = vector.broadcast %jit3A_163 : i32 to vector<512x128xi32>
    %select_n3A_165 = arith.select %eq3A_160, %broadcast_in_dim3A_164, %select_n3A_149 : vector<512x128xi1>, vector<512x128xi32>
    %reduce_min3A_166 = arith.constant dense<2147483647> : vector<512xi32>
    %reduce_min3A_167 = vector.multi_reduction <minsi>, %select_n3A_161, %reduce_min3A_166 [1] : vector<512x128xi32> to vector<512xi32>
    %broadcast_in_dim3A_168 = vector.shape_cast %reduce_min3A_167 : vector<512xi32> to vector<512x1xi32>
    %and3A_169 = arith.constant 2047 : i32
    %and3A_170 = vector.broadcast %and3A_169 : i32 to vector<512x1xi32>
    %and3A_171 = arith.andi %broadcast_in_dim3A_168, %and3A_170 : vector<512x1xi32>
    %and3A_172 = arith.constant 127 : i32
    %and3A_173 = vector.broadcast %and3A_172 : i32 to vector<512x1xi32>
    %and3A_174 = arith.andi %broadcast_in_dim3A_168, %and3A_173 : vector<512x1xi32>
    %eq3A_175 = vector.broadcast %and3A_174 : vector<512x1xi32> to vector<512x128xi32>
    %eq3A_176 = arith.cmpi eq, %iota3A_118, %eq3A_175 : vector<512x128xi32>
    %select_n3A_177 = arith.select %eq3A_176, %select_n3A_162, %select_n3A_161 : vector<512x128xi1>, vector<512x128xi32>
    %select_n3A_178 = arith.select %eq3A_176, %select_n3A_165, %select_n3A_162 : vector<512x128xi1>, vector<512x128xi32>
    %jit3A_179 = arith.constant 2147483647 : i32
    %broadcast_in_dim3A_180 = vector.broadcast %jit3A_179 : i32 to vector<512x128xi32>
    %select_n3A_181 = arith.select %eq3A_176, %broadcast_in_dim3A_180, %select_n3A_165 : vector<512x128xi1>, vector<512x128xi32>
    %reduce_min3A_182 = arith.constant dense<2147483647> : vector<512xi32>
    %reduce_min3A_183 = vector.multi_reduction <minsi>, %select_n3A_177, %reduce_min3A_182 [1] : vector<512x128xi32> to vector<512xi32>
    %broadcast_in_dim3A_184 = vector.shape_cast %reduce_min3A_183 : vector<512xi32> to vector<512x1xi32>
    %and3A_185 = arith.constant 2047 : i32
    %and3A_186 = vector.broadcast %and3A_185 : i32 to vector<512x1xi32>
    %and3A_187 = arith.andi %broadcast_in_dim3A_184, %and3A_186 : vector<512x1xi32>
    %and3A_188 = arith.constant 127 : i32
    %and3A_189 = vector.broadcast %and3A_188 : i32 to vector<512x1xi32>
    %and3A_190 = arith.andi %broadcast_in_dim3A_184, %and3A_189 : vector<512x1xi32>
    %eq3A_191 = vector.broadcast %and3A_190 : vector<512x1xi32> to vector<512x128xi32>
    %eq3A_192 = arith.cmpi eq, %iota3A_118, %eq3A_191 : vector<512x128xi32>
    %select_n3A_193 = arith.select %eq3A_192, %select_n3A_178, %select_n3A_177 : vector<512x128xi1>, vector<512x128xi32>
    %select_n3A_194 = arith.select %eq3A_192, %select_n3A_181, %select_n3A_178 : vector<512x128xi1>, vector<512x128xi32>
    %jit3A_195 = arith.constant 2147483647 : i32
    %broadcast_in_dim3A_196 = vector.broadcast %jit3A_195 : i32 to vector<512x128xi32>
    %select_n3A_197 = arith.select %eq3A_192, %broadcast_in_dim3A_196, %select_n3A_181 : vector<512x128xi1>, vector<512x128xi32>
    %reduce_min3A_198 = arith.constant dense<2147483647> : vector<512xi32>
    %reduce_min3A_199 = vector.multi_reduction <minsi>, %select_n3A_193, %reduce_min3A_198 [1] : vector<512x128xi32> to vector<512xi32>
    %broadcast_in_dim3A_200 = vector.shape_cast %reduce_min3A_199 : vector<512xi32> to vector<512x1xi32>
    %and3A_201 = arith.constant 2047 : i32
    %and3A_202 = vector.broadcast %and3A_201 : i32 to vector<512x1xi32>
    %and3A_203 = arith.andi %broadcast_in_dim3A_200, %and3A_202 : vector<512x1xi32>
    %and3A_204 = arith.constant 127 : i32
    %and3A_205 = vector.broadcast %and3A_204 : i32 to vector<512x1xi32>
    %and3A_206 = arith.andi %broadcast_in_dim3A_200, %and3A_205 : vector<512x1xi32>
    %eq3A_207 = vector.broadcast %and3A_206 : vector<512x1xi32> to vector<512x128xi32>
    %eq3A_208 = arith.cmpi eq, %iota3A_118, %eq3A_207 : vector<512x128xi32>
    %select_n3A_209 = arith.select %eq3A_208, %select_n3A_194, %select_n3A_193 : vector<512x128xi1>, vector<512x128xi32>
    %select_n3A_210 = arith.select %eq3A_208, %select_n3A_197, %select_n3A_194 : vector<512x128xi1>, vector<512x128xi32>
    %jit3A_211 = arith.constant 2147483647 : i32
    %broadcast_in_dim3A_212 = vector.broadcast %jit3A_211 : i32 to vector<512x128xi32>
    %select_n3A_213 = arith.select %eq3A_208, %broadcast_in_dim3A_212, %select_n3A_197 : vector<512x128xi1>, vector<512x128xi32>
    %reduce_min3A_214 = arith.constant dense<2147483647> : vector<512xi32>
    %reduce_min3A_215 = vector.multi_reduction <minsi>, %select_n3A_209, %reduce_min3A_214 [1] : vector<512x128xi32> to vector<512xi32>
    %broadcast_in_dim3A_216 = vector.shape_cast %reduce_min3A_215 : vector<512xi32> to vector<512x1xi32>
    %and3A_217 = arith.constant 2047 : i32
    %and3A_218 = vector.broadcast %and3A_217 : i32 to vector<512x1xi32>
    %and3A_219 = arith.andi %broadcast_in_dim3A_216, %and3A_218 : vector<512x1xi32>
    %and3A_220 = arith.constant 127 : i32
    %and3A_221 = vector.broadcast %and3A_220 : i32 to vector<512x1xi32>
    %and3A_222 = arith.andi %broadcast_in_dim3A_216, %and3A_221 : vector<512x1xi32>
    %eq3A_223 = vector.broadcast %and3A_222 : vector<512x1xi32> to vector<512x128xi32>
    %eq3A_224 = arith.cmpi eq, %iota3A_118, %eq3A_223 : vector<512x128xi32>
    %select_n3A_225 = arith.select %eq3A_224, %select_n3A_210, %select_n3A_209 : vector<512x128xi1>, vector<512x128xi32>
    %select_n3A_226 = arith.select %eq3A_224, %select_n3A_213, %select_n3A_210 : vector<512x128xi1>, vector<512x128xi32>
    %jit3A_227 = arith.constant 2147483647 : i32
    %broadcast_in_dim3A_228 = vector.broadcast %jit3A_227 : i32 to vector<512x128xi32>
    %select_n3A_229 = arith.select %eq3A_224, %broadcast_in_dim3A_228, %select_n3A_213 : vector<512x128xi1>, vector<512x128xi32>
    %reduce_min3A_230 = arith.constant dense<2147483647> : vector<512xi32>
    %reduce_min3A_231 = vector.multi_reduction <minsi>, %select_n3A_225, %reduce_min3A_230 [1] : vector<512x128xi32> to vector<512xi32>
    %broadcast_in_dim3A_232 = vector.shape_cast %reduce_min3A_231 : vector<512xi32> to vector<512x1xi32>
    %and3A_233 = arith.constant 2047 : i32
    %and3A_234 = vector.broadcast %and3A_233 : i32 to vector<512x1xi32>
    %and3A_235 = arith.andi %broadcast_in_dim3A_232, %and3A_234 : vector<512x1xi32>
    %and3A_236 = arith.constant 127 : i32
    %and3A_237 = vector.broadcast %and3A_236 : i32 to vector<512x1xi32>
    %and3A_238 = arith.andi %broadcast_in_dim3A_232, %and3A_237 : vector<512x1xi32>
    %eq3A_239 = vector.broadcast %and3A_238 : vector<512x1xi32> to vector<512x128xi32>
    %eq3A_240 = arith.cmpi eq, %iota3A_118, %eq3A_239 : vector<512x128xi32>
    %select_n3A_241 = arith.select %eq3A_240, %select_n3A_226, %select_n3A_225 : vector<512x128xi1>, vector<512x128xi32>
    %select_n3A_242 = arith.select %eq3A_240, %select_n3A_229, %select_n3A_226 : vector<512x128xi1>, vector<512x128xi32>
    %jit3A_243 = arith.constant 2147483647 : i32
    %broadcast_in_dim3A_244 = vector.broadcast %jit3A_243 : i32 to vector<512x128xi32>
    %select_n3A_245 = arith.select %eq3A_240, %broadcast_in_dim3A_244, %select_n3A_229 : vector<512x128xi1>, vector<512x128xi32>
    %reduce_min3A_246 = arith.constant dense<2147483647> : vector<512xi32>
    %reduce_min3A_247 = vector.multi_reduction <minsi>, %select_n3A_241, %reduce_min3A_246 [1] : vector<512x128xi32> to vector<512xi32>
    %broadcast_in_dim3A_248 = vector.shape_cast %reduce_min3A_247 : vector<512xi32> to vector<512x1xi32>
    %and3A_249 = arith.constant 2047 : i32
    %and3A_250 = vector.broadcast %and3A_249 : i32 to vector<512x1xi32>
    %and3A_251 = arith.andi %broadcast_in_dim3A_248, %and3A_250 : vector<512x1xi32>
    %and3A_252 = arith.constant 127 : i32
    %and3A_253 = vector.broadcast %and3A_252 : i32 to vector<512x1xi32>
    %and3A_254 = arith.andi %broadcast_in_dim3A_248, %and3A_253 : vector<512x1xi32>
    %eq3A_255 = vector.broadcast %and3A_254 : vector<512x1xi32> to vector<512x128xi32>
    %eq3A_256 = arith.cmpi eq, %iota3A_118, %eq3A_255 : vector<512x128xi32>
    %select_n3A_257 = arith.select %eq3A_256, %select_n3A_242, %select_n3A_241 : vector<512x128xi1>, vector<512x128xi32>
    %select_n3A_258 = arith.select %eq3A_256, %select_n3A_245, %select_n3A_242 : vector<512x128xi1>, vector<512x128xi32>
    %jit3A_259 = arith.constant 2147483647 : i32
    %broadcast_in_dim3A_260 = vector.broadcast %jit3A_259 : i32 to vector<512x128xi32>
    %select_n3A_261 = arith.select %eq3A_256, %broadcast_in_dim3A_260, %select_n3A_245 : vector<512x128xi1>, vector<512x128xi32>
    %reduce_min3A_262 = arith.constant dense<2147483647> : vector<512xi32>
    %reduce_min3A_263 = vector.multi_reduction <minsi>, %select_n3A_257, %reduce_min3A_262 [1] : vector<512x128xi32> to vector<512xi32>
    %broadcast_in_dim3A_264 = vector.shape_cast %reduce_min3A_263 : vector<512xi32> to vector<512x1xi32>
    %and3A_265 = arith.constant 2047 : i32
    %and3A_266 = vector.broadcast %and3A_265 : i32 to vector<512x1xi32>
    %and3A_267 = arith.andi %broadcast_in_dim3A_264, %and3A_266 : vector<512x1xi32>
    %and3A_268 = arith.constant 127 : i32
    %and3A_269 = vector.broadcast %and3A_268 : i32 to vector<512x1xi32>
    %and3A_270 = arith.andi %broadcast_in_dim3A_264, %and3A_269 : vector<512x1xi32>
    %eq3A_271 = vector.broadcast %and3A_270 : vector<512x1xi32> to vector<512x128xi32>
    %eq3A_272 = arith.cmpi eq, %iota3A_118, %eq3A_271 : vector<512x128xi32>
    %select_n3A_273 = arith.select %eq3A_272, %select_n3A_258, %select_n3A_257 : vector<512x128xi1>, vector<512x128xi32>
    %select_n3A_274 = arith.select %eq3A_272, %select_n3A_261, %select_n3A_258 : vector<512x128xi1>, vector<512x128xi32>
    %jit3A_275 = arith.constant 2147483647 : i32
    %broadcast_in_dim3A_276 = vector.broadcast %jit3A_275 : i32 to vector<512x128xi32>
    %select_n3A_277 = arith.select %eq3A_272, %broadcast_in_dim3A_276, %select_n3A_261 : vector<512x128xi1>, vector<512x128xi32>
    %reduce_min3A_278 = arith.constant dense<2147483647> : vector<512xi32>
    %reduce_min3A_279 = vector.multi_reduction <minsi>, %select_n3A_273, %reduce_min3A_278 [1] : vector<512x128xi32> to vector<512xi32>
    %broadcast_in_dim3A_280 = vector.shape_cast %reduce_min3A_279 : vector<512xi32> to vector<512x1xi32>
    %and3A_281 = arith.constant 2047 : i32
    %and3A_282 = vector.broadcast %and3A_281 : i32 to vector<512x1xi32>
    %and3A_283 = arith.andi %broadcast_in_dim3A_280, %and3A_282 : vector<512x1xi32>
    %and3A_284 = arith.constant 127 : i32
    %and3A_285 = vector.broadcast %and3A_284 : i32 to vector<512x1xi32>
    %and3A_286 = arith.andi %broadcast_in_dim3A_280, %and3A_285 : vector<512x1xi32>
    %eq3A_287 = vector.broadcast %and3A_286 : vector<512x1xi32> to vector<512x128xi32>
    %eq3A_288 = arith.cmpi eq, %iota3A_118, %eq3A_287 : vector<512x128xi32>
    %select_n3A_289 = arith.select %eq3A_288, %select_n3A_274, %select_n3A_273 : vector<512x128xi1>, vector<512x128xi32>
    %select_n3A_290 = arith.select %eq3A_288, %select_n3A_277, %select_n3A_274 : vector<512x128xi1>, vector<512x128xi32>
    %jit3A_291 = arith.constant 2147483647 : i32
    %broadcast_in_dim3A_292 = vector.broadcast %jit3A_291 : i32 to vector<512x128xi32>
    %select_n3A_293 = arith.select %eq3A_288, %broadcast_in_dim3A_292, %select_n3A_277 : vector<512x128xi1>, vector<512x128xi32>
    %reduce_min3A_294 = arith.constant dense<2147483647> : vector<512xi32>
    %reduce_min3A_295 = vector.multi_reduction <minsi>, %select_n3A_289, %reduce_min3A_294 [1] : vector<512x128xi32> to vector<512xi32>
    %broadcast_in_dim3A_296 = vector.shape_cast %reduce_min3A_295 : vector<512xi32> to vector<512x1xi32>
    %and3A_297 = arith.constant 2047 : i32
    %and3A_298 = vector.broadcast %and3A_297 : i32 to vector<512x1xi32>
    %and3A_299 = arith.andi %broadcast_in_dim3A_296, %and3A_298 : vector<512x1xi32>
    %and3A_300 = arith.constant 127 : i32
    %and3A_301 = vector.broadcast %and3A_300 : i32 to vector<512x1xi32>
    %and3A_302 = arith.andi %broadcast_in_dim3A_296, %and3A_301 : vector<512x1xi32>
    %eq3A_303 = vector.broadcast %and3A_302 : vector<512x1xi32> to vector<512x128xi32>
    %eq3A_304 = arith.cmpi eq, %iota3A_118, %eq3A_303 : vector<512x128xi32>
    %select_n3A_305 = arith.select %eq3A_304, %select_n3A_290, %select_n3A_289 : vector<512x128xi1>, vector<512x128xi32>
    %select_n3A_306 = arith.select %eq3A_304, %select_n3A_293, %select_n3A_290 : vector<512x128xi1>, vector<512x128xi32>
    %jit3A_307 = arith.constant 2147483647 : i32
    %broadcast_in_dim3A_308 = vector.broadcast %jit3A_307 : i32 to vector<512x128xi32>
    %select_n3A_309 = arith.select %eq3A_304, %broadcast_in_dim3A_308, %select_n3A_293 : vector<512x128xi1>, vector<512x128xi32>
    %reduce_min3A_310 = arith.constant dense<2147483647> : vector<512xi32>
    %reduce_min3A_311 = vector.multi_reduction <minsi>, %select_n3A_305, %reduce_min3A_310 [1] : vector<512x128xi32> to vector<512xi32>
    %broadcast_in_dim3A_312 = vector.shape_cast %reduce_min3A_311 : vector<512xi32> to vector<512x1xi32>
    %and3A_313 = arith.constant 2047 : i32
    %and3A_314 = vector.broadcast %and3A_313 : i32 to vector<512x1xi32>
    %and3A_315 = arith.andi %broadcast_in_dim3A_312, %and3A_314 : vector<512x1xi32>
    %and3A_316 = arith.constant 127 : i32
    %and3A_317 = vector.broadcast %and3A_316 : i32 to vector<512x1xi32>
    %and3A_318 = arith.andi %broadcast_in_dim3A_312, %and3A_317 : vector<512x1xi32>
    %eq3A_319 = vector.broadcast %and3A_318 : vector<512x1xi32> to vector<512x128xi32>
    %eq3A_320 = arith.cmpi eq, %iota3A_118, %eq3A_319 : vector<512x128xi32>
    %select_n3A_321 = arith.select %eq3A_320, %select_n3A_306, %select_n3A_305 : vector<512x128xi1>, vector<512x128xi32>
    %select_n3A_322 = arith.select %eq3A_320, %select_n3A_309, %select_n3A_306 : vector<512x128xi1>, vector<512x128xi32>
    %jit3A_323 = arith.constant 2147483647 : i32
    %broadcast_in_dim3A_324 = vector.broadcast %jit3A_323 : i32 to vector<512x128xi32>
    %select_n3A_325 = arith.select %eq3A_320, %broadcast_in_dim3A_324, %select_n3A_309 : vector<512x128xi1>, vector<512x128xi32>
    %reduce_min3A_326 = arith.constant dense<2147483647> : vector<512xi32>
    %reduce_min3A_327 = vector.multi_reduction <minsi>, %select_n3A_321, %reduce_min3A_326 [1] : vector<512x128xi32> to vector<512xi32>
    %broadcast_in_dim3A_328 = vector.shape_cast %reduce_min3A_327 : vector<512xi32> to vector<512x1xi32>
    %and3A_329 = arith.constant 2047 : i32
    %and3A_330 = vector.broadcast %and3A_329 : i32 to vector<512x1xi32>
    %and3A_331 = arith.andi %broadcast_in_dim3A_328, %and3A_330 : vector<512x1xi32>
    %and3A_332 = arith.constant 127 : i32
    %and3A_333 = vector.broadcast %and3A_332 : i32 to vector<512x1xi32>
    %and3A_334 = arith.andi %broadcast_in_dim3A_328, %and3A_333 : vector<512x1xi32>
    %eq3A_335 = vector.broadcast %and3A_334 : vector<512x1xi32> to vector<512x128xi32>
    %eq3A_336 = arith.cmpi eq, %iota3A_118, %eq3A_335 : vector<512x128xi32>
    %select_n3A_337 = arith.select %eq3A_336, %select_n3A_322, %select_n3A_321 : vector<512x128xi1>, vector<512x128xi32>
    %select_n3A_338 = arith.select %eq3A_336, %select_n3A_325, %select_n3A_322 : vector<512x128xi1>, vector<512x128xi32>
    %reduce_min3A_339 = arith.constant dense<2147483647> : vector<512xi32>
    %reduce_min3A_340 = vector.multi_reduction <minsi>, %select_n3A_337, %reduce_min3A_339 [1] : vector<512x128xi32> to vector<512xi32>
    %broadcast_in_dim3A_341 = vector.shape_cast %reduce_min3A_340 : vector<512xi32> to vector<512x1xi32>
    %and3A_342 = arith.constant 2047 : i32
    %and3A_343 = vector.broadcast %and3A_342 : i32 to vector<512x1xi32>
    %and3A_344 = arith.andi %broadcast_in_dim3A_341, %and3A_343 : vector<512x1xi32>
    %and3A_345 = arith.constant 127 : i32
    %and3A_346 = vector.broadcast %and3A_345 : i32 to vector<512x1xi32>
    %and3A_347 = arith.andi %broadcast_in_dim3A_341, %and3A_346 : vector<512x1xi32>
    %eq3A_348 = vector.broadcast %and3A_347 : vector<512x1xi32> to vector<512x128xi32>
    %eq3A_349 = arith.cmpi eq, %iota3A_118, %eq3A_348 : vector<512x128xi32>
    %select_n3A_350 = arith.select %eq3A_349, %select_n3A_338, %select_n3A_337 : vector<512x128xi1>, vector<512x128xi32>
    %reduce_min3A_351 = arith.constant dense<2147483647> : vector<512xi32>
    %reduce_min3A_352 = vector.multi_reduction <minsi>, %select_n3A_350, %reduce_min3A_351 [1] : vector<512x128xi32> to vector<512xi32>
    %broadcast_in_dim3A_353 = vector.shape_cast %reduce_min3A_352 : vector<512xi32> to vector<512x1xi32>
    %and3A_354 = arith.constant 2047 : i32
    %and3A_355 = vector.broadcast %and3A_354 : i32 to vector<512x1xi32>
    %and3A_356 = arith.andi %broadcast_in_dim3A_353, %and3A_355 : vector<512x1xi32>
    %concatenate3A = tpu.concatenate %and3A_123, %and3A_139, %and3A_155, %and3A_171, %and3A_187, %and3A_203, %and3A_219, %and3A_235, %and3A_251, %and3A_267, %and3A_283, %and3A_299, %and3A_315, %and3A_331, %and3A_344, %and3A_356 in 1 : vector<512x1xi32>, vector<512x1xi32>, vector<512x1xi32>, vector<512x1xi32>, vector<512x1xi32>, vector<512x1xi32>, vector<512x1xi32>, vector<512x1xi32>, vector<512x1xi32>, vector<512x1xi32>, vector<512x1xi32>, vector<512x1xi32>, vector<512x1xi32>, vector<512x1xi32>, vector<512x1xi32>, vector<512x1xi32> -> vector<512x16xi32>
    %add3A_357 = arith.constant 2048 : i32
    %add3A_358 = vector.broadcast %add3A_357 : i32 to vector<512x16xi32>
    %add3A_359 = arith.addi %concatenate3A, %add3A_358 : vector<512x16xi32>
    %swap3A = arith.constant 0 : index
    %swap3A_360 = arith.constant 0 : index
    %swap3A_361 = vector.load %arg4[%swap3A, %swap3A_360] : memref<512x16xi32, #tpu.memory_space<vmem>>, vector<512x16xi32>
    tpu.vector_store %arg4[%swap3A, %swap3A_360], %add3A_359 {strides = array<i32>} : memref<512x16xi32, #tpu.memory_space<vmem>>, vector<512x16xi32>,
    return
  }
  func.func @transform_0(%arg0: i32) -> (i32, i32) {
    %c0_i32 = arith.constant 0 : i32
    %c0_i32_0 = arith.constant 0 : i32
    return %arg0, %c0_i32 : i32, i32
  }
  func.func @transform_1(%arg0: i32) -> (i32, i32) {
    %c0_i32 = arith.constant 0 : i32
    %c0_i32_0 = arith.constant 0 : i32
    %c0_i32_1 = arith.constant 0 : i32
    return %c0_i32, %c0_i32_0 : i32, i32
  }
  func.func @transform_2(%arg0: i32) -> (i32, i32) {
    %c0_i32 = arith.constant 0 : i32
    %c0_i32_0 = arith.constant 0 : i32
    %c0_i32_1 = arith.constant 0 : i32
    return %c0_i32, %c0_i32_0 : i32, i32
  }
  func.func @transform_3(%arg0: i32) -> (i32, i32) {
    %c0_i32 = arith.constant 0 : i32
    %c0_i32_0 = arith.constant 0 : i32
    return %arg0, %c0_i32 : i32, i32
  }
}

module attributes {stable_mosaic.version = 14 : i64} {
  func.func @_c_body(%arg0: i32, %arg1: memref<4096x128xf32, #tpu.memory_space<vmem>>, %arg2: memref<256x64xf32, #tpu.memory_space<vmem>>, %arg3: memref<256x128xf32, #tpu.memory_space<vmem>>, %arg4: memref<256x128xf32, #tpu.memory_space<vmem>>, %arg5: memref<4x512xf32, #tpu.memory_space<vmem>>, %arg6: memref<512x128xf32, #tpu.memory_space<vmem>>, %arg7: memref<1x128xf32, #tpu.memory_space<vmem>>, %arg8: memref<64x128xf32, #tpu.memory_space<vmem>>, %arg9: memref<128x128xf32, #tpu.memory_space<vmem>>, %arg10: memref<128x64xf32, #tpu.memory_space<vmem>>, %arg11: memref<1x128xf32, #tpu.memory_space<vmem>>, %arg12: memref<128x128xf32, #tpu.memory_space<vmem>>, %arg13: memref<1x128xf32, #tpu.memory_space<vmem>>, %arg14: memref<1x64xf32, #tpu.memory_space<vmem>>, %arg15: memref<1x128xf32, #tpu.memory_space<vmem>>, %arg16: memref<256x128xf32, #tpu.memory_space<vmem>>) attributes {dimension_semantics = [#tpu.dimension_semantics<arbitrary>], iteration_bounds = array<i64: 8>, scalar_prefetch = 0 : i64, scratch_operands = 0 : i64, tpu.core_type = #tpu.core_type<tc>, window_params = [{transform_indices = @transform_0, window_bounds = array<i64: 4096, 128>}, {transform_indices = @transform_1, window_bounds = array<i64: 256, 64>}, {transform_indices = @transform_2, window_bounds = array<i64: 256, 128>}, {transform_indices = @transform_3, window_bounds = array<i64: 256, 128>}, {pipeline_mode = #tpu.pipeline_mode<synchronous>, transform_indices = @transform_4, window_bounds = array<i64: 4, 512>}, {pipeline_mode = #tpu.pipeline_mode<synchronous>, transform_indices = @transform_5, window_bounds = array<i64: 512, 128>}, {pipeline_mode = #tpu.pipeline_mode<synchronous>, transform_indices = @transform_6, window_bounds = array<i64: 1, 128>}, {pipeline_mode = #tpu.pipeline_mode<synchronous>, transform_indices = @transform_7, window_bounds = array<i64: 64, 128>}, {pipeline_mode = #tpu.pipeline_mode<synchronous>, transform_indices = @transform_8, window_bounds = array<i64: 128, 128>}, {pipeline_mode = #tpu.pipeline_mode<synchronous>, transform_indices = @transform_9, window_bounds = array<i64: 128, 64>}, {pipeline_mode = #tpu.pipeline_mode<synchronous>, transform_indices = @transform_10, window_bounds = array<i64: 1, 128>}, {pipeline_mode = #tpu.pipeline_mode<synchronous>, transform_indices = @transform_11, window_bounds = array<i64: 128, 128>}, {pipeline_mode = #tpu.pipeline_mode<synchronous>, transform_indices = @transform_12, window_bounds = array<i64: 1, 128>}, {pipeline_mode = #tpu.pipeline_mode<synchronous>, transform_indices = @transform_13, window_bounds = array<i64: 1, 64>}, {pipeline_mode = #tpu.pipeline_mode<synchronous>, transform_indices = @transform_14, window_bounds = array<i64: 1, 128>}, {transform_indices = @transform_15, window_bounds = array<i64: 256, 128>}]} {
    %get3A = arith.constant 0 : index
    %get3A_0 = arith.constant 0 : index
    %get3A_1 = vector.load %arg1[%get3A, %get3A_0] : memref<4096x128xf32, #tpu.memory_space<vmem>>, vector<4096x128xf32>
    %get3A_2 = arith.constant 0 : index
    %get3A_3 = arith.constant 0 : index
    %get3A_4 = vector.load %arg9[%get3A_2, %get3A_3] : memref<128x128xf32, #tpu.memory_space<vmem>>, vector<128x128xf32>
    %dot_general3A = arith.constant dense<0.000000e+00> : vector<4096x128xf32>
    %dot_general3A_5 = tpu.matmul %get3A_1, %get3A_4, %dot_general3A {dimension_numbers = #tpu.dot_dimension_numbers<[1], [1], [0], [0], [0, 0, 1, 0], [], []>, transpose_lhs_hint = false} : vector<4096x128xf32>, vector<128x128xf32>, vector<4096x128xf32> -> vector<4096x128xf32>
    %reshape3A = vector.shape_cast %dot_general3A_5 : vector<4096x128xf32> to vector<256x16x128xf32>
    %get3A_6 = arith.constant 0 : index
    %get3A_7 = arith.constant 0 : index
    %get3A_8 = vector.load %arg8[%get3A_6, %get3A_7] : memref<64x128xf32, #tpu.memory_space<vmem>>, vector<64x128xf32>
    %dot_general3A_9 = arith.constant dense<0.000000e+00> : vector<4096x64xf32>
    %dot_general3A_10 = tpu.matmul %get3A_1, %get3A_8, %dot_general3A_9 {dimension_numbers = #tpu.dot_dimension_numbers<[1], [1], [0], [0], [0, 0, 1, 0], [], []>, transpose_lhs_hint = false} : vector<4096x128xf32>, vector<64x128xf32>, vector<4096x64xf32> -> vector<4096x64xf32>
    %reshape3A_11 = vector.shape_cast %dot_general3A_10 : vector<4096x64xf32> to vector<256x16x64xf32>
    %get3A_12 = arith.constant 0 : index
    %get3A_13 = arith.constant 0 : index
    %get3A_14 = vector.load %arg2[%get3A_12, %get3A_13] : memref<256x64xf32, #tpu.memory_space<vmem>>, vector<256x64xf32>
    %get3A_15 = arith.constant 0 : index
    %get3A_16 = arith.constant 0 : index
    %get3A_17 = vector.load %arg3[%get3A_15, %get3A_16] : memref<256x128xf32, #tpu.memory_space<vmem>>, vector<256x128xf32>
    %broadcast_in_dim3A = vector.shape_cast %get3A_14 : vector<256x64xf32> to vector<256x1x64xf32>
    %sub3A = vector.broadcast %broadcast_in_dim3A : vector<256x1x64xf32> to vector<256x16x64xf32>
    %sub3A_18 = arith.subf %reshape3A_11, %sub3A : vector<256x16x64xf32>
    %get3A_19 = arith.constant 0 : index
    %get3A_20 = arith.constant 0 : index
    %get3A_21 = vector.load %arg14[%get3A_19, %get3A_20] : memref<1x64xf32, #tpu.memory_space<vmem>>, vector<1x64xf32>
    %broadcast_in_dim3A_22 = vector.shape_cast %get3A_21 : vector<1x64xf32> to vector<1x1x64xf32>
    %add3A = vector.broadcast %broadcast_in_dim3A_22 : vector<1x1x64xf32> to vector<256x16x64xf32>
    %add3A_23 = arith.addf %sub3A_18, %add3A : vector<256x16x64xf32>
    %ge3A = arith.constant 0.000000e+00 : f32
    %ge3A_24 = vector.broadcast %ge3A : f32 to vector<256x16x64xf32>
    %ge3A_25 = arith.cmpf oge, %add3A_23, %ge3A_24 : vector<256x16x64xf32>
    %mul3A = arith.constant 2.000000e-01 : f32
    %mul3A_26 = vector.broadcast %mul3A : f32 to vector<256x16x64xf32>
    %mul3A_27 = arith.mulf %mul3A_26, %add3A_23 : vector<256x16x64xf32>
    %select_n3A = arith.select %ge3A_25, %add3A_23, %mul3A_27 : vector<256x16x64xi1>, vector<256x16x64xf32>
    %reshape3A_28 = vector.shape_cast %select_n3A : vector<256x16x64xf32> to vector<4096x64xf32>
    %get3A_29 = arith.constant 0 : index
    %get3A_30 = arith.constant 0 : index
    %get3A_31 = vector.load %arg10[%get3A_29, %get3A_30] : memref<128x64xf32, #tpu.memory_space<vmem>>, vector<128x64xf32>
    %dot_general3A_32 = arith.constant dense<0.000000e+00> : vector<4096x128xf32>
    %dot_general3A_33 = tpu.matmul %reshape3A_28, %get3A_31, %dot_general3A_32 {dimension_numbers = #tpu.dot_dimension_numbers<[1], [1], [0], [0], [0, 0, 1, 0], [], []>, transpose_lhs_hint = false} : vector<4096x64xf32>, vector<128x64xf32>, vector<4096x128xf32> -> vector<4096x128xf32>
    %get3A_34 = arith.constant 0 : index
    %get3A_35 = arith.constant 0 : index
    %get3A_36 = vector.load %arg11[%get3A_34, %get3A_35] : memref<1x128xf32, #tpu.memory_space<vmem>>, vector<1x128xf32>
    %add3A_37 = vector.broadcast %get3A_36 : vector<1x128xf32> to vector<4096x128xf32>
    %add3A_38 = arith.addf %dot_general3A_33, %add3A_37 : vector<4096x128xf32>
    %reshape3A_39 = vector.shape_cast %add3A_38 : vector<4096x128xf32> to vector<256x16x128xf32>
    %exp3A = math.exp %reshape3A_39 : vector<256x16x128xf32>
    %reduce_sum3A = arith.constant dense<0.000000e+00> : vector<256x128xf32>
    %reduce_sum3A_40 = vector.multi_reduction <add>, %exp3A, %reduce_sum3A [1] : vector<256x16x128xf32> to vector<256x128xf32>
    %broadcast_in_dim3A_41 = vector.shape_cast %reduce_sum3A_40 : vector<256x128xf32> to vector<256x1x128xf32>
    %div3A = arith.constant 1.000000e+00 : f32
    %div3A_42 = vector.broadcast %div3A : f32 to vector<256x1x128xf32>
    %div3A_43 = arith.divf %div3A_42, %broadcast_in_dim3A_41 : vector<256x1x128xf32>
    %mul3A_44 = vector.broadcast %div3A_43 : vector<256x1x128xf32> to vector<256x16x128xf32>
    %mul3A_45 = arith.mulf %exp3A, %mul3A_44 : vector<256x16x128xf32>
    %broadcast_in_dim3A_46 = vector.shape_cast %get3A_17 : vector<256x128xf32> to vector<256x1x128xf32>
    %add3A_47 = vector.broadcast %broadcast_in_dim3A_46 : vector<256x1x128xf32> to vector<256x16x128xf32>
    %add3A_48 = arith.addf %reshape3A, %add3A_47 : vector<256x16x128xf32>
    %get3A_49 = arith.constant 0 : index
    %get3A_50 = arith.constant 0 : index
    %get3A_51 = vector.load %arg15[%get3A_49, %get3A_50] : memref<1x128xf32, #tpu.memory_space<vmem>>, vector<1x128xf32>
    %broadcast_in_dim3A_52 = vector.shape_cast %get3A_51 : vector<1x128xf32> to vector<1x1x128xf32>
    %add3A_53 = vector.broadcast %broadcast_in_dim3A_52 : vector<1x1x128xf32> to vector<256x16x128xf32>
    %add3A_54 = arith.addf %add3A_48, %add3A_53 : vector<256x16x128xf32>
    %ge3A_55 = arith.constant 0.000000e+00 : f32
    %ge3A_56 = vector.broadcast %ge3A_55 : f32 to vector<256x16x128xf32>
    %ge3A_57 = arith.cmpf oge, %add3A_54, %ge3A_56 : vector<256x16x128xf32>
    %mul3A_58 = arith.constant 2.000000e-01 : f32
    %mul3A_59 = vector.broadcast %mul3A_58 : f32 to vector<256x16x128xf32>
    %mul3A_60 = arith.mulf %mul3A_59, %add3A_54 : vector<256x16x128xf32>
    %select_n3A_61 = arith.select %ge3A_57, %add3A_54, %mul3A_60 : vector<256x16x128xi1>, vector<256x16x128xf32>
    %reshape3A_62 = vector.shape_cast %select_n3A_61 : vector<256x16x128xf32> to vector<4096x128xf32>
    %get3A_63 = arith.constant 0 : index
    %get3A_64 = arith.constant 0 : index
    %get3A_65 = vector.load %arg12[%get3A_63, %get3A_64] : memref<128x128xf32, #tpu.memory_space<vmem>>, vector<128x128xf32>
    %dot_general3A_66 = arith.constant dense<0.000000e+00> : vector<4096x128xf32>
    %dot_general3A_67 = tpu.matmul %reshape3A_62, %get3A_65, %dot_general3A_66 {dimension_numbers = #tpu.dot_dimension_numbers<[1], [1], [0], [0], [0, 0, 1, 0], [], []>, transpose_lhs_hint = false} : vector<4096x128xf32>, vector<128x128xf32>, vector<4096x128xf32> -> vector<4096x128xf32>
    %get3A_68 = arith.constant 0 : index
    %get3A_69 = arith.constant 0 : index
    %get3A_70 = vector.load %arg13[%get3A_68, %get3A_69] : memref<1x128xf32, #tpu.memory_space<vmem>>, vector<1x128xf32>
    %add3A_71 = vector.broadcast %get3A_70 : vector<1x128xf32> to vector<4096x128xf32>
    %add3A_72 = arith.addf %dot_general3A_67, %add3A_71 : vector<4096x128xf32>
    %reshape3A_73 = vector.shape_cast %add3A_72 : vector<4096x128xf32> to vector<256x16x128xf32>
    %mul3A_74 = arith.mulf %reshape3A_73, %mul3A_45 : vector<256x16x128xf32>
    %reduce_sum3A_75 = arith.constant dense<0.000000e+00> : vector<256x128xf32>
    %reduce_sum3A_76 = vector.multi_reduction <add>, %mul3A_74, %reduce_sum3A_75 [1] : vector<256x16x128xf32> to vector<256x128xf32>
    %iota3A = tpu.iota {dimensions = array<i32: 0>} : vector<4x1xi32>
    %eq3A = arith.constant 0 : i32
    %eq3A_77 = vector.broadcast %eq3A : i32 to vector<4x1xi32>
    %eq3A_78 = arith.cmpi eq, %iota3A, %eq3A_77 : vector<4x1xi32>
    %convert_element_type3A = arith.extui %eq3A_78 : vector<4x1xi1> to vector<4x1xi32>
    %convert_element_type3A_79 = arith.sitofp %convert_element_type3A : vector<4x1xi32> to vector<4x1xf32>
    %get3A_80 = arith.constant 0 : index
    %get3A_81 = arith.constant 0 : index
    %get3A_82 = vector.load %arg5[%get3A_80, %get3A_81] : memref<4x512xf32, #tpu.memory_space<vmem>>, vector<4x512xf32>
    %get3A_83 = arith.constant 0 : index
    %get3A_84 = arith.constant 0 : index
    %get3A_85 = vector.load %arg6[%get3A_83, %get3A_84] : memref<512x128xf32, #tpu.memory_space<vmem>>, vector<512x128xf32>
    %transpose3A = tpu.transpose %get3A_85, [1, 0] : vector<512x128xf32> -> vector<128x512xf32>
    %dot_general3A_86 = arith.constant dense<0.000000e+00> : vector<4x128xf32>
    %dot_general3A_87 = tpu.matmul %get3A_82, %transpose3A, %dot_general3A_86 {dimension_numbers = #tpu.dot_dimension_numbers<[1], [1], [0], [0], [0, 0, 1, 0], [], []>, transpose_lhs_hint = false} : vector<4x512xf32>, vector<128x512xf32>, vector<4x128xf32> -> vector<4x128xf32>
    %mul3A_88 = vector.broadcast %convert_element_type3A_79 : vector<4x1xf32> to vector<4x128xf32>
    %mul3A_89 = arith.mulf %dot_general3A_87, %mul3A_88 : vector<4x128xf32>
    %reduce_sum3A_90 = arith.constant dense<0.000000e+00> : vector<128xf32>
    %reduce_sum3A_91 = vector.multi_reduction <add>, %mul3A_89, %reduce_sum3A_90 [0] : vector<4x128xf32> to vector<128xf32>
    %broadcast_in_dim3A_92 = vector.shape_cast %reduce_sum3A_91 : vector<128xf32> to vector<1x128xf32>
    %get3A_93 = arith.constant 0 : index
    %get3A_94 = arith.constant 0 : index
    %get3A_95 = vector.load %arg7[%get3A_93, %get3A_94] : memref<1x128xf32, #tpu.memory_space<vmem>>, vector<1x128xf32>
    %add3A_96 = arith.addf %broadcast_in_dim3A_92, %get3A_95 : vector<1x128xf32>
    %mul3A_97 = vector.broadcast %add3A_96 : vector<1x128xf32> to vector<256x128xf32>
    %mul3A_98 = arith.mulf %reduce_sum3A_76, %mul3A_97 : vector<256x128xf32>
    %get3A_99 = arith.constant 0 : index
    %get3A_100 = arith.constant 0 : index
    %get3A_101 = vector.load %arg4[%get3A_99, %get3A_100] : memref<256x128xf32, #tpu.memory_space<vmem>>, vector<256x128xf32>
    %add3A_102 = arith.addf %mul3A_98, %get3A_101 : vector<256x128xf32>
    %swap3A = arith.constant 0 : index
    %swap3A_103 = arith.constant 0 : index
    %swap3A_104 = vector.load %arg16[%swap3A, %swap3A_103] : memref<256x128xf32, #tpu.memory_space<vmem>>, vector<256x128xf32>
    tpu.vector_store %arg16[%swap3A, %swap3A_103], %add3A_102 {strides = array<i32>} : memref<256x128xf32, #tpu.memory_space<vmem>>, vector<256x128xf32>,
    return
  }
  func.func @transform_0(%arg0: i32) -> (i32, i32) {
    %c0_i32 = arith.constant 0 : i32
    %c0_i32_0 = arith.constant 0 : i32
    return %arg0, %c0_i32 : i32, i32
  }
  func.func @transform_1(%arg0: i32) -> (i32, i32) {
    %c0_i32 = arith.constant 0 : i32
    %c0_i32_0 = arith.constant 0 : i32
    return %arg0, %c0_i32 : i32, i32
  }
  func.func @transform_2(%arg0: i32) -> (i32, i32) {
    %c0_i32 = arith.constant 0 : i32
    %c0_i32_0 = arith.constant 0 : i32
    return %arg0, %c0_i32 : i32, i32
  }
  func.func @transform_3(%arg0: i32) -> (i32, i32) {
    %c0_i32 = arith.constant 0 : i32
    %c0_i32_0 = arith.constant 0 : i32
    return %arg0, %c0_i32 : i32, i32
  }
  func.func @transform_4(%arg0: i32) -> (i32, i32) {
    %c0_i32 = arith.constant 0 : i32
    %c0_i32_0 = arith.constant 0 : i32
    %c0_i32_1 = arith.constant 0 : i32
    return %c0_i32, %c0_i32_0 : i32, i32
  }
  func.func @transform_5(%arg0: i32) -> (i32, i32) {
    %c0_i32 = arith.constant 0 : i32
    %c0_i32_0 = arith.constant 0 : i32
    %c0_i32_1 = arith.constant 0 : i32
    return %c0_i32, %c0_i32_0 : i32, i32
  }
  func.func @transform_6(%arg0: i32) -> (i32, i32) {
    %c0_i32 = arith.constant 0 : i32
    %c0_i32_0 = arith.constant 0 : i32
    %c0_i32_1 = arith.constant 0 : i32
    return %c0_i32, %c0_i32_0 : i32, i32
  }
  func.func @transform_7(%arg0: i32) -> (i32, i32) {
    %c0_i32 = arith.constant 0 : i32
    %c0_i32_0 = arith.constant 0 : i32
    %c0_i32_1 = arith.constant 0 : i32
    return %c0_i32, %c0_i32_0 : i32, i32
  }
  func.func @transform_8(%arg0: i32) -> (i32, i32) {
    %c0_i32 = arith.constant 0 : i32
    %c0_i32_0 = arith.constant 0 : i32
    %c0_i32_1 = arith.constant 0 : i32
    return %c0_i32, %c0_i32_0 : i32, i32
  }
  func.func @transform_9(%arg0: i32) -> (i32, i32) {
    %c0_i32 = arith.constant 0 : i32
    %c0_i32_0 = arith.constant 0 : i32
    %c0_i32_1 = arith.constant 0 : i32
    return %c0_i32, %c0_i32_0 : i32, i32
  }
  func.func @transform_10(%arg0: i32) -> (i32, i32) {
    %c0_i32 = arith.constant 0 : i32
    %c0_i32_0 = arith.constant 0 : i32
    %c0_i32_1 = arith.constant 0 : i32
    return %c0_i32, %c0_i32_0 : i32, i32
  }
  func.func @transform_11(%arg0: i32) -> (i32, i32) {
    %c0_i32 = arith.constant 0 : i32
    %c0_i32_0 = arith.constant 0 : i32
    %c0_i32_1 = arith.constant 0 : i32
    return %c0_i32, %c0_i32_0 : i32, i32
  }
  func.func @transform_12(%arg0: i32) -> (i32, i32) {
    %c0_i32 = arith.constant 0 : i32
    %c0_i32_0 = arith.constant 0 : i32
    %c0_i32_1 = arith.constant 0 : i32
    return %c0_i32, %c0_i32_0 : i32, i32
  }
  func.func @transform_13(%arg0: i32) -> (i32, i32) {
    %c0_i32 = arith.constant 0 : i32
    %c0_i32_0 = arith.constant 0 : i32
    %c0_i32_1 = arith.constant 0 : i32
    return %c0_i32, %c0_i32_0 : i32, i32
  }
  func.func @transform_14(%arg0: i32) -> (i32, i32) {
    %c0_i32 = arith.constant 0 : i32
    %c0_i32_0 = arith.constant 0 : i32
    %c0_i32_1 = arith.constant 0 : i32
    return %c0_i32, %c0_i32_0 : i32, i32
  }
  func.func @transform_15(%arg0: i32) -> (i32, i32) {
    %c0_i32 = arith.constant 0 : i32
    %c0_i32_0 = arith.constant 0 : i32
    return %arg0, %c0_i32 : i32, i32
  }
}

module attributes {stable_mosaic.version = 14 : i64} {
  func.func @_c_body(%arg0: i32, %arg1: memref<4096x128xf32, #tpu.memory_space<vmem>>, %arg2: memref<256x64xf32, #tpu.memory_space<vmem>>, %arg3: memref<256x128xf32, #tpu.memory_space<vmem>>, %arg4: memref<256x128xf32, #tpu.memory_space<vmem>>, %arg5: memref<4x512xf32, #tpu.memory_space<vmem>>, %arg6: memref<512x128xf32, #tpu.memory_space<vmem>>, %arg7: memref<1x128xf32, #tpu.memory_space<vmem>>, %arg8: memref<64x128xf32, #tpu.memory_space<vmem>>, %arg9: memref<128x128xf32, #tpu.memory_space<vmem>>, %arg10: memref<128x64xf32, #tpu.memory_space<vmem>>, %arg11: memref<1x128xf32, #tpu.memory_space<vmem>>, %arg12: memref<128x128xf32, #tpu.memory_space<vmem>>, %arg13: memref<1x128xf32, #tpu.memory_space<vmem>>, %arg14: memref<1x64xf32, #tpu.memory_space<vmem>>, %arg15: memref<1x128xf32, #tpu.memory_space<vmem>>, %arg16: memref<256x128xf32, #tpu.memory_space<vmem>>) attributes {dimension_semantics = [#tpu.dimension_semantics<arbitrary>], iteration_bounds = array<i64: 8>, scalar_prefetch = 0 : i64, scratch_operands = 0 : i64, tpu.core_type = #tpu.core_type<tc>, window_params = [{transform_indices = @transform_0, window_bounds = array<i64: 4096, 128>}, {transform_indices = @transform_1, window_bounds = array<i64: 256, 64>}, {transform_indices = @transform_2, window_bounds = array<i64: 256, 128>}, {transform_indices = @transform_3, window_bounds = array<i64: 256, 128>}, {pipeline_mode = #tpu.pipeline_mode<synchronous>, transform_indices = @transform_4, window_bounds = array<i64: 4, 512>}, {pipeline_mode = #tpu.pipeline_mode<synchronous>, transform_indices = @transform_5, window_bounds = array<i64: 512, 128>}, {pipeline_mode = #tpu.pipeline_mode<synchronous>, transform_indices = @transform_6, window_bounds = array<i64: 1, 128>}, {pipeline_mode = #tpu.pipeline_mode<synchronous>, transform_indices = @transform_7, window_bounds = array<i64: 64, 128>}, {pipeline_mode = #tpu.pipeline_mode<synchronous>, transform_indices = @transform_8, window_bounds = array<i64: 128, 128>}, {pipeline_mode = #tpu.pipeline_mode<synchronous>, transform_indices = @transform_9, window_bounds = array<i64: 128, 64>}, {pipeline_mode = #tpu.pipeline_mode<synchronous>, transform_indices = @transform_10, window_bounds = array<i64: 1, 128>}, {pipeline_mode = #tpu.pipeline_mode<synchronous>, transform_indices = @transform_11, window_bounds = array<i64: 128, 128>}, {pipeline_mode = #tpu.pipeline_mode<synchronous>, transform_indices = @transform_12, window_bounds = array<i64: 1, 128>}, {pipeline_mode = #tpu.pipeline_mode<synchronous>, transform_indices = @transform_13, window_bounds = array<i64: 1, 64>}, {pipeline_mode = #tpu.pipeline_mode<synchronous>, transform_indices = @transform_14, window_bounds = array<i64: 1, 128>}, {transform_indices = @transform_15, window_bounds = array<i64: 256, 128>}]} {
    %get3A = arith.constant 0 : index
    %get3A_0 = arith.constant 0 : index
    %get3A_1 = vector.load %arg1[%get3A, %get3A_0] : memref<4096x128xf32, #tpu.memory_space<vmem>>, vector<4096x128xf32>
    %get3A_2 = arith.constant 0 : index
    %get3A_3 = arith.constant 0 : index
    %get3A_4 = vector.load %arg9[%get3A_2, %get3A_3] : memref<128x128xf32, #tpu.memory_space<vmem>>, vector<128x128xf32>
    %dot_general3A = arith.constant dense<0.000000e+00> : vector<4096x128xf32>
    %dot_general3A_5 = tpu.matmul %get3A_1, %get3A_4, %dot_general3A {dimension_numbers = #tpu.dot_dimension_numbers<[1], [1], [0], [0], [0, 0, 1, 0], [], []>, transpose_lhs_hint = false} : vector<4096x128xf32>, vector<128x128xf32>, vector<4096x128xf32> -> vector<4096x128xf32>
    %reshape3A = vector.shape_cast %dot_general3A_5 : vector<4096x128xf32> to vector<256x16x128xf32>
    %get3A_6 = arith.constant 0 : index
    %get3A_7 = arith.constant 0 : index
    %get3A_8 = vector.load %arg8[%get3A_6, %get3A_7] : memref<64x128xf32, #tpu.memory_space<vmem>>, vector<64x128xf32>
    %dot_general3A_9 = arith.constant dense<0.000000e+00> : vector<4096x64xf32>
    %dot_general3A_10 = tpu.matmul %get3A_1, %get3A_8, %dot_general3A_9 {dimension_numbers = #tpu.dot_dimension_numbers<[1], [1], [0], [0], [0, 0, 1, 0], [], []>, transpose_lhs_hint = false} : vector<4096x128xf32>, vector<64x128xf32>, vector<4096x64xf32> -> vector<4096x64xf32>
    %reshape3A_11 = vector.shape_cast %dot_general3A_10 : vector<4096x64xf32> to vector<256x16x64xf32>
    %get3A_12 = arith.constant 0 : index
    %get3A_13 = arith.constant 0 : index
    %get3A_14 = vector.load %arg2[%get3A_12, %get3A_13] : memref<256x64xf32, #tpu.memory_space<vmem>>, vector<256x64xf32>
    %get3A_15 = arith.constant 0 : index
    %get3A_16 = arith.constant 0 : index
    %get3A_17 = vector.load %arg3[%get3A_15, %get3A_16] : memref<256x128xf32, #tpu.memory_space<vmem>>, vector<256x128xf32>
    %broadcast_in_dim3A = vector.shape_cast %get3A_14 : vector<256x64xf32> to vector<256x1x64xf32>
    %sub3A = vector.broadcast %broadcast_in_dim3A : vector<256x1x64xf32> to vector<256x16x64xf32>
    %sub3A_18 = arith.subf %reshape3A_11, %sub3A : vector<256x16x64xf32>
    %get3A_19 = arith.constant 0 : index
    %get3A_20 = arith.constant 0 : index
    %get3A_21 = vector.load %arg14[%get3A_19, %get3A_20] : memref<1x64xf32, #tpu.memory_space<vmem>>, vector<1x64xf32>
    %broadcast_in_dim3A_22 = vector.shape_cast %get3A_21 : vector<1x64xf32> to vector<1x1x64xf32>
    %add3A = vector.broadcast %broadcast_in_dim3A_22 : vector<1x1x64xf32> to vector<256x16x64xf32>
    %add3A_23 = arith.addf %sub3A_18, %add3A : vector<256x16x64xf32>
    %ge3A = arith.constant 0.000000e+00 : f32
    %ge3A_24 = vector.broadcast %ge3A : f32 to vector<256x16x64xf32>
    %ge3A_25 = arith.cmpf oge, %add3A_23, %ge3A_24 : vector<256x16x64xf32>
    %mul3A = arith.constant 2.000000e-01 : f32
    %mul3A_26 = vector.broadcast %mul3A : f32 to vector<256x16x64xf32>
    %mul3A_27 = arith.mulf %mul3A_26, %add3A_23 : vector<256x16x64xf32>
    %select_n3A = arith.select %ge3A_25, %add3A_23, %mul3A_27 : vector<256x16x64xi1>, vector<256x16x64xf32>
    %reshape3A_28 = vector.shape_cast %select_n3A : vector<256x16x64xf32> to vector<4096x64xf32>
    %get3A_29 = arith.constant 0 : index
    %get3A_30 = arith.constant 0 : index
    %get3A_31 = vector.load %arg10[%get3A_29, %get3A_30] : memref<128x64xf32, #tpu.memory_space<vmem>>, vector<128x64xf32>
    %dot_general3A_32 = arith.constant dense<0.000000e+00> : vector<4096x128xf32>
    %dot_general3A_33 = tpu.matmul %reshape3A_28, %get3A_31, %dot_general3A_32 {dimension_numbers = #tpu.dot_dimension_numbers<[1], [1], [0], [0], [0, 0, 1, 0], [], []>, transpose_lhs_hint = false} : vector<4096x64xf32>, vector<128x64xf32>, vector<4096x128xf32> -> vector<4096x128xf32>
    %get3A_34 = arith.constant 0 : index
    %get3A_35 = arith.constant 0 : index
    %get3A_36 = vector.load %arg11[%get3A_34, %get3A_35] : memref<1x128xf32, #tpu.memory_space<vmem>>, vector<1x128xf32>
    %add3A_37 = vector.broadcast %get3A_36 : vector<1x128xf32> to vector<4096x128xf32>
    %add3A_38 = arith.addf %dot_general3A_33, %add3A_37 : vector<4096x128xf32>
    %reshape3A_39 = vector.shape_cast %add3A_38 : vector<4096x128xf32> to vector<256x16x128xf32>
    %exp3A = math.exp %reshape3A_39 : vector<256x16x128xf32>
    %reduce_sum3A = arith.constant dense<0.000000e+00> : vector<256x128xf32>
    %reduce_sum3A_40 = vector.multi_reduction <add>, %exp3A, %reduce_sum3A [1] : vector<256x16x128xf32> to vector<256x128xf32>
    %broadcast_in_dim3A_41 = vector.shape_cast %reduce_sum3A_40 : vector<256x128xf32> to vector<256x1x128xf32>
    %div3A = arith.constant 1.000000e+00 : f32
    %div3A_42 = vector.broadcast %div3A : f32 to vector<256x1x128xf32>
    %div3A_43 = arith.divf %div3A_42, %broadcast_in_dim3A_41 : vector<256x1x128xf32>
    %mul3A_44 = vector.broadcast %div3A_43 : vector<256x1x128xf32> to vector<256x16x128xf32>
    %mul3A_45 = arith.mulf %exp3A, %mul3A_44 : vector<256x16x128xf32>
    %broadcast_in_dim3A_46 = vector.shape_cast %get3A_17 : vector<256x128xf32> to vector<256x1x128xf32>
    %add3A_47 = vector.broadcast %broadcast_in_dim3A_46 : vector<256x1x128xf32> to vector<256x16x128xf32>
    %add3A_48 = arith.addf %reshape3A, %add3A_47 : vector<256x16x128xf32>
    %get3A_49 = arith.constant 0 : index
    %get3A_50 = arith.constant 0 : index
    %get3A_51 = vector.load %arg15[%get3A_49, %get3A_50] : memref<1x128xf32, #tpu.memory_space<vmem>>, vector<1x128xf32>
    %broadcast_in_dim3A_52 = vector.shape_cast %get3A_51 : vector<1x128xf32> to vector<1x1x128xf32>
    %add3A_53 = vector.broadcast %broadcast_in_dim3A_52 : vector<1x1x128xf32> to vector<256x16x128xf32>
    %add3A_54 = arith.addf %add3A_48, %add3A_53 : vector<256x16x128xf32>
    %ge3A_55 = arith.constant 0.000000e+00 : f32
    %ge3A_56 = vector.broadcast %ge3A_55 : f32 to vector<256x16x128xf32>
    %ge3A_57 = arith.cmpf oge, %add3A_54, %ge3A_56 : vector<256x16x128xf32>
    %mul3A_58 = arith.constant 2.000000e-01 : f32
    %mul3A_59 = vector.broadcast %mul3A_58 : f32 to vector<256x16x128xf32>
    %mul3A_60 = arith.mulf %mul3A_59, %add3A_54 : vector<256x16x128xf32>
    %select_n3A_61 = arith.select %ge3A_57, %add3A_54, %mul3A_60 : vector<256x16x128xi1>, vector<256x16x128xf32>
    %reshape3A_62 = vector.shape_cast %select_n3A_61 : vector<256x16x128xf32> to vector<4096x128xf32>
    %get3A_63 = arith.constant 0 : index
    %get3A_64 = arith.constant 0 : index
    %get3A_65 = vector.load %arg12[%get3A_63, %get3A_64] : memref<128x128xf32, #tpu.memory_space<vmem>>, vector<128x128xf32>
    %dot_general3A_66 = arith.constant dense<0.000000e+00> : vector<4096x128xf32>
    %dot_general3A_67 = tpu.matmul %reshape3A_62, %get3A_65, %dot_general3A_66 {dimension_numbers = #tpu.dot_dimension_numbers<[1], [1], [0], [0], [0, 0, 1, 0], [], []>, transpose_lhs_hint = false} : vector<4096x128xf32>, vector<128x128xf32>, vector<4096x128xf32> -> vector<4096x128xf32>
    %get3A_68 = arith.constant 0 : index
    %get3A_69 = arith.constant 0 : index
    %get3A_70 = vector.load %arg13[%get3A_68, %get3A_69] : memref<1x128xf32, #tpu.memory_space<vmem>>, vector<1x128xf32>
    %add3A_71 = vector.broadcast %get3A_70 : vector<1x128xf32> to vector<4096x128xf32>
    %add3A_72 = arith.addf %dot_general3A_67, %add3A_71 : vector<4096x128xf32>
    %reshape3A_73 = vector.shape_cast %add3A_72 : vector<4096x128xf32> to vector<256x16x128xf32>
    %mul3A_74 = arith.mulf %reshape3A_73, %mul3A_45 : vector<256x16x128xf32>
    %reduce_sum3A_75 = arith.constant dense<0.000000e+00> : vector<256x128xf32>
    %reduce_sum3A_76 = vector.multi_reduction <add>, %mul3A_74, %reduce_sum3A_75 [1] : vector<256x16x128xf32> to vector<256x128xf32>
    %iota3A = tpu.iota {dimensions = array<i32: 0>} : vector<4x1xi32>
    %eq3A = arith.constant 3 : i32
    %eq3A_77 = vector.broadcast %eq3A : i32 to vector<4x1xi32>
    %eq3A_78 = arith.cmpi eq, %iota3A, %eq3A_77 : vector<4x1xi32>
    %convert_element_type3A = arith.extui %eq3A_78 : vector<4x1xi1> to vector<4x1xi32>
    %convert_element_type3A_79 = arith.sitofp %convert_element_type3A : vector<4x1xi32> to vector<4x1xf32>
    %get3A_80 = arith.constant 0 : index
    %get3A_81 = arith.constant 0 : index
    %get3A_82 = vector.load %arg5[%get3A_80, %get3A_81] : memref<4x512xf32, #tpu.memory_space<vmem>>, vector<4x512xf32>
    %get3A_83 = arith.constant 0 : index
    %get3A_84 = arith.constant 0 : index
    %get3A_85 = vector.load %arg6[%get3A_83, %get3A_84] : memref<512x128xf32, #tpu.memory_space<vmem>>, vector<512x128xf32>
    %transpose3A = tpu.transpose %get3A_85, [1, 0] : vector<512x128xf32> -> vector<128x512xf32>
    %dot_general3A_86 = arith.constant dense<0.000000e+00> : vector<4x128xf32>
    %dot_general3A_87 = tpu.matmul %get3A_82, %transpose3A, %dot_general3A_86 {dimension_numbers = #tpu.dot_dimension_numbers<[1], [1], [0], [0], [0, 0, 1, 0], [], []>, transpose_lhs_hint = false} : vector<4x512xf32>, vector<128x512xf32>, vector<4x128xf32> -> vector<4x128xf32>
    %mul3A_88 = vector.broadcast %convert_element_type3A_79 : vector<4x1xf32> to vector<4x128xf32>
    %mul3A_89 = arith.mulf %dot_general3A_87, %mul3A_88 : vector<4x128xf32>
    %reduce_sum3A_90 = arith.constant dense<0.000000e+00> : vector<128xf32>
    %reduce_sum3A_91 = vector.multi_reduction <add>, %mul3A_89, %reduce_sum3A_90 [0] : vector<4x128xf32> to vector<128xf32>
    %broadcast_in_dim3A_92 = vector.shape_cast %reduce_sum3A_91 : vector<128xf32> to vector<1x128xf32>
    %get3A_93 = arith.constant 0 : index
    %get3A_94 = arith.constant 0 : index
    %get3A_95 = vector.load %arg7[%get3A_93, %get3A_94] : memref<1x128xf32, #tpu.memory_space<vmem>>, vector<1x128xf32>
    %add3A_96 = arith.addf %broadcast_in_dim3A_92, %get3A_95 : vector<1x128xf32>
    %mul3A_97 = vector.broadcast %add3A_96 : vector<1x128xf32> to vector<256x128xf32>
    %mul3A_98 = arith.mulf %reduce_sum3A_76, %mul3A_97 : vector<256x128xf32>
    %get3A_99 = arith.constant 0 : index
    %get3A_100 = arith.constant 0 : index
    %get3A_101 = vector.load %arg4[%get3A_99, %get3A_100] : memref<256x128xf32, #tpu.memory_space<vmem>>, vector<256x128xf32>
    %add3A_102 = arith.addf %mul3A_98, %get3A_101 : vector<256x128xf32>
    %swap3A = arith.constant 0 : index
    %swap3A_103 = arith.constant 0 : index
    %swap3A_104 = vector.load %arg16[%swap3A, %swap3A_103] : memref<256x128xf32, #tpu.memory_space<vmem>>, vector<256x128xf32>
    tpu.vector_store %arg16[%swap3A, %swap3A_103], %add3A_102 {strides = array<i32>} : memref<256x128xf32, #tpu.memory_space<vmem>>, vector<256x128xf32>,
    return
  }
  func.func @transform_0(%arg0: i32) -> (i32, i32) {
    %c0_i32 = arith.constant 0 : i32
    %c0_i32_0 = arith.constant 0 : i32
    return %arg0, %c0_i32 : i32, i32
  }
  func.func @transform_1(%arg0: i32) -> (i32, i32) {
    %c0_i32 = arith.constant 0 : i32
    %c0_i32_0 = arith.constant 0 : i32
    return %arg0, %c0_i32 : i32, i32
  }
  func.func @transform_2(%arg0: i32) -> (i32, i32) {
    %c0_i32 = arith.constant 0 : i32
    %c0_i32_0 = arith.constant 0 : i32
    return %arg0, %c0_i32 : i32, i32
  }
  func.func @transform_3(%arg0: i32) -> (i32, i32) {
    %c0_i32 = arith.constant 0 : i32
    %c0_i32_0 = arith.constant 0 : i32
    return %arg0, %c0_i32 : i32, i32
  }
  func.func @transform_4(%arg0: i32) -> (i32, i32) {
    %c0_i32 = arith.constant 0 : i32
    %c0_i32_0 = arith.constant 0 : i32
    %c0_i32_1 = arith.constant 0 : i32
    return %c0_i32, %c0_i32_0 : i32, i32
  }
  func.func @transform_5(%arg0: i32) -> (i32, i32) {
    %c0_i32 = arith.constant 0 : i32
    %c0_i32_0 = arith.constant 0 : i32
    %c0_i32_1 = arith.constant 0 : i32
    return %c0_i32, %c0_i32_0 : i32, i32
  }
  func.func @transform_6(%arg0: i32) -> (i32, i32) {
    %c0_i32 = arith.constant 0 : i32
    %c0_i32_0 = arith.constant 0 : i32
    %c0_i32_1 = arith.constant 0 : i32
    return %c0_i32, %c0_i32_0 : i32, i32
  }
  func.func @transform_7(%arg0: i32) -> (i32, i32) {
    %c0_i32 = arith.constant 0 : i32
    %c0_i32_0 = arith.constant 0 : i32
    %c0_i32_1 = arith.constant 0 : i32
    return %c0_i32, %c0_i32_0 : i32, i32
  }
  func.func @transform_8(%arg0: i32) -> (i32, i32) {
    %c0_i32 = arith.constant 0 : i32
    %c0_i32_0 = arith.constant 0 : i32
    %c0_i32_1 = arith.constant 0 : i32
    return %c0_i32, %c0_i32_0 : i32, i32
  }
  func.func @transform_9(%arg0: i32) -> (i32, i32) {
    %c0_i32 = arith.constant 0 : i32
    %c0_i32_0 = arith.constant 0 : i32
    %c0_i32_1 = arith.constant 0 : i32
    return %c0_i32, %c0_i32_0 : i32, i32
  }
  func.func @transform_10(%arg0: i32) -> (i32, i32) {
    %c0_i32 = arith.constant 0 : i32
    %c0_i32_0 = arith.constant 0 : i32
    %c0_i32_1 = arith.constant 0 : i32
    return %c0_i32, %c0_i32_0 : i32, i32
  }
  func.func @transform_11(%arg0: i32) -> (i32, i32) {
    %c0_i32 = arith.constant 0 : i32
    %c0_i32_0 = arith.constant 0 : i32
    %c0_i32_1 = arith.constant 0 : i32
    return %c0_i32, %c0_i32_0 : i32, i32
  }
  func.func @transform_12(%arg0: i32) -> (i32, i32) {
    %c0_i32 = arith.constant 0 : i32
    %c0_i32_0 = arith.constant 0 : i32
    %c0_i32_1 = arith.constant 0 : i32
    return %c0_i32, %c0_i32_0 : i32, i32
  }
  func.func @transform_13(%arg0: i32) -> (i32, i32) {
    %c0_i32 = arith.constant 0 : i32
    %c0_i32_0 = arith.constant 0 : i32
    %c0_i32_1 = arith.constant 0 : i32
    return %c0_i32, %c0_i32_0 : i32, i32
  }
  func.func @transform_14(%arg0: i32) -> (i32, i32) {
    %c0_i32 = arith.constant 0 : i32
    %c0_i32_0 = arith.constant 0 : i32
    %c0_i32_1 = arith.constant 0 : i32
    return %c0_i32, %c0_i32_0 : i32, i32
  }
  func.func @transform_15(%arg0: i32) -> (i32, i32) {
    %c0_i32 = arith.constant 0 : i32
    %c0_i32_0 = arith.constant 0 : i32
    return %arg0, %c0_i32 : i32, i32
  }
}

module attributes {stable_mosaic.version = 14 : i64} {
  func.func @_c_body(%arg0: i32, %arg1: memref<4096x128xf32, #tpu.memory_space<vmem>>, %arg2: memref<256x64xf32, #tpu.memory_space<vmem>>, %arg3: memref<256x128xf32, #tpu.memory_space<vmem>>, %arg4: memref<256x128xf32, #tpu.memory_space<vmem>>, %arg5: memref<4x512xf32, #tpu.memory_space<vmem>>, %arg6: memref<512x128xf32, #tpu.memory_space<vmem>>, %arg7: memref<1x128xf32, #tpu.memory_space<vmem>>, %arg8: memref<64x128xf32, #tpu.memory_space<vmem>>, %arg9: memref<128x128xf32, #tpu.memory_space<vmem>>, %arg10: memref<128x64xf32, #tpu.memory_space<vmem>>, %arg11: memref<1x128xf32, #tpu.memory_space<vmem>>, %arg12: memref<128x128xf32, #tpu.memory_space<vmem>>, %arg13: memref<1x128xf32, #tpu.memory_space<vmem>>, %arg14: memref<1x64xf32, #tpu.memory_space<vmem>>, %arg15: memref<1x128xf32, #tpu.memory_space<vmem>>, %arg16: memref<256x128xf32, #tpu.memory_space<vmem>>) attributes {dimension_semantics = [#tpu.dimension_semantics<arbitrary>], iteration_bounds = array<i64: 8>, scalar_prefetch = 0 : i64, scratch_operands = 0 : i64, tpu.core_type = #tpu.core_type<tc>, window_params = [{transform_indices = @transform_0, window_bounds = array<i64: 4096, 128>}, {transform_indices = @transform_1, window_bounds = array<i64: 256, 64>}, {transform_indices = @transform_2, window_bounds = array<i64: 256, 128>}, {transform_indices = @transform_3, window_bounds = array<i64: 256, 128>}, {pipeline_mode = #tpu.pipeline_mode<synchronous>, transform_indices = @transform_4, window_bounds = array<i64: 4, 512>}, {pipeline_mode = #tpu.pipeline_mode<synchronous>, transform_indices = @transform_5, window_bounds = array<i64: 512, 128>}, {pipeline_mode = #tpu.pipeline_mode<synchronous>, transform_indices = @transform_6, window_bounds = array<i64: 1, 128>}, {pipeline_mode = #tpu.pipeline_mode<synchronous>, transform_indices = @transform_7, window_bounds = array<i64: 64, 128>}, {pipeline_mode = #tpu.pipeline_mode<synchronous>, transform_indices = @transform_8, window_bounds = array<i64: 128, 128>}, {pipeline_mode = #tpu.pipeline_mode<synchronous>, transform_indices = @transform_9, window_bounds = array<i64: 128, 64>}, {pipeline_mode = #tpu.pipeline_mode<synchronous>, transform_indices = @transform_10, window_bounds = array<i64: 1, 128>}, {pipeline_mode = #tpu.pipeline_mode<synchronous>, transform_indices = @transform_11, window_bounds = array<i64: 128, 128>}, {pipeline_mode = #tpu.pipeline_mode<synchronous>, transform_indices = @transform_12, window_bounds = array<i64: 1, 128>}, {pipeline_mode = #tpu.pipeline_mode<synchronous>, transform_indices = @transform_13, window_bounds = array<i64: 1, 64>}, {pipeline_mode = #tpu.pipeline_mode<synchronous>, transform_indices = @transform_14, window_bounds = array<i64: 1, 128>}, {transform_indices = @transform_15, window_bounds = array<i64: 256, 128>}]} {
    %get3A = arith.constant 0 : index
    %get3A_0 = arith.constant 0 : index
    %get3A_1 = vector.load %arg1[%get3A, %get3A_0] : memref<4096x128xf32, #tpu.memory_space<vmem>>, vector<4096x128xf32>
    %get3A_2 = arith.constant 0 : index
    %get3A_3 = arith.constant 0 : index
    %get3A_4 = vector.load %arg9[%get3A_2, %get3A_3] : memref<128x128xf32, #tpu.memory_space<vmem>>, vector<128x128xf32>
    %dot_general3A = arith.constant dense<0.000000e+00> : vector<4096x128xf32>
    %dot_general3A_5 = tpu.matmul %get3A_1, %get3A_4, %dot_general3A {dimension_numbers = #tpu.dot_dimension_numbers<[1], [1], [0], [0], [0, 0, 1, 0], [], []>, transpose_lhs_hint = false} : vector<4096x128xf32>, vector<128x128xf32>, vector<4096x128xf32> -> vector<4096x128xf32>
    %reshape3A = vector.shape_cast %dot_general3A_5 : vector<4096x128xf32> to vector<256x16x128xf32>
    %get3A_6 = arith.constant 0 : index
    %get3A_7 = arith.constant 0 : index
    %get3A_8 = vector.load %arg8[%get3A_6, %get3A_7] : memref<64x128xf32, #tpu.memory_space<vmem>>, vector<64x128xf32>
    %dot_general3A_9 = arith.constant dense<0.000000e+00> : vector<4096x64xf32>
    %dot_general3A_10 = tpu.matmul %get3A_1, %get3A_8, %dot_general3A_9 {dimension_numbers = #tpu.dot_dimension_numbers<[1], [1], [0], [0], [0, 0, 1, 0], [], []>, transpose_lhs_hint = false} : vector<4096x128xf32>, vector<64x128xf32>, vector<4096x64xf32> -> vector<4096x64xf32>
    %reshape3A_11 = vector.shape_cast %dot_general3A_10 : vector<4096x64xf32> to vector<256x16x64xf32>
    %get3A_12 = arith.constant 0 : index
    %get3A_13 = arith.constant 0 : index
    %get3A_14 = vector.load %arg2[%get3A_12, %get3A_13] : memref<256x64xf32, #tpu.memory_space<vmem>>, vector<256x64xf32>
    %get3A_15 = arith.constant 0 : index
    %get3A_16 = arith.constant 0 : index
    %get3A_17 = vector.load %arg3[%get3A_15, %get3A_16] : memref<256x128xf32, #tpu.memory_space<vmem>>, vector<256x128xf32>
    %broadcast_in_dim3A = vector.shape_cast %get3A_14 : vector<256x64xf32> to vector<256x1x64xf32>
    %sub3A = vector.broadcast %broadcast_in_dim3A : vector<256x1x64xf32> to vector<256x16x64xf32>
    %sub3A_18 = arith.subf %reshape3A_11, %sub3A : vector<256x16x64xf32>
    %get3A_19 = arith.constant 0 : index
    %get3A_20 = arith.constant 0 : index
    %get3A_21 = vector.load %arg14[%get3A_19, %get3A_20] : memref<1x64xf32, #tpu.memory_space<vmem>>, vector<1x64xf32>
    %broadcast_in_dim3A_22 = vector.shape_cast %get3A_21 : vector<1x64xf32> to vector<1x1x64xf32>
    %add3A = vector.broadcast %broadcast_in_dim3A_22 : vector<1x1x64xf32> to vector<256x16x64xf32>
    %add3A_23 = arith.addf %sub3A_18, %add3A : vector<256x16x64xf32>
    %ge3A = arith.constant 0.000000e+00 : f32
    %ge3A_24 = vector.broadcast %ge3A : f32 to vector<256x16x64xf32>
    %ge3A_25 = arith.cmpf oge, %add3A_23, %ge3A_24 : vector<256x16x64xf32>
    %mul3A = arith.constant 2.000000e-01 : f32
    %mul3A_26 = vector.broadcast %mul3A : f32 to vector<256x16x64xf32>
    %mul3A_27 = arith.mulf %mul3A_26, %add3A_23 : vector<256x16x64xf32>
    %select_n3A = arith.select %ge3A_25, %add3A_23, %mul3A_27 : vector<256x16x64xi1>, vector<256x16x64xf32>
    %reshape3A_28 = vector.shape_cast %select_n3A : vector<256x16x64xf32> to vector<4096x64xf32>
    %get3A_29 = arith.constant 0 : index
    %get3A_30 = arith.constant 0 : index
    %get3A_31 = vector.load %arg10[%get3A_29, %get3A_30] : memref<128x64xf32, #tpu.memory_space<vmem>>, vector<128x64xf32>
    %dot_general3A_32 = arith.constant dense<0.000000e+00> : vector<4096x128xf32>
    %dot_general3A_33 = tpu.matmul %reshape3A_28, %get3A_31, %dot_general3A_32 {dimension_numbers = #tpu.dot_dimension_numbers<[1], [1], [0], [0], [0, 0, 1, 0], [], []>, transpose_lhs_hint = false} : vector<4096x64xf32>, vector<128x64xf32>, vector<4096x128xf32> -> vector<4096x128xf32>
    %get3A_34 = arith.constant 0 : index
    %get3A_35 = arith.constant 0 : index
    %get3A_36 = vector.load %arg11[%get3A_34, %get3A_35] : memref<1x128xf32, #tpu.memory_space<vmem>>, vector<1x128xf32>
    %add3A_37 = vector.broadcast %get3A_36 : vector<1x128xf32> to vector<4096x128xf32>
    %add3A_38 = arith.addf %dot_general3A_33, %add3A_37 : vector<4096x128xf32>
    %reshape3A_39 = vector.shape_cast %add3A_38 : vector<4096x128xf32> to vector<256x16x128xf32>
    %exp3A = math.exp %reshape3A_39 : vector<256x16x128xf32>
    %reduce_sum3A = arith.constant dense<0.000000e+00> : vector<256x128xf32>
    %reduce_sum3A_40 = vector.multi_reduction <add>, %exp3A, %reduce_sum3A [1] : vector<256x16x128xf32> to vector<256x128xf32>
    %broadcast_in_dim3A_41 = vector.shape_cast %reduce_sum3A_40 : vector<256x128xf32> to vector<256x1x128xf32>
    %div3A = arith.constant 1.000000e+00 : f32
    %div3A_42 = vector.broadcast %div3A : f32 to vector<256x1x128xf32>
    %div3A_43 = arith.divf %div3A_42, %broadcast_in_dim3A_41 : vector<256x1x128xf32>
    %mul3A_44 = vector.broadcast %div3A_43 : vector<256x1x128xf32> to vector<256x16x128xf32>
    %mul3A_45 = arith.mulf %exp3A, %mul3A_44 : vector<256x16x128xf32>
    %broadcast_in_dim3A_46 = vector.shape_cast %get3A_17 : vector<256x128xf32> to vector<256x1x128xf32>
    %add3A_47 = vector.broadcast %broadcast_in_dim3A_46 : vector<256x1x128xf32> to vector<256x16x128xf32>
    %add3A_48 = arith.addf %reshape3A, %add3A_47 : vector<256x16x128xf32>
    %get3A_49 = arith.constant 0 : index
    %get3A_50 = arith.constant 0 : index
    %get3A_51 = vector.load %arg15[%get3A_49, %get3A_50] : memref<1x128xf32, #tpu.memory_space<vmem>>, vector<1x128xf32>
    %broadcast_in_dim3A_52 = vector.shape_cast %get3A_51 : vector<1x128xf32> to vector<1x1x128xf32>
    %add3A_53 = vector.broadcast %broadcast_in_dim3A_52 : vector<1x1x128xf32> to vector<256x16x128xf32>
    %add3A_54 = arith.addf %add3A_48, %add3A_53 : vector<256x16x128xf32>
    %ge3A_55 = arith.constant 0.000000e+00 : f32
    %ge3A_56 = vector.broadcast %ge3A_55 : f32 to vector<256x16x128xf32>
    %ge3A_57 = arith.cmpf oge, %add3A_54, %ge3A_56 : vector<256x16x128xf32>
    %mul3A_58 = arith.constant 2.000000e-01 : f32
    %mul3A_59 = vector.broadcast %mul3A_58 : f32 to vector<256x16x128xf32>
    %mul3A_60 = arith.mulf %mul3A_59, %add3A_54 : vector<256x16x128xf32>
    %select_n3A_61 = arith.select %ge3A_57, %add3A_54, %mul3A_60 : vector<256x16x128xi1>, vector<256x16x128xf32>
    %reshape3A_62 = vector.shape_cast %select_n3A_61 : vector<256x16x128xf32> to vector<4096x128xf32>
    %get3A_63 = arith.constant 0 : index
    %get3A_64 = arith.constant 0 : index
    %get3A_65 = vector.load %arg12[%get3A_63, %get3A_64] : memref<128x128xf32, #tpu.memory_space<vmem>>, vector<128x128xf32>
    %dot_general3A_66 = arith.constant dense<0.000000e+00> : vector<4096x128xf32>
    %dot_general3A_67 = tpu.matmul %reshape3A_62, %get3A_65, %dot_general3A_66 {dimension_numbers = #tpu.dot_dimension_numbers<[1], [1], [0], [0], [0, 0, 1, 0], [], []>, transpose_lhs_hint = false} : vector<4096x128xf32>, vector<128x128xf32>, vector<4096x128xf32> -> vector<4096x128xf32>
    %get3A_68 = arith.constant 0 : index
    %get3A_69 = arith.constant 0 : index
    %get3A_70 = vector.load %arg13[%get3A_68, %get3A_69] : memref<1x128xf32, #tpu.memory_space<vmem>>, vector<1x128xf32>
    %add3A_71 = vector.broadcast %get3A_70 : vector<1x128xf32> to vector<4096x128xf32>
    %add3A_72 = arith.addf %dot_general3A_67, %add3A_71 : vector<4096x128xf32>
    %reshape3A_73 = vector.shape_cast %add3A_72 : vector<4096x128xf32> to vector<256x16x128xf32>
    %mul3A_74 = arith.mulf %reshape3A_73, %mul3A_45 : vector<256x16x128xf32>
    %reduce_sum3A_75 = arith.constant dense<0.000000e+00> : vector<256x128xf32>
    %reduce_sum3A_76 = vector.multi_reduction <add>, %mul3A_74, %reduce_sum3A_75 [1] : vector<256x16x128xf32> to vector<256x128xf32>
    %iota3A = tpu.iota {dimensions = array<i32: 0>} : vector<4x1xi32>
    %eq3A = arith.constant 2 : i32
    %eq3A_77 = vector.broadcast %eq3A : i32 to vector<4x1xi32>
    %eq3A_78 = arith.cmpi eq, %iota3A, %eq3A_77 : vector<4x1xi32>
    %convert_element_type3A = arith.extui %eq3A_78 : vector<4x1xi1> to vector<4x1xi32>
    %convert_element_type3A_79 = arith.sitofp %convert_element_type3A : vector<4x1xi32> to vector<4x1xf32>
    %get3A_80 = arith.constant 0 : index
    %get3A_81 = arith.constant 0 : index
    %get3A_82 = vector.load %arg5[%get3A_80, %get3A_81] : memref<4x512xf32, #tpu.memory_space<vmem>>, vector<4x512xf32>
    %get3A_83 = arith.constant 0 : index
    %get3A_84 = arith.constant 0 : index
    %get3A_85 = vector.load %arg6[%get3A_83, %get3A_84] : memref<512x128xf32, #tpu.memory_space<vmem>>, vector<512x128xf32>
    %transpose3A = tpu.transpose %get3A_85, [1, 0] : vector<512x128xf32> -> vector<128x512xf32>
    %dot_general3A_86 = arith.constant dense<0.000000e+00> : vector<4x128xf32>
    %dot_general3A_87 = tpu.matmul %get3A_82, %transpose3A, %dot_general3A_86 {dimension_numbers = #tpu.dot_dimension_numbers<[1], [1], [0], [0], [0, 0, 1, 0], [], []>, transpose_lhs_hint = false} : vector<4x512xf32>, vector<128x512xf32>, vector<4x128xf32> -> vector<4x128xf32>
    %mul3A_88 = vector.broadcast %convert_element_type3A_79 : vector<4x1xf32> to vector<4x128xf32>
    %mul3A_89 = arith.mulf %dot_general3A_87, %mul3A_88 : vector<4x128xf32>
    %reduce_sum3A_90 = arith.constant dense<0.000000e+00> : vector<128xf32>
    %reduce_sum3A_91 = vector.multi_reduction <add>, %mul3A_89, %reduce_sum3A_90 [0] : vector<4x128xf32> to vector<128xf32>
    %broadcast_in_dim3A_92 = vector.shape_cast %reduce_sum3A_91 : vector<128xf32> to vector<1x128xf32>
    %get3A_93 = arith.constant 0 : index
    %get3A_94 = arith.constant 0 : index
    %get3A_95 = vector.load %arg7[%get3A_93, %get3A_94] : memref<1x128xf32, #tpu.memory_space<vmem>>, vector<1x128xf32>
    %add3A_96 = arith.addf %broadcast_in_dim3A_92, %get3A_95 : vector<1x128xf32>
    %mul3A_97 = vector.broadcast %add3A_96 : vector<1x128xf32> to vector<256x128xf32>
    %mul3A_98 = arith.mulf %reduce_sum3A_76, %mul3A_97 : vector<256x128xf32>
    %get3A_99 = arith.constant 0 : index
    %get3A_100 = arith.constant 0 : index
    %get3A_101 = vector.load %arg4[%get3A_99, %get3A_100] : memref<256x128xf32, #tpu.memory_space<vmem>>, vector<256x128xf32>
    %add3A_102 = arith.addf %mul3A_98, %get3A_101 : vector<256x128xf32>
    %swap3A = arith.constant 0 : index
    %swap3A_103 = arith.constant 0 : index
    %swap3A_104 = vector.load %arg16[%swap3A, %swap3A_103] : memref<256x128xf32, #tpu.memory_space<vmem>>, vector<256x128xf32>
    tpu.vector_store %arg16[%swap3A, %swap3A_103], %add3A_102 {strides = array<i32>} : memref<256x128xf32, #tpu.memory_space<vmem>>, vector<256x128xf32>,
    return
  }
  func.func @transform_0(%arg0: i32) -> (i32, i32) {
    %c0_i32 = arith.constant 0 : i32
    %c0_i32_0 = arith.constant 0 : i32
    return %arg0, %c0_i32 : i32, i32
  }
  func.func @transform_1(%arg0: i32) -> (i32, i32) {
    %c0_i32 = arith.constant 0 : i32
    %c0_i32_0 = arith.constant 0 : i32
    return %arg0, %c0_i32 : i32, i32
  }
  func.func @transform_2(%arg0: i32) -> (i32, i32) {
    %c0_i32 = arith.constant 0 : i32
    %c0_i32_0 = arith.constant 0 : i32
    return %arg0, %c0_i32 : i32, i32
  }
  func.func @transform_3(%arg0: i32) -> (i32, i32) {
    %c0_i32 = arith.constant 0 : i32
    %c0_i32_0 = arith.constant 0 : i32
    return %arg0, %c0_i32 : i32, i32
  }
  func.func @transform_4(%arg0: i32) -> (i32, i32) {
    %c0_i32 = arith.constant 0 : i32
    %c0_i32_0 = arith.constant 0 : i32
    %c0_i32_1 = arith.constant 0 : i32
    return %c0_i32, %c0_i32_0 : i32, i32
  }
  func.func @transform_5(%arg0: i32) -> (i32, i32) {
    %c0_i32 = arith.constant 0 : i32
    %c0_i32_0 = arith.constant 0 : i32
    %c0_i32_1 = arith.constant 0 : i32
    return %c0_i32, %c0_i32_0 : i32, i32
  }
  func.func @transform_6(%arg0: i32) -> (i32, i32) {
    %c0_i32 = arith.constant 0 : i32
    %c0_i32_0 = arith.constant 0 : i32
    %c0_i32_1 = arith.constant 0 : i32
    return %c0_i32, %c0_i32_0 : i32, i32
  }
  func.func @transform_7(%arg0: i32) -> (i32, i32) {
    %c0_i32 = arith.constant 0 : i32
    %c0_i32_0 = arith.constant 0 : i32
    %c0_i32_1 = arith.constant 0 : i32
    return %c0_i32, %c0_i32_0 : i32, i32
  }
  func.func @transform_8(%arg0: i32) -> (i32, i32) {
    %c0_i32 = arith.constant 0 : i32
    %c0_i32_0 = arith.constant 0 : i32
    %c0_i32_1 = arith.constant 0 : i32
    return %c0_i32, %c0_i32_0 : i32, i32
  }
  func.func @transform_9(%arg0: i32) -> (i32, i32) {
    %c0_i32 = arith.constant 0 : i32
    %c0_i32_0 = arith.constant 0 : i32
    %c0_i32_1 = arith.constant 0 : i32
    return %c0_i32, %c0_i32_0 : i32, i32
  }
  func.func @transform_10(%arg0: i32) -> (i32, i32) {
    %c0_i32 = arith.constant 0 : i32
    %c0_i32_0 = arith.constant 0 : i32
    %c0_i32_1 = arith.constant 0 : i32
    return %c0_i32, %c0_i32_0 : i32, i32
  }
  func.func @transform_11(%arg0: i32) -> (i32, i32) {
    %c0_i32 = arith.constant 0 : i32
    %c0_i32_0 = arith.constant 0 : i32
    %c0_i32_1 = arith.constant 0 : i32
    return %c0_i32, %c0_i32_0 : i32, i32
  }
  func.func @transform_12(%arg0: i32) -> (i32, i32) {
    %c0_i32 = arith.constant 0 : i32
    %c0_i32_0 = arith.constant 0 : i32
    %c0_i32_1 = arith.constant 0 : i32
    return %c0_i32, %c0_i32_0 : i32, i32
  }
  func.func @transform_13(%arg0: i32) -> (i32, i32) {
    %c0_i32 = arith.constant 0 : i32
    %c0_i32_0 = arith.constant 0 : i32
    %c0_i32_1 = arith.constant 0 : i32
    return %c0_i32, %c0_i32_0 : i32, i32
  }
  func.func @transform_14(%arg0: i32) -> (i32, i32) {
    %c0_i32 = arith.constant 0 : i32
    %c0_i32_0 = arith.constant 0 : i32
    %c0_i32_1 = arith.constant 0 : i32
    return %c0_i32, %c0_i32_0 : i32, i32
  }
  func.func @transform_15(%arg0: i32) -> (i32, i32) {
    %c0_i32 = arith.constant 0 : i32
    %c0_i32_0 = arith.constant 0 : i32
    return %arg0, %c0_i32 : i32, i32
  }
}

module attributes {stable_mosaic.version = 14 : i64} {
  func.func @_c_body(%arg0: i32, %arg1: memref<4096x128xf32, #tpu.memory_space<vmem>>, %arg2: memref<256x64xf32, #tpu.memory_space<vmem>>, %arg3: memref<256x128xf32, #tpu.memory_space<vmem>>, %arg4: memref<256x128xf32, #tpu.memory_space<vmem>>, %arg5: memref<4x512xf32, #tpu.memory_space<vmem>>, %arg6: memref<512x128xf32, #tpu.memory_space<vmem>>, %arg7: memref<1x128xf32, #tpu.memory_space<vmem>>, %arg8: memref<64x128xf32, #tpu.memory_space<vmem>>, %arg9: memref<128x128xf32, #tpu.memory_space<vmem>>, %arg10: memref<128x64xf32, #tpu.memory_space<vmem>>, %arg11: memref<1x128xf32, #tpu.memory_space<vmem>>, %arg12: memref<128x128xf32, #tpu.memory_space<vmem>>, %arg13: memref<1x128xf32, #tpu.memory_space<vmem>>, %arg14: memref<1x64xf32, #tpu.memory_space<vmem>>, %arg15: memref<1x128xf32, #tpu.memory_space<vmem>>, %arg16: memref<256x128xf32, #tpu.memory_space<vmem>>) attributes {dimension_semantics = [#tpu.dimension_semantics<arbitrary>], iteration_bounds = array<i64: 8>, scalar_prefetch = 0 : i64, scratch_operands = 0 : i64, tpu.core_type = #tpu.core_type<tc>, window_params = [{transform_indices = @transform_0, window_bounds = array<i64: 4096, 128>}, {transform_indices = @transform_1, window_bounds = array<i64: 256, 64>}, {transform_indices = @transform_2, window_bounds = array<i64: 256, 128>}, {transform_indices = @transform_3, window_bounds = array<i64: 256, 128>}, {pipeline_mode = #tpu.pipeline_mode<synchronous>, transform_indices = @transform_4, window_bounds = array<i64: 4, 512>}, {pipeline_mode = #tpu.pipeline_mode<synchronous>, transform_indices = @transform_5, window_bounds = array<i64: 512, 128>}, {pipeline_mode = #tpu.pipeline_mode<synchronous>, transform_indices = @transform_6, window_bounds = array<i64: 1, 128>}, {pipeline_mode = #tpu.pipeline_mode<synchronous>, transform_indices = @transform_7, window_bounds = array<i64: 64, 128>}, {pipeline_mode = #tpu.pipeline_mode<synchronous>, transform_indices = @transform_8, window_bounds = array<i64: 128, 128>}, {pipeline_mode = #tpu.pipeline_mode<synchronous>, transform_indices = @transform_9, window_bounds = array<i64: 128, 64>}, {pipeline_mode = #tpu.pipeline_mode<synchronous>, transform_indices = @transform_10, window_bounds = array<i64: 1, 128>}, {pipeline_mode = #tpu.pipeline_mode<synchronous>, transform_indices = @transform_11, window_bounds = array<i64: 128, 128>}, {pipeline_mode = #tpu.pipeline_mode<synchronous>, transform_indices = @transform_12, window_bounds = array<i64: 1, 128>}, {pipeline_mode = #tpu.pipeline_mode<synchronous>, transform_indices = @transform_13, window_bounds = array<i64: 1, 64>}, {pipeline_mode = #tpu.pipeline_mode<synchronous>, transform_indices = @transform_14, window_bounds = array<i64: 1, 128>}, {transform_indices = @transform_15, window_bounds = array<i64: 256, 128>}]} {
    %get3A = arith.constant 0 : index
    %get3A_0 = arith.constant 0 : index
    %get3A_1 = vector.load %arg1[%get3A, %get3A_0] : memref<4096x128xf32, #tpu.memory_space<vmem>>, vector<4096x128xf32>
    %get3A_2 = arith.constant 0 : index
    %get3A_3 = arith.constant 0 : index
    %get3A_4 = vector.load %arg9[%get3A_2, %get3A_3] : memref<128x128xf32, #tpu.memory_space<vmem>>, vector<128x128xf32>
    %dot_general3A = arith.constant dense<0.000000e+00> : vector<4096x128xf32>
    %dot_general3A_5 = tpu.matmul %get3A_1, %get3A_4, %dot_general3A {dimension_numbers = #tpu.dot_dimension_numbers<[1], [1], [0], [0], [0, 0, 1, 0], [], []>, transpose_lhs_hint = false} : vector<4096x128xf32>, vector<128x128xf32>, vector<4096x128xf32> -> vector<4096x128xf32>
    %reshape3A = vector.shape_cast %dot_general3A_5 : vector<4096x128xf32> to vector<256x16x128xf32>
    %get3A_6 = arith.constant 0 : index
    %get3A_7 = arith.constant 0 : index
    %get3A_8 = vector.load %arg8[%get3A_6, %get3A_7] : memref<64x128xf32, #tpu.memory_space<vmem>>, vector<64x128xf32>
    %dot_general3A_9 = arith.constant dense<0.000000e+00> : vector<4096x64xf32>
    %dot_general3A_10 = tpu.matmul %get3A_1, %get3A_8, %dot_general3A_9 {dimension_numbers = #tpu.dot_dimension_numbers<[1], [1], [0], [0], [0, 0, 1, 0], [], []>, transpose_lhs_hint = false} : vector<4096x128xf32>, vector<64x128xf32>, vector<4096x64xf32> -> vector<4096x64xf32>
    %reshape3A_11 = vector.shape_cast %dot_general3A_10 : vector<4096x64xf32> to vector<256x16x64xf32>
    %get3A_12 = arith.constant 0 : index
    %get3A_13 = arith.constant 0 : index
    %get3A_14 = vector.load %arg2[%get3A_12, %get3A_13] : memref<256x64xf32, #tpu.memory_space<vmem>>, vector<256x64xf32>
    %get3A_15 = arith.constant 0 : index
    %get3A_16 = arith.constant 0 : index
    %get3A_17 = vector.load %arg3[%get3A_15, %get3A_16] : memref<256x128xf32, #tpu.memory_space<vmem>>, vector<256x128xf32>
    %broadcast_in_dim3A = vector.shape_cast %get3A_14 : vector<256x64xf32> to vector<256x1x64xf32>
    %sub3A = vector.broadcast %broadcast_in_dim3A : vector<256x1x64xf32> to vector<256x16x64xf32>
    %sub3A_18 = arith.subf %reshape3A_11, %sub3A : vector<256x16x64xf32>
    %get3A_19 = arith.constant 0 : index
    %get3A_20 = arith.constant 0 : index
    %get3A_21 = vector.load %arg14[%get3A_19, %get3A_20] : memref<1x64xf32, #tpu.memory_space<vmem>>, vector<1x64xf32>
    %broadcast_in_dim3A_22 = vector.shape_cast %get3A_21 : vector<1x64xf32> to vector<1x1x64xf32>
    %add3A = vector.broadcast %broadcast_in_dim3A_22 : vector<1x1x64xf32> to vector<256x16x64xf32>
    %add3A_23 = arith.addf %sub3A_18, %add3A : vector<256x16x64xf32>
    %ge3A = arith.constant 0.000000e+00 : f32
    %ge3A_24 = vector.broadcast %ge3A : f32 to vector<256x16x64xf32>
    %ge3A_25 = arith.cmpf oge, %add3A_23, %ge3A_24 : vector<256x16x64xf32>
    %mul3A = arith.constant 2.000000e-01 : f32
    %mul3A_26 = vector.broadcast %mul3A : f32 to vector<256x16x64xf32>
    %mul3A_27 = arith.mulf %mul3A_26, %add3A_23 : vector<256x16x64xf32>
    %select_n3A = arith.select %ge3A_25, %add3A_23, %mul3A_27 : vector<256x16x64xi1>, vector<256x16x64xf32>
    %reshape3A_28 = vector.shape_cast %select_n3A : vector<256x16x64xf32> to vector<4096x64xf32>
    %get3A_29 = arith.constant 0 : index
    %get3A_30 = arith.constant 0 : index
    %get3A_31 = vector.load %arg10[%get3A_29, %get3A_30] : memref<128x64xf32, #tpu.memory_space<vmem>>, vector<128x64xf32>
    %dot_general3A_32 = arith.constant dense<0.000000e+00> : vector<4096x128xf32>
    %dot_general3A_33 = tpu.matmul %reshape3A_28, %get3A_31, %dot_general3A_32 {dimension_numbers = #tpu.dot_dimension_numbers<[1], [1], [0], [0], [0, 0, 1, 0], [], []>, transpose_lhs_hint = false} : vector<4096x64xf32>, vector<128x64xf32>, vector<4096x128xf32> -> vector<4096x128xf32>
    %get3A_34 = arith.constant 0 : index
    %get3A_35 = arith.constant 0 : index
    %get3A_36 = vector.load %arg11[%get3A_34, %get3A_35] : memref<1x128xf32, #tpu.memory_space<vmem>>, vector<1x128xf32>
    %add3A_37 = vector.broadcast %get3A_36 : vector<1x128xf32> to vector<4096x128xf32>
    %add3A_38 = arith.addf %dot_general3A_33, %add3A_37 : vector<4096x128xf32>
    %reshape3A_39 = vector.shape_cast %add3A_38 : vector<4096x128xf32> to vector<256x16x128xf32>
    %exp3A = math.exp %reshape3A_39 : vector<256x16x128xf32>
    %reduce_sum3A = arith.constant dense<0.000000e+00> : vector<256x128xf32>
    %reduce_sum3A_40 = vector.multi_reduction <add>, %exp3A, %reduce_sum3A [1] : vector<256x16x128xf32> to vector<256x128xf32>
    %broadcast_in_dim3A_41 = vector.shape_cast %reduce_sum3A_40 : vector<256x128xf32> to vector<256x1x128xf32>
    %div3A = arith.constant 1.000000e+00 : f32
    %div3A_42 = vector.broadcast %div3A : f32 to vector<256x1x128xf32>
    %div3A_43 = arith.divf %div3A_42, %broadcast_in_dim3A_41 : vector<256x1x128xf32>
    %mul3A_44 = vector.broadcast %div3A_43 : vector<256x1x128xf32> to vector<256x16x128xf32>
    %mul3A_45 = arith.mulf %exp3A, %mul3A_44 : vector<256x16x128xf32>
    %broadcast_in_dim3A_46 = vector.shape_cast %get3A_17 : vector<256x128xf32> to vector<256x1x128xf32>
    %add3A_47 = vector.broadcast %broadcast_in_dim3A_46 : vector<256x1x128xf32> to vector<256x16x128xf32>
    %add3A_48 = arith.addf %reshape3A, %add3A_47 : vector<256x16x128xf32>
    %get3A_49 = arith.constant 0 : index
    %get3A_50 = arith.constant 0 : index
    %get3A_51 = vector.load %arg15[%get3A_49, %get3A_50] : memref<1x128xf32, #tpu.memory_space<vmem>>, vector<1x128xf32>
    %broadcast_in_dim3A_52 = vector.shape_cast %get3A_51 : vector<1x128xf32> to vector<1x1x128xf32>
    %add3A_53 = vector.broadcast %broadcast_in_dim3A_52 : vector<1x1x128xf32> to vector<256x16x128xf32>
    %add3A_54 = arith.addf %add3A_48, %add3A_53 : vector<256x16x128xf32>
    %ge3A_55 = arith.constant 0.000000e+00 : f32
    %ge3A_56 = vector.broadcast %ge3A_55 : f32 to vector<256x16x128xf32>
    %ge3A_57 = arith.cmpf oge, %add3A_54, %ge3A_56 : vector<256x16x128xf32>
    %mul3A_58 = arith.constant 2.000000e-01 : f32
    %mul3A_59 = vector.broadcast %mul3A_58 : f32 to vector<256x16x128xf32>
    %mul3A_60 = arith.mulf %mul3A_59, %add3A_54 : vector<256x16x128xf32>
    %select_n3A_61 = arith.select %ge3A_57, %add3A_54, %mul3A_60 : vector<256x16x128xi1>, vector<256x16x128xf32>
    %reshape3A_62 = vector.shape_cast %select_n3A_61 : vector<256x16x128xf32> to vector<4096x128xf32>
    %get3A_63 = arith.constant 0 : index
    %get3A_64 = arith.constant 0 : index
    %get3A_65 = vector.load %arg12[%get3A_63, %get3A_64] : memref<128x128xf32, #tpu.memory_space<vmem>>, vector<128x128xf32>
    %dot_general3A_66 = arith.constant dense<0.000000e+00> : vector<4096x128xf32>
    %dot_general3A_67 = tpu.matmul %reshape3A_62, %get3A_65, %dot_general3A_66 {dimension_numbers = #tpu.dot_dimension_numbers<[1], [1], [0], [0], [0, 0, 1, 0], [], []>, transpose_lhs_hint = false} : vector<4096x128xf32>, vector<128x128xf32>, vector<4096x128xf32> -> vector<4096x128xf32>
    %get3A_68 = arith.constant 0 : index
    %get3A_69 = arith.constant 0 : index
    %get3A_70 = vector.load %arg13[%get3A_68, %get3A_69] : memref<1x128xf32, #tpu.memory_space<vmem>>, vector<1x128xf32>
    %add3A_71 = vector.broadcast %get3A_70 : vector<1x128xf32> to vector<4096x128xf32>
    %add3A_72 = arith.addf %dot_general3A_67, %add3A_71 : vector<4096x128xf32>
    %reshape3A_73 = vector.shape_cast %add3A_72 : vector<4096x128xf32> to vector<256x16x128xf32>
    %mul3A_74 = arith.mulf %reshape3A_73, %mul3A_45 : vector<256x16x128xf32>
    %reduce_sum3A_75 = arith.constant dense<0.000000e+00> : vector<256x128xf32>
    %reduce_sum3A_76 = vector.multi_reduction <add>, %mul3A_74, %reduce_sum3A_75 [1] : vector<256x16x128xf32> to vector<256x128xf32>
    %iota3A = tpu.iota {dimensions = array<i32: 0>} : vector<4x1xi32>
    %eq3A = arith.constant 1 : i32
    %eq3A_77 = vector.broadcast %eq3A : i32 to vector<4x1xi32>
    %eq3A_78 = arith.cmpi eq, %iota3A, %eq3A_77 : vector<4x1xi32>
    %convert_element_type3A = arith.extui %eq3A_78 : vector<4x1xi1> to vector<4x1xi32>
    %convert_element_type3A_79 = arith.sitofp %convert_element_type3A : vector<4x1xi32> to vector<4x1xf32>
    %get3A_80 = arith.constant 0 : index
    %get3A_81 = arith.constant 0 : index
    %get3A_82 = vector.load %arg5[%get3A_80, %get3A_81] : memref<4x512xf32, #tpu.memory_space<vmem>>, vector<4x512xf32>
    %get3A_83 = arith.constant 0 : index
    %get3A_84 = arith.constant 0 : index
    %get3A_85 = vector.load %arg6[%get3A_83, %get3A_84] : memref<512x128xf32, #tpu.memory_space<vmem>>, vector<512x128xf32>
    %transpose3A = tpu.transpose %get3A_85, [1, 0] : vector<512x128xf32> -> vector<128x512xf32>
    %dot_general3A_86 = arith.constant dense<0.000000e+00> : vector<4x128xf32>
    %dot_general3A_87 = tpu.matmul %get3A_82, %transpose3A, %dot_general3A_86 {dimension_numbers = #tpu.dot_dimension_numbers<[1], [1], [0], [0], [0, 0, 1, 0], [], []>, transpose_lhs_hint = false} : vector<4x512xf32>, vector<128x512xf32>, vector<4x128xf32> -> vector<4x128xf32>
    %mul3A_88 = vector.broadcast %convert_element_type3A_79 : vector<4x1xf32> to vector<4x128xf32>
    %mul3A_89 = arith.mulf %dot_general3A_87, %mul3A_88 : vector<4x128xf32>
    %reduce_sum3A_90 = arith.constant dense<0.000000e+00> : vector<128xf32>
    %reduce_sum3A_91 = vector.multi_reduction <add>, %mul3A_89, %reduce_sum3A_90 [0] : vector<4x128xf32> to vector<128xf32>
    %broadcast_in_dim3A_92 = vector.shape_cast %reduce_sum3A_91 : vector<128xf32> to vector<1x128xf32>
    %get3A_93 = arith.constant 0 : index
    %get3A_94 = arith.constant 0 : index
    %get3A_95 = vector.load %arg7[%get3A_93, %get3A_94] : memref<1x128xf32, #tpu.memory_space<vmem>>, vector<1x128xf32>
    %add3A_96 = arith.addf %broadcast_in_dim3A_92, %get3A_95 : vector<1x128xf32>
    %mul3A_97 = vector.broadcast %add3A_96 : vector<1x128xf32> to vector<256x128xf32>
    %mul3A_98 = arith.mulf %reduce_sum3A_76, %mul3A_97 : vector<256x128xf32>
    %get3A_99 = arith.constant 0 : index
    %get3A_100 = arith.constant 0 : index
    %get3A_101 = vector.load %arg4[%get3A_99, %get3A_100] : memref<256x128xf32, #tpu.memory_space<vmem>>, vector<256x128xf32>
    %add3A_102 = arith.addf %mul3A_98, %get3A_101 : vector<256x128xf32>
    %swap3A = arith.constant 0 : index
    %swap3A_103 = arith.constant 0 : index
    %swap3A_104 = vector.load %arg16[%swap3A, %swap3A_103] : memref<256x128xf32, #tpu.memory_space<vmem>>, vector<256x128xf32>
    tpu.vector_store %arg16[%swap3A, %swap3A_103], %add3A_102 {strides = array<i32>} : memref<256x128xf32, #tpu.memory_space<vmem>>, vector<256x128xf32>,
    return
  }
  func.func @transform_0(%arg0: i32) -> (i32, i32) {
    %c0_i32 = arith.constant 0 : i32
    %c0_i32_0 = arith.constant 0 : i32
    return %arg0, %c0_i32 : i32, i32
  }
  func.func @transform_1(%arg0: i32) -> (i32, i32) {
    %c0_i32 = arith.constant 0 : i32
    %c0_i32_0 = arith.constant 0 : i32
    return %arg0, %c0_i32 : i32, i32
  }
  func.func @transform_2(%arg0: i32) -> (i32, i32) {
    %c0_i32 = arith.constant 0 : i32
    %c0_i32_0 = arith.constant 0 : i32
    return %arg0, %c0_i32 : i32, i32
  }
  func.func @transform_3(%arg0: i32) -> (i32, i32) {
    %c0_i32 = arith.constant 0 : i32
    %c0_i32_0 = arith.constant 0 : i32
    return %arg0, %c0_i32 : i32, i32
  }
  func.func @transform_4(%arg0: i32) -> (i32, i32) {
    %c0_i32 = arith.constant 0 : i32
    %c0_i32_0 = arith.constant 0 : i32
    %c0_i32_1 = arith.constant 0 : i32
    return %c0_i32, %c0_i32_0 : i32, i32
  }
  func.func @transform_5(%arg0: i32) -> (i32, i32) {
    %c0_i32 = arith.constant 0 : i32
    %c0_i32_0 = arith.constant 0 : i32
    %c0_i32_1 = arith.constant 0 : i32
    return %c0_i32, %c0_i32_0 : i32, i32
  }
  func.func @transform_6(%arg0: i32) -> (i32, i32) {
    %c0_i32 = arith.constant 0 : i32
    %c0_i32_0 = arith.constant 0 : i32
    %c0_i32_1 = arith.constant 0 : i32
    return %c0_i32, %c0_i32_0 : i32, i32
  }
  func.func @transform_7(%arg0: i32) -> (i32, i32) {
    %c0_i32 = arith.constant 0 : i32
    %c0_i32_0 = arith.constant 0 : i32
    %c0_i32_1 = arith.constant 0 : i32
    return %c0_i32, %c0_i32_0 : i32, i32
  }
  func.func @transform_8(%arg0: i32) -> (i32, i32) {
    %c0_i32 = arith.constant 0 : i32
    %c0_i32_0 = arith.constant 0 : i32
    %c0_i32_1 = arith.constant 0 : i32
    return %c0_i32, %c0_i32_0 : i32, i32
  }
  func.func @transform_9(%arg0: i32) -> (i32, i32) {
    %c0_i32 = arith.constant 0 : i32
    %c0_i32_0 = arith.constant 0 : i32
    %c0_i32_1 = arith.constant 0 : i32
    return %c0_i32, %c0_i32_0 : i32, i32
  }
  func.func @transform_10(%arg0: i32) -> (i32, i32) {
    %c0_i32 = arith.constant 0 : i32
    %c0_i32_0 = arith.constant 0 : i32
    %c0_i32_1 = arith.constant 0 : i32
    return %c0_i32, %c0_i32_0 : i32, i32
  }
  func.func @transform_11(%arg0: i32) -> (i32, i32) {
    %c0_i32 = arith.constant 0 : i32
    %c0_i32_0 = arith.constant 0 : i32
    %c0_i32_1 = arith.constant 0 : i32
    return %c0_i32, %c0_i32_0 : i32, i32
  }
  func.func @transform_12(%arg0: i32) -> (i32, i32) {
    %c0_i32 = arith.constant 0 : i32
    %c0_i32_0 = arith.constant 0 : i32
    %c0_i32_1 = arith.constant 0 : i32
    return %c0_i32, %c0_i32_0 : i32, i32
  }
  func.func @transform_13(%arg0: i32) -> (i32, i32) {
    %c0_i32 = arith.constant 0 : i32
    %c0_i32_0 = arith.constant 0 : i32
    %c0_i32_1 = arith.constant 0 : i32
    return %c0_i32, %c0_i32_0 : i32, i32
  }
  func.func @transform_14(%arg0: i32) -> (i32, i32) {
    %c0_i32 = arith.constant 0 : i32
    %c0_i32_0 = arith.constant 0 : i32
    %c0_i32_1 = arith.constant 0 : i32
    return %c0_i32, %c0_i32_0 : i32, i32
  }
  func.func @transform_15(%arg0: i32) -> (i32, i32) {
    %c0_i32 = arith.constant 0 : i32
    %c0_i32_0 = arith.constant 0 : i32
    return %arg0, %c0_i32 : i32, i32
  }
}

</mosaic_0001>

<sc_bundles>
// kernel: kernel.15.cloned.1.call-start
scs
__scs_entry_jumppad:
0x0: {  	(pc) =	sbr.rel $0x88, $3  }
0x1: {  	(tag) =	ssettag $0x0;
	lr =	simm.s32 $0x1  }
0x2: {  	[smem:$0x3F91] =	sst lr;
	_ =	strace $0xD0000000  }
0x3: {  	_ = 	snop  }
0x4: {  	_ = 	snop  }
0x5: {  	_ = 	snop  }
0x6: {  	_ = 	snop  }
0x7: {  	_ = 	snop  }
__scs_overlays_trampoline_lowered:
0x8: {  	[smem:$0x3FA0] =	sst s0  }
0x9: {  	[smem:$0x3FA1] =	sst s1  }
0xa: {  	[smem:$0x3FA2] =	sst s2  }
0xb: {  	[smem:$0x3FA3] =	sst s3  }
0xc: {  	[smem:$0x3FA4] =	sst s4  }
0xd: {  	[smem:$0x3FA5] =	sst s5  }
0xe: {  	[smem:$0x3FA6] =	sst s6  }
0xf: {  	[smem:$0x3FA7] =	sst s7  }
0x10: {  	[smem:$0x3FA8] =	sst s8  }
0x11: {  	[smem:$0x3FA9] =	sst s9;
	s0 =	simm.s32 @!p0 $0x0  }
0x12: {  	s1 =	sld [smem:$0x3F8F];
	s0 =	simm.s32 @p0 $0x1  }
0x13: {  	[smem:$0x3FAA] =	sst s0;
	s0 =	simm.s32 @!p1 $0x0  }
0x14: {  	s2 =	sld [smem:$0x3F8E];
	s0 =	simm.s32 @p1 $0x1  }
0x15: {  	[smem:$0x3FAB] =	sst s0;
	s0 =	simm.s32 @!p2 $0x0  }
0x16: {  	s3 =	sld [smem:$0x3FDB];
	s0 =	simm.s32 @p2 $0x1  }
0x17: {  	s4 =	simm.s32 $0x1BF5;
	[smem:$0x3FAD] =	sst s0  }
0x18: {  	s0 =	sld [smem:$0x3F90];
	_ =	swait.ge [sflag:s4], $0x0  }
0x19: {  	s7 =	sld [smem:$0x3F91]  }
0x1a: {  	s8 =	sadd.s32 $0xFFFFE003, lr  }
0x1b: {  	s9 =	sadd.s32 $0xFFFFFEF7, lr;
	s5 =	simm.s32 $0xFFFFFFFF;
	p2 =	slt.u32 s8, $0xFFFFF086  }
0x1c: {  	p1 =	slt.u32 s9, $0xF7A;
	s5 =	simm.s32 @!p2 $0x0  }
0x1d: {  	s5 =	simm.s32 @p1 $0x1;
	p0 =	seq.s32 s7, s2  }
0x1e: {  	s7 =	smul.u32 @!p0 $0xF7A, s2;
	p2 =	seq.s32 @!p0 s5, $0x0  }
0x1f: {  	s9 =	smul.u32 $0xF7A, s1;
	s8 =	simm.s32 @!p0 $0x1BF5;
	p2 =	por !p2, p0  }
0x20: {  	[sflag:s8] =	ssyncset.s32 @!p0 $0xFFFFF086;
	s6 =	sadd.s32 @!p0 s3, s7;
	s7 =	simm.s32 @!p0 $0x108  }
0x21: {  	s3 =	sadd.s32 s3, s9;
	s6 =	sadd.s32 @!p0 $0x88, s6;
	s7 =	simm.s32 @p2 $0x1082  }
0x22: {  	[simem:s7], [sflag:s8] =	dma.local @!p0 [hbm:s6], $0xF7A  }
0x23: {  	s9 =	sor.u32 $0xD0000000, s2;
	s6 =	simm.s32 $0x108;
	_ =	swait.ge @!p0 [sflag:s8], $0x0  }
0x24: {  	s3 =	sadd.s32 $0x88, s3;
	s6 =	simm.s32 @!p1 $0x1082;
	[sflag:s4] =	ssyncset.s32 $0xFFFFF086  }
0x25: {  	[simem:s6], [sflag:s4] =	dma.local [hbm:s3], $0xF7A  }
0x26: {  	[smem:$0x3F91] =	sst s1;
	(tag) =	ssettag s2;
	_ =	strace s9  }
0x27: {  	s1 =	sld [smem:$0x3FA1]  }
0x28: {  	s2 =	sld [smem:$0x3FA2]  }
0x29: {  	s4 =	sld [smem:$0x3FA4]  }
0x2a: {  	p0 =	seq.s32 s5, $0x0;
	s5 =	sld [smem:$0x3FA5]  }
0x2b: {  	s6 =	sld [smem:$0x3FA6]  }
0x2c: {  	s7 =	sld [smem:$0x3FA7]  }
0x2d: {  	s3 =	simm.s32 $0x108;
	s8 =	sld [smem:$0x3FA8]  }
0x2e: {  	s3 =	simm.s32 @!p0 $0x1082;
	s9 =	sld [smem:$0x3FA9]  }
0x2f: {  	lr =	sadd.s32 s0, s3;
	s0 =	sld [smem:$0x3FA0]  }
0x30: {  	s3 =	sld [smem:$0x3FA3]  }
0x31: {  	[smem:$0x3FAC] =	sst s10  }
0x32: {  	s10 =	sld [smem:$0x3FAA];
	_ =	sdelay $0x3  }
0x33: {  	p0 =	seq.s32 s10, $0x1;
	s10 =	sld [smem:$0x3FAC];
	_ =	sdelay $0x3  }
0x34: {  	[smem:$0x3FAC] =	sst s10  }
0x35: {  	s10 =	sld [smem:$0x3FAB];
	_ =	sdelay $0x3  }
0x36: {  	p1 =	seq.s32 s10, $0x1;
	s10 =	sld [smem:$0x3FAC];
	_ =	sdelay $0x3  }
0x37: {  	[smem:$0x3FAC] =	sst s10  }
0x38: {  	s10 =	sld [smem:$0x3FAD]  }
0x39: {  	_ = 	snop;
	(pc) =	sbr.ind lr, $3  }
0x3a: {  	_ = 	snop  }
0x3b: {  	_ = 	snop  }
0x3c: {  	p2 =	seq.s32 s10, $0x1;
	s10 =	sld [smem:$0x3FAC]  }
0x3d: {  	_ =	shalt  }
0x3e: {  	_ =	shalt  }
0x3f: {  	_ =	shalt  }
0x40: {  	_ =	shalt  }
0x41: {  	_ =	shalt  }
0x42: {  	_ =	shalt  }
0x43: {  	_ =	shalt  }
0x44: {  	_ =	shalt  }
0x45: {  	_ =	shalt  }
0x46: {  	_ =	shalt  }
0x47: {  	_ =	shalt  }
0x48: {  	_ =	shalt  }
0x49: {  	_ =	shalt  }
0x4a: {  	_ =	shalt  }
0x4b: {  	_ =	shalt  }
0x4c: {  	_ =	shalt  }
0x4d: {  	_ =	shalt  }
0x4e: {  	_ =	shalt  }
0x4f: {  	_ =	shalt  }
0x50: {  	_ =	shalt  }
0x51: {  	_ =	shalt  }
0x52: {  	_ =	shalt  }
0x53: {  	_ =	shalt  }
0x54: {  	_ =	shalt  }
0x55: {  	_ =	shalt  }
0x56: {  	_ =	shalt  }
0x57: {  	_ =	shalt  }
0x58: {  	_ =	shalt  }
0x59: {  	_ =	shalt  }
0x5a: {  	_ =	shalt  }
0x5b: {  	_ =	shalt  }
0x5c: {  	_ =	shalt  }
0x5d: {  	_ =	shalt  }
0x5e: {  	_ =	shalt  }
0x5f: {  	_ =	shalt  }
0x60: {  	_ =	shalt  }
0x61: {  	_ =	shalt  }
0x62: {  	_ =	shalt  }
0x63: {  	_ =	shalt  }
0x64: {  	_ =	shalt  }
0x65: {  	_ =	shalt  }
0x66: {  	_ =	shalt  }
0x67: {  	_ =	shalt  }
0x68: {  	_ =	shalt  }
0x69: {  	_ =	shalt  }
0x6a: {  	_ =	shalt  }
0x6b: {  	_ =	shalt  }
0x6c: {  	_ =	shalt  }
0x6d: {  	_ =	shalt  }
0x6e: {  	_ =	shalt  }
0x6f: {  	_ =	shalt  }
0x70: {  	_ =	shalt  }
0x71: {  	_ =	shalt  }
0x72: {  	_ =	shalt  }
0x73: {  	_ =	shalt  }
0x74: {  	_ =	shalt  }
0x75: {  	_ =	shalt  }
0x76: {  	_ =	shalt  }
0x77: {  	_ =	shalt  }
0x78: {  	_ =	shalt  }
0x79: {  	_ =	shalt  }
0x7a: {  	_ =	shalt  }
0x7b: {  	_ =	shalt  }
0x7c: {  	_ =	shalt  }
0x7d: {  	_ =	shalt  }
0x7e: {  	_ =	shalt  }
0x7f: {  	_ =	shalt  }
0x80: {  	_ =	shalt  }
0x81: {  	_ =	shalt  }
0x82: {  	_ =	shalt  }
0x83: {  	_ =	shalt  }
0x84: {  	_ =	shalt  }
0x85: {  	_ =	shalt  }
0x86: {  	_ =	shalt  }
0x87: {  	_ =	shalt  }
.Lfunc_end0:
.L_simem_size_0:
called_computation_lowered:
.L_overlay_start_0:
0x88: {  	s2 =	sld [smem:$0x3FD9]  }
0x89: {  	s3 =	sld [smem:$0x3FFE];
	_ =	sdelay $0x1  }
0x8a: {  	s1 =	srdreg.scid  }
0x8b: {  	s0 =	sand.u32 $0x1, s1  }
0x8c: {  	s17 =	sshll.u32 s0, $0xA;
	s2 =	sadd.s32 s3, s2  }
0x8d: {  	s2 =	sadd.s32 s2, s17  }
0x8e: {  	[smem:$0x3FB8] =	sst s2  }
0x8f: {  	_ = 	snop  }
0x90: {  	s2 =	sld [smem:$0x3FD0];
	(tm) =	ssettm $0x1  }
0x91: {  	s18 =	sld [smem:$0x3FFB];
	_ =	sdelay $0x3  }
0x92: {  	_ =	strace s18  }
0x93: {  	s3 =	sld [smem:$0x3FFC];
	_ =	sdelay $0x3  }
0x94: {  	_ =	strace s3  }
0x95: {  	s3 =	sld [smem:$0x3FFD];
	_ =	sdelay $0x3  }
0x96: {  	_ =	strace s3  }
0x97: {  	_ =	strace $0x8FFFFFFF  }
0x98: {  	s19 =	sld [smem:$0x3FDB];
	_ =	sdelay $0x1  }
0x99: {  	s4 =	simm.s32 $_scs_section_size  }
0x9a: {  	s5 =	simm.s32 $_size__tile_overlayer_lowered;
	s6 =	simm.s32 $_tile_overlayer_lowered  }
0x9b: {  	s22 =	simm.s32 $0x1BFF;
	s21 =	sshll.u32 s6, $0x1;
	s3 =	sadd.s32 s4, s19  }
0x9c: {  	s7 =	simm.s32 $0x0;
	s20 =	sshll.u32 s5, $0x1;
	s5 =	sadd.s32 s21, s3  }
0x9d: {  	[timem:s7], [sflag:s22] =	dma.local [hbm:s5], s20  }
0x9e: {  	_ =	swait.ge [sflag:s22], s20  }
0x9f: {  	s4 =	ssub.s32 $0x0, s20;
	[sflag:s22] =	ssyncset.done $0x0  }
0xa0: {  	[sflag:s22] =	ssyncadd.s32 s4;
	_ =	sdelay $0x1  }
0xa1: {  	s23 =	simm.s32 $0x1B8B  }
0xa2: {  	_ =	swait.ge [sflag:s23], $0x1  }
0xa3: {  	[sflag:s23] =	ssyncset.done $0x0  }
0xa4: {  	s25 =	simm.s32 $0x1B8E;
	s24 =	sld [smem:$0x3FFE];
	[sflag:s23] =	ssyncadd.s32 $0xFFFFFFFF  }
0xa5: {  	s26 =	simm.s32 $execute0_lowered;
	[smem:$0x3FD2] =	sst s25  }
0xa6: {  	s5 =	sshll.u32 s26, $0x1;
	_ =	strace $0x80000046;
	[dreg:$0x1] =	wrdreg $0xFFFFFFFF  }
0xa7: {  	s28 =	simm.s32 $_size_execute0_lowered;
	s3 =	sadd.s32 s3, s5;
	[dreg:$0x0] =	wrdreg $0x0  }
0xa8: {  	s5 =	sshll.u32 s28, $0x1;
	[dreg:$0x2] =	wrdreg s3  }
0xa9: {  	[dreg:$0x3] =	wrdreg s5  }
0xaa: {  	[dreg:$0x4] =	wrdreg $0xC0  }
0xab: {  	_ =	task [dreg:s7], $0x5FFFF  }
0xac: {  	[dreg:$0x1] =	wrdreg $0xFFFFFFFF  }
0xad: {  	[dreg:$0x0] =	wrdreg $0x60  }
0xae: {  	[dreg:$0x2] =	wrdreg s2  }
0xaf: {  	[dreg:$0x3] =	wrdreg s24  }
0xb0: {  	[dreg:$0x4] =	wrdreg $0x9  }
0xb1: {  	_ =	task.clear_ibuf [dreg:s7], $0x5FFFF;
	_ =	strace $0x90000046  }
0xb2: {  	s29 =	simm.s32 $0x9;
	_ =	strace $0x80000048  }
0xb3: {  	_ =	swait.ge [sflag:s29], $0x1  }
0xb4: {  	[sflag:s29] =	ssyncadd.s32 $0xFFFFFFFF  }
0xb5: {  	_ =	strace $0x90000048  }
0xb6: {  	_ =	sfence  }
0xb7: {  	s30 =	sld [smem:$0x0];
	_ =	sdelay $0x2  }
0xb8: {  	s31 =	sshll.u32 s1, $0xD;
	s1 =	sshrl.u32 s1, $0x2  }
0xb9: {  	s3 =	sand.u32 $0x4000, s31;
	s1 =	sadd.s32 s1, s30  }
0xba: {  	s0 =	sor.u32 s3, s0;
	s1 =	sshll.u32 s1, $0x11  }
0xbb: {  	s0 =	sor.u32 s1, s0  }
0xbc: {  	s0 =	sadd.s32 $0x8F2B, s0  }
0xbd: {  	[sflag:s0] =	ssyncadd.remote.s32 $0x1  }
0xbe: {  	_ =	sfence.sel $0xFFFF  }
0xbf: {  	[dreg:$0x0] =	wrdreg $0xFFFFFFFF;
	(pc) =	sbr.abs _section_cstart, $3  }
0xc0: {  	[dreg:$0x1] =	wrdreg $0xFFFFFFFF  }
0xc1: {  	_ =	task.clear_ibuf [dreg:s7], $0x2FFFF;
	_ =	strace $0x9FFFFFFF  }
0xc2: {  	(tm) =	ssettm $0x7FFFFFFF  }
0xc3: {  	_ =	shalt  }
tec
execute0_lowered:
.L_overlay_start_1:
0x0: {  	(tag) =	ssettag $0x1  }
0x1: {  	s1 =	srdreg.scid;
	s0 =	stileid.u32  }
0x2: {  	s2 =	rddreg [dreg:$0x0];
	s24 =	sand.u32 $0x1, s1;
	s31 =	sshll.u32 s0, $0x1  }
0x3: {  	s10 =	rddreg [dreg:$0x1];
	s11 =	sor.u32 s24, s31  }
0x4: {  	s3 =	simm.s32 $0x0;
	s1 =	rddreg [dreg:$0x2];
	s4 =	sshll.u32 s11, $0x7  }
0x5: {  	[smem:$0x7FF] =	sst s3;
	s4 =	sadd.s32 s4, s10  }
0x6: {  	_ =	strace $0x80000047;
	s5 =	sadd.s32 $0x4400, s4;
	s4 =	simm.s32 $0x3  }
0x7: {  	[tilespmem:s3], [sflag:$0x3] =	stream.linear.gather [hbm4b:s5+s3], $0x400, $0x38;
	[tilespmem:$0x8400] =	vst v63  }
0x8: {  	_ =	swait.ge [sflag:s4], $0x400  }
0x9: {  	[sflag:s4] =	ssyncset.done $0x0  }
0xa: {  	s6 =	simm.s32 $0x80;
	s7 =	simm.s32 $0x400;
	[sflag:s4] =	ssyncadd.s32 $0xFFFFFC00  }
0xb: {  	[tilespmem:s7], [sflag:$0x1] =	stream.indirect.gather [hbm4b:s2+s6], $0x80, s3, s6, $0xb8;
	[tilespmem:$0x8400] =	vst v63  }
0xc: {  	s8 =	simm.s32 $0x4400;
	s9 =	simm.s32 $0x1  }
0xd: {  	[tilespmem:s8], [sflag:$0x2] =	stream.indirect.gather [hbm4b:s2+s6], $0x80, s6, s6, $0xb8;
	[tilespmem:$0x8400] =	vst v63  }
0xe: {  	s11 =	sshll.u32 s11, $0xE;
	_ =	swait.ge [sflag:s9], $0x4000  }
0xf: {  	s25 =	sadd.s32 s11, s10;
	[sflag:s9] =	ssyncset.done $0x0  }
0x10: {  	s10 =	sadd.s32 $0x5400, s25;
	[sflag:s9] =	ssyncadd.s32 $0xFFFFC000  }
0x11: {  	[hbm4b:s10+s3] =	stream.linear.scatter [tilespmem:s7], [sflag:$0x3], $0x4000, $0x38;
	[tilespmem:$0x8400] =	vst v63  }
0x12: {  	_ =	swait.ge [sflag:s4], $0x4000  }
0x13: {  	[sflag:s4] =	ssyncset.done $0x0  }
0x14: {  	s12 =	simm.s32 $0x2;
	s11 =	simm.s32 $0x100;
	[sflag:s4] =	ssyncadd.s32 $0xFFFFC000  }
0x15: {  	[tilespmem:s7], [sflag:$0x1] =	stream.indirect.gather [hbm4b:s2+s6], $0x80, s11, s6, $0xb8;
	[tilespmem:$0x8400] =	vst v63  }
0x16: {  	_ =	swait.ge [sflag:s12], $0x4000  }
0x17: {  	[sflag:s12] =	ssyncset.done $0x0  }
0x18: {  	s13 =	sadd.s32 $0x5C00, s25;
	[sflag:s12] =	ssyncadd.s32 $0xFFFFC000  }
0x19: {  	[hbm4b:s13+s3] =	stream.linear.scatter [tilespmem:s8], [sflag:$0x3], $0x4000, $0x38;
	[tilespmem:$0x8400] =	vst v63  }
0x1a: {  	_ =	swait.ge [sflag:s4], $0x4000  }
0x1b: {  	[sflag:s4] =	ssyncset.done $0x0  }
0x1c: {  	s14 =	simm.s32 $0x180;
	[sflag:s4] =	ssyncadd.s32 $0xFFFFC000  }
0x1d: {  	[tilespmem:s8], [sflag:$0x2] =	stream.indirect.gather [hbm4b:s2+s6], $0x80, s14, s6, $0xb8;
	[tilespmem:$0x8400] =	vst v63  }
0x1e: {  	_ =	swait.ge [sflag:s9], $0x4000  }
0x1f: {  	[sflag:s9] =	ssyncset.done $0x0  }
0x20: {  	s15 =	sadd.s32 $0x6400, s25;
	[sflag:s9] =	ssyncadd.s32 $0xFFFFC000  }
0x21: {  	[hbm4b:s15+s3] =	stream.linear.scatter [tilespmem:s7], [sflag:$0x3], $0x4000, $0x38;
	[tilespmem:$0x8400] =	vst v63  }
0x22: {  	_ =	swait.ge [sflag:s4], $0x4000  }
0x23: {  	[sflag:s4] =	ssyncset.done $0x0  }
0x24: {  	s16 =	simm.s32 $0x200;
	[sflag:s4] =	ssyncadd.s32 $0xFFFFC000  }
0x25: {  	[tilespmem:s7], [sflag:$0x1] =	stream.indirect.gather [hbm4b:s2+s6], $0x80, s16, s6, $0xb8;
	[tilespmem:$0x8400] =	vst v63  }
0x26: {  	_ =	swait.ge [sflag:s12], $0x4000  }
0x27: {  	[sflag:s12] =	ssyncset.done $0x0  }
0x28: {  	s17 =	sadd.s32 $0x6C00, s25;
	[sflag:s12] =	ssyncadd.s32 $0xFFFFC000  }
0x29: {  	[hbm4b:s17+s3] =	stream.linear.scatter [tilespmem:s8], [sflag:$0x3], $0x4000, $0x38;
	[tilespmem:$0x8400] =	vst v63  }
0x2a: {  	_ =	swait.ge [sflag:s4], $0x4000  }
0x2b: {  	[sflag:s4] =	ssyncset.done $0x0  }
0x2c: {  	s18 =	simm.s32 $0x280;
	[sflag:s4] =	ssyncadd.s32 $0xFFFFC000  }
0x2d: {  	[tilespmem:s8], [sflag:$0x2] =	stream.indirect.gather [hbm4b:s2+s6], $0x80, s18, s6, $0xb8;
	[tilespmem:$0x8400] =	vst v63  }
0x2e: {  	_ =	swait.ge [sflag:s9], $0x4000  }
0x2f: {  	[sflag:s9] =	ssyncset.done $0x0  }
0x30: {  	s19 =	sadd.s32 $0x7400, s25;
	[sflag:s9] =	ssyncadd.s32 $0xFFFFC000  }
0x31: {  	[hbm4b:s19+s3] =	stream.linear.scatter [tilespmem:s7], [sflag:$0x3], $0x4000, $0x38;
	[tilespmem:$0x8400] =	vst v63  }
0x32: {  	_ =	swait.ge [sflag:s4], $0x4000  }
0x33: {  	[sflag:s4] =	ssyncset.done $0x0  }
0x34: {  	s20 =	simm.s32 $0x300;
	[sflag:s4] =	ssyncadd.s32 $0xFFFFC000  }
0x35: {  	[tilespmem:s7], [sflag:$0x1] =	stream.indirect.gather [hbm4b:s2+s6], $0x80, s20, s6, $0xb8;
	[tilespmem:$0x8400] =	vst v63  }
0x36: {  	_ =	swait.ge [sflag:s12], $0x4000  }
0x37: {  	[sflag:s12] =	ssyncset.done $0x0  }
0x38: {  	s21 =	sadd.s32 $0x7C00, s25;
	[sflag:s12] =	ssyncadd.s32 $0xFFFFC000  }
0x39: {  	[hbm4b:s21+s3] =	stream.linear.scatter [tilespmem:s8], [sflag:$0x3], $0x4000, $0x38;
	[tilespmem:$0x8400] =	vst v63  }
0x3a: {  	_ =	swait.ge [sflag:s4], $0x4000  }
0x3b: {  	[sflag:s4] =	ssyncset.done $0x0  }
0x3c: {  	s22 =	simm.s32 $0x380;
	[sflag:s4] =	ssyncadd.s32 $0xFFFFC000  }
0x3d: {  	[tilespmem:s8], [sflag:$0x2] =	stream.indirect.gather [hbm4b:s2+s6], $0x80, s22, s6, $0xb8;
	[tilespmem:$0x8400] =	vst v63  }
0x3e: {  	_ =	swait.ge [sflag:s9], $0x4000  }
0x3f: {  	[sflag:s9] =	ssyncset.done $0x0  }
0x40: {  	s24 =	ssub.s32 $0x2, s24;
	s23 =	sadd.s32 $0x8400, s25;
	[sflag:s9] =	ssyncadd.s32 $0xFFFFC000  }
0x41: {  	[hbm4b:s23+s3] =	stream.linear.scatter [tilespmem:s7], [sflag:$0x3], $0x4000, $0x38;
	[tilespmem:$0x8400] =	vst v63  }
0x42: {  	s26 =	sshrl.u32 s24, $0x1;
	_ =	swait.ge [sflag:s4], $0x4000  }
0x43: {  	s24 =	ssub.s32 s24, s26;
	[sflag:s4] =	ssyncset.done $0x0  }
0x44: {  	s26 =	smax.u32 s24, $0x1;
	[sflag:s4] =	ssyncadd.s32 $0xFFFFC000  }
0x45: {  	p0 =	sne.s32 s26, $0x1;
	_ =	swait.ge [sflag:s12], $0x4000  }
.Ltmp0:
0x46: {  	[sflag:s12] =	ssyncset.done $0x0;
	(pc) =	sbr.rel @!p0 .LBB2_2-.Ltmp0, $4  }
0x47: {  	s24 =	sadd.s32 $0x8C00, s25;
	[sflag:s12] =	ssyncadd.s32 $0xFFFFC000  }
0x48: {  	[hbm4b:s24+s3] =	stream.linear.scatter [tilespmem:s8], [sflag:$0x3], $0x4000, $0x38;
	[tilespmem:$0x8400] =	vst v63  }
0x49: {  	_ =	swait.ge [sflag:s4], $0x4000  }
0x4a: {  	s25 =	sadd.s32 $0xFFFFFFFF, s26;
	[sflag:s4] =	ssyncset.done $0x0  }
.LBB2_1:
0x4b: {  	p0 =	sne.s32 s25, $0x1;
	s25 =	sadd.s32 $0xFFFFFFFF, s25;
	[sflag:s4] =	ssyncadd.s32 $0xFFFFC000  }
0x4c: {  	[tilespmem:s3], [sflag:$0x3] =	stream.linear.gather [hbm4b:s5+s3], $0x400, $0x38;
	[tilespmem:$0x8400] =	vst v63  }
0x4d: {  	_ =	swait.ge [sflag:s4], $0x400  }
0x4e: {  	[sflag:s4] =	ssyncset.done $0x0  }
0x4f: {  	[sflag:s4] =	ssyncadd.s32 $0xFFFFFC00  }
0x50: {  	[tilespmem:s7], [sflag:$0x1] =	stream.indirect.gather [hbm4b:s2+s6], $0x80, s3, s6, $0xb8;
	[tilespmem:$0x8400] =	vst v63  }
0x51: {  	_ = 	snop  }
0x52: {  	[tilespmem:s8], [sflag:$0x2] =	stream.indirect.gather [hbm4b:s2+s6], $0x80, s6, s6, $0xb8;
	[tilespmem:$0x8400] =	vst v63  }
0x53: {  	_ =	swait.ge [sflag:s9], $0x4000  }
0x54: {  	[sflag:s9] =	ssyncset.done $0x0  }
0x55: {  	[sflag:s9] =	ssyncadd.s32 $0xFFFFC000  }
0x56: {  	[hbm4b:s10+s3] =	stream.linear.scatter [tilespmem:s7], [sflag:$0x3], $0x4000, $0x38;
	[tilespmem:$0x8400] =	vst v63  }
0x57: {  	_ =	swait.ge [sflag:s4], $0x4000  }
0x58: {  	[sflag:s4] =	ssyncset.done $0x0  }
0x59: {  	[sflag:s4] =	ssyncadd.s32 $0xFFFFC000  }
0x5a: {  	[tilespmem:s7], [sflag:$0x1] =	stream.indirect.gather [hbm4b:s2+s6], $0x80, s11, s6, $0xb8;
	[tilespmem:$0x8400] =	vst v63  }
0x5b: {  	_ =	swait.ge [sflag:s12], $0x4000  }
0x5c: {  	[sflag:s12] =	ssyncset.done $0x0  }
0x5d: {  	[sflag:s12] =	ssyncadd.s32 $0xFFFFC000  }
0x5e: {  	[hbm4b:s13+s3] =	stream.linear.scatter [tilespmem:s8], [sflag:$0x3], $0x4000, $0x38;
	[tilespmem:$0x8400] =	vst v63  }
0x5f: {  	_ =	swait.ge [sflag:s4], $0x4000  }
0x60: {  	[sflag:s4] =	ssyncset.done $0x0  }
0x61: {  	[sflag:s4] =	ssyncadd.s32 $0xFFFFC000  }
0x62: {  	[tilespmem:s8], [sflag:$0x2] =	stream.indirect.gather [hbm4b:s2+s6], $0x80, s14, s6, $0xb8;
	[tilespmem:$0x8400] =	vst v63  }
0x63: {  	_ =	swait.ge [sflag:s9], $0x4000  }
0x64: {  	[sflag:s9] =	ssyncset.done $0x0  }
0x65: {  	[sflag:s9] =	ssyncadd.s32 $0xFFFFC000  }
0x66: {  	[hbm4b:s15+s3] =	stream.linear.scatter [tilespmem:s7], [sflag:$0x3], $0x4000, $0x38;
	[tilespmem:$0x8400] =	vst v63  }
0x67: {  	_ =	swait.ge [sflag:s4], $0x4000  }
0x68: {  	[sflag:s4] =	ssyncset.done $0x0  }
0x69: {  	[sflag:s4] =	ssyncadd.s32 $0xFFFFC000  }
0x6a: {  	[tilespmem:s7], [sflag:$0x1] =	stream.indirect.gather [hbm4b:s2+s6], $0x80, s16, s6, $0xb8;
	[tilespmem:$0x8400] =	vst v63  }
0x6b: {  	_ =	swait.ge [sflag:s12], $0x4000  }
0x6c: {  	[sflag:s12] =	ssyncset.done $0x0  }
0x6d: {  	[sflag:s12] =	ssyncadd.s32 $0xFFFFC000  }
0x6e: {  	[hbm4b:s17+s3] =	stream.linear.scatter [tilespmem:s8], [sflag:$0x3], $0x4000, $0x38;
	[tilespmem:$0x8400] =	vst v63  }
0x6f: {  	_ =	swait.ge [sflag:s4], $0x4000  }
0x70: {  	[sflag:s4] =	ssyncset.done $0x0  }
0x71: {  	[sflag:s4] =	ssyncadd.s32 $0xFFFFC000  }
0x72: {  	[tilespmem:s8], [sflag:$0x2] =	stream.indirect.gather [hbm4b:s2+s6], $0x80, s18, s6, $0xb8;
	[tilespmem:$0x8400] =	vst v63  }
0x73: {  	_ =	swait.ge [sflag:s9], $0x4000  }
0x74: {  	[sflag:s9] =	ssyncset.done $0x0  }
0x75: {  	[sflag:s9] =	ssyncadd.s32 $0xFFFFC000  }
0x76: {  	[hbm4b:s19+s3] =	stream.linear.scatter [tilespmem:s7], [sflag:$0x3], $0x4000, $0x38;
	[tilespmem:$0x8400] =	vst v63  }
0x77: {  	_ =	swait.ge [sflag:s4], $0x4000  }
0x78: {  	[sflag:s4] =	ssyncset.done $0x0  }
0x79: {  	[sflag:s4] =	ssyncadd.s32 $0xFFFFC000  }
0x7a: {  	[tilespmem:s7], [sflag:$0x1] =	stream.indirect.gather [hbm4b:s2+s6], $0x80, s20, s6, $0xb8;
	[tilespmem:$0x8400] =	vst v63  }
0x7b: {  	_ =	swait.ge [sflag:s12], $0x4000  }
0x7c: {  	[sflag:s12] =	ssyncset.done $0x0  }
0x7d: {  	[sflag:s12] =	ssyncadd.s32 $0xFFFFC000  }
0x7e: {  	[hbm4b:s21+s3] =	stream.linear.scatter [tilespmem:s8], [sflag:$0x3], $0x4000, $0x38;
	[tilespmem:$0x8400] =	vst v63  }
0x7f: {  	_ =	swait.ge [sflag:s4], $0x4000  }
0x80: {  	[sflag:s4] =	ssyncset.done $0x0  }
0x81: {  	[sflag:s4] =	ssyncadd.s32 $0xFFFFC000  }
0x82: {  	[tilespmem:s8], [sflag:$0x2] =	stream.indirect.gather [hbm4b:s2+s6], $0x80, s22, s6, $0xb8;
	[tilespmem:$0x8400] =	vst v63  }
0x83: {  	_ =	swait.ge [sflag:s9], $0x4000  }
0x84: {  	[sflag:s9] =	ssyncset.done $0x0  }
0x85: {  	[sflag:s9] =	ssyncadd.s32 $0xFFFFC000  }
0x86: {  	[hbm4b:s23+s3] =	stream.linear.scatter [tilespmem:s7], [sflag:$0x3], $0x4000, $0x38;
	[tilespmem:$0x8400] =	vst v63  }
0x87: {  	_ =	swait.ge [sflag:s4], $0x4000  }
0x88: {  	[sflag:s4] =	ssyncset.done $0x0  }
0x89: {  	[sflag:s4] =	ssyncadd.s32 $0xFFFFC000  }
0x8a: {  	_ =	swait.ge [sflag:s12], $0x4000  }
.Ltmp1:
0x8b: {  	[sflag:s12] =	ssyncset.done $0x0;
	(pc) =	sbr.rel @p0 .LBB2_1-.Ltmp1, $4  }
0x8c: {  	[sflag:s12] =	ssyncadd.s32 $0xFFFFC000  }
0x8d: {  	[hbm4b:s24+s3] =	stream.linear.scatter [tilespmem:s8], [sflag:$0x3], $0x4000, $0x38;
	[tilespmem:$0x8400] =	vst v63  }
0x8e: {  	_ =	swait.ge [sflag:s4], $0x4000  }
0x8f: {  	[sflag:s4] =	ssyncset.done $0x0  }
.LBB2_2:
0x90: {  	[sflag:s4] =	ssyncadd.s32 $0xFFFFC000  }
0x91: {  	_ =	sfence.sel $0x180000  }
0x92: {  	[bflag:$0x0] =	sbarrier.arrive $0xFFFF  }
0x93: {  	p0 =	sne.s32 s0, $0x0;
	_ =	strace $0x90000047  }
0x94: {  	s0 =	sadd.s32 @!p0 $0x100000, s1;
	[bflag:$0x2] =	sbarrier.arrive $0xFFFF  }
0x95: {  	[sflag:s0] =	ssyncadd.tile.s32 @!p0 $0x1;
	_ =	shalt  }
.Lfunc_end2:
_tile_overlayer_lowered:
.L_overlay_start_2:
0x96: {  	(tag) =	ssettag $0x2  }
0x97: {  	s0 =	rddreg [dreg:$0x0];
	s2 =	stileid.u32  }
0x98: {  	s1 =	rddreg [dreg:$0x1];
	p0 =	sne.s32 s2, $0x0  }
0x99: {  	s3 =	rddreg [dreg:$0x2];
	[bflag:$0x3] =	sbarrier.arrive $0xFFFF;
	s2 =	simm.s32 @!p0 $0x1C03  }
0x9a: {  	[timem:s3], [sflag:s2] =	dma.local @!p0 [hbm:s0], s1  }
0x9b: {  	s0 =	simm.s32 @!p0 $0x3  }
0x9c: {  	_ =	swait.ge @!p0 [sflag:s0], s1  }
0x9d: {  	s1 =	ssub.s32 @!p0 $0x0, s1;
	[sflag:s0] =	ssyncset.done @!p0 $0x0  }
0x9e: {  	[sflag:s0] =	ssyncadd.s32 @!p0 s1  }
0x9f: {  	[bflag:$0x3] =	sbarrier.arrive $0xFFFF  }
0xa0: {  	_ =	shalt  }

// kernel: kernel.18.cloned.1.call-start
scs
__scs_entry_jumppad:
0x0: {  	(pc) =	sbr.rel $0x88, $3  }
0x1: {  	(tag) =	ssettag $0x0;
	lr =	simm.s32 $0x1  }
0x2: {  	[smem:$0x3F91] =	sst lr;
	_ =	strace $0xD0000000  }
0x3: {  	_ = 	snop  }
0x4: {  	_ = 	snop  }
0x5: {  	_ = 	snop  }
0x6: {  	_ = 	snop  }
0x7: {  	_ = 	snop  }
__scs_overlays_trampoline_lowered:
0x8: {  	[smem:$0x3FA0] =	sst s0  }
0x9: {  	[smem:$0x3FA1] =	sst s1  }
0xa: {  	[smem:$0x3FA2] =	sst s2  }
0xb: {  	[smem:$0x3FA3] =	sst s3  }
0xc: {  	[smem:$0x3FA4] =	sst s4  }
0xd: {  	[smem:$0x3FA5] =	sst s5  }
0xe: {  	[smem:$0x3FA6] =	sst s6  }
0xf: {  	[smem:$0x3FA7] =	sst s7  }
0x10: {  	[smem:$0x3FA8] =	sst s8  }
0x11: {  	[smem:$0x3FA9] =	sst s9;
	s0 =	simm.s32 @!p0 $0x0  }
0x12: {  	s1 =	sld [smem:$0x3F8F];
	s0 =	simm.s32 @p0 $0x1  }
0x13: {  	[smem:$0x3FAA] =	sst s0;
	s0 =	simm.s32 @!p1 $0x0  }
0x14: {  	s2 =	sld [smem:$0x3F8E];
	s0 =	simm.s32 @p1 $0x1  }
0x15: {  	[smem:$0x3FAB] =	sst s0;
	s0 =	simm.s32 @!p2 $0x0  }
0x16: {  	s3 =	sld [smem:$0x3FDB];
	s0 =	simm.s32 @p2 $0x1  }
0x17: {  	s4 =	simm.s32 $0x1BF5;
	[smem:$0x3FAD] =	sst s0  }
0x18: {  	s0 =	sld [smem:$0x3F90];
	_ =	swait.ge [sflag:s4], $0x0  }
0x19: {  	s7 =	sld [smem:$0x3F91]  }
0x1a: {  	s8 =	sadd.s32 $0xFFFFE003, lr  }
0x1b: {  	s9 =	sadd.s32 $0xFFFFFEF7, lr;
	s5 =	simm.s32 $0xFFFFFFFF;
	p2 =	slt.u32 s8, $0xFFFFF086  }
0x1c: {  	p1 =	slt.u32 s9, $0xF7A;
	s5 =	simm.s32 @!p2 $0x0  }
0x1d: {  	s5 =	simm.s32 @p1 $0x1;
	p0 =	seq.s32 s7, s2  }
0x1e: {  	s7 =	smul.u32 @!p0 $0xF7A, s2;
	p2 =	seq.s32 @!p0 s5, $0x0  }
0x1f: {  	s9 =	smul.u32 $0xF7A, s1;
	s8 =	simm.s32 @!p0 $0x1BF5;
	p2 =	por !p2, p0  }
0x20: {  	[sflag:s8] =	ssyncset.s32 @!p0 $0xFFFFF086;
	s6 =	sadd.s32 @!p0 s3, s7;
	s7 =	simm.s32 @!p0 $0x108  }
0x21: {  	s3 =	sadd.s32 s3, s9;
	s6 =	sadd.s32 @!p0 $0x88, s6;
	s7 =	simm.s32 @p2 $0x1082  }
0x22: {  	[simem:s7], [sflag:s8] =	dma.local @!p0 [hbm:s6], $0xF7A  }
0x23: {  	s9 =	sor.u32 $0xD0000000, s2;
	s6 =	simm.s32 $0x108;
	_ =	swait.ge @!p0 [sflag:s8], $0x0  }
0x24: {  	s3 =	sadd.s32 $0x88, s3;
	s6 =	simm.s32 @!p1 $0x1082;
	[sflag:s4] =	ssyncset.s32 $0xFFFFF086  }
0x25: {  	[simem:s6], [sflag:s4] =	dma.local [hbm:s3], $0xF7A  }
0x26: {  	[smem:$0x3F91] =	sst s1;
	(tag) =	ssettag s2;
	_ =	strace s9  }
0x27: {  	s1 =	sld [smem:$0x3FA1]  }
0x28: {  	s2 =	sld [smem:$0x3FA2]  }
0x29: {  	s4 =	sld [smem:$0x3FA4]  }
0x2a: {  	p0 =	seq.s32 s5, $0x0;
	s5 =	sld [smem:$0x3FA5]  }
0x2b: {  	s6 =	sld [smem:$0x3FA6]  }
0x2c: {  	s7 =	sld [smem:$0x3FA7]  }
0x2d: {  	s3 =	simm.s32 $0x108;
	s8 =	sld [smem:$0x3FA8]  }
0x2e: {  	s3 =	simm.s32 @!p0 $0x1082;
	s9 =	sld [smem:$0x3FA9]  }
0x2f: {  	lr =	sadd.s32 s0, s3;
	s0 =	sld [smem:$0x3FA0]  }
0x30: {  	s3 =	sld [smem:$0x3FA3]  }
0x31: {  	[smem:$0x3FAC] =	sst s10  }
0x32: {  	s10 =	sld [smem:$0x3FAA];
	_ =	sdelay $0x3  }
0x33: {  	p0 =	seq.s32 s10, $0x1;
	s10 =	sld [smem:$0x3FAC];
	_ =	sdelay $0x3  }
0x34: {  	[smem:$0x3FAC] =	sst s10  }
0x35: {  	s10 =	sld [smem:$0x3FAB];
	_ =	sdelay $0x3  }
0x36: {  	p1 =	seq.s32 s10, $0x1;
	s10 =	sld [smem:$0x3FAC];
	_ =	sdelay $0x3  }
0x37: {  	[smem:$0x3FAC] =	sst s10  }
0x38: {  	s10 =	sld [smem:$0x3FAD]  }
0x39: {  	_ = 	snop;
	(pc) =	sbr.ind lr, $3  }
0x3a: {  	_ = 	snop  }
0x3b: {  	_ = 	snop  }
0x3c: {  	p2 =	seq.s32 s10, $0x1;
	s10 =	sld [smem:$0x3FAC]  }
0x3d: {  	_ =	shalt  }
0x3e: {  	_ =	shalt  }
0x3f: {  	_ =	shalt  }
0x40: {  	_ =	shalt  }
0x41: {  	_ =	shalt  }
0x42: {  	_ =	shalt  }
0x43: {  	_ =	shalt  }
0x44: {  	_ =	shalt  }
0x45: {  	_ =	shalt  }
0x46: {  	_ =	shalt  }
0x47: {  	_ =	shalt  }
0x48: {  	_ =	shalt  }
0x49: {  	_ =	shalt  }
0x4a: {  	_ =	shalt  }
0x4b: {  	_ =	shalt  }
0x4c: {  	_ =	shalt  }
0x4d: {  	_ =	shalt  }
0x4e: {  	_ =	shalt  }
0x4f: {  	_ =	shalt  }
0x50: {  	_ =	shalt  }
0x51: {  	_ =	shalt  }
0x52: {  	_ =	shalt  }
0x53: {  	_ =	shalt  }
0x54: {  	_ =	shalt  }
0x55: {  	_ =	shalt  }
0x56: {  	_ =	shalt  }
0x57: {  	_ =	shalt  }
0x58: {  	_ =	shalt  }
0x59: {  	_ =	shalt  }
0x5a: {  	_ =	shalt  }
0x5b: {  	_ =	shalt  }
0x5c: {  	_ =	shalt  }
0x5d: {  	_ =	shalt  }
0x5e: {  	_ =	shalt  }
0x5f: {  	_ =	shalt  }
0x60: {  	_ =	shalt  }
0x61: {  	_ =	shalt  }
0x62: {  	_ =	shalt  }
0x63: {  	_ =	shalt  }
0x64: {  	_ =	shalt  }
0x65: {  	_ =	shalt  }
0x66: {  	_ =	shalt  }
0x67: {  	_ =	shalt  }
0x68: {  	_ =	shalt  }
0x69: {  	_ =	shalt  }
0x6a: {  	_ =	shalt  }
0x6b: {  	_ =	shalt  }
0x6c: {  	_ =	shalt  }
0x6d: {  	_ =	shalt  }
0x6e: {  	_ =	shalt  }
0x6f: {  	_ =	shalt  }
0x70: {  	_ =	shalt  }
0x71: {  	_ =	shalt  }
0x72: {  	_ =	shalt  }
0x73: {  	_ =	shalt  }
0x74: {  	_ =	shalt  }
0x75: {  	_ =	shalt  }
0x76: {  	_ =	shalt  }
0x77: {  	_ =	shalt  }
0x78: {  	_ =	shalt  }
0x79: {  	_ =	shalt  }
0x7a: {  	_ =	shalt  }
0x7b: {  	_ =	shalt  }
0x7c: {  	_ =	shalt  }
0x7d: {  	_ =	shalt  }
0x7e: {  	_ =	shalt  }
0x7f: {  	_ =	shalt  }
0x80: {  	_ =	shalt  }
0x81: {  	_ =	shalt  }
0x82: {  	_ =	shalt  }
0x83: {  	_ =	shalt  }
0x84: {  	_ =	shalt  }
0x85: {  	_ =	shalt  }
0x86: {  	_ =	shalt  }
0x87: {  	_ =	shalt  }
.Lfunc_end0:
.L_simem_size_0:
called_computation.1_lowered:
.L_overlay_start_0:
0x88: {  	s2 =	sld [smem:$0x3FD9]  }
0x89: {  	s3 =	sld [smem:$0x3FFE];
	_ =	sdelay $0x1  }
0x8a: {  	s1 =	srdreg.scid  }
0x8b: {  	s0 =	sand.u32 $0x1, s1  }
0x8c: {  	s17 =	sshll.u32 s0, $0xA;
	s2 =	sadd.s32 s3, s2  }
0x8d: {  	s2 =	sadd.s32 s2, s17  }
0x8e: {  	[smem:$0x3FB8] =	sst s2  }
0x8f: {  	_ = 	snop  }
0x90: {  	s18 =	sld [smem:$0x3FD0];
	(tm) =	ssettm $0x1  }
0x91: {  	s19 =	sld [smem:$0x3FFB];
	_ =	sdelay $0x3  }
0x92: {  	_ =	strace s19  }
0x93: {  	s2 =	sld [smem:$0x3FFC];
	_ =	sdelay $0x3  }
0x94: {  	_ =	strace s2  }
0x95: {  	s2 =	sld [smem:$0x3FFD];
	_ =	sdelay $0x3  }
0x96: {  	_ =	strace s2  }
0x97: {  	_ =	strace $0x8FFFFFFF  }
0x98: {  	s20 =	sld [smem:$0x3FDB];
	_ =	sdelay $0x1  }
0x99: {  	s4 =	simm.s32 $_scs_section_size  }
0x9a: {  	s5 =	simm.s32 $_size__tile_overlayer_lowered;
	s6 =	simm.s32 $_tile_overlayer_lowered  }
0x9b: {  	s7 =	simm.s32 $0x1BFF;
	s21 =	sshll.u32 s6, $0x1;
	s4 =	sadd.s32 s4, s20  }
0x9c: {  	s22 =	simm.s32 $0x0;
	s5 =	sshll.u32 s5, $0x1;
	s6 =	sadd.s32 s21, s4  }
0x9d: {  	[timem:s22], [sflag:s7] =	dma.local [hbm:s6], s5  }
0x9e: {  	_ =	swait.ge [sflag:s7], s5  }
0x9f: {  	s5 =	ssub.s32 $0x0, s5;
	[sflag:s7] =	ssyncset.done $0x0  }
0xa0: {  	[sflag:s7] =	ssyncadd.s32 s5;
	_ =	sdelay $0x1  }
0xa1: {  	s23 =	simm.s32 $0x1B8B  }
0xa2: {  	_ =	swait.ge [sflag:s23], $0x1  }
0xa3: {  	[sflag:s23] =	ssyncset.done $0x0  }
0xa4: {  	[sflag:s23] =	ssyncadd.s32 $0xFFFFFFFF  }
0xa5: {  	s5 =	sld [smem:$0x0]  }
0xa6: {  	s6 =	sand.u32 $0xFFFFFFFE, s1  }
0xa7: {  	p0 =	sne.s32 s1, s6  }
0xa8: {  	s6 =	sshll.u32 @p0 s6, $0xE  }
0xa9: {  	s6 =	sadd.s32 @p0 $0x11B8D, s6;
	s7 =	sshll.u32 @p0 s5, $0x11  }
0xaa: {  	s6 =	sor.u32 @p0 s7, s6  }
0xab: {  	[sflag:s6] =	ssyncadd.remote.s32 @p0 $0x1;
	_ =	sdelay $0x1  }
0xac: {  	s6 =	simm.s32 @p0 $0x1B8D  }
0xad: {  	_ =	swait.eq @p0 [sflag:s6], $0x1  }
0xae: {  	[sflag:s6] =	ssyncadd.s32 @p0 $0xFFFFFFFF  }
0xaf: {  	s7 =	sshll.u32 @!p0 s1, $0xE  }
0xb0: {  	s7 =	sor.u32 @!p0 $0x4000, s7;
	s6 =	simm.s32 @!p0 $0x1B8D  }
0xb1: {  	s5 =	sshll.u32 @!p0 s5, $0x11;
	s7 =	sadd.s32 @!p0 $0x11B8D, s7;
	_ =	swait.eq @!p0 [sflag:s6], $0x1  }
0xb2: {  	s5 =	sor.u32 @!p0 s5, s7;
	[sflag:s6] =	ssyncadd.s32 @!p0 $0xFFFFFFFF  }
0xb3: {  	s25 =	simm.s32 $0x1B8E;
	s24 =	sld [smem:$0x3FFE];
	[sflag:s5] =	ssyncadd.remote.s32 @!p0 $0x1  }
0xb4: {  	s26 =	simm.s32 $execute0_lowered;
	[smem:$0x3FD2] =	sst s25  }
0xb5: {  	s6 =	sshll.u32 s26, $0x1;
	_ =	strace $0x8000004F;
	[dreg:$0x1] =	wrdreg $0xFFFFFFFF  }
0xb6: {  	s28 =	simm.s32 $_size_execute0_lowered;
	s4 =	sadd.s32 s4, s6;
	[dreg:$0x0] =	wrdreg $0x0  }
0xb7: {  	s6 =	sshll.u32 s28, $0x1;
	[dreg:$0x2] =	wrdreg s4  }
0xb8: {  	[dreg:$0x3] =	wrdreg s6  }
0xb9: {  	[dreg:$0x4] =	wrdreg $0xC0  }
0xba: {  	_ =	task [dreg:s22], $0x5FFFF  }
0xbb: {  	[dreg:$0x1] =	wrdreg $0xFFFFFFFF  }
0xbc: {  	[dreg:$0x0] =	wrdreg $0x60  }
0xbd: {  	[dreg:$0x2] =	wrdreg s18  }
0xbe: {  	[dreg:$0x3] =	wrdreg s24  }
0xbf: {  	[dreg:$0x4] =	wrdreg $0xA  }
0xc0: {  	_ =	task.clear_ibuf [dreg:s22], $0x5FFFF;
	_ =	strace $0x9000004F  }
0xc1: {  	s29 =	simm.s32 $0xA;
	_ =	strace $0x80000051  }
0xc2: {  	_ =	swait.ge [sflag:s29], $0x1  }
0xc3: {  	[sflag:s29] =	ssyncadd.s32 $0xFFFFFFFF  }
0xc4: {  	_ =	strace $0x90000051  }
0xc5: {  	_ =	sfence  }
0xc6: {  	s30 =	sld [smem:$0x0];
	_ =	sdelay $0x2  }
0xc7: {  	s31 =	sshll.u32 s1, $0xD;
	s1 =	sshrl.u32 s1, $0x2  }
0xc8: {  	s4 =	sand.u32 $0x4000, s31;
	s1 =	sadd.s32 s1, s30  }
0xc9: {  	s0 =	sor.u32 s4, s0;
	s1 =	sshll.u32 s1, $0x11  }
0xca: {  	s0 =	sor.u32 s1, s0  }
0xcb: {  	s0 =	sadd.s32 $0x8F2B, s0  }
0xcc: {  	[sflag:s0] =	ssyncadd.remote.s32 $0x1  }
0xcd: {  	_ =	sfence.sel $0xFFFF  }
0xce: {  	[dreg:$0x0] =	wrdreg $0xFFFFFFFF;
	(pc) =	sbr.abs _section_cstart, $3  }
0xcf: {  	[dreg:$0x1] =	wrdreg $0xFFFFFFFF  }
0xd0: {  	_ =	task.clear_ibuf [dreg:s22], $0x2FFFF;
	_ =	strace $0x9FFFFFFF  }
0xd1: {  	(tm) =	ssettm $0x7FFFFFFF  }
tec
execute0_lowered:
.L_overlay_start_1:
0x0: {  	(tag) =	ssettag $0x1  }
0x1: {  	s1 =	srdreg.scid;
	s0 =	stileid.u32  }
0x2: {  	s2 =	rddreg [dreg:$0x0];
	s24 =	sand.u32 $0x1, s1;
	s31 =	sshll.u32 s0, $0x1  }
0x3: {  	s10 =	rddreg [dreg:$0x1];
	s11 =	sor.u32 s24, s31  }
0x4: {  	s3 =	simm.s32 $0x0;
	s1 =	rddreg [dreg:$0x2];
	s4 =	sshll.u32 s11, $0x7  }
0x5: {  	[smem:$0x7FF] =	sst s3;
	s4 =	sadd.s32 s4, s10  }
0x6: {  	_ =	strace $0x80000050;
	s5 =	sadd.s32 $0x187400, s4;
	s4 =	simm.s32 $0x3  }
0x7: {  	[tilespmem:s3], [sflag:$0x3] =	stream.linear.gather [hbm4b:s5+s3], $0x400, $0x38;
	[tilespmem:$0x8400] =	vst v63  }
0x8: {  	_ =	swait.ge [sflag:s4], $0x400  }
0x9: {  	[sflag:s4] =	ssyncset.done $0x0  }
0xa: {  	s6 =	simm.s32 $0x80;
	s7 =	simm.s32 $0x400;
	[sflag:s4] =	ssyncadd.s32 $0xFFFFFC00  }
0xb: {  	[tilespmem:s7], [sflag:$0x1] =	stream.indirect.gather [hbm4b:s2+s6], $0x80, s3, s6, $0xb8;
	[tilespmem:$0x8400] =	vst v63  }
0xc: {  	s8 =	simm.s32 $0x4400;
	s9 =	simm.s32 $0x1  }
0xd: {  	[tilespmem:s8], [sflag:$0x2] =	stream.indirect.gather [hbm4b:s2+s6], $0x80, s6, s6, $0xb8;
	[tilespmem:$0x8400] =	vst v63  }
0xe: {  	s11 =	sshll.u32 s11, $0xE;
	_ =	swait.ge [sflag:s9], $0x4000  }
0xf: {  	s25 =	sadd.s32 s11, s10;
	[sflag:s9] =	ssyncset.done $0x0  }
0x10: {  	s10 =	sadd.s32 $0x188400, s25;
	[sflag:s9] =	ssyncadd.s32 $0xFFFFC000  }
0x11: {  	[hbm4b:s10+s3] =	stream.linear.scatter [tilespmem:s7], [sflag:$0x3], $0x4000, $0x38;
	[tilespmem:$0x8400] =	vst v63  }
0x12: {  	_ =	swait.ge [sflag:s4], $0x4000  }
0x13: {  	[sflag:s4] =	ssyncset.done $0x0  }
0x14: {  	s12 =	simm.s32 $0x2;
	s11 =	simm.s32 $0x100;
	[sflag:s4] =	ssyncadd.s32 $0xFFFFC000  }
0x15: {  	[tilespmem:s7], [sflag:$0x1] =	stream.indirect.gather [hbm4b:s2+s6], $0x80, s11, s6, $0xb8;
	[tilespmem:$0x8400] =	vst v63  }
0x16: {  	_ =	swait.ge [sflag:s12], $0x4000  }
0x17: {  	[sflag:s12] =	ssyncset.done $0x0  }
0x18: {  	s13 =	sadd.s32 $0x188C00, s25;
	[sflag:s12] =	ssyncadd.s32 $0xFFFFC000  }
0x19: {  	[hbm4b:s13+s3] =	stream.linear.scatter [tilespmem:s8], [sflag:$0x3], $0x4000, $0x38;
	[tilespmem:$0x8400] =	vst v63  }
0x1a: {  	_ =	swait.ge [sflag:s4], $0x4000  }
0x1b: {  	[sflag:s4] =	ssyncset.done $0x0  }
0x1c: {  	s14 =	simm.s32 $0x180;
	[sflag:s4] =	ssyncadd.s32 $0xFFFFC000  }
0x1d: {  	[tilespmem:s8], [sflag:$0x2] =	stream.indirect.gather [hbm4b:s2+s6], $0x80, s14, s6, $0xb8;
	[tilespmem:$0x8400] =	vst v63  }
0x1e: {  	_ =	swait.ge [sflag:s9], $0x4000  }
0x1f: {  	[sflag:s9] =	ssyncset.done $0x0  }
0x20: {  	s15 =	sadd.s32 $0x189400, s25;
	[sflag:s9] =	ssyncadd.s32 $0xFFFFC000  }
0x21: {  	[hbm4b:s15+s3] =	stream.linear.scatter [tilespmem:s7], [sflag:$0x3], $0x4000, $0x38;
	[tilespmem:$0x8400] =	vst v63  }
0x22: {  	_ =	swait.ge [sflag:s4], $0x4000  }
0x23: {  	[sflag:s4] =	ssyncset.done $0x0  }
0x24: {  	s16 =	simm.s32 $0x200;
	[sflag:s4] =	ssyncadd.s32 $0xFFFFC000  }
0x25: {  	[tilespmem:s7], [sflag:$0x1] =	stream.indirect.gather [hbm4b:s2+s6], $0x80, s16, s6, $0xb8;
	[tilespmem:$0x8400] =	vst v63  }
0x26: {  	_ =	swait.ge [sflag:s12], $0x4000  }
0x27: {  	[sflag:s12] =	ssyncset.done $0x0  }
0x28: {  	s17 =	sadd.s32 $0x189C00, s25;
	[sflag:s12] =	ssyncadd.s32 $0xFFFFC000  }
0x29: {  	[hbm4b:s17+s3] =	stream.linear.scatter [tilespmem:s8], [sflag:$0x3], $0x4000, $0x38;
	[tilespmem:$0x8400] =	vst v63  }
0x2a: {  	_ =	swait.ge [sflag:s4], $0x4000  }
0x2b: {  	[sflag:s4] =	ssyncset.done $0x0  }
0x2c: {  	s18 =	simm.s32 $0x280;
	[sflag:s4] =	ssyncadd.s32 $0xFFFFC000  }
0x2d: {  	[tilespmem:s8], [sflag:$0x2] =	stream.indirect.gather [hbm4b:s2+s6], $0x80, s18, s6, $0xb8;
	[tilespmem:$0x8400] =	vst v63  }
0x2e: {  	_ =	swait.ge [sflag:s9], $0x4000  }
0x2f: {  	[sflag:s9] =	ssyncset.done $0x0  }
0x30: {  	s19 =	sadd.s32 $0x18A400, s25;
	[sflag:s9] =	ssyncadd.s32 $0xFFFFC000  }
0x31: {  	[hbm4b:s19+s3] =	stream.linear.scatter [tilespmem:s7], [sflag:$0x3], $0x4000, $0x38;
	[tilespmem:$0x8400] =	vst v63  }
0x32: {  	_ =	swait.ge [sflag:s4], $0x4000  }
0x33: {  	[sflag:s4] =	ssyncset.done $0x0  }
0x34: {  	s20 =	simm.s32 $0x300;
	[sflag:s4] =	ssyncadd.s32 $0xFFFFC000  }
0x35: {  	[tilespmem:s7], [sflag:$0x1] =	stream.indirect.gather [hbm4b:s2+s6], $0x80, s20, s6, $0xb8;
	[tilespmem:$0x8400] =	vst v63  }
0x36: {  	_ =	swait.ge [sflag:s12], $0x4000  }
0x37: {  	[sflag:s12] =	ssyncset.done $0x0  }
0x38: {  	s21 =	sadd.s32 $0x18AC00, s25;
	[sflag:s12] =	ssyncadd.s32 $0xFFFFC000  }
0x39: {  	[hbm4b:s21+s3] =	stream.linear.scatter [tilespmem:s8], [sflag:$0x3], $0x4000, $0x38;
	[tilespmem:$0x8400] =	vst v63  }
0x3a: {  	_ =	swait.ge [sflag:s4], $0x4000  }
0x3b: {  	[sflag:s4] =	ssyncset.done $0x0  }
0x3c: {  	s22 =	simm.s32 $0x380;
	[sflag:s4] =	ssyncadd.s32 $0xFFFFC000  }
0x3d: {  	[tilespmem:s8], [sflag:$0x2] =	stream.indirect.gather [hbm4b:s2+s6], $0x80, s22, s6, $0xb8;
	[tilespmem:$0x8400] =	vst v63  }
0x3e: {  	_ =	swait.ge [sflag:s9], $0x4000  }
0x3f: {  	[sflag:s9] =	ssyncset.done $0x0  }
0x40: {  	s24 =	ssub.s32 $0x2, s24;
	s23 =	sadd.s32 $0x18B400, s25;
	[sflag:s9] =	ssyncadd.s32 $0xFFFFC000  }
0x41: {  	[hbm4b:s23+s3] =	stream.linear.scatter [tilespmem:s7], [sflag:$0x3], $0x4000, $0x38;
	[tilespmem:$0x8400] =	vst v63  }
0x42: {  	s26 =	sshrl.u32 s24, $0x1;
	_ =	swait.ge [sflag:s4], $0x4000  }
0x43: {  	s24 =	ssub.s32 s24, s26;
	[sflag:s4] =	ssyncset.done $0x0  }
0x44: {  	s26 =	smax.u32 s24, $0x1;
	[sflag:s4] =	ssyncadd.s32 $0xFFFFC000  }
0x45: {  	p0 =	sne.s32 s26, $0x1;
	_ =	swait.ge [sflag:s12], $0x4000  }
.Ltmp0:
0x46: {  	[sflag:s12] =	ssyncset.done $0x0;
	(pc) =	sbr.rel @!p0 .LBB2_2-.Ltmp0, $4  }
0x47: {  	s24 =	sadd.s32 $0x18BC00, s25;
	[sflag:s12] =	ssyncadd.s32 $0xFFFFC000  }
0x48: {  	[hbm4b:s24+s3] =	stream.linear.scatter [tilespmem:s8], [sflag:$0x3], $0x4000, $0x38;
	[tilespmem:$0x8400] =	vst v63  }
0x49: {  	_ =	swait.ge [sflag:s4], $0x4000  }
0x4a: {  	s25 =	sadd.s32 $0xFFFFFFFF, s26;
	[sflag:s4] =	ssyncset.done $0x0  }
.LBB2_1:
0x4b: {  	p0 =	sne.s32 s25, $0x1;
	s25 =	sadd.s32 $0xFFFFFFFF, s25;
	[sflag:s4] =	ssyncadd.s32 $0xFFFFC000  }
0x4c: {  	[tilespmem:s3], [sflag:$0x3] =	stream.linear.gather [hbm4b:s5+s3], $0x400, $0x38;
	[tilespmem:$0x8400] =	vst v63  }
0x4d: {  	_ =	swait.ge [sflag:s4], $0x400  }
0x4e: {  	[sflag:s4] =	ssyncset.done $0x0  }
0x4f: {  	[sflag:s4] =	ssyncadd.s32 $0xFFFFFC00  }
0x50: {  	[tilespmem:s7], [sflag:$0x1] =	stream.indirect.gather [hbm4b:s2+s6], $0x80, s3, s6, $0xb8;
	[tilespmem:$0x8400] =	vst v63  }
0x51: {  	_ = 	snop  }
0x52: {  	[tilespmem:s8], [sflag:$0x2] =	stream.indirect.gather [hbm4b:s2+s6], $0x80, s6, s6, $0xb8;
	[tilespmem:$0x8400] =	vst v63  }
0x53: {  	_ =	swait.ge [sflag:s9], $0x4000  }
0x54: {  	[sflag:s9] =	ssyncset.done $0x0  }
0x55: {  	[sflag:s9] =	ssyncadd.s32 $0xFFFFC000  }
0x56: {  	[hbm4b:s10+s3] =	stream.linear.scatter [tilespmem:s7], [sflag:$0x3], $0x4000, $0x38;
	[tilespmem:$0x8400] =	vst v63  }
0x57: {  	_ =	swait.ge [sflag:s4], $0x4000  }
0x58: {  	[sflag:s4] =	ssyncset.done $0x0  }
0x59: {  	[sflag:s4] =	ssyncadd.s32 $0xFFFFC000  }
0x5a: {  	[tilespmem:s7], [sflag:$0x1] =	stream.indirect.gather [hbm4b:s2+s6], $0x80, s11, s6, $0xb8;
	[tilespmem:$0x8400] =	vst v63  }
0x5b: {  	_ =	swait.ge [sflag:s12], $0x4000  }
0x5c: {  	[sflag:s12] =	ssyncset.done $0x0  }
0x5d: {  	[sflag:s12] =	ssyncadd.s32 $0xFFFFC000  }
0x5e: {  	[hbm4b:s13+s3] =	stream.linear.scatter [tilespmem:s8], [sflag:$0x3], $0x4000, $0x38;
	[tilespmem:$0x8400] =	vst v63  }
0x5f: {  	_ =	swait.ge [sflag:s4], $0x4000  }
0x60: {  	[sflag:s4] =	ssyncset.done $0x0  }
0x61: {  	[sflag:s4] =	ssyncadd.s32 $0xFFFFC000  }
0x62: {  	[tilespmem:s8], [sflag:$0x2] =	stream.indirect.gather [hbm4b:s2+s6], $0x80, s14, s6, $0xb8;
	[tilespmem:$0x8400] =	vst v63  }
0x63: {  	_ =	swait.ge [sflag:s9], $0x4000  }
0x64: {  	[sflag:s9] =	ssyncset.done $0x0  }
0x65: {  	[sflag:s9] =	ssyncadd.s32 $0xFFFFC000  }
0x66: {  	[hbm4b:s15+s3] =	stream.linear.scatter [tilespmem:s7], [sflag:$0x3], $0x4000, $0x38;
	[tilespmem:$0x8400] =	vst v63  }
0x67: {  	_ =	swait.ge [sflag:s4], $0x4000  }
0x68: {  	[sflag:s4] =	ssyncset.done $0x0  }
0x69: {  	[sflag:s4] =	ssyncadd.s32 $0xFFFFC000  }
0x6a: {  	[tilespmem:s7], [sflag:$0x1] =	stream.indirect.gather [hbm4b:s2+s6], $0x80, s16, s6, $0xb8;
	[tilespmem:$0x8400] =	vst v63  }
0x6b: {  	_ =	swait.ge [sflag:s12], $0x4000  }
0x6c: {  	[sflag:s12] =	ssyncset.done $0x0  }
0x6d: {  	[sflag:s12] =	ssyncadd.s32 $0xFFFFC000  }
0x6e: {  	[hbm4b:s17+s3] =	stream.linear.scatter [tilespmem:s8], [sflag:$0x3], $0x4000, $0x38;
	[tilespmem:$0x8400] =	vst v63  }
0x6f: {  	_ =	swait.ge [sflag:s4], $0x4000  }
0x70: {  	[sflag:s4] =	ssyncset.done $0x0  }
0x71: {  	[sflag:s4] =	ssyncadd.s32 $0xFFFFC000  }
0x72: {  	[tilespmem:s8], [sflag:$0x2] =	stream.indirect.gather [hbm4b:s2+s6], $0x80, s18, s6, $0xb8;
	[tilespmem:$0x8400] =	vst v63  }
0x73: {  	_ =	swait.ge [sflag:s9], $0x4000  }
0x74: {  	[sflag:s9] =	ssyncset.done $0x0  }
0x75: {  	[sflag:s9] =	ssyncadd.s32 $0xFFFFC000  }
0x76: {  	[hbm4b:s19+s3] =	stream.linear.scatter [tilespmem:s7], [sflag:$0x3], $0x4000, $0x38;
	[tilespmem:$0x8400] =	vst v63  }
0x77: {  	_ =	swait.ge [sflag:s4], $0x4000  }
0x78: {  	[sflag:s4] =	ssyncset.done $0x0  }
0x79: {  	[sflag:s4] =	ssyncadd.s32 $0xFFFFC000  }
0x7a: {  	[tilespmem:s7], [sflag:$0x1] =	stream.indirect.gather [hbm4b:s2+s6], $0x80, s20, s6, $0xb8;
	[tilespmem:$0x8400] =	vst v63  }
0x7b: {  	_ =	swait.ge [sflag:s12], $0x4000  }
0x7c: {  	[sflag:s12] =	ssyncset.done $0x0  }
0x7d: {  	[sflag:s12] =	ssyncadd.s32 $0xFFFFC000  }
0x7e: {  	[hbm4b:s21+s3] =	stream.linear.scatter [tilespmem:s8], [sflag:$0x3], $0x4000, $0x38;
	[tilespmem:$0x8400] =	vst v63  }
0x7f: {  	_ =	swait.ge [sflag:s4], $0x4000  }
0x80: {  	[sflag:s4] =	ssyncset.done $0x0  }
0x81: {  	[sflag:s4] =	ssyncadd.s32 $0xFFFFC000  }
0x82: {  	[tilespmem:s8], [sflag:$0x2] =	stream.indirect.gather [hbm4b:s2+s6], $0x80, s22, s6, $0xb8;
	[tilespmem:$0x8400] =	vst v63  }
0x83: {  	_ =	swait.ge [sflag:s9], $0x4000  }
0x84: {  	[sflag:s9] =	ssyncset.done $0x0  }
0x85: {  	[sflag:s9] =	ssyncadd.s32 $0xFFFFC000  }
0x86: {  	[hbm4b:s23+s3] =	stream.linear.scatter [tilespmem:s7], [sflag:$0x3], $0x4000, $0x38;
	[tilespmem:$0x8400] =	vst v63  }
0x87: {  	_ =	swait.ge [sflag:s4], $0x4000  }
0x88: {  	[sflag:s4] =	ssyncset.done $0x0  }
0x89: {  	[sflag:s4] =	ssyncadd.s32 $0xFFFFC000  }
0x8a: {  	_ =	swait.ge [sflag:s12], $0x4000  }
.Ltmp1:
0x8b: {  	[sflag:s12] =	ssyncset.done $0x0;
	(pc) =	sbr.rel @p0 .LBB2_1-.Ltmp1, $4  }
0x8c: {  	[sflag:s12] =	ssyncadd.s32 $0xFFFFC000  }
0x8d: {  	[hbm4b:s24+s3] =	stream.linear.scatter [tilespmem:s8], [sflag:$0x3], $0x4000, $0x38;
	[tilespmem:$0x8400] =	vst v63  }
0x8e: {  	_ =	swait.ge [sflag:s4], $0x4000  }
0x8f: {  	[sflag:s4] =	ssyncset.done $0x0  }
.LBB2_2:
0x90: {  	[sflag:s4] =	ssyncadd.s32 $0xFFFFC000  }
0x91: {  	_ =	sfence.sel $0x180000  }
0x92: {  	[bflag:$0x0] =	sbarrier.arrive $0xFFFF  }
0x93: {  	p0 =	sne.s32 s0, $0x0;
	_ =	strace $0x90000050  }
0x94: {  	s0 =	sadd.s32 @!p0 $0x100000, s1;
	[bflag:$0x2] =	sbarrier.arrive $0xFFFF  }
0x95: {  	[sflag:s0] =	ssyncadd.tile.s32 @!p0 $0x1;
	_ =	shalt  }
.Lfunc_end2:
_tile_overlayer_lowered:
.L_overlay_start_2:
0x96: {  	(tag) =	ssettag $0x2  }
0x97: {  	s0 =	rddreg [dreg:$0x0];
	s2 =	stileid.u32  }
0x98: {  	s1 =	rddreg [dreg:$0x1];
	p0 =	sne.s32 s2, $0x0  }
0x99: {  	s3 =	rddreg [dreg:$0x2];
	[bflag:$0x3] =	sbarrier.arrive $0xFFFF;
	s2 =	simm.s32 @!p0 $0x1C03  }
0x9a: {  	[timem:s3], [sflag:s2] =	dma.local @!p0 [hbm:s0], s1  }
0x9b: {  	s0 =	simm.s32 @!p0 $0x3  }
0x9c: {  	_ =	swait.ge @!p0 [sflag:s0], s1  }
0x9d: {  	s1 =	ssub.s32 @!p0 $0x0, s1;
	[sflag:s0] =	ssyncset.done @!p0 $0x0  }
0x9e: {  	[sflag:s0] =	ssyncadd.s32 @!p0 s1  }
0x9f: {  	[bflag:$0x3] =	sbarrier.arrive $0xFFFF  }
0xa0: {  	_ =	shalt  }

// kernel: kernel.21.cloned.1.call-start
scs
__scs_entry_jumppad:
0x0: {  	(pc) =	sbr.rel $0x88, $3  }
0x1: {  	(tag) =	ssettag $0x0;
	lr =	simm.s32 $0x1  }
0x2: {  	[smem:$0x3F91] =	sst lr;
	_ =	strace $0xD0000000  }
0x3: {  	_ = 	snop  }
0x4: {  	_ = 	snop  }
0x5: {  	_ = 	snop  }
0x6: {  	_ = 	snop  }
0x7: {  	_ = 	snop  }
__scs_overlays_trampoline_lowered:
0x8: {  	[smem:$0x3FA0] =	sst s0  }
0x9: {  	[smem:$0x3FA1] =	sst s1  }
0xa: {  	[smem:$0x3FA2] =	sst s2  }
0xb: {  	[smem:$0x3FA3] =	sst s3  }
0xc: {  	[smem:$0x3FA4] =	sst s4  }
0xd: {  	[smem:$0x3FA5] =	sst s5  }
0xe: {  	[smem:$0x3FA6] =	sst s6  }
0xf: {  	[smem:$0x3FA7] =	sst s7  }
0x10: {  	[smem:$0x3FA8] =	sst s8  }
0x11: {  	[smem:$0x3FA9] =	sst s9;
	s0 =	simm.s32 @!p0 $0x0  }
0x12: {  	s1 =	sld [smem:$0x3F8F];
	s0 =	simm.s32 @p0 $0x1  }
0x13: {  	[smem:$0x3FAA] =	sst s0;
	s0 =	simm.s32 @!p1 $0x0  }
0x14: {  	s2 =	sld [smem:$0x3F8E];
	s0 =	simm.s32 @p1 $0x1  }
0x15: {  	[smem:$0x3FAB] =	sst s0;
	s0 =	simm.s32 @!p2 $0x0  }
0x16: {  	s3 =	sld [smem:$0x3FDB];
	s0 =	simm.s32 @p2 $0x1  }
0x17: {  	s4 =	simm.s32 $0x1BF5;
	[smem:$0x3FAD] =	sst s0  }
0x18: {  	s0 =	sld [smem:$0x3F90];
	_ =	swait.ge [sflag:s4], $0x0  }
0x19: {  	s7 =	sld [smem:$0x3F91]  }
0x1a: {  	s8 =	sadd.s32 $0xFFFFE003, lr  }
0x1b: {  	s9 =	sadd.s32 $0xFFFFFEF7, lr;
	s5 =	simm.s32 $0xFFFFFFFF;
	p2 =	slt.u32 s8, $0xFFFFF086  }
0x1c: {  	p1 =	slt.u32 s9, $0xF7A;
	s5 =	simm.s32 @!p2 $0x0  }
0x1d: {  	s5 =	simm.s32 @p1 $0x1;
	p0 =	seq.s32 s7, s2  }
0x1e: {  	s7 =	smul.u32 @!p0 $0xF7A, s2;
	p2 =	seq.s32 @!p0 s5, $0x0  }
0x1f: {  	s9 =	smul.u32 $0xF7A, s1;
	s8 =	simm.s32 @!p0 $0x1BF5;
	p2 =	por !p2, p0  }
0x20: {  	[sflag:s8] =	ssyncset.s32 @!p0 $0xFFFFF086;
	s6 =	sadd.s32 @!p0 s3, s7;
	s7 =	simm.s32 @!p0 $0x108  }
0x21: {  	s3 =	sadd.s32 s3, s9;
	s6 =	sadd.s32 @!p0 $0x88, s6;
	s7 =	simm.s32 @p2 $0x1082  }
0x22: {  	[simem:s7], [sflag:s8] =	dma.local @!p0 [hbm:s6], $0xF7A  }
0x23: {  	s9 =	sor.u32 $0xD0000000, s2;
	s6 =	simm.s32 $0x108;
	_ =	swait.ge @!p0 [sflag:s8], $0x0  }
0x24: {  	s3 =	sadd.s32 $0x88, s3;
	s6 =	simm.s32 @!p1 $0x1082;
	[sflag:s4] =	ssyncset.s32 $0xFFFFF086  }
0x25: {  	[simem:s6], [sflag:s4] =	dma.local [hbm:s3], $0xF7A  }
0x26: {  	[smem:$0x3F91] =	sst s1;
	(tag) =	ssettag s2;
	_ =	strace s9  }
0x27: {  	s1 =	sld [smem:$0x3FA1]  }
0x28: {  	s2 =	sld [smem:$0x3FA2]  }
0x29: {  	s4 =	sld [smem:$0x3FA4]  }
0x2a: {  	p0 =	seq.s32 s5, $0x0;
	s5 =	sld [smem:$0x3FA5]  }
0x2b: {  	s6 =	sld [smem:$0x3FA6]  }
0x2c: {  	s7 =	sld [smem:$0x3FA7]  }
0x2d: {  	s3 =	simm.s32 $0x108;
	s8 =	sld [smem:$0x3FA8]  }
0x2e: {  	s3 =	simm.s32 @!p0 $0x1082;
	s9 =	sld [smem:$0x3FA9]  }
0x2f: {  	lr =	sadd.s32 s0, s3;
	s0 =	sld [smem:$0x3FA0]  }
0x30: {  	s3 =	sld [smem:$0x3FA3]  }
0x31: {  	[smem:$0x3FAC] =	sst s10  }
0x32: {  	s10 =	sld [smem:$0x3FAA];
	_ =	sdelay $0x3  }
0x33: {  	p0 =	seq.s32 s10, $0x1;
	s10 =	sld [smem:$0x3FAC];
	_ =	sdelay $0x3  }
0x34: {  	[smem:$0x3FAC] =	sst s10  }
0x35: {  	s10 =	sld [smem:$0x3FAB];
	_ =	sdelay $0x3  }
0x36: {  	p1 =	seq.s32 s10, $0x1;
	s10 =	sld [smem:$0x3FAC];
	_ =	sdelay $0x3  }
0x37: {  	[smem:$0x3FAC] =	sst s10  }
0x38: {  	s10 =	sld [smem:$0x3FAD]  }
0x39: {  	_ = 	snop;
	(pc) =	sbr.ind lr, $3  }
0x3a: {  	_ = 	snop  }
0x3b: {  	_ = 	snop  }
0x3c: {  	p2 =	seq.s32 s10, $0x1;
	s10 =	sld [smem:$0x3FAC]  }
0x3d: {  	_ =	shalt  }
0x3e: {  	_ =	shalt  }
0x3f: {  	_ =	shalt  }
0x40: {  	_ =	shalt  }
0x41: {  	_ =	shalt  }
0x42: {  	_ =	shalt  }
0x43: {  	_ =	shalt  }
0x44: {  	_ =	shalt  }
0x45: {  	_ =	shalt  }
0x46: {  	_ =	shalt  }
0x47: {  	_ =	shalt  }
0x48: {  	_ =	shalt  }
0x49: {  	_ =	shalt  }
0x4a: {  	_ =	shalt  }
0x4b: {  	_ =	shalt  }
0x4c: {  	_ =	shalt  }
0x4d: {  	_ =	shalt  }
0x4e: {  	_ =	shalt  }
0x4f: {  	_ =	shalt  }
0x50: {  	_ =	shalt  }
0x51: {  	_ =	shalt  }
0x52: {  	_ =	shalt  }
0x53: {  	_ =	shalt  }
0x54: {  	_ =	shalt  }
0x55: {  	_ =	shalt  }
0x56: {  	_ =	shalt  }
0x57: {  	_ =	shalt  }
0x58: {  	_ =	shalt  }
0x59: {  	_ =	shalt  }
0x5a: {  	_ =	shalt  }
0x5b: {  	_ =	shalt  }
0x5c: {  	_ =	shalt  }
0x5d: {  	_ =	shalt  }
0x5e: {  	_ =	shalt  }
0x5f: {  	_ =	shalt  }
0x60: {  	_ =	shalt  }
0x61: {  	_ =	shalt  }
0x62: {  	_ =	shalt  }
0x63: {  	_ =	shalt  }
0x64: {  	_ =	shalt  }
0x65: {  	_ =	shalt  }
0x66: {  	_ =	shalt  }
0x67: {  	_ =	shalt  }
0x68: {  	_ =	shalt  }
0x69: {  	_ =	shalt  }
0x6a: {  	_ =	shalt  }
0x6b: {  	_ =	shalt  }
0x6c: {  	_ =	shalt  }
0x6d: {  	_ =	shalt  }
0x6e: {  	_ =	shalt  }
0x6f: {  	_ =	shalt  }
0x70: {  	_ =	shalt  }
0x71: {  	_ =	shalt  }
0x72: {  	_ =	shalt  }
0x73: {  	_ =	shalt  }
0x74: {  	_ =	shalt  }
0x75: {  	_ =	shalt  }
0x76: {  	_ =	shalt  }
0x77: {  	_ =	shalt  }
0x78: {  	_ =	shalt  }
0x79: {  	_ =	shalt  }
0x7a: {  	_ =	shalt  }
0x7b: {  	_ =	shalt  }
0x7c: {  	_ =	shalt  }
0x7d: {  	_ =	shalt  }
0x7e: {  	_ =	shalt  }
0x7f: {  	_ =	shalt  }
0x80: {  	_ =	shalt  }
0x81: {  	_ =	shalt  }
0x82: {  	_ =	shalt  }
0x83: {  	_ =	shalt  }
0x84: {  	_ =	shalt  }
0x85: {  	_ =	shalt  }
0x86: {  	_ =	shalt  }
0x87: {  	_ =	shalt  }
.Lfunc_end0:
.L_simem_size_0:
called_computation.2_lowered:
.L_overlay_start_0:
0x88: {  	s2 =	sld [smem:$0x3FD9]  }
0x89: {  	s3 =	sld [smem:$0x3FFE];
	_ =	sdelay $0x1  }
0x8a: {  	s1 =	srdreg.scid  }
0x8b: {  	s0 =	sand.u32 $0x1, s1  }
0x8c: {  	s17 =	sshll.u32 s0, $0xA;
	s2 =	sadd.s32 s3, s2  }
0x8d: {  	s2 =	sadd.s32 s2, s17  }
0x8e: {  	[smem:$0x3FB8] =	sst s2  }
0x8f: {  	_ = 	snop  }
0x90: {  	s18 =	sld [smem:$0x3FD0];
	(tm) =	ssettm $0x1  }
0x91: {  	s19 =	sld [smem:$0x3FFB];
	_ =	sdelay $0x3  }
0x92: {  	_ =	strace s19  }
0x93: {  	s2 =	sld [smem:$0x3FFC];
	_ =	sdelay $0x3  }
0x94: {  	_ =	strace s2  }
0x95: {  	s2 =	sld [smem:$0x3FFD];
	_ =	sdelay $0x3  }
0x96: {  	_ =	strace s2  }
0x97: {  	_ =	strace $0x8FFFFFFF  }
0x98: {  	s20 =	sld [smem:$0x3FDB];
	_ =	sdelay $0x1  }
0x99: {  	s4 =	simm.s32 $_scs_section_size  }
0x9a: {  	s5 =	simm.s32 $_size__tile_overlayer_lowered;
	s6 =	simm.s32 $_tile_overlayer_lowered  }
0x9b: {  	s7 =	simm.s32 $0x1BFF;
	s21 =	sshll.u32 s6, $0x1;
	s4 =	sadd.s32 s4, s20  }
0x9c: {  	s22 =	simm.s32 $0x0;
	s5 =	sshll.u32 s5, $0x1;
	s6 =	sadd.s32 s21, s4  }
0x9d: {  	[timem:s22], [sflag:s7] =	dma.local [hbm:s6], s5  }
0x9e: {  	_ =	swait.ge [sflag:s7], s5  }
0x9f: {  	s5 =	ssub.s32 $0x0, s5;
	[sflag:s7] =	ssyncset.done $0x0  }
0xa0: {  	[sflag:s7] =	ssyncadd.s32 s5;
	_ =	sdelay $0x1  }
0xa1: {  	s23 =	simm.s32 $0x1B8B  }
0xa2: {  	_ =	swait.ge [sflag:s23], $0x1  }
0xa3: {  	[sflag:s23] =	ssyncset.done $0x0  }
0xa4: {  	[sflag:s23] =	ssyncadd.s32 $0xFFFFFFFF  }
0xa5: {  	s5 =	sld [smem:$0x0]  }
0xa6: {  	s6 =	sand.u32 $0xFFFFFFFE, s1  }
0xa7: {  	p0 =	sne.s32 s1, s6  }
0xa8: {  	s6 =	sshll.u32 @p0 s6, $0xE  }
0xa9: {  	s6 =	sadd.s32 @p0 $0x11B8D, s6;
	s7 =	sshll.u32 @p0 s5, $0x11  }
0xaa: {  	s6 =	sor.u32 @p0 s7, s6  }
0xab: {  	[sflag:s6] =	ssyncadd.remote.s32 @p0 $0x1;
	_ =	sdelay $0x1  }
0xac: {  	s6 =	simm.s32 @p0 $0x1B8D  }
0xad: {  	_ =	swait.eq @p0 [sflag:s6], $0x1  }
0xae: {  	[sflag:s6] =	ssyncadd.s32 @p0 $0xFFFFFFFF  }
0xaf: {  	s7 =	sshll.u32 @!p0 s1, $0xE  }
0xb0: {  	s7 =	sor.u32 @!p0 $0x4000, s7;
	s6 =	simm.s32 @!p0 $0x1B8D  }
0xb1: {  	s5 =	sshll.u32 @!p0 s5, $0x11;
	s7 =	sadd.s32 @!p0 $0x11B8D, s7;
	_ =	swait.eq @!p0 [sflag:s6], $0x1  }
0xb2: {  	s5 =	sor.u32 @!p0 s5, s7;
	[sflag:s6] =	ssyncadd.s32 @!p0 $0xFFFFFFFF  }
0xb3: {  	s25 =	simm.s32 $0x1B8E;
	s24 =	sld [smem:$0x3FFE];
	[sflag:s5] =	ssyncadd.remote.s32 @!p0 $0x1  }
0xb4: {  	s26 =	simm.s32 $execute0_lowered;
	[smem:$0x3FD2] =	sst s25  }
0xb5: {  	s6 =	sshll.u32 s26, $0x1;
	_ =	strace $0x8000004C;
	[dreg:$0x1] =	wrdreg $0xFFFFFFFF  }
0xb6: {  	s28 =	simm.s32 $_size_execute0_lowered;
	s4 =	sadd.s32 s4, s6;
	[dreg:$0x0] =	wrdreg $0x0  }
0xb7: {  	s6 =	sshll.u32 s28, $0x1;
	[dreg:$0x2] =	wrdreg s4  }
0xb8: {  	[dreg:$0x3] =	wrdreg s6  }
0xb9: {  	[dreg:$0x4] =	wrdreg $0xC0  }
0xba: {  	_ =	task [dreg:s22], $0x5FFFF  }
0xbb: {  	[dreg:$0x1] =	wrdreg $0xFFFFFFFF  }
0xbc: {  	[dreg:$0x0] =	wrdreg $0x60  }
0xbd: {  	[dreg:$0x2] =	wrdreg s18  }
0xbe: {  	[dreg:$0x3] =	wrdreg s24  }
0xbf: {  	[dreg:$0x4] =	wrdreg $0xB  }
0xc0: {  	_ =	task.clear_ibuf [dreg:s22], $0x5FFFF;
	_ =	strace $0x9000004C  }
0xc1: {  	s29 =	simm.s32 $0xB;
	_ =	strace $0x8000004E  }
0xc2: {  	_ =	swait.ge [sflag:s29], $0x1  }
0xc3: {  	[sflag:s29] =	ssyncadd.s32 $0xFFFFFFFF  }
0xc4: {  	_ =	strace $0x9000004E  }
0xc5: {  	_ =	sfence  }
0xc6: {  	s30 =	sld [smem:$0x0];
	_ =	sdelay $0x2  }
0xc7: {  	s31 =	sshll.u32 s1, $0xD;
	s1 =	sshrl.u32 s1, $0x2  }
0xc8: {  	s4 =	sand.u32 $0x4000, s31;
	s1 =	sadd.s32 s1, s30  }
0xc9: {  	s0 =	sor.u32 s4, s0;
	s1 =	sshll.u32 s1, $0x11  }
0xca: {  	s0 =	sor.u32 s1, s0  }
0xcb: {  	s0 =	sadd.s32 $0x8F2B, s0  }
0xcc: {  	[sflag:s0] =	ssyncadd.remote.s32 $0x1  }
0xcd: {  	_ =	sfence.sel $0xFFFF  }
0xce: {  	[dreg:$0x0] =	wrdreg $0xFFFFFFFF;
	(pc) =	sbr.abs _section_cstart, $3  }
0xcf: {  	[dreg:$0x1] =	wrdreg $0xFFFFFFFF  }
0xd0: {  	_ =	task.clear_ibuf [dreg:s22], $0x2FFFF;
	_ =	strace $0x9FFFFFFF  }
0xd1: {  	(tm) =	ssettm $0x7FFFFFFF  }
tec
execute0_lowered:
.L_overlay_start_1:
0x0: {  	(tag) =	ssettag $0x1  }
0x1: {  	s1 =	srdreg.scid;
	s0 =	stileid.u32  }
0x2: {  	s2 =	rddreg [dreg:$0x0];
	s24 =	sand.u32 $0x1, s1;
	s31 =	sshll.u32 s0, $0x1  }
0x3: {  	s10 =	rddreg [dreg:$0x1];
	s11 =	sor.u32 s24, s31  }
0x4: {  	s3 =	simm.s32 $0x0;
	s1 =	rddreg [dreg:$0x2];
	s4 =	sshll.u32 s11, $0x7  }
0x5: {  	[smem:$0x7FF] =	sst s3;
	s4 =	sadd.s32 s4, s10  }
0x6: {  	_ =	strace $0x8000004D;
	s5 =	sadd.s32 $0x106400, s4;
	s4 =	simm.s32 $0x3  }
0x7: {  	[tilespmem:s3], [sflag:$0x3] =	stream.linear.gather [hbm4b:s5+s3], $0x400, $0x38;
	[tilespmem:$0x8400] =	vst v63  }
0x8: {  	_ =	swait.ge [sflag:s4], $0x400  }
0x9: {  	[sflag:s4] =	ssyncset.done $0x0  }
0xa: {  	s6 =	simm.s32 $0x80;
	s7 =	simm.s32 $0x400;
	[sflag:s4] =	ssyncadd.s32 $0xFFFFFC00  }
0xb: {  	[tilespmem:s7], [sflag:$0x1] =	stream.indirect.gather [hbm4b:s2+s6], $0x80, s3, s6, $0xb8;
	[tilespmem:$0x8400] =	vst v63  }
0xc: {  	s8 =	simm.s32 $0x4400;
	s9 =	simm.s32 $0x1  }
0xd: {  	[tilespmem:s8], [sflag:$0x2] =	stream.indirect.gather [hbm4b:s2+s6], $0x80, s6, s6, $0xb8;
	[tilespmem:$0x8400] =	vst v63  }
0xe: {  	s11 =	sshll.u32 s11, $0xE;
	_ =	swait.ge [sflag:s9], $0x4000  }
0xf: {  	s25 =	sadd.s32 s11, s10;
	[sflag:s9] =	ssyncset.done $0x0  }
0x10: {  	s10 =	sadd.s32 $0x107400, s25;
	[sflag:s9] =	ssyncadd.s32 $0xFFFFC000  }
0x11: {  	[hbm4b:s10+s3] =	stream.linear.scatter [tilespmem:s7], [sflag:$0x3], $0x4000, $0x38;
	[tilespmem:$0x8400] =	vst v63  }
0x12: {  	_ =	swait.ge [sflag:s4], $0x4000  }
0x13: {  	[sflag:s4] =	ssyncset.done $0x0  }
0x14: {  	s12 =	simm.s32 $0x2;
	s11 =	simm.s32 $0x100;
	[sflag:s4] =	ssyncadd.s32 $0xFFFFC000  }
0x15: {  	[tilespmem:s7], [sflag:$0x1] =	stream.indirect.gather [hbm4b:s2+s6], $0x80, s11, s6, $0xb8;
	[tilespmem:$0x8400] =	vst v63  }
0x16: {  	_ =	swait.ge [sflag:s12], $0x4000  }
0x17: {  	[sflag:s12] =	ssyncset.done $0x0  }
0x18: {  	s13 =	sadd.s32 $0x107C00, s25;
	[sflag:s12] =	ssyncadd.s32 $0xFFFFC000  }
0x19: {  	[hbm4b:s13+s3] =	stream.linear.scatter [tilespmem:s8], [sflag:$0x3], $0x4000, $0x38;
	[tilespmem:$0x8400] =	vst v63  }
0x1a: {  	_ =	swait.ge [sflag:s4], $0x4000  }
0x1b: {  	[sflag:s4] =	ssyncset.done $0x0  }
0x1c: {  	s14 =	simm.s32 $0x180;
	[sflag:s4] =	ssyncadd.s32 $0xFFFFC000  }
0x1d: {  	[tilespmem:s8], [sflag:$0x2] =	stream.indirect.gather [hbm4b:s2+s6], $0x80, s14, s6, $0xb8;
	[tilespmem:$0x8400] =	vst v63  }
0x1e: {  	_ =	swait.ge [sflag:s9], $0x4000  }
0x1f: {  	[sflag:s9] =	ssyncset.done $0x0  }
0x20: {  	s15 =	sadd.s32 $0x108400, s25;
	[sflag:s9] =	ssyncadd.s32 $0xFFFFC000  }
0x21: {  	[hbm4b:s15+s3] =	stream.linear.scatter [tilespmem:s7], [sflag:$0x3], $0x4000, $0x38;
	[tilespmem:$0x8400] =	vst v63  }
0x22: {  	_ =	swait.ge [sflag:s4], $0x4000  }
0x23: {  	[sflag:s4] =	ssyncset.done $0x0  }
0x24: {  	s16 =	simm.s32 $0x200;
	[sflag:s4] =	ssyncadd.s32 $0xFFFFC000  }
0x25: {  	[tilespmem:s7], [sflag:$0x1] =	stream.indirect.gather [hbm4b:s2+s6], $0x80, s16, s6, $0xb8;
	[tilespmem:$0x8400] =	vst v63  }
0x26: {  	_ =	swait.ge [sflag:s12], $0x4000  }
0x27: {  	[sflag:s12] =	ssyncset.done $0x0  }
0x28: {  	s17 =	sadd.s32 $0x108C00, s25;
	[sflag:s12] =	ssyncadd.s32 $0xFFFFC000  }
0x29: {  	[hbm4b:s17+s3] =	stream.linear.scatter [tilespmem:s8], [sflag:$0x3], $0x4000, $0x38;
	[tilespmem:$0x8400] =	vst v63  }
0x2a: {  	_ =	swait.ge [sflag:s4], $0x4000  }
0x2b: {  	[sflag:s4] =	ssyncset.done $0x0  }
0x2c: {  	s18 =	simm.s32 $0x280;
	[sflag:s4] =	ssyncadd.s32 $0xFFFFC000  }
0x2d: {  	[tilespmem:s8], [sflag:$0x2] =	stream.indirect.gather [hbm4b:s2+s6], $0x80, s18, s6, $0xb8;
	[tilespmem:$0x8400] =	vst v63  }
0x2e: {  	_ =	swait.ge [sflag:s9], $0x4000  }
0x2f: {  	[sflag:s9] =	ssyncset.done $0x0  }
0x30: {  	s19 =	sadd.s32 $0x109400, s25;
	[sflag:s9] =	ssyncadd.s32 $0xFFFFC000  }
0x31: {  	[hbm4b:s19+s3] =	stream.linear.scatter [tilespmem:s7], [sflag:$0x3], $0x4000, $0x38;
	[tilespmem:$0x8400] =	vst v63  }
0x32: {  	_ =	swait.ge [sflag:s4], $0x4000  }
0x33: {  	[sflag:s4] =	ssyncset.done $0x0  }
0x34: {  	s20 =	simm.s32 $0x300;
	[sflag:s4] =	ssyncadd.s32 $0xFFFFC000  }
0x35: {  	[tilespmem:s7], [sflag:$0x1] =	stream.indirect.gather [hbm4b:s2+s6], $0x80, s20, s6, $0xb8;
	[tilespmem:$0x8400] =	vst v63  }
0x36: {  	_ =	swait.ge [sflag:s12], $0x4000  }
0x37: {  	[sflag:s12] =	ssyncset.done $0x0  }
0x38: {  	s21 =	sadd.s32 $0x109C00, s25;
	[sflag:s12] =	ssyncadd.s32 $0xFFFFC000  }
0x39: {  	[hbm4b:s21+s3] =	stream.linear.scatter [tilespmem:s8], [sflag:$0x3], $0x4000, $0x38;
	[tilespmem:$0x8400] =	vst v63  }
0x3a: {  	_ =	swait.ge [sflag:s4], $0x4000  }
0x3b: {  	[sflag:s4] =	ssyncset.done $0x0  }
0x3c: {  	s22 =	simm.s32 $0x380;
	[sflag:s4] =	ssyncadd.s32 $0xFFFFC000  }
0x3d: {  	[tilespmem:s8], [sflag:$0x2] =	stream.indirect.gather [hbm4b:s2+s6], $0x80, s22, s6, $0xb8;
	[tilespmem:$0x8400] =	vst v63  }
0x3e: {  	_ =	swait.ge [sflag:s9], $0x4000  }
0x3f: {  	[sflag:s9] =	ssyncset.done $0x0  }
0x40: {  	s24 =	ssub.s32 $0x2, s24;
	s23 =	sadd.s32 $0x10A400, s25;
	[sflag:s9] =	ssyncadd.s32 $0xFFFFC000  }
0x41: {  	[hbm4b:s23+s3] =	stream.linear.scatter [tilespmem:s7], [sflag:$0x3], $0x4000, $0x38;
	[tilespmem:$0x8400] =	vst v63  }
0x42: {  	s26 =	sshrl.u32 s24, $0x1;
	_ =	swait.ge [sflag:s4], $0x4000  }
0x43: {  	s24 =	ssub.s32 s24, s26;
	[sflag:s4] =	ssyncset.done $0x0  }
0x44: {  	s26 =	smax.u32 s24, $0x1;
	[sflag:s4] =	ssyncadd.s32 $0xFFFFC000  }
0x45: {  	p0 =	sne.s32 s26, $0x1;
	_ =	swait.ge [sflag:s12], $0x4000  }
.Ltmp0:
0x46: {  	[sflag:s12] =	ssyncset.done $0x0;
	(pc) =	sbr.rel @!p0 .LBB2_2-.Ltmp0, $4  }
0x47: {  	s24 =	sadd.s32 $0x10AC00, s25;
	[sflag:s12] =	ssyncadd.s32 $0xFFFFC000  }
0x48: {  	[hbm4b:s24+s3] =	stream.linear.scatter [tilespmem:s8], [sflag:$0x3], $0x4000, $0x38;
	[tilespmem:$0x8400] =	vst v63  }
0x49: {  	_ =	swait.ge [sflag:s4], $0x4000  }
0x4a: {  	s25 =	sadd.s32 $0xFFFFFFFF, s26;
	[sflag:s4] =	ssyncset.done $0x0  }
.LBB2_1:
0x4b: {  	p0 =	sne.s32 s25, $0x1;
	s25 =	sadd.s32 $0xFFFFFFFF, s25;
	[sflag:s4] =	ssyncadd.s32 $0xFFFFC000  }
0x4c: {  	[tilespmem:s3], [sflag:$0x3] =	stream.linear.gather [hbm4b:s5+s3], $0x400, $0x38;
	[tilespmem:$0x8400] =	vst v63  }
0x4d: {  	_ =	swait.ge [sflag:s4], $0x400  }
0x4e: {  	[sflag:s4] =	ssyncset.done $0x0  }
0x4f: {  	[sflag:s4] =	ssyncadd.s32 $0xFFFFFC00  }
0x50: {  	[tilespmem:s7], [sflag:$0x1] =	stream.indirect.gather [hbm4b:s2+s6], $0x80, s3, s6, $0xb8;
	[tilespmem:$0x8400] =	vst v63  }
0x51: {  	_ = 	snop  }
0x52: {  	[tilespmem:s8], [sflag:$0x2] =	stream.indirect.gather [hbm4b:s2+s6], $0x80, s6, s6, $0xb8;
	[tilespmem:$0x8400] =	vst v63  }
0x53: {  	_ =	swait.ge [sflag:s9], $0x4000  }
0x54: {  	[sflag:s9] =	ssyncset.done $0x0  }
0x55: {  	[sflag:s9] =	ssyncadd.s32 $0xFFFFC000  }
0x56: {  	[hbm4b:s10+s3] =	stream.linear.scatter [tilespmem:s7], [sflag:$0x3], $0x4000, $0x38;
	[tilespmem:$0x8400] =	vst v63  }
0x57: {  	_ =	swait.ge [sflag:s4], $0x4000  }
0x58: {  	[sflag:s4] =	ssyncset.done $0x0  }
0x59: {  	[sflag:s4] =	ssyncadd.s32 $0xFFFFC000  }
0x5a: {  	[tilespmem:s7], [sflag:$0x1] =	stream.indirect.gather [hbm4b:s2+s6], $0x80, s11, s6, $0xb8;
	[tilespmem:$0x8400] =	vst v63  }
0x5b: {  	_ =	swait.ge [sflag:s12], $0x4000  }
0x5c: {  	[sflag:s12] =	ssyncset.done $0x0  }
0x5d: {  	[sflag:s12] =	ssyncadd.s32 $0xFFFFC000  }
0x5e: {  	[hbm4b:s13+s3] =	stream.linear.scatter [tilespmem:s8], [sflag:$0x3], $0x4000, $0x38;
	[tilespmem:$0x8400] =	vst v63  }
0x5f: {  	_ =	swait.ge [sflag:s4], $0x4000  }
0x60: {  	[sflag:s4] =	ssyncset.done $0x0  }
0x61: {  	[sflag:s4] =	ssyncadd.s32 $0xFFFFC000  }
0x62: {  	[tilespmem:s8], [sflag:$0x2] =	stream.indirect.gather [hbm4b:s2+s6], $0x80, s14, s6, $0xb8;
	[tilespmem:$0x8400] =	vst v63  }
0x63: {  	_ =	swait.ge [sflag:s9], $0x4000  }
0x64: {  	[sflag:s9] =	ssyncset.done $0x0  }
0x65: {  	[sflag:s9] =	ssyncadd.s32 $0xFFFFC000  }
0x66: {  	[hbm4b:s15+s3] =	stream.linear.scatter [tilespmem:s7], [sflag:$0x3], $0x4000, $0x38;
	[tilespmem:$0x8400] =	vst v63  }
0x67: {  	_ =	swait.ge [sflag:s4], $0x4000  }
0x68: {  	[sflag:s4] =	ssyncset.done $0x0  }
0x69: {  	[sflag:s4] =	ssyncadd.s32 $0xFFFFC000  }
0x6a: {  	[tilespmem:s7], [sflag:$0x1] =	stream.indirect.gather [hbm4b:s2+s6], $0x80, s16, s6, $0xb8;
	[tilespmem:$0x8400] =	vst v63  }
0x6b: {  	_ =	swait.ge [sflag:s12], $0x4000  }
0x6c: {  	[sflag:s12] =	ssyncset.done $0x0  }
0x6d: {  	[sflag:s12] =	ssyncadd.s32 $0xFFFFC000  }
0x6e: {  	[hbm4b:s17+s3] =	stream.linear.scatter [tilespmem:s8], [sflag:$0x3], $0x4000, $0x38;
	[tilespmem:$0x8400] =	vst v63  }
0x6f: {  	_ =	swait.ge [sflag:s4], $0x4000  }
0x70: {  	[sflag:s4] =	ssyncset.done $0x0  }
0x71: {  	[sflag:s4] =	ssyncadd.s32 $0xFFFFC000  }
0x72: {  	[tilespmem:s8], [sflag:$0x2] =	stream.indirect.gather [hbm4b:s2+s6], $0x80, s18, s6, $0xb8;
	[tilespmem:$0x8400] =	vst v63  }
0x73: {  	_ =	swait.ge [sflag:s9], $0x4000  }
0x74: {  	[sflag:s9] =	ssyncset.done $0x0  }
0x75: {  	[sflag:s9] =	ssyncadd.s32 $0xFFFFC000  }
0x76: {  	[hbm4b:s19+s3] =	stream.linear.scatter [tilespmem:s7], [sflag:$0x3], $0x4000, $0x38;
	[tilespmem:$0x8400] =	vst v63  }
0x77: {  	_ =	swait.ge [sflag:s4], $0x4000  }
0x78: {  	[sflag:s4] =	ssyncset.done $0x0  }
0x79: {  	[sflag:s4] =	ssyncadd.s32 $0xFFFFC000  }
0x7a: {  	[tilespmem:s7], [sflag:$0x1] =	stream.indirect.gather [hbm4b:s2+s6], $0x80, s20, s6, $0xb8;
	[tilespmem:$0x8400] =	vst v63  }
0x7b: {  	_ =	swait.ge [sflag:s12], $0x4000  }
0x7c: {  	[sflag:s12] =	ssyncset.done $0x0  }
0x7d: {  	[sflag:s12] =	ssyncadd.s32 $0xFFFFC000  }
0x7e: {  	[hbm4b:s21+s3] =	stream.linear.scatter [tilespmem:s8], [sflag:$0x3], $0x4000, $0x38;
	[tilespmem:$0x8400] =	vst v63  }
0x7f: {  	_ =	swait.ge [sflag:s4], $0x4000  }
0x80: {  	[sflag:s4] =	ssyncset.done $0x0  }
0x81: {  	[sflag:s4] =	ssyncadd.s32 $0xFFFFC000  }
0x82: {  	[tilespmem:s8], [sflag:$0x2] =	stream.indirect.gather [hbm4b:s2+s6], $0x80, s22, s6, $0xb8;
	[tilespmem:$0x8400] =	vst v63  }
0x83: {  	_ =	swait.ge [sflag:s9], $0x4000  }
0x84: {  	[sflag:s9] =	ssyncset.done $0x0  }
0x85: {  	[sflag:s9] =	ssyncadd.s32 $0xFFFFC000  }
0x86: {  	[hbm4b:s23+s3] =	stream.linear.scatter [tilespmem:s7], [sflag:$0x3], $0x4000, $0x38;
	[tilespmem:$0x8400] =	vst v63  }
0x87: {  	_ =	swait.ge [sflag:s4], $0x4000  }
0x88: {  	[sflag:s4] =	ssyncset.done $0x0  }
0x89: {  	[sflag:s4] =	ssyncadd.s32 $0xFFFFC000  }
0x8a: {  	_ =	swait.ge [sflag:s12], $0x4000  }
.Ltmp1:
0x8b: {  	[sflag:s12] =	ssyncset.done $0x0;
	(pc) =	sbr.rel @p0 .LBB2_1-.Ltmp1, $4  }
0x8c: {  	[sflag:s12] =	ssyncadd.s32 $0xFFFFC000  }
0x8d: {  	[hbm4b:s24+s3] =	stream.linear.scatter [tilespmem:s8], [sflag:$0x3], $0x4000, $0x38;
	[tilespmem:$0x8400] =	vst v63  }
0x8e: {  	_ =	swait.ge [sflag:s4], $0x4000  }
0x8f: {  	[sflag:s4] =	ssyncset.done $0x0  }
.LBB2_2:
0x90: {  	[sflag:s4] =	ssyncadd.s32 $0xFFFFC000  }
0x91: {  	_ =	sfence.sel $0x180000  }
0x92: {  	[bflag:$0x0] =	sbarrier.arrive $0xFFFF  }
0x93: {  	p0 =	sne.s32 s0, $0x0;
	_ =	strace $0x9000004D  }
0x94: {  	s0 =	sadd.s32 @!p0 $0x100000, s1;
	[bflag:$0x2] =	sbarrier.arrive $0xFFFF  }
0x95: {  	[sflag:s0] =	ssyncadd.tile.s32 @!p0 $0x1;
	_ =	shalt  }
.Lfunc_end2:
_tile_overlayer_lowered:
.L_overlay_start_2:
0x96: {  	(tag) =	ssettag $0x2  }
0x97: {  	s0 =	rddreg [dreg:$0x0];
	s2 =	stileid.u32  }
0x98: {  	s1 =	rddreg [dreg:$0x1];
	p0 =	sne.s32 s2, $0x0  }
0x99: {  	s3 =	rddreg [dreg:$0x2];
	[bflag:$0x3] =	sbarrier.arrive $0xFFFF;
	s2 =	simm.s32 @!p0 $0x1C03  }
0x9a: {  	[timem:s3], [sflag:s2] =	dma.local @!p0 [hbm:s0], s1  }
0x9b: {  	s0 =	simm.s32 @!p0 $0x3  }
0x9c: {  	_ =	swait.ge @!p0 [sflag:s0], s1  }
0x9d: {  	s1 =	ssub.s32 @!p0 $0x0, s1;
	[sflag:s0] =	ssyncset.done @!p0 $0x0  }
0x9e: {  	[sflag:s0] =	ssyncadd.s32 @!p0 s1  }
0x9f: {  	[bflag:$0x3] =	sbarrier.arrive $0xFFFF  }
0xa0: {  	_ =	shalt  }

// kernel: kernel.24.cloned.1.call-start
scs
__scs_entry_jumppad:
0x0: {  	(pc) =	sbr.rel $0x88, $3  }
0x1: {  	(tag) =	ssettag $0x0;
	lr =	simm.s32 $0x1  }
0x2: {  	[smem:$0x3F91] =	sst lr;
	_ =	strace $0xD0000000  }
0x3: {  	_ = 	snop  }
0x4: {  	_ = 	snop  }
0x5: {  	_ = 	snop  }
0x6: {  	_ = 	snop  }
0x7: {  	_ = 	snop  }
__scs_overlays_trampoline_lowered:
0x8: {  	[smem:$0x3FA0] =	sst s0  }
0x9: {  	[smem:$0x3FA1] =	sst s1  }
0xa: {  	[smem:$0x3FA2] =	sst s2  }
0xb: {  	[smem:$0x3FA3] =	sst s3  }
0xc: {  	[smem:$0x3FA4] =	sst s4  }
0xd: {  	[smem:$0x3FA5] =	sst s5  }
0xe: {  	[smem:$0x3FA6] =	sst s6  }
0xf: {  	[smem:$0x3FA7] =	sst s7  }
0x10: {  	[smem:$0x3FA8] =	sst s8  }
0x11: {  	[smem:$0x3FA9] =	sst s9;
	s0 =	simm.s32 @!p0 $0x0  }
0x12: {  	s1 =	sld [smem:$0x3F8F];
	s0 =	simm.s32 @p0 $0x1  }
0x13: {  	[smem:$0x3FAA] =	sst s0;
	s0 =	simm.s32 @!p1 $0x0  }
0x14: {  	s2 =	sld [smem:$0x3F8E];
	s0 =	simm.s32 @p1 $0x1  }
0x15: {  	[smem:$0x3FAB] =	sst s0;
	s0 =	simm.s32 @!p2 $0x0  }
0x16: {  	s3 =	sld [smem:$0x3FDB];
	s0 =	simm.s32 @p2 $0x1  }
0x17: {  	s4 =	simm.s32 $0x1BF5;
	[smem:$0x3FAD] =	sst s0  }
0x18: {  	s0 =	sld [smem:$0x3F90];
	_ =	swait.ge [sflag:s4], $0x0  }
0x19: {  	s7 =	sld [smem:$0x3F91]  }
0x1a: {  	s8 =	sadd.s32 $0xFFFFE003, lr  }
0x1b: {  	s9 =	sadd.s32 $0xFFFFFEF7, lr;
	s5 =	simm.s32 $0xFFFFFFFF;
	p2 =	slt.u32 s8, $0xFFFFF086  }
0x1c: {  	p1 =	slt.u32 s9, $0xF7A;
	s5 =	simm.s32 @!p2 $0x0  }
0x1d: {  	s5 =	simm.s32 @p1 $0x1;
	p0 =	seq.s32 s7, s2  }
0x1e: {  	s7 =	smul.u32 @!p0 $0xF7A, s2;
	p2 =	seq.s32 @!p0 s5, $0x0  }
0x1f: {  	s9 =	smul.u32 $0xF7A, s1;
	s8 =	simm.s32 @!p0 $0x1BF5;
	p2 =	por !p2, p0  }
0x20: {  	[sflag:s8] =	ssyncset.s32 @!p0 $0xFFFFF086;
	s6 =	sadd.s32 @!p0 s3, s7;
	s7 =	simm.s32 @!p0 $0x108  }
0x21: {  	s3 =	sadd.s32 s3, s9;
	s6 =	sadd.s32 @!p0 $0x88, s6;
	s7 =	simm.s32 @p2 $0x1082  }
0x22: {  	[simem:s7], [sflag:s8] =	dma.local @!p0 [hbm:s6], $0xF7A  }
0x23: {  	s9 =	sor.u32 $0xD0000000, s2;
	s6 =	simm.s32 $0x108;
	_ =	swait.ge @!p0 [sflag:s8], $0x0  }
0x24: {  	s3 =	sadd.s32 $0x88, s3;
	s6 =	simm.s32 @!p1 $0x1082;
	[sflag:s4] =	ssyncset.s32 $0xFFFFF086  }
0x25: {  	[simem:s6], [sflag:s4] =	dma.local [hbm:s3], $0xF7A  }
0x26: {  	[smem:$0x3F91] =	sst s1;
	(tag) =	ssettag s2;
	_ =	strace s9  }
0x27: {  	s1 =	sld [smem:$0x3FA1]  }
0x28: {  	s2 =	sld [smem:$0x3FA2]  }
0x29: {  	s4 =	sld [smem:$0x3FA4]  }
0x2a: {  	p0 =	seq.s32 s5, $0x0;
	s5 =	sld [smem:$0x3FA5]  }
0x2b: {  	s6 =	sld [smem:$0x3FA6]  }
0x2c: {  	s7 =	sld [smem:$0x3FA7]  }
0x2d: {  	s3 =	simm.s32 $0x108;
	s8 =	sld [smem:$0x3FA8]  }
0x2e: {  	s3 =	simm.s32 @!p0 $0x1082;
	s9 =	sld [smem:$0x3FA9]  }
0x2f: {  	lr =	sadd.s32 s0, s3;
	s0 =	sld [smem:$0x3FA0]  }
0x30: {  	s3 =	sld [smem:$0x3FA3]  }
0x31: {  	[smem:$0x3FAC] =	sst s10  }
0x32: {  	s10 =	sld [smem:$0x3FAA];
	_ =	sdelay $0x3  }
0x33: {  	p0 =	seq.s32 s10, $0x1;
	s10 =	sld [smem:$0x3FAC];
	_ =	sdelay $0x3  }
0x34: {  	[smem:$0x3FAC] =	sst s10  }
0x35: {  	s10 =	sld [smem:$0x3FAB];
	_ =	sdelay $0x3  }
0x36: {  	p1 =	seq.s32 s10, $0x1;
	s10 =	sld [smem:$0x3FAC];
	_ =	sdelay $0x3  }
0x37: {  	[smem:$0x3FAC] =	sst s10  }
0x38: {  	s10 =	sld [smem:$0x3FAD]  }
0x39: {  	_ = 	snop;
	(pc) =	sbr.ind lr, $3  }
0x3a: {  	_ = 	snop  }
0x3b: {  	_ = 	snop  }
0x3c: {  	p2 =	seq.s32 s10, $0x1;
	s10 =	sld [smem:$0x3FAC]  }
0x3d: {  	_ =	shalt  }
0x3e: {  	_ =	shalt  }
0x3f: {  	_ =	shalt  }
0x40: {  	_ =	shalt  }
0x41: {  	_ =	shalt  }
0x42: {  	_ =	shalt  }
0x43: {  	_ =	shalt  }
0x44: {  	_ =	shalt  }
0x45: {  	_ =	shalt  }
0x46: {  	_ =	shalt  }
0x47: {  	_ =	shalt  }
0x48: {  	_ =	shalt  }
0x49: {  	_ =	shalt  }
0x4a: {  	_ =	shalt  }
0x4b: {  	_ =	shalt  }
0x4c: {  	_ =	shalt  }
0x4d: {  	_ =	shalt  }
0x4e: {  	_ =	shalt  }
0x4f: {  	_ =	shalt  }
0x50: {  	_ =	shalt  }
0x51: {  	_ =	shalt  }
0x52: {  	_ =	shalt  }
0x53: {  	_ =	shalt  }
0x54: {  	_ =	shalt  }
0x55: {  	_ =	shalt  }
0x56: {  	_ =	shalt  }
0x57: {  	_ =	shalt  }
0x58: {  	_ =	shalt  }
0x59: {  	_ =	shalt  }
0x5a: {  	_ =	shalt  }
0x5b: {  	_ =	shalt  }
0x5c: {  	_ =	shalt  }
0x5d: {  	_ =	shalt  }
0x5e: {  	_ =	shalt  }
0x5f: {  	_ =	shalt  }
0x60: {  	_ =	shalt  }
0x61: {  	_ =	shalt  }
0x62: {  	_ =	shalt  }
0x63: {  	_ =	shalt  }
0x64: {  	_ =	shalt  }
0x65: {  	_ =	shalt  }
0x66: {  	_ =	shalt  }
0x67: {  	_ =	shalt  }
0x68: {  	_ =	shalt  }
0x69: {  	_ =	shalt  }
0x6a: {  	_ =	shalt  }
0x6b: {  	_ =	shalt  }
0x6c: {  	_ =	shalt  }
0x6d: {  	_ =	shalt  }
0x6e: {  	_ =	shalt  }
0x6f: {  	_ =	shalt  }
0x70: {  	_ =	shalt  }
0x71: {  	_ =	shalt  }
0x72: {  	_ =	shalt  }
0x73: {  	_ =	shalt  }
0x74: {  	_ =	shalt  }
0x75: {  	_ =	shalt  }
0x76: {  	_ =	shalt  }
0x77: {  	_ =	shalt  }
0x78: {  	_ =	shalt  }
0x79: {  	_ =	shalt  }
0x7a: {  	_ =	shalt  }
0x7b: {  	_ =	shalt  }
0x7c: {  	_ =	shalt  }
0x7d: {  	_ =	shalt  }
0x7e: {  	_ =	shalt  }
0x7f: {  	_ =	shalt  }
0x80: {  	_ =	shalt  }
0x81: {  	_ =	shalt  }
0x82: {  	_ =	shalt  }
0x83: {  	_ =	shalt  }
0x84: {  	_ =	shalt  }
0x85: {  	_ =	shalt  }
0x86: {  	_ =	shalt  }
0x87: {  	_ =	shalt  }
.Lfunc_end0:
.L_simem_size_0:
called_computation.3_lowered:
.L_overlay_start_0:
0x88: {  	s2 =	sld [smem:$0x3FD9]  }
0x89: {  	s3 =	sld [smem:$0x3FFE];
	_ =	sdelay $0x1  }
0x8a: {  	s1 =	srdreg.scid  }
0x8b: {  	s0 =	sand.u32 $0x1, s1  }
0x8c: {  	s17 =	sshll.u32 s0, $0xA;
	s2 =	sadd.s32 s3, s2  }
0x8d: {  	s2 =	sadd.s32 s2, s17  }
0x8e: {  	[smem:$0x3FB8] =	sst s2  }
0x8f: {  	_ = 	snop  }
0x90: {  	s18 =	sld [smem:$0x3FD0];
	(tm) =	ssettm $0x1  }
0x91: {  	s19 =	sld [smem:$0x3FFB];
	_ =	sdelay $0x3  }
0x92: {  	_ =	strace s19  }
0x93: {  	s2 =	sld [smem:$0x3FFC];
	_ =	sdelay $0x3  }
0x94: {  	_ =	strace s2  }
0x95: {  	s2 =	sld [smem:$0x3FFD];
	_ =	sdelay $0x3  }
0x96: {  	_ =	strace s2  }
0x97: {  	_ =	strace $0x8FFFFFFF  }
0x98: {  	s20 =	sld [smem:$0x3FDB];
	_ =	sdelay $0x1  }
0x99: {  	s4 =	simm.s32 $_scs_section_size  }
0x9a: {  	s5 =	simm.s32 $_size__tile_overlayer_lowered;
	s6 =	simm.s32 $_tile_overlayer_lowered  }
0x9b: {  	s7 =	simm.s32 $0x1BFF;
	s21 =	sshll.u32 s6, $0x1;
	s4 =	sadd.s32 s4, s20  }
0x9c: {  	s22 =	simm.s32 $0x0;
	s5 =	sshll.u32 s5, $0x1;
	s6 =	sadd.s32 s21, s4  }
0x9d: {  	[timem:s22], [sflag:s7] =	dma.local [hbm:s6], s5  }
0x9e: {  	_ =	swait.ge [sflag:s7], s5  }
0x9f: {  	s5 =	ssub.s32 $0x0, s5;
	[sflag:s7] =	ssyncset.done $0x0  }
0xa0: {  	[sflag:s7] =	ssyncadd.s32 s5;
	_ =	sdelay $0x1  }
0xa1: {  	s23 =	simm.s32 $0x1B8B  }
0xa2: {  	_ =	swait.ge [sflag:s23], $0x1  }
0xa3: {  	[sflag:s23] =	ssyncset.done $0x0  }
0xa4: {  	[sflag:s23] =	ssyncadd.s32 $0xFFFFFFFF  }
0xa5: {  	s5 =	sld [smem:$0x0]  }
0xa6: {  	s6 =	sand.u32 $0xFFFFFFFE, s1  }
0xa7: {  	p0 =	sne.s32 s1, s6  }
0xa8: {  	s6 =	sshll.u32 @p0 s6, $0xE  }
0xa9: {  	s6 =	sadd.s32 @p0 $0x11B8D, s6;
	s7 =	sshll.u32 @p0 s5, $0x11  }
0xaa: {  	s6 =	sor.u32 @p0 s7, s6  }
0xab: {  	[sflag:s6] =	ssyncadd.remote.s32 @p0 $0x1;
	_ =	sdelay $0x1  }
0xac: {  	s6 =	simm.s32 @p0 $0x1B8D  }
0xad: {  	_ =	swait.eq @p0 [sflag:s6], $0x1  }
0xae: {  	[sflag:s6] =	ssyncadd.s32 @p0 $0xFFFFFFFF  }
0xaf: {  	s7 =	sshll.u32 @!p0 s1, $0xE  }
0xb0: {  	s7 =	sor.u32 @!p0 $0x4000, s7;
	s6 =	simm.s32 @!p0 $0x1B8D  }
0xb1: {  	s5 =	sshll.u32 @!p0 s5, $0x11;
	s7 =	sadd.s32 @!p0 $0x11B8D, s7;
	_ =	swait.eq @!p0 [sflag:s6], $0x1  }
0xb2: {  	s5 =	sor.u32 @!p0 s5, s7;
	[sflag:s6] =	ssyncadd.s32 @!p0 $0xFFFFFFFF  }
0xb3: {  	s25 =	simm.s32 $0x1B8E;
	s24 =	sld [smem:$0x3FFE];
	[sflag:s5] =	ssyncadd.remote.s32 @!p0 $0x1  }
0xb4: {  	s26 =	simm.s32 $execute0_lowered;
	[smem:$0x3FD2] =	sst s25  }
0xb5: {  	s6 =	sshll.u32 s26, $0x1;
	_ =	strace $0x80000049;
	[dreg:$0x1] =	wrdreg $0xFFFFFFFF  }
0xb6: {  	s28 =	simm.s32 $_size_execute0_lowered;
	s4 =	sadd.s32 s4, s6;
	[dreg:$0x0] =	wrdreg $0x0  }
0xb7: {  	s6 =	sshll.u32 s28, $0x1;
	[dreg:$0x2] =	wrdreg s4  }
0xb8: {  	[dreg:$0x3] =	wrdreg s6  }
0xb9: {  	[dreg:$0x4] =	wrdreg $0xC0  }
0xba: {  	_ =	task [dreg:s22], $0x5FFFF  }
0xbb: {  	[dreg:$0x1] =	wrdreg $0xFFFFFFFF  }
0xbc: {  	[dreg:$0x0] =	wrdreg $0x60  }
0xbd: {  	[dreg:$0x2] =	wrdreg s18  }
0xbe: {  	[dreg:$0x3] =	wrdreg s24  }
0xbf: {  	[dreg:$0x4] =	wrdreg $0xC  }
0xc0: {  	_ =	task.clear_ibuf [dreg:s22], $0x5FFFF;
	_ =	strace $0x90000049  }
0xc1: {  	s29 =	simm.s32 $0xC;
	_ =	strace $0x8000004B  }
0xc2: {  	_ =	swait.ge [sflag:s29], $0x1  }
0xc3: {  	[sflag:s29] =	ssyncadd.s32 $0xFFFFFFFF  }
0xc4: {  	_ =	strace $0x9000004B  }
0xc5: {  	_ =	sfence  }
0xc6: {  	s30 =	sld [smem:$0x0];
	_ =	sdelay $0x2  }
0xc7: {  	s31 =	sshll.u32 s1, $0xD;
	s1 =	sshrl.u32 s1, $0x2  }
0xc8: {  	s4 =	sand.u32 $0x4000, s31;
	s1 =	sadd.s32 s1, s30  }
0xc9: {  	s0 =	sor.u32 s4, s0;
	s1 =	sshll.u32 s1, $0x11  }
0xca: {  	s0 =	sor.u32 s1, s0  }
0xcb: {  	s0 =	sadd.s32 $0x8F2B, s0  }
0xcc: {  	[sflag:s0] =	ssyncadd.remote.s32 $0x1  }
0xcd: {  	_ =	sfence.sel $0xFFFF  }
0xce: {  	[dreg:$0x0] =	wrdreg $0xFFFFFFFF;
	(pc) =	sbr.abs _section_cstart, $3  }
0xcf: {  	[dreg:$0x1] =	wrdreg $0xFFFFFFFF  }
0xd0: {  	_ =	task.clear_ibuf [dreg:s22], $0x2FFFF;
	_ =	strace $0x9FFFFFFF  }
0xd1: {  	(tm) =	ssettm $0x7FFFFFFF  }
tec
execute0_lowered:
.L_overlay_start_1:
0x0: {  	(tag) =	ssettag $0x1  }
0x1: {  	s1 =	srdreg.scid;
	s0 =	stileid.u32  }
0x2: {  	s2 =	rddreg [dreg:$0x0];
	s24 =	sand.u32 $0x1, s1;
	s31 =	sshll.u32 s0, $0x1  }
0x3: {  	s10 =	rddreg [dreg:$0x1];
	s11 =	sor.u32 s24, s31  }
0x4: {  	s3 =	simm.s32 $0x0;
	s1 =	rddreg [dreg:$0x2];
	s4 =	sshll.u32 s11, $0x7  }
0x5: {  	[smem:$0x7FF] =	sst s3;
	s4 =	sadd.s32 s4, s10  }
0x6: {  	_ =	strace $0x8000004A;
	s5 =	sadd.s32 $0x85400, s4;
	s4 =	simm.s32 $0x3  }
0x7: {  	[tilespmem:s3], [sflag:$0x3] =	stream.linear.gather [hbm4b:s5+s3], $0x400, $0x38;
	[tilespmem:$0x8400] =	vst v63  }
0x8: {  	_ =	swait.ge [sflag:s4], $0x400  }
0x9: {  	[sflag:s4] =	ssyncset.done $0x0  }
0xa: {  	s6 =	simm.s32 $0x80;
	s7 =	simm.s32 $0x400;
	[sflag:s4] =	ssyncadd.s32 $0xFFFFFC00  }
0xb: {  	[tilespmem:s7], [sflag:$0x1] =	stream.indirect.gather [hbm4b:s2+s6], $0x80, s3, s6, $0xb8;
	[tilespmem:$0x8400] =	vst v63  }
0xc: {  	s8 =	simm.s32 $0x4400;
	s9 =	simm.s32 $0x1  }
0xd: {  	[tilespmem:s8], [sflag:$0x2] =	stream.indirect.gather [hbm4b:s2+s6], $0x80, s6, s6, $0xb8;
	[tilespmem:$0x8400] =	vst v63  }
0xe: {  	s11 =	sshll.u32 s11, $0xE;
	_ =	swait.ge [sflag:s9], $0x4000  }
0xf: {  	s25 =	sadd.s32 s11, s10;
	[sflag:s9] =	ssyncset.done $0x0  }
0x10: {  	s10 =	sadd.s32 $0x86400, s25;
	[sflag:s9] =	ssyncadd.s32 $0xFFFFC000  }
0x11: {  	[hbm4b:s10+s3] =	stream.linear.scatter [tilespmem:s7], [sflag:$0x3], $0x4000, $0x38;
	[tilespmem:$0x8400] =	vst v63  }
0x12: {  	_ =	swait.ge [sflag:s4], $0x4000  }
0x13: {  	[sflag:s4] =	ssyncset.done $0x0  }
0x14: {  	s12 =	simm.s32 $0x2;
	s11 =	simm.s32 $0x100;
	[sflag:s4] =	ssyncadd.s32 $0xFFFFC000  }
0x15: {  	[tilespmem:s7], [sflag:$0x1] =	stream.indirect.gather [hbm4b:s2+s6], $0x80, s11, s6, $0xb8;
	[tilespmem:$0x8400] =	vst v63  }
0x16: {  	_ =	swait.ge [sflag:s12], $0x4000  }
0x17: {  	[sflag:s12] =	ssyncset.done $0x0  }
0x18: {  	s13 =	sadd.s32 $0x86C00, s25;
	[sflag:s12] =	ssyncadd.s32 $0xFFFFC000  }
0x19: {  	[hbm4b:s13+s3] =	stream.linear.scatter [tilespmem:s8], [sflag:$0x3], $0x4000, $0x38;
	[tilespmem:$0x8400] =	vst v63  }
0x1a: {  	_ =	swait.ge [sflag:s4], $0x4000  }
0x1b: {  	[sflag:s4] =	ssyncset.done $0x0  }
0x1c: {  	s14 =	simm.s32 $0x180;
	[sflag:s4] =	ssyncadd.s32 $0xFFFFC000  }
0x1d: {  	[tilespmem:s8], [sflag:$0x2] =	stream.indirect.gather [hbm4b:s2+s6], $0x80, s14, s6, $0xb8;
	[tilespmem:$0x8400] =	vst v63  }
0x1e: {  	_ =	swait.ge [sflag:s9], $0x4000  }
0x1f: {  	[sflag:s9] =	ssyncset.done $0x0  }
0x20: {  	s15 =	sadd.s32 $0x87400, s25;
	[sflag:s9] =	ssyncadd.s32 $0xFFFFC000  }
0x21: {  	[hbm4b:s15+s3] =	stream.linear.scatter [tilespmem:s7], [sflag:$0x3], $0x4000, $0x38;
	[tilespmem:$0x8400] =	vst v63  }
0x22: {  	_ =	swait.ge [sflag:s4], $0x4000  }
0x23: {  	[sflag:s4] =	ssyncset.done $0x0  }
0x24: {  	s16 =	simm.s32 $0x200;
	[sflag:s4] =	ssyncadd.s32 $0xFFFFC000  }
0x25: {  	[tilespmem:s7], [sflag:$0x1] =	stream.indirect.gather [hbm4b:s2+s6], $0x80, s16, s6, $0xb8;
	[tilespmem:$0x8400] =	vst v63  }
0x26: {  	_ =	swait.ge [sflag:s12], $0x4000  }
0x27: {  	[sflag:s12] =	ssyncset.done $0x0  }
0x28: {  	s17 =	sadd.s32 $0x87C00, s25;
	[sflag:s12] =	ssyncadd.s32 $0xFFFFC000  }
0x29: {  	[hbm4b:s17+s3] =	stream.linear.scatter [tilespmem:s8], [sflag:$0x3], $0x4000, $0x38;
	[tilespmem:$0x8400] =	vst v63  }
0x2a: {  	_ =	swait.ge [sflag:s4], $0x4000  }
0x2b: {  	[sflag:s4] =	ssyncset.done $0x0  }
0x2c: {  	s18 =	simm.s32 $0x280;
	[sflag:s4] =	ssyncadd.s32 $0xFFFFC000  }
0x2d: {  	[tilespmem:s8], [sflag:$0x2] =	stream.indirect.gather [hbm4b:s2+s6], $0x80, s18, s6, $0xb8;
	[tilespmem:$0x8400] =	vst v63  }
0x2e: {  	_ =	swait.ge [sflag:s9], $0x4000  }
0x2f: {  	[sflag:s9] =	ssyncset.done $0x0  }
0x30: {  	s19 =	sadd.s32 $0x88400, s25;
	[sflag:s9] =	ssyncadd.s32 $0xFFFFC000  }
0x31: {  	[hbm4b:s19+s3] =	stream.linear.scatter [tilespmem:s7], [sflag:$0x3], $0x4000, $0x38;
	[tilespmem:$0x8400] =	vst v63  }
0x32: {  	_ =	swait.ge [sflag:s4], $0x4000  }
0x33: {  	[sflag:s4] =	ssyncset.done $0x0  }
0x34: {  	s20 =	simm.s32 $0x300;
	[sflag:s4] =	ssyncadd.s32 $0xFFFFC000  }
0x35: {  	[tilespmem:s7], [sflag:$0x1] =	stream.indirect.gather [hbm4b:s2+s6], $0x80, s20, s6, $0xb8;
	[tilespmem:$0x8400] =	vst v63  }
0x36: {  	_ =	swait.ge [sflag:s12], $0x4000  }
0x37: {  	[sflag:s12] =	ssyncset.done $0x0  }
0x38: {  	s21 =	sadd.s32 $0x88C00, s25;
	[sflag:s12] =	ssyncadd.s32 $0xFFFFC000  }
0x39: {  	[hbm4b:s21+s3] =	stream.linear.scatter [tilespmem:s8], [sflag:$0x3], $0x4000, $0x38;
	[tilespmem:$0x8400] =	vst v63  }
0x3a: {  	_ =	swait.ge [sflag:s4], $0x4000  }
0x3b: {  	[sflag:s4] =	ssyncset.done $0x0  }
0x3c: {  	s22 =	simm.s32 $0x380;
	[sflag:s4] =	ssyncadd.s32 $0xFFFFC000  }
0x3d: {  	[tilespmem:s8], [sflag:$0x2] =	stream.indirect.gather [hbm4b:s2+s6], $0x80, s22, s6, $0xb8;
	[tilespmem:$0x8400] =	vst v63  }
0x3e: {  	_ =	swait.ge [sflag:s9], $0x4000  }
0x3f: {  	[sflag:s9] =	ssyncset.done $0x0  }
0x40: {  	s24 =	ssub.s32 $0x2, s24;
	s23 =	sadd.s32 $0x89400, s25;
	[sflag:s9] =	ssyncadd.s32 $0xFFFFC000  }
0x41: {  	[hbm4b:s23+s3] =	stream.linear.scatter [tilespmem:s7], [sflag:$0x3], $0x4000, $0x38;
	[tilespmem:$0x8400] =	vst v63  }
0x42: {  	s26 =	sshrl.u32 s24, $0x1;
	_ =	swait.ge [sflag:s4], $0x4000  }
0x43: {  	s24 =	ssub.s32 s24, s26;
	[sflag:s4] =	ssyncset.done $0x0  }
0x44: {  	s26 =	smax.u32 s24, $0x1;
	[sflag:s4] =	ssyncadd.s32 $0xFFFFC000  }
0x45: {  	p0 =	sne.s32 s26, $0x1;
	_ =	swait.ge [sflag:s12], $0x4000  }
.Ltmp0:
0x46: {  	[sflag:s12] =	ssyncset.done $0x0;
	(pc) =	sbr.rel @!p0 .LBB2_2-.Ltmp0, $4  }
0x47: {  	s24 =	sadd.s32 $0x89C00, s25;
	[sflag:s12] =	ssyncadd.s32 $0xFFFFC000  }
0x48: {  	[hbm4b:s24+s3] =	stream.linear.scatter [tilespmem:s8], [sflag:$0x3], $0x4000, $0x38;
	[tilespmem:$0x8400] =	vst v63  }
0x49: {  	_ =	swait.ge [sflag:s4], $0x4000  }
0x4a: {  	s25 =	sadd.s32 $0xFFFFFFFF, s26;
	[sflag:s4] =	ssyncset.done $0x0  }
.LBB2_1:
0x4b: {  	p0 =	sne.s32 s25, $0x1;
	s25 =	sadd.s32 $0xFFFFFFFF, s25;
	[sflag:s4] =	ssyncadd.s32 $0xFFFFC000  }
0x4c: {  	[tilespmem:s3], [sflag:$0x3] =	stream.linear.gather [hbm4b:s5+s3], $0x400, $0x38;
	[tilespmem:$0x8400] =	vst v63  }
0x4d: {  	_ =	swait.ge [sflag:s4], $0x400  }
0x4e: {  	[sflag:s4] =	ssyncset.done $0x0  }
0x4f: {  	[sflag:s4] =	ssyncadd.s32 $0xFFFFFC00  }
0x50: {  	[tilespmem:s7], [sflag:$0x1] =	stream.indirect.gather [hbm4b:s2+s6], $0x80, s3, s6, $0xb8;
	[tilespmem:$0x8400] =	vst v63  }
0x51: {  	_ = 	snop  }
0x52: {  	[tilespmem:s8], [sflag:$0x2] =	stream.indirect.gather [hbm4b:s2+s6], $0x80, s6, s6, $0xb8;
	[tilespmem:$0x8400] =	vst v63  }
0x53: {  	_ =	swait.ge [sflag:s9], $0x4000  }
0x54: {  	[sflag:s9] =	ssyncset.done $0x0  }
0x55: {  	[sflag:s9] =	ssyncadd.s32 $0xFFFFC000  }
0x56: {  	[hbm4b:s10+s3] =	stream.linear.scatter [tilespmem:s7], [sflag:$0x3], $0x4000, $0x38;
	[tilespmem:$0x8400] =	vst v63  }
0x57: {  	_ =	swait.ge [sflag:s4], $0x4000  }
0x58: {  	[sflag:s4] =	ssyncset.done $0x0  }
0x59: {  	[sflag:s4] =	ssyncadd.s32 $0xFFFFC000  }
0x5a: {  	[tilespmem:s7], [sflag:$0x1] =	stream.indirect.gather [hbm4b:s2+s6], $0x80, s11, s6, $0xb8;
	[tilespmem:$0x8400] =	vst v63  }
0x5b: {  	_ =	swait.ge [sflag:s12], $0x4000  }
0x5c: {  	[sflag:s12] =	ssyncset.done $0x0  }
0x5d: {  	[sflag:s12] =	ssyncadd.s32 $0xFFFFC000  }
0x5e: {  	[hbm4b:s13+s3] =	stream.linear.scatter [tilespmem:s8], [sflag:$0x3], $0x4000, $0x38;
	[tilespmem:$0x8400] =	vst v63  }
0x5f: {  	_ =	swait.ge [sflag:s4], $0x4000  }
0x60: {  	[sflag:s4] =	ssyncset.done $0x0  }
0x61: {  	[sflag:s4] =	ssyncadd.s32 $0xFFFFC000  }
0x62: {  	[tilespmem:s8], [sflag:$0x2] =	stream.indirect.gather [hbm4b:s2+s6], $0x80, s14, s6, $0xb8;
	[tilespmem:$0x8400] =	vst v63  }
0x63: {  	_ =	swait.ge [sflag:s9], $0x4000  }
0x64: {  	[sflag:s9] =	ssyncset.done $0x0  }
0x65: {  	[sflag:s9] =	ssyncadd.s32 $0xFFFFC000  }
0x66: {  	[hbm4b:s15+s3] =	stream.linear.scatter [tilespmem:s7], [sflag:$0x3], $0x4000, $0x38;
	[tilespmem:$0x8400] =	vst v63  }
0x67: {  	_ =	swait.ge [sflag:s4], $0x4000  }
0x68: {  	[sflag:s4] =	ssyncset.done $0x0  }
0x69: {  	[sflag:s4] =	ssyncadd.s32 $0xFFFFC000  }
0x6a: {  	[tilespmem:s7], [sflag:$0x1] =	stream.indirect.gather [hbm4b:s2+s6], $0x80, s16, s6, $0xb8;
	[tilespmem:$0x8400] =	vst v63  }
0x6b: {  	_ =	swait.ge [sflag:s12], $0x4000  }
0x6c: {  	[sflag:s12] =	ssyncset.done $0x0  }
0x6d: {  	[sflag:s12] =	ssyncadd.s32 $0xFFFFC000  }
0x6e: {  	[hbm4b:s17+s3] =	stream.linear.scatter [tilespmem:s8], [sflag:$0x3], $0x4000, $0x38;
	[tilespmem:$0x8400] =	vst v63  }
0x6f: {  	_ =	swait.ge [sflag:s4], $0x4000  }
0x70: {  	[sflag:s4] =	ssyncset.done $0x0  }
0x71: {  	[sflag:s4] =	ssyncadd.s32 $0xFFFFC000  }
0x72: {  	[tilespmem:s8], [sflag:$0x2] =	stream.indirect.gather [hbm4b:s2+s6], $0x80, s18, s6, $0xb8;
	[tilespmem:$0x8400] =	vst v63  }
0x73: {  	_ =	swait.ge [sflag:s9], $0x4000  }
0x74: {  	[sflag:s9] =	ssyncset.done $0x0  }
0x75: {  	[sflag:s9] =	ssyncadd.s32 $0xFFFFC000  }
0x76: {  	[hbm4b:s19+s3] =	stream.linear.scatter [tilespmem:s7], [sflag:$0x3], $0x4000, $0x38;
	[tilespmem:$0x8400] =	vst v63  }
0x77: {  	_ =	swait.ge [sflag:s4], $0x4000  }
0x78: {  	[sflag:s4] =	ssyncset.done $0x0  }
0x79: {  	[sflag:s4] =	ssyncadd.s32 $0xFFFFC000  }
0x7a: {  	[tilespmem:s7], [sflag:$0x1] =	stream.indirect.gather [hbm4b:s2+s6], $0x80, s20, s6, $0xb8;
	[tilespmem:$0x8400] =	vst v63  }
0x7b: {  	_ =	swait.ge [sflag:s12], $0x4000  }
0x7c: {  	[sflag:s12] =	ssyncset.done $0x0  }
0x7d: {  	[sflag:s12] =	ssyncadd.s32 $0xFFFFC000  }
0x7e: {  	[hbm4b:s21+s3] =	stream.linear.scatter [tilespmem:s8], [sflag:$0x3], $0x4000, $0x38;
	[tilespmem:$0x8400] =	vst v63  }
0x7f: {  	_ =	swait.ge [sflag:s4], $0x4000  }
0x80: {  	[sflag:s4] =	ssyncset.done $0x0  }
0x81: {  	[sflag:s4] =	ssyncadd.s32 $0xFFFFC000  }
0x82: {  	[tilespmem:s8], [sflag:$0x2] =	stream.indirect.gather [hbm4b:s2+s6], $0x80, s22, s6, $0xb8;
	[tilespmem:$0x8400] =	vst v63  }
0x83: {  	_ =	swait.ge [sflag:s9], $0x4000  }
0x84: {  	[sflag:s9] =	ssyncset.done $0x0  }
0x85: {  	[sflag:s9] =	ssyncadd.s32 $0xFFFFC000  }
0x86: {  	[hbm4b:s23+s3] =	stream.linear.scatter [tilespmem:s7], [sflag:$0x3], $0x4000, $0x38;
	[tilespmem:$0x8400] =	vst v63  }
0x87: {  	_ =	swait.ge [sflag:s4], $0x4000  }
0x88: {  	[sflag:s4] =	ssyncset.done $0x0  }
0x89: {  	[sflag:s4] =	ssyncadd.s32 $0xFFFFC000  }
0x8a: {  	_ =	swait.ge [sflag:s12], $0x4000  }
.Ltmp1:
0x8b: {  	[sflag:s12] =	ssyncset.done $0x0;
	(pc) =	sbr.rel @p0 .LBB2_1-.Ltmp1, $4  }
0x8c: {  	[sflag:s12] =	ssyncadd.s32 $0xFFFFC000  }
0x8d: {  	[hbm4b:s24+s3] =	stream.linear.scatter [tilespmem:s8], [sflag:$0x3], $0x4000, $0x38;
	[tilespmem:$0x8400] =	vst v63  }
0x8e: {  	_ =	swait.ge [sflag:s4], $0x4000  }
0x8f: {  	[sflag:s4] =	ssyncset.done $0x0  }
.LBB2_2:
0x90: {  	[sflag:s4] =	ssyncadd.s32 $0xFFFFC000  }
0x91: {  	_ =	sfence.sel $0x180000  }
0x92: {  	[bflag:$0x0] =	sbarrier.arrive $0xFFFF  }
0x93: {  	p0 =	sne.s32 s0, $0x0;
	_ =	strace $0x9000004A  }
0x94: {  	s0 =	sadd.s32 @!p0 $0x100000, s1;
	[bflag:$0x2] =	sbarrier.arrive $0xFFFF  }
0x95: {  	[sflag:s0] =	ssyncadd.tile.s32 @!p0 $0x1;
	_ =	shalt  }
.Lfunc_end2:
_tile_overlayer_lowered:
.L_overlay_start_2:
0x96: {  	(tag) =	ssettag $0x2  }
0x97: {  	s0 =	rddreg [dreg:$0x0];
	s2 =	stileid.u32  }
0x98: {  	s1 =	rddreg [dreg:$0x1];
	p0 =	sne.s32 s2, $0x0  }
0x99: {  	s3 =	rddreg [dreg:$0x2];
	[bflag:$0x3] =	sbarrier.arrive $0xFFFF;
	s2 =	simm.s32 @!p0 $0x1C03  }
0x9a: {  	[timem:s3], [sflag:s2] =	dma.local @!p0 [hbm:s0], s1  }
0x9b: {  	s0 =	simm.s32 @!p0 $0x3  }
0x9c: {  	_ =	swait.ge @!p0 [sflag:s0], s1  }
0x9d: {  	s1 =	ssub.s32 @!p0 $0x0, s1;
	[sflag:s0] =	ssyncset.done @!p0 $0x0  }
0x9e: {  	[sflag:s0] =	ssyncadd.s32 @!p0 s1  }
0x9f: {  	[bflag:$0x3] =	sbarrier.arrive $0xFFFF  }
0xa0: {  	_ =	shalt  }

</sc_bundles>
